<compile_context>
chip_gen: v7x
topology: tpu7x:2x2x1
jax: 0.10.2.dev20260603
libtpu: 0.0.44.dev20260713+nightly
codegen_flags: <defaults>
</compile_context>

<pallas_src>
import functools

import jax
import jax.numpy as jnp
from jax import lax
from jax.experimental import pallas as pl
from jax.experimental.pallas import tpu as pltpu
from jax.experimental.pallas import tpu_sc as plsc

_VOCAB = 128
_B, _S, _W = 64, 256, 16
_NC, _NS = 1, 16
_NW = _NC * _NS
_BPW = _B // _NW
_NBUF = 2
_G = 16


def _fofe_body(ids_hbm, pow_hbm, out_hbm, ids_v, pow_v, out_v, isem, osem):
    wid = lax.axis_index("s") * _NC + lax.axis_index("c")
    base = wid * _BPW

    in_cps = []
    for sent in range(_BPW):
        cp = pltpu.make_async_copy(
            ids_hbm.at[base + sent], ids_v.at[sent], isem
        )
        cp.start()
        in_cps.append(cp)
    pltpu.sync_copy(pow_hbm, pow_v)
    pvecs = [pow_v[k, :] for k in range(_W)]
    iota16 = lax.iota(jnp.int32, 16)
    zero16 = jnp.zeros((16,), jnp.float32)

    out_cps = []
    for sent in range(_BPW):
        buf = sent % _NBUF
        in_cps[sent].wait()
        if sent >= _NBUF:
            out_cps[sent - _NBUF].wait()
        bufv = jnp.full((16,), buf, jnp.int32)

        def grp_body(g, carry, sent=sent, bufv=bufv):
            s0 = g * _G
            for j in range(_G):
                for c in range(_VOCAB // 16):
                    out_v[buf, s0 + j, pl.ds(c * 16, 16)] = zero16
            colvs = [ids_v[sent, k, pl.ds(s0, _G)] for k in range(_W)]
            rowv = iota16 + s0
            for k in range(_W):
                plsc.addupdate_scatter(out_v, [bufv, rowv, colvs[k]],
                                       pvecs[k])
            return carry

        lax.fori_loop(0, _S // _G, grp_body, 0)
        cp = pltpu.make_async_copy(
            out_v.at[buf], out_hbm.at[base + sent], osem
        )
        cp.start()
        out_cps.append(cp)
    for cp in out_cps[-_NBUF:]:
        cp.wait()


@jax.jit
def _fofe(ids_t, powers):
    mesh = plsc.VectorSubcoreMesh(
        core_axis_name="c", subcore_axis_name="s", num_cores=_NC
    )
    run = functools.partial(
        pl.kernel,
        mesh=mesh,
        out_type=jax.ShapeDtypeStruct((_B, _S, _VOCAB), jnp.float32),
        scratch_types=[
            pltpu.VMEM((_BPW, _W, _S), jnp.int32),
            pltpu.VMEM((_W, 16), jnp.float32),
            pltpu.VMEM((_NBUF, _S, _VOCAB), jnp.float32),
            pltpu.SemaphoreType.DMA,
            pltpu.SemaphoreType.DMA,
        ],
        compiler_params=pltpu.CompilerParams(
            needs_layout_passes=False, use_tc_tiling_on_sc=True
        ),
    )(_fofe_body)
    return run(ids_t, powers)


def kernel(sents, lengths, forgetting_factor):
    f = forgetting_factor[0]
    powers = f ** jnp.arange(_W - 1, -1, -1, dtype=jnp.float32)
    pow_tab = jnp.broadcast_to(powers[:, None], (_W, 16))
    out = _fofe(jnp.swapaxes(sents, 1, 2), pow_tab)
    return (out, lengths)

# --- scband reference (transcript-rebuilt; emitter-appended) ---
"""Pipeline reference for scband-fofe-encoding-7146825580657 (READ-ONLY COPY).

The authoritative reference and input builder live on the scoring server;
editing this copy changes nothing except your own understanding.
"""

import jax, jax.numpy as jnp
import numpy as np

VOCAB = 128
B, S, W = 64, 256, 16


def setup_inputs(seed: int = 0) -> dict:
    key = jax.random.key(seed)
    k1, k2 = jax.random.split(key)
    # char ids per (sentence, word, char-position)
    sents = jax.random.randint(k1, (B, S, W), 0, VOCAB, dtype=jnp.int32)
    lengths = jax.random.randint(k2, (B,), 1, S + 1, dtype=jnp.int32)
    # learned scalar forgetting factor (nn.Parameter of shape [1]); init away from 0 so powers are well-defined under autodiff
    forgetting_factor = jnp.full((1,), 0.5, dtype=jnp.float32)
    return {"sents": sents, "lengths": lengths, "forgetting_factor": forgetting_factor}


def reference(sents, lengths, forgetting_factor):
    # FOFE recurrence z_k = f * z_{k-1} + onehot(char_k)  ==>  z = sum_k f^(W-1-k) * onehot(char_k)
    f = forgetting_factor[0]
    powers = f ** jnp.arange(W - 1, -1, -1, dtype=jnp.float32)  # [W]
    vals = jnp.broadcast_to(powers, (B, S, W))
    bi = jnp.arange(B)[:, None, None]
    si = jnp.arange(S)[None, :, None]
    out = jnp.zeros((B, S, VOCAB), dtype=jnp.float32).at[bi, si, sents].add(vals)
    return (out, lengths)

if __name__ == "__main__":
    import jax
    _d = setup_inputs()
    print(jax.jit(kernel)(*tuple(_d.values())))

</pallas_src>

<mosaic_0001>
#map = affine_map<(d0, d1) -> (0, 0, 0)>
#map1 = affine_map<(d0, d1) -> (0, 0)>
module attributes {stable_mosaic.version = 14 : i64} {
  func.func @_fofe_body(%arg0: i32, %arg1: i32, %arg2: memref<64x16x256xi32, #tpu.memory_space<hbm>>, %arg3: memref<16x16xf32, #tpu.memory_space<hbm>>, %arg4: memref<64x256x128xf32, #tpu.memory_space<hbm>>, %arg5: memref<4x16x256xi32, #tpu.memory_space<vmem>>, %arg6: memref<16x16xf32, #tpu.memory_space<vmem>>, %arg7: memref<2x256x128xf32, #tpu.memory_space<vmem>>, %arg8: memref<!tpu.dma_semaphore, #tpu.memory_space<semaphore_mem>>, %arg9: memref<!tpu.dma_semaphore, #tpu.memory_space<semaphore_mem>>) attributes {dimension_semantics = [#tpu.dimension_semantics<core_parallel>, #tpu.dimension_semantics<subcore_parallel>], iteration_bounds = array<i64: 1, 16>, scalar_prefetch = 0 : i64, scratch_operands = 5 : i64, tpu.core_type = #tpu.core_type<sc_vector_subcore>, window_params = [{transform_indices = #map}, {transform_indices = #map1}, {transform_indices = #map}]} {
    %mul3A = arith.constant 1 : i32
    %mul3A_0 = arith.muli %arg1, %mul3A : i32
    %add3A = arith.addi %mul3A_0, %arg0 : i32
    %mul3A_1 = arith.constant 4 : i32
    %mul3A_2 = arith.muli %add3A, %mul3A_1 : i32
    %add3A_3 = arith.constant 0 : i32
    %add3A_4 = arith.addi %mul3A_2, %add3A_3 : i32
    %dma_start3A = arith.constant 0 : i32
    %dma_start3A_5 = arith.constant 0 : i32
    %dma_start3A_6 = arith.constant 0 : i32
    %dma_start3A_7 = tpu.memref_slice %arg5[%dma_start3A, %dma_start3A_5, %dma_start3A_6] : memref<4x16x256xi32, #tpu.memory_space<vmem>> -> memref<1x16x256xi32, #tpu.memory_space<vmem>>
    %dma_start3A_8 = tpu.memref_squeeze %dma_start3A_7 : memref<1x16x256xi32, #tpu.memory_space<vmem>> -> memref<16x256xi32, #tpu.memory_space<vmem>>
    %dma_start3A_9 = arith.constant 0 : i32
    %dma_start3A_10 = arith.constant 0 : i32
    %dma_start3A_11 = tpu.memref_slice %arg2[%add3A_4, %dma_start3A_9, %dma_start3A_10] : memref<64x16x256xi32, #tpu.memory_space<hbm>> -> memref<1x16x256xi32, #tpu.memory_space<hbm>>
    %dma_start3A_12 = tpu.memref_squeeze %dma_start3A_11 : memref<1x16x256xi32, #tpu.memory_space<hbm>> -> memref<16x256xi32, #tpu.memory_space<hbm>>
    %dma_start3A_13 = arith.constant 0 : i32
    %dma_start3A_14 = arith.constant 0 : i32
    %dma_start3A_15 = tpu.memref_slice %arg5[%dma_start3A, %dma_start3A_13, %dma_start3A_14] : memref<4x16x256xi32, #tpu.memory_space<vmem>> -> memref<1x16x256xi32, #tpu.memory_space<vmem>>
    %dma_start3A_16 = tpu.memref_squeeze %dma_start3A_15 : memref<1x16x256xi32, #tpu.memory_space<vmem>> -> memref<16x256xi32, #tpu.memory_space<vmem>>
    %dma_start3A_17 = arith.constant 0 : i32
    %dma_start3A_18 = arith.constant 0 : i32
    %dma_start3A_19 = tpu.memref_slice %arg2[%add3A_4, %dma_start3A_17, %dma_start3A_18] : memref<64x16x256xi32, #tpu.memory_space<hbm>> -> memref<1x16x256xi32, #tpu.memory_space<hbm>>
    %dma_start3A_20 = tpu.memref_squeeze %dma_start3A_19 : memref<1x16x256xi32, #tpu.memory_space<hbm>> -> memref<16x256xi32, #tpu.memory_space<hbm>>
    tpu.enqueue_dma source(%dma_start3A_20 : memref<16x256xi32, #tpu.memory_space<hbm>>) target(%dma_start3A_16 : memref<16x256xi32, #tpu.memory_space<vmem>>) target_semaphore(%arg8 : memref<!tpu.dma_semaphore, #tpu.memory_space<semaphore_mem>>)
    %add3A_21 = arith.constant 1 : i32
    %add3A_22 = arith.addi %mul3A_2, %add3A_21 : i32
    %dma_start3A_23 = arith.constant 1 : i32
    %dma_start3A_24 = arith.constant 0 : i32
    %dma_start3A_25 = arith.constant 0 : i32
    %dma_start3A_26 = tpu.memref_slice %arg5[%dma_start3A_23, %dma_start3A_24, %dma_start3A_25] : memref<4x16x256xi32, #tpu.memory_space<vmem>> -> memref<1x16x256xi32, #tpu.memory_space<vmem>>
    %dma_start3A_27 = tpu.memref_squeeze %dma_start3A_26 : memref<1x16x256xi32, #tpu.memory_space<vmem>> -> memref<16x256xi32, #tpu.memory_space<vmem>>
    %dma_start3A_28 = arith.constant 0 : i32
    %dma_start3A_29 = arith.constant 0 : i32
    %dma_start3A_30 = tpu.memref_slice %arg2[%add3A_22, %dma_start3A_28, %dma_start3A_29] : memref<64x16x256xi32, #tpu.memory_space<hbm>> -> memref<1x16x256xi32, #tpu.memory_space<hbm>>
    %dma_start3A_31 = tpu.memref_squeeze %dma_start3A_30 : memref<1x16x256xi32, #tpu.memory_space<hbm>> -> memref<16x256xi32, #tpu.memory_space<hbm>>
    %dma_start3A_32 = arith.constant 0 : i32
    %dma_start3A_33 = arith.constant 0 : i32
    %dma_start3A_34 = tpu.memref_slice %arg5[%dma_start3A_23, %dma_start3A_32, %dma_start3A_33] : memref<4x16x256xi32, #tpu.memory_space<vmem>> -> memref<1x16x256xi32, #tpu.memory_space<vmem>>
    %dma_start3A_35 = tpu.memref_squeeze %dma_start3A_34 : memref<1x16x256xi32, #tpu.memory_space<vmem>> -> memref<16x256xi32, #tpu.memory_space<vmem>>
    %dma_start3A_36 = arith.constant 0 : i32
    %dma_start3A_37 = arith.constant 0 : i32
    %dma_start3A_38 = tpu.memref_slice %arg2[%add3A_22, %dma_start3A_36, %dma_start3A_37] : memref<64x16x256xi32, #tpu.memory_space<hbm>> -> memref<1x16x256xi32, #tpu.memory_space<hbm>>
    %dma_start3A_39 = tpu.memref_squeeze %dma_start3A_38 : memref<1x16x256xi32, #tpu.memory_space<hbm>> -> memref<16x256xi32, #tpu.memory_space<hbm>>
    tpu.enqueue_dma source(%dma_start3A_39 : memref<16x256xi32, #tpu.memory_space<hbm>>) target(%dma_start3A_35 : memref<16x256xi32, #tpu.memory_space<vmem>>) target_semaphore(%arg8 : memref<!tpu.dma_semaphore, #tpu.memory_space<semaphore_mem>>)
    %add3A_40 = arith.constant 2 : i32
    %add3A_41 = arith.addi %mul3A_2, %add3A_40 : i32
    %dma_start3A_42 = arith.constant 2 : i32
    %dma_start3A_43 = arith.constant 0 : i32
    %dma_start3A_44 = arith.constant 0 : i32
    %dma_start3A_45 = tpu.memref_slice %arg5[%dma_start3A_42, %dma_start3A_43, %dma_start3A_44] : memref<4x16x256xi32, #tpu.memory_space<vmem>> -> memref<1x16x256xi32, #tpu.memory_space<vmem>>
    %dma_start3A_46 = tpu.memref_squeeze %dma_start3A_45 : memref<1x16x256xi32, #tpu.memory_space<vmem>> -> memref<16x256xi32, #tpu.memory_space<vmem>>
    %dma_start3A_47 = arith.constant 0 : i32
    %dma_start3A_48 = arith.constant 0 : i32
    %dma_start3A_49 = tpu.memref_slice %arg2[%add3A_41, %dma_start3A_47, %dma_start3A_48] : memref<64x16x256xi32, #tpu.memory_space<hbm>> -> memref<1x16x256xi32, #tpu.memory_space<hbm>>
    %dma_start3A_50 = tpu.memref_squeeze %dma_start3A_49 : memref<1x16x256xi32, #tpu.memory_space<hbm>> -> memref<16x256xi32, #tpu.memory_space<hbm>>
    %dma_start3A_51 = arith.constant 0 : i32
    %dma_start3A_52 = arith.constant 0 : i32
    %dma_start3A_53 = tpu.memref_slice %arg5[%dma_start3A_42, %dma_start3A_51, %dma_start3A_52] : memref<4x16x256xi32, #tpu.memory_space<vmem>> -> memref<1x16x256xi32, #tpu.memory_space<vmem>>
    %dma_start3A_54 = tpu.memref_squeeze %dma_start3A_53 : memref<1x16x256xi32, #tpu.memory_space<vmem>> -> memref<16x256xi32, #tpu.memory_space<vmem>>
    %dma_start3A_55 = arith.constant 0 : i32
    %dma_start3A_56 = arith.constant 0 : i32
    %dma_start3A_57 = tpu.memref_slice %arg2[%add3A_41, %dma_start3A_55, %dma_start3A_56] : memref<64x16x256xi32, #tpu.memory_space<hbm>> -> memref<1x16x256xi32, #tpu.memory_space<hbm>>
    %dma_start3A_58 = tpu.memref_squeeze %dma_start3A_57 : memref<1x16x256xi32, #tpu.memory_space<hbm>> -> memref<16x256xi32, #tpu.memory_space<hbm>>
    tpu.enqueue_dma source(%dma_start3A_58 : memref<16x256xi32, #tpu.memory_space<hbm>>) target(%dma_start3A_54 : memref<16x256xi32, #tpu.memory_space<vmem>>) target_semaphore(%arg8 : memref<!tpu.dma_semaphore, #tpu.memory_space<semaphore_mem>>)
    %add3A_59 = arith.constant 3 : i32
    %add3A_60 = arith.addi %mul3A_2, %add3A_59 : i32
    %dma_start3A_61 = arith.constant 3 : i32
    %dma_start3A_62 = arith.constant 0 : i32
    %dma_start3A_63 = arith.constant 0 : i32
    %dma_start3A_64 = tpu.memref_slice %arg5[%dma_start3A_61, %dma_start3A_62, %dma_start3A_63] : memref<4x16x256xi32, #tpu.memory_space<vmem>> -> memref<1x16x256xi32, #tpu.memory_space<vmem>>
    %dma_start3A_65 = tpu.memref_squeeze %dma_start3A_64 : memref<1x16x256xi32, #tpu.memory_space<vmem>> -> memref<16x256xi32, #tpu.memory_space<vmem>>
    %dma_start3A_66 = arith.constant 0 : i32
    %dma_start3A_67 = arith.constant 0 : i32
    %dma_start3A_68 = tpu.memref_slice %arg2[%add3A_60, %dma_start3A_66, %dma_start3A_67] : memref<64x16x256xi32, #tpu.memory_space<hbm>> -> memref<1x16x256xi32, #tpu.memory_space<hbm>>
    %dma_start3A_69 = tpu.memref_squeeze %dma_start3A_68 : memref<1x16x256xi32, #tpu.memory_space<hbm>> -> memref<16x256xi32, #tpu.memory_space<hbm>>
    %dma_start3A_70 = arith.constant 0 : i32
    %dma_start3A_71 = arith.constant 0 : i32
    %dma_start3A_72 = tpu.memref_slice %arg5[%dma_start3A_61, %dma_start3A_70, %dma_start3A_71] : memref<4x16x256xi32, #tpu.memory_space<vmem>> -> memref<1x16x256xi32, #tpu.memory_space<vmem>>
    %dma_start3A_73 = tpu.memref_squeeze %dma_start3A_72 : memref<1x16x256xi32, #tpu.memory_space<vmem>> -> memref<16x256xi32, #tpu.memory_space<vmem>>
    %dma_start3A_74 = arith.constant 0 : i32
    %dma_start3A_75 = arith.constant 0 : i32
    %dma_start3A_76 = tpu.memref_slice %arg2[%add3A_60, %dma_start3A_74, %dma_start3A_75] : memref<64x16x256xi32, #tpu.memory_space<hbm>> -> memref<1x16x256xi32, #tpu.memory_space<hbm>>
    %dma_start3A_77 = tpu.memref_squeeze %dma_start3A_76 : memref<1x16x256xi32, #tpu.memory_space<hbm>> -> memref<16x256xi32, #tpu.memory_space<hbm>>
    tpu.enqueue_dma source(%dma_start3A_77 : memref<16x256xi32, #tpu.memory_space<hbm>>) target(%dma_start3A_73 : memref<16x256xi32, #tpu.memory_space<vmem>>) target_semaphore(%arg8 : memref<!tpu.dma_semaphore, #tpu.memory_space<semaphore_mem>>)
    "tpu.region"() ({
      %run_scoped3A = tpu.sem_alloc : memref<!tpu.dma_semaphore, #tpu.memory_space<semaphore_mem>>
      tpu.enqueue_dma source(%arg3 : memref<16x16xf32, #tpu.memory_space<hbm>>) target(%arg6 : memref<16x16xf32, #tpu.memory_space<vmem>>) target_semaphore(%run_scoped3A : memref<!tpu.dma_semaphore, #tpu.memory_space<semaphore_mem>>)
      tpu.wait_dma2 semaphore(%run_scoped3A : memref<!tpu.dma_semaphore, #tpu.memory_space<semaphore_mem>>) src(%arg3 : memref<16x16xf32, #tpu.memory_space<hbm>>) dst(%arg6 : memref<16x16xf32, #tpu.memory_space<vmem>>)
      tpu.yield
    }) : () -> ()
    %get3A = arith.constant 0 : i32
    %get3A_78 = arith.index_cast %get3A : i32 to index
    %get3A_79 = arith.constant 0 : index
    %get3A_80 = tpu.vector_load %arg6[%get3A_78, %get3A_79] {strides = array<i32>} : memref<16x16xf32, #tpu.memory_space<vmem>>, vector<16xf32>,
    %get3A_81 = arith.constant 1 : i32
    %get3A_82 = arith.index_cast %get3A_81 : i32 to index
    %get3A_83 = arith.constant 0 : index
    %get3A_84 = tpu.vector_load %arg6[%get3A_82, %get3A_83] {strides = array<i32>} : memref<16x16xf32, #tpu.memory_space<vmem>>, vector<16xf32>,
    %get3A_85 = arith.constant 2 : i32
    %get3A_86 = arith.index_cast %get3A_85 : i32 to index
    %get3A_87 = arith.constant 0 : index
    %get3A_88 = tpu.vector_load %arg6[%get3A_86, %get3A_87] {strides = array<i32>} : memref<16x16xf32, #tpu.memory_space<vmem>>, vector<16xf32>,
    %get3A_89 = arith.constant 3 : i32
    %get3A_90 = arith.index_cast %get3A_89 : i32 to index
    %get3A_91 = arith.constant 0 : index
    %get3A_92 = tpu.vector_load %arg6[%get3A_90, %get3A_91] {strides = array<i32>} : memref<16x16xf32, #tpu.memory_space<vmem>>, vector<16xf32>,
    %get3A_93 = arith.constant 4 : i32
    %get3A_94 = arith.index_cast %get3A_93 : i32 to index
    %get3A_95 = arith.constant 0 : index
    %get3A_96 = tpu.vector_load %arg6[%get3A_94, %get3A_95] {strides = array<i32>} : memref<16x16xf32, #tpu.memory_space<vmem>>, vector<16xf32>,
    %get3A_97 = arith.constant 5 : i32
    %get3A_98 = arith.index_cast %get3A_97 : i32 to index
    %get3A_99 = arith.constant 0 : index
    %get3A_100 = tpu.vector_load %arg6[%get3A_98, %get3A_99] {strides = array<i32>} : memref<16x16xf32, #tpu.memory_space<vmem>>, vector<16xf32>,
    %get3A_101 = arith.constant 6 : i32
    %get3A_102 = arith.index_cast %get3A_101 : i32 to index
    %get3A_103 = arith.constant 0 : index
    %get3A_104 = tpu.vector_load %arg6[%get3A_102, %get3A_103] {strides = array<i32>} : memref<16x16xf32, #tpu.memory_space<vmem>>, vector<16xf32>,
    %get3A_105 = arith.constant 7 : i32
    %get3A_106 = arith.index_cast %get3A_105 : i32 to index
    %get3A_107 = arith.constant 0 : index
    %get3A_108 = tpu.vector_load %arg6[%get3A_106, %get3A_107] {strides = array<i32>} : memref<16x16xf32, #tpu.memory_space<vmem>>, vector<16xf32>,
    %get3A_109 = arith.constant 8 : i32
    %get3A_110 = arith.index_cast %get3A_109 : i32 to index
    %get3A_111 = arith.constant 0 : index
    %get3A_112 = tpu.vector_load %arg6[%get3A_110, %get3A_111] {strides = array<i32>} : memref<16x16xf32, #tpu.memory_space<vmem>>, vector<16xf32>,
    %get3A_113 = arith.constant 9 : i32
    %get3A_114 = arith.index_cast %get3A_113 : i32 to index
    %get3A_115 = arith.constant 0 : index
    %get3A_116 = tpu.vector_load %arg6[%get3A_114, %get3A_115] {strides = array<i32>} : memref<16x16xf32, #tpu.memory_space<vmem>>, vector<16xf32>,
    %get3A_117 = arith.constant 10 : i32
    %get3A_118 = arith.index_cast %get3A_117 : i32 to index
    %get3A_119 = arith.constant 0 : index
    %get3A_120 = tpu.vector_load %arg6[%get3A_118, %get3A_119] {strides = array<i32>} : memref<16x16xf32, #tpu.memory_space<vmem>>, vector<16xf32>,
    %get3A_121 = arith.constant 11 : i32
    %get3A_122 = arith.index_cast %get3A_121 : i32 to index
    %get3A_123 = arith.constant 0 : index
    %get3A_124 = tpu.vector_load %arg6[%get3A_122, %get3A_123] {strides = array<i32>} : memref<16x16xf32, #tpu.memory_space<vmem>>, vector<16xf32>,
    %get3A_125 = arith.constant 12 : i32
    %get3A_126 = arith.index_cast %get3A_125 : i32 to index
    %get3A_127 = arith.constant 0 : index
    %get3A_128 = tpu.vector_load %arg6[%get3A_126, %get3A_127] {strides = array<i32>} : memref<16x16xf32, #tpu.memory_space<vmem>>, vector<16xf32>,
    %get3A_129 = arith.constant 13 : i32
    %get3A_130 = arith.index_cast %get3A_129 : i32 to index
    %get3A_131 = arith.constant 0 : index
    %get3A_132 = tpu.vector_load %arg6[%get3A_130, %get3A_131] {strides = array<i32>} : memref<16x16xf32, #tpu.memory_space<vmem>>, vector<16xf32>,
    %get3A_133 = arith.constant 14 : i32
    %get3A_134 = arith.index_cast %get3A_133 : i32 to index
    %get3A_135 = arith.constant 0 : index
    %get3A_136 = tpu.vector_load %arg6[%get3A_134, %get3A_135] {strides = array<i32>} : memref<16x16xf32, #tpu.memory_space<vmem>>, vector<16xf32>,
    %get3A_137 = arith.constant 15 : i32
    %get3A_138 = arith.index_cast %get3A_137 : i32 to index
    %get3A_139 = arith.constant 0 : index
    %get3A_140 = tpu.vector_load %arg6[%get3A_138, %get3A_139] {strides = array<i32>} : memref<16x16xf32, #tpu.memory_space<vmem>>, vector<16xf32>,
    %iota3A = tpu.iota {dimensions = array<i32: 0>} : vector<16xi32>
    %broadcast_in_dim3A = arith.constant 0.000000e+00 : f32
    %broadcast_in_dim3A_141 = vector.broadcast %broadcast_in_dim3A : f32 to vector<16xf32>
    %dma_wait3A = arith.constant 0 : i32
    %dma_wait3A_142 = arith.constant 0 : i32
    %dma_wait3A_143 = arith.constant 0 : i32
    %dma_wait3A_144 = tpu.memref_slice %arg5[%dma_wait3A, %dma_wait3A_142, %dma_wait3A_143] : memref<4x16x256xi32, #tpu.memory_space<vmem>> -> memref<1x16x256xi32, #tpu.memory_space<vmem>>
    %dma_wait3A_145 = tpu.memref_squeeze %dma_wait3A_144 : memref<1x16x256xi32, #tpu.memory_space<vmem>> -> memref<16x256xi32, #tpu.memory_space<vmem>>
    %dma_wait3A_146 = arith.constant 0 : i32
    %dma_wait3A_147 = arith.constant 0 : i32
    %dma_wait3A_148 = tpu.memref_slice %arg2[%add3A_4, %dma_wait3A_146, %dma_wait3A_147] : memref<64x16x256xi32, #tpu.memory_space<hbm>> -> memref<1x16x256xi32, #tpu.memory_space<hbm>>
    %dma_wait3A_149 = tpu.memref_squeeze %dma_wait3A_148 : memref<1x16x256xi32, #tpu.memory_space<hbm>> -> memref<16x256xi32, #tpu.memory_space<hbm>>
    %dma_wait3A_150 = arith.constant 0 : i32
    %dma_wait3A_151 = arith.constant 0 : i32
    %dma_wait3A_152 = tpu.memref_slice %arg5[%dma_wait3A, %dma_wait3A_150, %dma_wait3A_151] : memref<4x16x256xi32, #tpu.memory_space<vmem>> -> memref<1x16x256xi32, #tpu.memory_space<vmem>>
    %dma_wait3A_153 = tpu.memref_squeeze %dma_wait3A_152 : memref<1x16x256xi32, #tpu.memory_space<vmem>> -> memref<16x256xi32, #tpu.memory_space<vmem>>
    %dma_wait3A_154 = arith.constant 0 : i32
    %dma_wait3A_155 = arith.constant 0 : i32
    %dma_wait3A_156 = tpu.memref_slice %arg2[%add3A_4, %dma_wait3A_154, %dma_wait3A_155] : memref<64x16x256xi32, #tpu.memory_space<hbm>> -> memref<1x16x256xi32, #tpu.memory_space<hbm>>
    %dma_wait3A_157 = tpu.memref_squeeze %dma_wait3A_156 : memref<1x16x256xi32, #tpu.memory_space<hbm>> -> memref<16x256xi32, #tpu.memory_space<hbm>>
    tpu.wait_dma2 semaphore(%arg8 : memref<!tpu.dma_semaphore, #tpu.memory_space<semaphore_mem>>) src(%dma_wait3A_157 : memref<16x256xi32, #tpu.memory_space<hbm>>) dst(%dma_wait3A_153 : memref<16x256xi32, #tpu.memory_space<vmem>>)
    %broadcast_in_dim3A_158 = arith.constant 0 : i32
    %broadcast_in_dim3A_159 = vector.broadcast %broadcast_in_dim3A_158 : i32 to vector<16xi32>
    %scan3A = arith.constant 0 : i32
    %scan3A_160 = arith.constant 0 : i32
    %scan3A_161 = arith.constant 16 : i32
    %scan3A_162 = arith.addi %scan3A_160, %scan3A_161 : i32
    %scan3A_163 = arith.constant 1 : i32
    scf.for %scan3A_384 = %scan3A_160 to %scan3A_162 step %scan3A_163  : i32 {
      %mul3A_385 = arith.constant 16 : i32
      %mul3A_386 = arith.muli %scan3A_384, %mul3A_385 : i32
      %add3A_387 = arith.constant 0 : i32
      %add3A_388 = arith.addi %mul3A_386, %add3A_387 : i32
      %swap3A = arith.constant 0 : i32
      %swap3A_389 = arith.index_cast %swap3A : i32 to index
      %swap3A_390 = arith.index_cast %add3A_388 : i32 to index
      %swap3A_391 = arith.constant 0 : index
      %swap3A_392 = tpu.vector_load %arg7[%swap3A_389, %swap3A_390, %swap3A_391] {strides = array<i32>} : memref<2x256x128xf32, #tpu.memory_space<vmem>>, vector<16xf32>,
      tpu.vector_store %arg7[%swap3A_389, %swap3A_390, %swap3A_391], %broadcast_in_dim3A_141 {strides = array<i32>} : memref<2x256x128xf32, #tpu.memory_space<vmem>>, vector<16xf32>,
      %add3A_393 = arith.constant 0 : i32
      %add3A_394 = arith.addi %mul3A_386, %add3A_393 : i32
      %swap3A_395 = arith.constant 0 : i32
      %swap3A_396 = arith.index_cast %swap3A_395 : i32 to index
      %swap3A_397 = arith.index_cast %add3A_394 : i32 to index
      %swap3A_398 = arith.constant 16 : index
      %swap3A_399 = tpu.vector_load %arg7[%swap3A_396, %swap3A_397, %swap3A_398] {strides = array<i32>} : memref<2x256x128xf32, #tpu.memory_space<vmem>>, vector<16xf32>,
      tpu.vector_store %arg7[%swap3A_396, %swap3A_397, %swap3A_398], %broadcast_in_dim3A_141 {strides = array<i32>} : memref<2x256x128xf32, #tpu.memory_space<vmem>>, vector<16xf32>,
      %add3A_400 = arith.constant 0 : i32
      %add3A_401 = arith.addi %mul3A_386, %add3A_400 : i32
      %swap3A_402 = arith.constant 0 : i32
      %swap3A_403 = arith.index_cast %swap3A_402 : i32 to index
      %swap3A_404 = arith.index_cast %add3A_401 : i32 to index
      %swap3A_405 = arith.constant 32 : index
      %swap3A_406 = tpu.vector_load %arg7[%swap3A_403, %swap3A_404, %swap3A_405] {strides = array<i32>} : memref<2x256x128xf32, #tpu.memory_space<vmem>>, vector<16xf32>,
      tpu.vector_store %arg7[%swap3A_403, %swap3A_404, %swap3A_405], %broadcast_in_dim3A_141 {strides = array<i32>} : memref<2x256x128xf32, #tpu.memory_space<vmem>>, vector<16xf32>,
      %add3A_407 = arith.constant 0 : i32
      %add3A_408 = arith.addi %mul3A_386, %add3A_407 : i32
      %swap3A_409 = arith.constant 0 : i32
      %swap3A_410 = arith.index_cast %swap3A_409 : i32 to index
      %swap3A_411 = arith.index_cast %add3A_408 : i32 to index
      %swap3A_412 = arith.constant 48 : index
      %swap3A_413 = tpu.vector_load %arg7[%swap3A_410, %swap3A_411, %swap3A_412] {strides = array<i32>} : memref<2x256x128xf32, #tpu.memory_space<vmem>>, vector<16xf32>,
      tpu.vector_store %arg7[%swap3A_410, %swap3A_411, %swap3A_412], %broadcast_in_dim3A_141 {strides = array<i32>} : memref<2x256x128xf32, #tpu.memory_space<vmem>>, vector<16xf32>,
      %add3A_414 = arith.constant 0 : i32
      %add3A_415 = arith.addi %mul3A_386, %add3A_414 : i32
      %swap3A_416 = arith.constant 0 : i32
      %swap3A_417 = arith.index_cast %swap3A_416 : i32 to index
      %swap3A_418 = arith.index_cast %add3A_415 : i32 to index
      %swap3A_419 = arith.constant 64 : index
      %swap3A_420 = tpu.vector_load %arg7[%swap3A_417, %swap3A_418, %swap3A_419] {strides = array<i32>} : memref<2x256x128xf32, #tpu.memory_space<vmem>>, vector<16xf32>,
      tpu.vector_store %arg7[%swap3A_417, %swap3A_418, %swap3A_419], %broadcast_in_dim3A_141 {strides = array<i32>} : memref<2x256x128xf32, #tpu.memory_space<vmem>>, vector<16xf32>,
      %add3A_421 = arith.constant 0 : i32
      %add3A_422 = arith.addi %mul3A_386, %add3A_421 : i32
      %swap3A_423 = arith.constant 0 : i32
      %swap3A_424 = arith.index_cast %swap3A_423 : i32 to index
      %swap3A_425 = arith.index_cast %add3A_422 : i32 to index
      %swap3A_426 = arith.constant 80 : index
      %swap3A_427 = tpu.vector_load %arg7[%swap3A_424, %swap3A_425, %swap3A_426] {strides = array<i32>} : memref<2x256x128xf32, #tpu.memory_space<vmem>>, vector<16xf32>,
      tpu.vector_store %arg7[%swap3A_424, %swap3A_425, %swap3A_426], %broadcast_in_dim3A_141 {strides = array<i32>} : memref<2x256x128xf32, #tpu.memory_space<vmem>>, vector<16xf32>,
      %add3A_428 = arith.constant 0 : i32
      %add3A_429 = arith.addi %mul3A_386, %add3A_428 : i32
      %swap3A_430 = arith.constant 0 : i32
      %swap3A_431 = arith.index_cast %swap3A_430 : i32 to index
      %swap3A_432 = arith.index_cast %add3A_429 : i32 to index
      %swap3A_433 = arith.constant 96 : index
      %swap3A_434 = tpu.vector_load %arg7[%swap3A_431, %swap3A_432, %swap3A_433] {strides = array<i32>} : memref<2x256x128xf32, #tpu.memory_space<vmem>>, vector<16xf32>,
      tpu.vector_store %arg7[%swap3A_431, %swap3A_432, %swap3A_433], %broadcast_in_dim3A_141 {strides = array<i32>} : memref<2x256x128xf32, #tpu.memory_space<vmem>>, vector<16xf32>,
      %add3A_435 = arith.constant 0 : i32
      %add3A_436 = arith.addi %mul3A_386, %add3A_435 : i32
      %swap3A_437 = arith.constant 0 : i32
      %swap3A_438 = arith.index_cast %swap3A_437 : i32 to index
      %swap3A_439 = arith.index_cast %add3A_436 : i32 to index
      %swap3A_440 = arith.constant 112 : index
      %swap3A_441 = tpu.vector_load %arg7[%swap3A_438, %swap3A_439, %swap3A_440] {strides = array<i32>} : memref<2x256x128xf32, #tpu.memory_space<vmem>>, vector<16xf32>,
      tpu.vector_store %arg7[%swap3A_438, %swap3A_439, %swap3A_440], %broadcast_in_dim3A_141 {strides = array<i32>} : memref<2x256x128xf32, #tpu.memory_space<vmem>>, vector<16xf32>,
      %add3A_442 = arith.constant 1 : i32
      %add3A_443 = arith.addi %mul3A_386, %add3A_442 : i32
      %swap3A_444 = arith.constant 0 : i32
      %swap3A_445 = arith.index_cast %swap3A_444 : i32 to index
      %swap3A_446 = arith.index_cast %add3A_443 : i32 to index
      %swap3A_447 = arith.constant 0 : index
      %swap3A_448 = tpu.vector_load %arg7[%swap3A_445, %swap3A_446, %swap3A_447] {strides = array<i32>} : memref<2x256x128xf32, #tpu.memory_space<vmem>>, vector<16xf32>,
      tpu.vector_store %arg7[%swap3A_445, %swap3A_446, %swap3A_447], %broadcast_in_dim3A_141 {strides = array<i32>} : memref<2x256x128xf32, #tpu.memory_space<vmem>>, vector<16xf32>,
      %add3A_449 = arith.constant 1 : i32
      %add3A_450 = arith.addi %mul3A_386, %add3A_449 : i32
      %swap3A_451 = arith.constant 0 : i32
      %swap3A_452 = arith.index_cast %swap3A_451 : i32 to index
      %swap3A_453 = arith.index_cast %add3A_450 : i32 to index
      %swap3A_454 = arith.constant 16 : index
      %swap3A_455 = tpu.vector_load %arg7[%swap3A_452, %swap3A_453, %swap3A_454] {strides = array<i32>} : memref<2x256x128xf32, #tpu.memory_space<vmem>>, vector<16xf32>,
      tpu.vector_store %arg7[%swap3A_452, %swap3A_453, %swap3A_454], %broadcast_in_dim3A_141 {strides = array<i32>} : memref<2x256x128xf32, #tpu.memory_space<vmem>>, vector<16xf32>,
      %add3A_456 = arith.constant 1 : i32
      %add3A_457 = arith.addi %mul3A_386, %add3A_456 : i32
      %swap3A_458 = arith.constant 0 : i32
      %swap3A_459 = arith.index_cast %swap3A_458 : i32 to index
      %swap3A_460 = arith.index_cast %add3A_457 : i32 to index
      %swap3A_461 = arith.constant 32 : index
      %swap3A_462 = tpu.vector_load %arg7[%swap3A_459, %swap3A_460, %swap3A_461] {strides = array<i32>} : memref<2x256x128xf32, #tpu.memory_space<vmem>>, vector<16xf32>,
      tpu.vector_store %arg7[%swap3A_459, %swap3A_460, %swap3A_461], %broadcast_in_dim3A_141 {strides = array<i32>} : memref<2x256x128xf32, #tpu.memory_space<vmem>>, vector<16xf32>,
      %add3A_463 = arith.constant 1 : i32
      %add3A_464 = arith.addi %mul3A_386, %add3A_463 : i32
      %swap3A_465 = arith.constant 0 : i32
      %swap3A_466 = arith.index_cast %swap3A_465 : i32 to index
      %swap3A_467 = arith.index_cast %add3A_464 : i32 to index
      %swap3A_468 = arith.constant 48 : index
      %swap3A_469 = tpu.vector_load %arg7[%swap3A_466, %swap3A_467, %swap3A_468] {strides = array<i32>} : memref<2x256x128xf32, #tpu.memory_space<vmem>>, vector<16xf32>,
      tpu.vector_store %arg7[%swap3A_466, %swap3A_467, %swap3A_468], %broadcast_in_dim3A_141 {strides = array<i32>} : memref<2x256x128xf32, #tpu.memory_space<vmem>>, vector<16xf32>,
      %add3A_470 = arith.constant 1 : i32
      %add3A_471 = arith.addi %mul3A_386, %add3A_470 : i32
      %swap3A_472 = arith.constant 0 : i32
      %swap3A_473 = arith.index_cast %swap3A_472 : i32 to index
      %swap3A_474 = arith.index_cast %add3A_471 : i32 to index
      %swap3A_475 = arith.constant 64 : index
      %swap3A_476 = tpu.vector_load %arg7[%swap3A_473, %swap3A_474, %swap3A_475] {strides = array<i32>} : memref<2x256x128xf32, #tpu.memory_space<vmem>>, vector<16xf32>,
      tpu.vector_store %arg7[%swap3A_473, %swap3A_474, %swap3A_475], %broadcast_in_dim3A_141 {strides = array<i32>} : memref<2x256x128xf32, #tpu.memory_space<vmem>>, vector<16xf32>,
      %add3A_477 = arith.constant 1 : i32
      %add3A_478 = arith.addi %mul3A_386, %add3A_477 : i32
      %swap3A_479 = arith.constant 0 : i32
      %swap3A_480 = arith.index_cast %swap3A_479 : i32 to index
      %swap3A_481 = arith.index_cast %add3A_478 : i32 to index
      %swap3A_482 = arith.constant 80 : index
      %swap3A_483 = tpu.vector_load %arg7[%swap3A_480, %swap3A_481, %swap3A_482] {strides = array<i32>} : memref<2x256x128xf32, #tpu.memory_space<vmem>>, vector<16xf32>,
      tpu.vector_store %arg7[%swap3A_480, %swap3A_481, %swap3A_482], %broadcast_in_dim3A_141 {strides = array<i32>} : memref<2x256x128xf32, #tpu.memory_space<vmem>>, vector<16xf32>,
      %add3A_484 = arith.constant 1 : i32
      %add3A_485 = arith.addi %mul3A_386, %add3A_484 : i32
      %swap3A_486 = arith.constant 0 : i32
      %swap3A_487 = arith.index_cast %swap3A_486 : i32 to index
      %swap3A_488 = arith.index_cast %add3A_485 : i32 to index
      %swap3A_489 = arith.constant 96 : index
      %swap3A_490 = tpu.vector_load %arg7[%swap3A_487, %swap3A_488, %swap3A_489] {strides = array<i32>} : memref<2x256x128xf32, #tpu.memory_space<vmem>>, vector<16xf32>,
      tpu.vector_store %arg7[%swap3A_487, %swap3A_488, %swap3A_489], %broadcast_in_dim3A_141 {strides = array<i32>} : memref<2x256x128xf32, #tpu.memory_space<vmem>>, vector<16xf32>,
      %add3A_491 = arith.constant 1 : i32
      %add3A_492 = arith.addi %mul3A_386, %add3A_491 : i32
      %swap3A_493 = arith.constant 0 : i32
      %swap3A_494 = arith.index_cast %swap3A_493 : i32 to index
      %swap3A_495 = arith.index_cast %add3A_492 : i32 to index
      %swap3A_496 = arith.constant 112 : index
      %swap3A_497 = tpu.vector_load %arg7[%swap3A_494, %swap3A_495, %swap3A_496] {strides = array<i32>} : memref<2x256x128xf32, #tpu.memory_space<vmem>>, vector<16xf32>,
      tpu.vector_store %arg7[%swap3A_494, %swap3A_495, %swap3A_496], %broadcast_in_dim3A_141 {strides = array<i32>} : memref<2x256x128xf32, #tpu.memory_space<vmem>>, vector<16xf32>,
      %add3A_498 = arith.constant 2 : i32
      %add3A_499 = arith.addi %mul3A_386, %add3A_498 : i32
      %swap3A_500 = arith.constant 0 : i32
      %swap3A_501 = arith.index_cast %swap3A_500 : i32 to index
      %swap3A_502 = arith.index_cast %add3A_499 : i32 to index
      %swap3A_503 = arith.constant 0 : index
      %swap3A_504 = tpu.vector_load %arg7[%swap3A_501, %swap3A_502, %swap3A_503] {strides = array<i32>} : memref<2x256x128xf32, #tpu.memory_space<vmem>>, vector<16xf32>,
      tpu.vector_store %arg7[%swap3A_501, %swap3A_502, %swap3A_503], %broadcast_in_dim3A_141 {strides = array<i32>} : memref<2x256x128xf32, #tpu.memory_space<vmem>>, vector<16xf32>,
      %add3A_505 = arith.constant 2 : i32
      %add3A_506 = arith.addi %mul3A_386, %add3A_505 : i32
      %swap3A_507 = arith.constant 0 : i32
      %swap3A_508 = arith.index_cast %swap3A_507 : i32 to index
      %swap3A_509 = arith.index_cast %add3A_506 : i32 to index
      %swap3A_510 = arith.constant 16 : index
      %swap3A_511 = tpu.vector_load %arg7[%swap3A_508, %swap3A_509, %swap3A_510] {strides = array<i32>} : memref<2x256x128xf32, #tpu.memory_space<vmem>>, vector<16xf32>,
      tpu.vector_store %arg7[%swap3A_508, %swap3A_509, %swap3A_510], %broadcast_in_dim3A_141 {strides = array<i32>} : memref<2x256x128xf32, #tpu.memory_space<vmem>>, vector<16xf32>,
      %add3A_512 = arith.constant 2 : i32
      %add3A_513 = arith.addi %mul3A_386, %add3A_512 : i32
      %swap3A_514 = arith.constant 0 : i32
      %swap3A_515 = arith.index_cast %swap3A_514 : i32 to index
      %swap3A_516 = arith.index_cast %add3A_513 : i32 to index
      %swap3A_517 = arith.constant 32 : index
      %swap3A_518 = tpu.vector_load %arg7[%swap3A_515, %swap3A_516, %swap3A_517] {strides = array<i32>} : memref<2x256x128xf32, #tpu.memory_space<vmem>>, vector<16xf32>,
      tpu.vector_store %arg7[%swap3A_515, %swap3A_516, %swap3A_517], %broadcast_in_dim3A_141 {strides = array<i32>} : memref<2x256x128xf32, #tpu.memory_space<vmem>>, vector<16xf32>,
      %add3A_519 = arith.constant 2 : i32
      %add3A_520 = arith.addi %mul3A_386, %add3A_519 : i32
      %swap3A_521 = arith.constant 0 : i32
      %swap3A_522 = arith.index_cast %swap3A_521 : i32 to index
      %swap3A_523 = arith.index_cast %add3A_520 : i32 to index
      %swap3A_524 = arith.constant 48 : index
      %swap3A_525 = tpu.vector_load %arg7[%swap3A_522, %swap3A_523, %swap3A_524] {strides = array<i32>} : memref<2x256x128xf32, #tpu.memory_space<vmem>>, vector<16xf32>,
      tpu.vector_store %arg7[%swap3A_522, %swap3A_523, %swap3A_524], %broadcast_in_dim3A_141 {strides = array<i32>} : memref<2x256x128xf32, #tpu.memory_space<vmem>>, vector<16xf32>,
      %add3A_526 = arith.constant 2 : i32
      %add3A_527 = arith.addi %mul3A_386, %add3A_526 : i32
      %swap3A_528 = arith.constant 0 : i32
      %swap3A_529 = arith.index_cast %swap3A_528 : i32 to index
      %swap3A_530 = arith.index_cast %add3A_527 : i32 to index
      %swap3A_531 = arith.constant 64 : index
      %swap3A_532 = tpu.vector_load %arg7[%swap3A_529, %swap3A_530, %swap3A_531] {strides = array<i32>} : memref<2x256x128xf32, #tpu.memory_space<vmem>>, vector<16xf32>,
      tpu.vector_store %arg7[%swap3A_529, %swap3A_530, %swap3A_531], %broadcast_in_dim3A_141 {strides = array<i32>} : memref<2x256x128xf32, #tpu.memory_space<vmem>>, vector<16xf32>,
      %add3A_533 = arith.constant 2 : i32
      %add3A_534 = arith.addi %mul3A_386, %add3A_533 : i32
      %swap3A_535 = arith.constant 0 : i32
      %swap3A_536 = arith.index_cast %swap3A_535 : i32 to index
      %swap3A_537 = arith.index_cast %add3A_534 : i32 to index
      %swap3A_538 = arith.constant 80 : index
      %swap3A_539 = tpu.vector_load %arg7[%swap3A_536, %swap3A_537, %swap3A_538] {strides = array<i32>} : memref<2x256x128xf32, #tpu.memory_space<vmem>>, vector<16xf32>,
      tpu.vector_store %arg7[%swap3A_536, %swap3A_537, %swap3A_538], %broadcast_in_dim3A_141 {strides = array<i32>} : memref<2x256x128xf32, #tpu.memory_space<vmem>>, vector<16xf32>,
      %add3A_540 = arith.constant 2 : i32
      %add3A_541 = arith.addi %mul3A_386, %add3A_540 : i32
      %swap3A_542 = arith.constant 0 : i32
      %swap3A_543 = arith.index_cast %swap3A_542 : i32 to index
      %swap3A_544 = arith.index_cast %add3A_541 : i32 to index
      %swap3A_545 = arith.constant 96 : index
      %swap3A_546 = tpu.vector_load %arg7[%swap3A_543, %swap3A_544, %swap3A_545] {strides = array<i32>} : memref<2x256x128xf32, #tpu.memory_space<vmem>>, vector<16xf32>,
      tpu.vector_store %arg7[%swap3A_543, %swap3A_544, %swap3A_545], %broadcast_in_dim3A_141 {strides = array<i32>} : memref<2x256x128xf32, #tpu.memory_space<vmem>>, vector<16xf32>,
      %add3A_547 = arith.constant 2 : i32
      %add3A_548 = arith.addi %mul3A_386, %add3A_547 : i32
      %swap3A_549 = arith.constant 0 : i32
      %swap3A_550 = arith.index_cast %swap3A_549 : i32 to index
      %swap3A_551 = arith.index_cast %add3A_548 : i32 to index
      %swap3A_552 = arith.constant 112 : index
      %swap3A_553 = tpu.vector_load %arg7[%swap3A_550, %swap3A_551, %swap3A_552] {strides = array<i32>} : memref<2x256x128xf32, #tpu.memory_space<vmem>>, vector<16xf32>,
      tpu.vector_store %arg7[%swap3A_550, %swap3A_551, %swap3A_552], %broadcast_in_dim3A_141 {strides = array<i32>} : memref<2x256x128xf32, #tpu.memory_space<vmem>>, vector<16xf32>,
      %add3A_554 = arith.constant 3 : i32
      %add3A_555 = arith.addi %mul3A_386, %add3A_554 : i32
      %swap3A_556 = arith.constant 0 : i32
      %swap3A_557 = arith.index_cast %swap3A_556 : i32 to index
      %swap3A_558 = arith.index_cast %add3A_555 : i32 to index
      %swap3A_559 = arith.constant 0 : index
      %swap3A_560 = tpu.vector_load %arg7[%swap3A_557, %swap3A_558, %swap3A_559] {strides = array<i32>} : memref<2x256x128xf32, #tpu.memory_space<vmem>>, vector<16xf32>,
      tpu.vector_store %arg7[%swap3A_557, %swap3A_558, %swap3A_559], %broadcast_in_dim3A_141 {strides = array<i32>} : memref<2x256x128xf32, #tpu.memory_space<vmem>>, vector<16xf32>,
      %add3A_561 = arith.constant 3 : i32
      %add3A_562 = arith.addi %mul3A_386, %add3A_561 : i32
      %swap3A_563 = arith.constant 0 : i32
      %swap3A_564 = arith.index_cast %swap3A_563 : i32 to index
      %swap3A_565 = arith.index_cast %add3A_562 : i32 to index
      %swap3A_566 = arith.constant 16 : index
      %swap3A_567 = tpu.vector_load %arg7[%swap3A_564, %swap3A_565, %swap3A_566] {strides = array<i32>} : memref<2x256x128xf32, #tpu.memory_space<vmem>>, vector<16xf32>,
      tpu.vector_store %arg7[%swap3A_564, %swap3A_565, %swap3A_566], %broadcast_in_dim3A_141 {strides = array<i32>} : memref<2x256x128xf32, #tpu.memory_space<vmem>>, vector<16xf32>,
      %add3A_568 = arith.constant 3 : i32
      %add3A_569 = arith.addi %mul3A_386, %add3A_568 : i32
      %swap3A_570 = arith.constant 0 : i32
      %swap3A_571 = arith.index_cast %swap3A_570 : i32 to index
      %swap3A_572 = arith.index_cast %add3A_569 : i32 to index
      %swap3A_573 = arith.constant 32 : index
      %swap3A_574 = tpu.vector_load %arg7[%swap3A_571, %swap3A_572, %swap3A_573] {strides = array<i32>} : memref<2x256x128xf32, #tpu.memory_space<vmem>>, vector<16xf32>,
      tpu.vector_store %arg7[%swap3A_571, %swap3A_572, %swap3A_573], %broadcast_in_dim3A_141 {strides = array<i32>} : memref<2x256x128xf32, #tpu.memory_space<vmem>>, vector<16xf32>,
      %add3A_575 = arith.constant 3 : i32
      %add3A_576 = arith.addi %mul3A_386, %add3A_575 : i32
      %swap3A_577 = arith.constant 0 : i32
      %swap3A_578 = arith.index_cast %swap3A_577 : i32 to index
      %swap3A_579 = arith.index_cast %add3A_576 : i32 to index
      %swap3A_580 = arith.constant 48 : index
      %swap3A_581 = tpu.vector_load %arg7[%swap3A_578, %swap3A_579, %swap3A_580] {strides = array<i32>} : memref<2x256x128xf32, #tpu.memory_space<vmem>>, vector<16xf32>,
      tpu.vector_store %arg7[%swap3A_578, %swap3A_579, %swap3A_580], %broadcast_in_dim3A_141 {strides = array<i32>} : memref<2x256x128xf32, #tpu.memory_space<vmem>>, vector<16xf32>,
      %add3A_582 = arith.constant 3 : i32
      %add3A_583 = arith.addi %mul3A_386, %add3A_582 : i32
      %swap3A_584 = arith.constant 0 : i32
      %swap3A_585 = arith.index_cast %swap3A_584 : i32 to index
      %swap3A_586 = arith.index_cast %add3A_583 : i32 to index
      %swap3A_587 = arith.constant 64 : index
      %swap3A_588 = tpu.vector_load %arg7[%swap3A_585, %swap3A_586, %swap3A_587] {strides = array<i32>} : memref<2x256x128xf32, #tpu.memory_space<vmem>>, vector<16xf32>,
      tpu.vector_store %arg7[%swap3A_585, %swap3A_586, %swap3A_587], %broadcast_in_dim3A_141 {strides = array<i32>} : memref<2x256x128xf32, #tpu.memory_space<vmem>>, vector<16xf32>,
      %add3A_589 = arith.constant 3 : i32
      %add3A_590 = arith.addi %mul3A_386, %add3A_589 : i32
      %swap3A_591 = arith.constant 0 : i32
      %swap3A_592 = arith.index_cast %swap3A_591 : i32 to index
      %swap3A_593 = arith.index_cast %add3A_590 : i32 to index
      %swap3A_594 = arith.constant 80 : index
      %swap3A_595 = tpu.vector_load %arg7[%swap3A_592, %swap3A_593, %swap3A_594] {strides = array<i32>} : memref<2x256x128xf32, #tpu.memory_space<vmem>>, vector<16xf32>,
      tpu.vector_store %arg7[%swap3A_592, %swap3A_593, %swap3A_594], %broadcast_in_dim3A_141 {strides = array<i32>} : memref<2x256x128xf32, #tpu.memory_space<vmem>>, vector<16xf32>,
      %add3A_596 = arith.constant 3 : i32
      %add3A_597 = arith.addi %mul3A_386, %add3A_596 : i32
      %swap3A_598 = arith.constant 0 : i32
      %swap3A_599 = arith.index_cast %swap3A_598 : i32 to index
      %swap3A_600 = arith.index_cast %add3A_597 : i32 to index
      %swap3A_601 = arith.constant 96 : index
      %swap3A_602 = tpu.vector_load %arg7[%swap3A_599, %swap3A_600, %swap3A_601] {strides = array<i32>} : memref<2x256x128xf32, #tpu.memory_space<vmem>>, vector<16xf32>,
      tpu.vector_store %arg7[%swap3A_599, %swap3A_600, %swap3A_601], %broadcast_in_dim3A_141 {strides = array<i32>} : memref<2x256x128xf32, #tpu.memory_space<vmem>>, vector<16xf32>,
      %add3A_603 = arith.constant 3 : i32
      %add3A_604 = arith.addi %mul3A_386, %add3A_603 : i32
      %swap3A_605 = arith.constant 0 : i32
      %swap3A_606 = arith.index_cast %swap3A_605 : i32 to index
      %swap3A_607 = arith.index_cast %add3A_604 : i32 to index
      %swap3A_608 = arith.constant 112 : index
      %swap3A_609 = tpu.vector_load %arg7[%swap3A_606, %swap3A_607, %swap3A_608] {strides = array<i32>} : memref<2x256x128xf32, #tpu.memory_space<vmem>>, vector<16xf32>,
      tpu.vector_store %arg7[%swap3A_606, %swap3A_607, %swap3A_608], %broadcast_in_dim3A_141 {strides = array<i32>} : memref<2x256x128xf32, #tpu.memory_space<vmem>>, vector<16xf32>,
      %add3A_610 = arith.constant 4 : i32
      %add3A_611 = arith.addi %mul3A_386, %add3A_610 : i32
      %swap3A_612 = arith.constant 0 : i32
      %swap3A_613 = arith.index_cast %swap3A_612 : i32 to index
      %swap3A_614 = arith.index_cast %add3A_611 : i32 to index
      %swap3A_615 = arith.constant 0 : index
      %swap3A_616 = tpu.vector_load %arg7[%swap3A_613, %swap3A_614, %swap3A_615] {strides = array<i32>} : memref<2x256x128xf32, #tpu.memory_space<vmem>>, vector<16xf32>,
      tpu.vector_store %arg7[%swap3A_613, %swap3A_614, %swap3A_615], %broadcast_in_dim3A_141 {strides = array<i32>} : memref<2x256x128xf32, #tpu.memory_space<vmem>>, vector<16xf32>,
      %add3A_617 = arith.constant 4 : i32
      %add3A_618 = arith.addi %mul3A_386, %add3A_617 : i32
      %swap3A_619 = arith.constant 0 : i32
      %swap3A_620 = arith.index_cast %swap3A_619 : i32 to index
      %swap3A_621 = arith.index_cast %add3A_618 : i32 to index
      %swap3A_622 = arith.constant 16 : index
      %swap3A_623 = tpu.vector_load %arg7[%swap3A_620, %swap3A_621, %swap3A_622] {strides = array<i32>} : memref<2x256x128xf32, #tpu.memory_space<vmem>>, vector<16xf32>,
      tpu.vector_store %arg7[%swap3A_620, %swap3A_621, %swap3A_622], %broadcast_in_dim3A_141 {strides = array<i32>} : memref<2x256x128xf32, #tpu.memory_space<vmem>>, vector<16xf32>,
      %add3A_624 = arith.constant 4 : i32
      %add3A_625 = arith.addi %mul3A_386, %add3A_624 : i32
      %swap3A_626 = arith.constant 0 : i32
      %swap3A_627 = arith.index_cast %swap3A_626 : i32 to index
      %swap3A_628 = arith.index_cast %add3A_625 : i32 to index
      %swap3A_629 = arith.constant 32 : index
      %swap3A_630 = tpu.vector_load %arg7[%swap3A_627, %swap3A_628, %swap3A_629] {strides = array<i32>} : memref<2x256x128xf32, #tpu.memory_space<vmem>>, vector<16xf32>,
      tpu.vector_store %arg7[%swap3A_627, %swap3A_628, %swap3A_629], %broadcast_in_dim3A_141 {strides = array<i32>} : memref<2x256x128xf32, #tpu.memory_space<vmem>>, vector<16xf32>,
      %add3A_631 = arith.constant 4 : i32
      %add3A_632 = arith.addi %mul3A_386, %add3A_631 : i32
      %swap3A_633 = arith.constant 0 : i32
      %swap3A_634 = arith.index_cast %swap3A_633 : i32 to index
      %swap3A_635 = arith.index_cast %add3A_632 : i32 to index
      %swap3A_636 = arith.constant 48 : index
      %swap3A_637 = tpu.vector_load %arg7[%swap3A_634, %swap3A_635, %swap3A_636] {strides = array<i32>} : memref<2x256x128xf32, #tpu.memory_space<vmem>>, vector<16xf32>,
      tpu.vector_store %arg7[%swap3A_634, %swap3A_635, %swap3A_636], %broadcast_in_dim3A_141 {strides = array<i32>} : memref<2x256x128xf32, #tpu.memory_space<vmem>>, vector<16xf32>,
      %add3A_638 = arith.constant 4 : i32
      %add3A_639 = arith.addi %mul3A_386, %add3A_638 : i32
      %swap3A_640 = arith.constant 0 : i32
      %swap3A_641 = arith.index_cast %swap3A_640 : i32 to index
      %swap3A_642 = arith.index_cast %add3A_639 : i32 to index
      %swap3A_643 = arith.constant 64 : index
      %swap3A_644 = tpu.vector_load %arg7[%swap3A_641, %swap3A_642, %swap3A_643] {strides = array<i32>} : memref<2x256x128xf32, #tpu.memory_space<vmem>>, vector<16xf32>,
      tpu.vector_store %arg7[%swap3A_641, %swap3A_642, %swap3A_643], %broadcast_in_dim3A_141 {strides = array<i32>} : memref<2x256x128xf32, #tpu.memory_space<vmem>>, vector<16xf32>,
      %add3A_645 = arith.constant 4 : i32
      %add3A_646 = arith.addi %mul3A_386, %add3A_645 : i32
      %swap3A_647 = arith.constant 0 : i32
      %swap3A_648 = arith.index_cast %swap3A_647 : i32 to index
      %swap3A_649 = arith.index_cast %add3A_646 : i32 to index
      %swap3A_650 = arith.constant 80 : index
      %swap3A_651 = tpu.vector_load %arg7[%swap3A_648, %swap3A_649, %swap3A_650] {strides = array<i32>} : memref<2x256x128xf32, #tpu.memory_space<vmem>>, vector<16xf32>,
      tpu.vector_store %arg7[%swap3A_648, %swap3A_649, %swap3A_650], %broadcast_in_dim3A_141 {strides = array<i32>} : memref<2x256x128xf32, #tpu.memory_space<vmem>>, vector<16xf32>,
      %add3A_652 = arith.constant 4 : i32
      %add3A_653 = arith.addi %mul3A_386, %add3A_652 : i32
      %swap3A_654 = arith.constant 0 : i32
      %swap3A_655 = arith.index_cast %swap3A_654 : i32 to index
      %swap3A_656 = arith.index_cast %add3A_653 : i32 to index
      %swap3A_657 = arith.constant 96 : index
      %swap3A_658 = tpu.vector_load %arg7[%swap3A_655, %swap3A_656, %swap3A_657] {strides = array<i32>} : memref<2x256x128xf32, #tpu.memory_space<vmem>>, vector<16xf32>,
      tpu.vector_store %arg7[%swap3A_655, %swap3A_656, %swap3A_657], %broadcast_in_dim3A_141 {strides = array<i32>} : memref<2x256x128xf32, #tpu.memory_space<vmem>>, vector<16xf32>,
      %add3A_659 = arith.constant 4 : i32
      %add3A_660 = arith.addi %mul3A_386, %add3A_659 : i32
      %swap3A_661 = arith.constant 0 : i32
      %swap3A_662 = arith.index_cast %swap3A_661 : i32 to index
      %swap3A_663 = arith.index_cast %add3A_660 : i32 to index
      %swap3A_664 = arith.constant 112 : index
      %swap3A_665 = tpu.vector_load %arg7[%swap3A_662, %swap3A_663, %swap3A_664] {strides = array<i32>} : memref<2x256x128xf32, #tpu.memory_space<vmem>>, vector<16xf32>,
      tpu.vector_store %arg7[%swap3A_662, %swap3A_663, %swap3A_664], %broadcast_in_dim3A_141 {strides = array<i32>} : memref<2x256x128xf32, #tpu.memory_space<vmem>>, vector<16xf32>,
      %add3A_666 = arith.constant 5 : i32
      %add3A_667 = arith.addi %mul3A_386, %add3A_666 : i32
      %swap3A_668 = arith.constant 0 : i32
      %swap3A_669 = arith.index_cast %swap3A_668 : i32 to index
      %swap3A_670 = arith.index_cast %add3A_667 : i32 to index
      %swap3A_671 = arith.constant 0 : index
      %swap3A_672 = tpu.vector_load %arg7[%swap3A_669, %swap3A_670, %swap3A_671] {strides = array<i32>} : memref<2x256x128xf32, #tpu.memory_space<vmem>>, vector<16xf32>,
      tpu.vector_store %arg7[%swap3A_669, %swap3A_670, %swap3A_671], %broadcast_in_dim3A_141 {strides = array<i32>} : memref<2x256x128xf32, #tpu.memory_space<vmem>>, vector<16xf32>,
      %add3A_673 = arith.constant 5 : i32
      %add3A_674 = arith.addi %mul3A_386, %add3A_673 : i32
      %swap3A_675 = arith.constant 0 : i32
      %swap3A_676 = arith.index_cast %swap3A_675 : i32 to index
      %swap3A_677 = arith.index_cast %add3A_674 : i32 to index
      %swap3A_678 = arith.constant 16 : index
      %swap3A_679 = tpu.vector_load %arg7[%swap3A_676, %swap3A_677, %swap3A_678] {strides = array<i32>} : memref<2x256x128xf32, #tpu.memory_space<vmem>>, vector<16xf32>,
      tpu.vector_store %arg7[%swap3A_676, %swap3A_677, %swap3A_678], %broadcast_in_dim3A_141 {strides = array<i32>} : memref<2x256x128xf32, #tpu.memory_space<vmem>>, vector<16xf32>,
      %add3A_680 = arith.constant 5 : i32
      %add3A_681 = arith.addi %mul3A_386, %add3A_680 : i32
      %swap3A_682 = arith.constant 0 : i32
      %swap3A_683 = arith.index_cast %swap3A_682 : i32 to index
      %swap3A_684 = arith.index_cast %add3A_681 : i32 to index
      %swap3A_685 = arith.constant 32 : index
      %swap3A_686 = tpu.vector_load %arg7[%swap3A_683, %swap3A_684, %swap3A_685] {strides = array<i32>} : memref<2x256x128xf32, #tpu.memory_space<vmem>>, vector<16xf32>,
      tpu.vector_store %arg7[%swap3A_683, %swap3A_684, %swap3A_685], %broadcast_in_dim3A_141 {strides = array<i32>} : memref<2x256x128xf32, #tpu.memory_space<vmem>>, vector<16xf32>,
      %add3A_687 = arith.constant 5 : i32
      %add3A_688 = arith.addi %mul3A_386, %add3A_687 : i32
      %swap3A_689 = arith.constant 0 : i32
      %swap3A_690 = arith.index_cast %swap3A_689 : i32 to index
      %swap3A_691 = arith.index_cast %add3A_688 : i32 to index
      %swap3A_692 = arith.constant 48 : index
      %swap3A_693 = tpu.vector_load %arg7[%swap3A_690, %swap3A_691, %swap3A_692] {strides = array<i32>} : memref<2x256x128xf32, #tpu.memory_space<vmem>>, vector<16xf32>,
      tpu.vector_store %arg7[%swap3A_690, %swap3A_691, %swap3A_692], %broadcast_in_dim3A_141 {strides = array<i32>} : memref<2x256x128xf32, #tpu.memory_space<vmem>>, vector<16xf32>,
      %add3A_694 = arith.constant 5 : i32
      %add3A_695 = arith.addi %mul3A_386, %add3A_694 : i32
      %swap3A_696 = arith.constant 0 : i32
      %swap3A_697 = arith.index_cast %swap3A_696 : i32 to index
      %swap3A_698 = arith.index_cast %add3A_695 : i32 to index
      %swap3A_699 = arith.constant 64 : index
      %swap3A_700 = tpu.vector_load %arg7[%swap3A_697, %swap3A_698, %swap3A_699] {strides = array<i32>} : memref<2x256x128xf32, #tpu.memory_space<vmem>>, vector<16xf32>,
      tpu.vector_store %arg7[%swap3A_697, %swap3A_698, %swap3A_699], %broadcast_in_dim3A_141 {strides = array<i32>} : memref<2x256x128xf32, #tpu.memory_space<vmem>>, vector<16xf32>,
      %add3A_701 = arith.constant 5 : i32
      %add3A_702 = arith.addi %mul3A_386, %add3A_701 : i32
      %swap3A_703 = arith.constant 0 : i32
      %swap3A_704 = arith.index_cast %swap3A_703 : i32 to index
      %swap3A_705 = arith.index_cast %add3A_702 : i32 to index
      %swap3A_706 = arith.constant 80 : index
      %swap3A_707 = tpu.vector_load %arg7[%swap3A_704, %swap3A_705, %swap3A_706] {strides = array<i32>} : memref<2x256x128xf32, #tpu.memory_space<vmem>>, vector<16xf32>,
      tpu.vector_store %arg7[%swap3A_704, %swap3A_705, %swap3A_706], %broadcast_in_dim3A_141 {strides = array<i32>} : memref<2x256x128xf32, #tpu.memory_space<vmem>>, vector<16xf32>,
      %add3A_708 = arith.constant 5 : i32
      %add3A_709 = arith.addi %mul3A_386, %add3A_708 : i32
      %swap3A_710 = arith.constant 0 : i32
      %swap3A_711 = arith.index_cast %swap3A_710 : i32 to index
      %swap3A_712 = arith.index_cast %add3A_709 : i32 to index
      %swap3A_713 = arith.constant 96 : index
      %swap3A_714 = tpu.vector_load %arg7[%swap3A_711, %swap3A_712, %swap3A_713] {strides = array<i32>} : memref<2x256x128xf32, #tpu.memory_space<vmem>>, vector<16xf32>,
      tpu.vector_store %arg7[%swap3A_711, %swap3A_712, %swap3A_713], %broadcast_in_dim3A_141 {strides = array<i32>} : memref<2x256x128xf32, #tpu.memory_space<vmem>>, vector<16xf32>,
      %add3A_715 = arith.constant 5 : i32
      %add3A_716 = arith.addi %mul3A_386, %add3A_715 : i32
      %swap3A_717 = arith.constant 0 : i32
      %swap3A_718 = arith.index_cast %swap3A_717 : i32 to index
      %swap3A_719 = arith.index_cast %add3A_716 : i32 to index
      %swap3A_720 = arith.constant 112 : index
      %swap3A_721 = tpu.vector_load %arg7[%swap3A_718, %swap3A_719, %swap3A_720] {strides = array<i32>} : memref<2x256x128xf32, #tpu.memory_space<vmem>>, vector<16xf32>,
      tpu.vector_store %arg7[%swap3A_718, %swap3A_719, %swap3A_720], %broadcast_in_dim3A_141 {strides = array<i32>} : memref<2x256x128xf32, #tpu.memory_space<vmem>>, vector<16xf32>,
      %add3A_722 = arith.constant 6 : i32
      %add3A_723 = arith.addi %mul3A_386, %add3A_722 : i32
      %swap3A_724 = arith.constant 0 : i32
      %swap3A_725 = arith.index_cast %swap3A_724 : i32 to index
      %swap3A_726 = arith.index_cast %add3A_723 : i32 to index
      %swap3A_727 = arith.constant 0 : index
      %swap3A_728 = tpu.vector_load %arg7[%swap3A_725, %swap3A_726, %swap3A_727] {strides = array<i32>} : memref<2x256x128xf32, #tpu.memory_space<vmem>>, vector<16xf32>,
      tpu.vector_store %arg7[%swap3A_725, %swap3A_726, %swap3A_727], %broadcast_in_dim3A_141 {strides = array<i32>} : memref<2x256x128xf32, #tpu.memory_space<vmem>>, vector<16xf32>,
      %add3A_729 = arith.constant 6 : i32
      %add3A_730 = arith.addi %mul3A_386, %add3A_729 : i32
      %swap3A_731 = arith.constant 0 : i32
      %swap3A_732 = arith.index_cast %swap3A_731 : i32 to index
      %swap3A_733 = arith.index_cast %add3A_730 : i32 to index
      %swap3A_734 = arith.constant 16 : index
      %swap3A_735 = tpu.vector_load %arg7[%swap3A_732, %swap3A_733, %swap3A_734] {strides = array<i32>} : memref<2x256x128xf32, #tpu.memory_space<vmem>>, vector<16xf32>,
      tpu.vector_store %arg7[%swap3A_732, %swap3A_733, %swap3A_734], %broadcast_in_dim3A_141 {strides = array<i32>} : memref<2x256x128xf32, #tpu.memory_space<vmem>>, vector<16xf32>,
      %add3A_736 = arith.constant 6 : i32
      %add3A_737 = arith.addi %mul3A_386, %add3A_736 : i32
      %swap3A_738 = arith.constant 0 : i32
      %swap3A_739 = arith.index_cast %swap3A_738 : i32 to index
      %swap3A_740 = arith.index_cast %add3A_737 : i32 to index
      %swap3A_741 = arith.constant 32 : index
      %swap3A_742 = tpu.vector_load %arg7[%swap3A_739, %swap3A_740, %swap3A_741] {strides = array<i32>} : memref<2x256x128xf32, #tpu.memory_space<vmem>>, vector<16xf32>,
      tpu.vector_store %arg7[%swap3A_739, %swap3A_740, %swap3A_741], %broadcast_in_dim3A_141 {strides = array<i32>} : memref<2x256x128xf32, #tpu.memory_space<vmem>>, vector<16xf32>,
      %add3A_743 = arith.constant 6 : i32
      %add3A_744 = arith.addi %mul3A_386, %add3A_743 : i32
      %swap3A_745 = arith.constant 0 : i32
      %swap3A_746 = arith.index_cast %swap3A_745 : i32 to index
      %swap3A_747 = arith.index_cast %add3A_744 : i32 to index
      %swap3A_748 = arith.constant 48 : index
      %swap3A_749 = tpu.vector_load %arg7[%swap3A_746, %swap3A_747, %swap3A_748] {strides = array<i32>} : memref<2x256x128xf32, #tpu.memory_space<vmem>>, vector<16xf32>,
      tpu.vector_store %arg7[%swap3A_746, %swap3A_747, %swap3A_748], %broadcast_in_dim3A_141 {strides = array<i32>} : memref<2x256x128xf32, #tpu.memory_space<vmem>>, vector<16xf32>,
      %add3A_750 = arith.constant 6 : i32
      %add3A_751 = arith.addi %mul3A_386, %add3A_750 : i32
      %swap3A_752 = arith.constant 0 : i32
      %swap3A_753 = arith.index_cast %swap3A_752 : i32 to index
      %swap3A_754 = arith.index_cast %add3A_751 : i32 to index
      %swap3A_755 = arith.constant 64 : index
      %swap3A_756 = tpu.vector_load %arg7[%swap3A_753, %swap3A_754, %swap3A_755] {strides = array<i32>} : memref<2x256x128xf32, #tpu.memory_space<vmem>>, vector<16xf32>,
      tpu.vector_store %arg7[%swap3A_753, %swap3A_754, %swap3A_755], %broadcast_in_dim3A_141 {strides = array<i32>} : memref<2x256x128xf32, #tpu.memory_space<vmem>>, vector<16xf32>,
      %add3A_757 = arith.constant 6 : i32
      %add3A_758 = arith.addi %mul3A_386, %add3A_757 : i32
      %swap3A_759 = arith.constant 0 : i32
      %swap3A_760 = arith.index_cast %swap3A_759 : i32 to index
      %swap3A_761 = arith.index_cast %add3A_758 : i32 to index
      %swap3A_762 = arith.constant 80 : index
      %swap3A_763 = tpu.vector_load %arg7[%swap3A_760, %swap3A_761, %swap3A_762] {strides = array<i32>} : memref<2x256x128xf32, #tpu.memory_space<vmem>>, vector<16xf32>,
      tpu.vector_store %arg7[%swap3A_760, %swap3A_761, %swap3A_762], %broadcast_in_dim3A_141 {strides = array<i32>} : memref<2x256x128xf32, #tpu.memory_space<vmem>>, vector<16xf32>,
      %add3A_764 = arith.constant 6 : i32
      %add3A_765 = arith.addi %mul3A_386, %add3A_764 : i32
      %swap3A_766 = arith.constant 0 : i32
      %swap3A_767 = arith.index_cast %swap3A_766 : i32 to index
      %swap3A_768 = arith.index_cast %add3A_765 : i32 to index
      %swap3A_769 = arith.constant 96 : index
      %swap3A_770 = tpu.vector_load %arg7[%swap3A_767, %swap3A_768, %swap3A_769] {strides = array<i32>} : memref<2x256x128xf32, #tpu.memory_space<vmem>>, vector<16xf32>,
      tpu.vector_store %arg7[%swap3A_767, %swap3A_768, %swap3A_769], %broadcast_in_dim3A_141 {strides = array<i32>} : memref<2x256x128xf32, #tpu.memory_space<vmem>>, vector<16xf32>,
      %add3A_771 = arith.constant 6 : i32
      %add3A_772 = arith.addi %mul3A_386, %add3A_771 : i32
      %swap3A_773 = arith.constant 0 : i32
      %swap3A_774 = arith.index_cast %swap3A_773 : i32 to index
      %swap3A_775 = arith.index_cast %add3A_772 : i32 to index
      %swap3A_776 = arith.constant 112 : index
      %swap3A_777 = tpu.vector_load %arg7[%swap3A_774, %swap3A_775, %swap3A_776] {strides = array<i32>} : memref<2x256x128xf32, #tpu.memory_space<vmem>>, vector<16xf32>,
      tpu.vector_store %arg7[%swap3A_774, %swap3A_775, %swap3A_776], %broadcast_in_dim3A_141 {strides = array<i32>} : memref<2x256x128xf32, #tpu.memory_space<vmem>>, vector<16xf32>,
      %add3A_778 = arith.constant 7 : i32
      %add3A_779 = arith.addi %mul3A_386, %add3A_778 : i32
      %swap3A_780 = arith.constant 0 : i32
      %swap3A_781 = arith.index_cast %swap3A_780 : i32 to index
      %swap3A_782 = arith.index_cast %add3A_779 : i32 to index
      %swap3A_783 = arith.constant 0 : index
      %swap3A_784 = tpu.vector_load %arg7[%swap3A_781, %swap3A_782, %swap3A_783] {strides = array<i32>} : memref<2x256x128xf32, #tpu.memory_space<vmem>>, vector<16xf32>,
      tpu.vector_store %arg7[%swap3A_781, %swap3A_782, %swap3A_783], %broadcast_in_dim3A_141 {strides = array<i32>} : memref<2x256x128xf32, #tpu.memory_space<vmem>>, vector<16xf32>,
      %add3A_785 = arith.constant 7 : i32
      %add3A_786 = arith.addi %mul3A_386, %add3A_785 : i32
      %swap3A_787 = arith.constant 0 : i32
      %swap3A_788 = arith.index_cast %swap3A_787 : i32 to index
      %swap3A_789 = arith.index_cast %add3A_786 : i32 to index
      %swap3A_790 = arith.constant 16 : index
      %swap3A_791 = tpu.vector_load %arg7[%swap3A_788, %swap3A_789, %swap3A_790] {strides = array<i32>} : memref<2x256x128xf32, #tpu.memory_space<vmem>>, vector<16xf32>,
      tpu.vector_store %arg7[%swap3A_788, %swap3A_789, %swap3A_790], %broadcast_in_dim3A_141 {strides = array<i32>} : memref<2x256x128xf32, #tpu.memory_space<vmem>>, vector<16xf32>,
      %add3A_792 = arith.constant 7 : i32
      %add3A_793 = arith.addi %mul3A_386, %add3A_792 : i32
      %swap3A_794 = arith.constant 0 : i32
      %swap3A_795 = arith.index_cast %swap3A_794 : i32 to index
      %swap3A_796 = arith.index_cast %add3A_793 : i32 to index
      %swap3A_797 = arith.constant 32 : index
      %swap3A_798 = tpu.vector_load %arg7[%swap3A_795, %swap3A_796, %swap3A_797] {strides = array<i32>} : memref<2x256x128xf32, #tpu.memory_space<vmem>>, vector<16xf32>,
      tpu.vector_store %arg7[%swap3A_795, %swap3A_796, %swap3A_797], %broadcast_in_dim3A_141 {strides = array<i32>} : memref<2x256x128xf32, #tpu.memory_space<vmem>>, vector<16xf32>,
      %add3A_799 = arith.constant 7 : i32
      %add3A_800 = arith.addi %mul3A_386, %add3A_799 : i32
      %swap3A_801 = arith.constant 0 : i32
      %swap3A_802 = arith.index_cast %swap3A_801 : i32 to index
      %swap3A_803 = arith.index_cast %add3A_800 : i32 to index
      %swap3A_804 = arith.constant 48 : index
      %swap3A_805 = tpu.vector_load %arg7[%swap3A_802, %swap3A_803, %swap3A_804] {strides = array<i32>} : memref<2x256x128xf32, #tpu.memory_space<vmem>>, vector<16xf32>,
      tpu.vector_store %arg7[%swap3A_802, %swap3A_803, %swap3A_804], %broadcast_in_dim3A_141 {strides = array<i32>} : memref<2x256x128xf32, #tpu.memory_space<vmem>>, vector<16xf32>,
      %add3A_806 = arith.constant 7 : i32
      %add3A_807 = arith.addi %mul3A_386, %add3A_806 : i32
      %swap3A_808 = arith.constant 0 : i32
      %swap3A_809 = arith.index_cast %swap3A_808 : i32 to index
      %swap3A_810 = arith.index_cast %add3A_807 : i32 to index
      %swap3A_811 = arith.constant 64 : index
      %swap3A_812 = tpu.vector_load %arg7[%swap3A_809, %swap3A_810, %swap3A_811] {strides = array<i32>} : memref<2x256x128xf32, #tpu.memory_space<vmem>>, vector<16xf32>,
      tpu.vector_store %arg7[%swap3A_809, %swap3A_810, %swap3A_811], %broadcast_in_dim3A_141 {strides = array<i32>} : memref<2x256x128xf32, #tpu.memory_space<vmem>>, vector<16xf32>,
      %add3A_813 = arith.constant 7 : i32
      %add3A_814 = arith.addi %mul3A_386, %add3A_813 : i32
      %swap3A_815 = arith.constant 0 : i32
      %swap3A_816 = arith.index_cast %swap3A_815 : i32 to index
      %swap3A_817 = arith.index_cast %add3A_814 : i32 to index
      %swap3A_818 = arith.constant 80 : index
      %swap3A_819 = tpu.vector_load %arg7[%swap3A_816, %swap3A_817, %swap3A_818] {strides = array<i32>} : memref<2x256x128xf32, #tpu.memory_space<vmem>>, vector<16xf32>,
      tpu.vector_store %arg7[%swap3A_816, %swap3A_817, %swap3A_818], %broadcast_in_dim3A_141 {strides = array<i32>} : memref<2x256x128xf32, #tpu.memory_space<vmem>>, vector<16xf32>,
      %add3A_820 = arith.constant 7 : i32
      %add3A_821 = arith.addi %mul3A_386, %add3A_820 : i32
      %swap3A_822 = arith.constant 0 : i32
      %swap3A_823 = arith.index_cast %swap3A_822 : i32 to index
      %swap3A_824 = arith.index_cast %add3A_821 : i32 to index
      %swap3A_825 = arith.constant 96 : index
      %swap3A_826 = tpu.vector_load %arg7[%swap3A_823, %swap3A_824, %swap3A_825] {strides = array<i32>} : memref<2x256x128xf32, #tpu.memory_space<vmem>>, vector<16xf32>,
      tpu.vector_store %arg7[%swap3A_823, %swap3A_824, %swap3A_825], %broadcast_in_dim3A_141 {strides = array<i32>} : memref<2x256x128xf32, #tpu.memory_space<vmem>>, vector<16xf32>,
      %add3A_827 = arith.constant 7 : i32
      %add3A_828 = arith.addi %mul3A_386, %add3A_827 : i32
      %swap3A_829 = arith.constant 0 : i32
      %swap3A_830 = arith.index_cast %swap3A_829 : i32 to index
      %swap3A_831 = arith.index_cast %add3A_828 : i32 to index
      %swap3A_832 = arith.constant 112 : index
      %swap3A_833 = tpu.vector_load %arg7[%swap3A_830, %swap3A_831, %swap3A_832] {strides = array<i32>} : memref<2x256x128xf32, #tpu.memory_space<vmem>>, vector<16xf32>,
      tpu.vector_store %arg7[%swap3A_830, %swap3A_831, %swap3A_832], %broadcast_in_dim3A_141 {strides = array<i32>} : memref<2x256x128xf32, #tpu.memory_space<vmem>>, vector<16xf32>,
      %add3A_834 = arith.constant 8 : i32
      %add3A_835 = arith.addi %mul3A_386, %add3A_834 : i32
      %swap3A_836 = arith.constant 0 : i32
      %swap3A_837 = arith.index_cast %swap3A_836 : i32 to index
      %swap3A_838 = arith.index_cast %add3A_835 : i32 to index
      %swap3A_839 = arith.constant 0 : index
      %swap3A_840 = tpu.vector_load %arg7[%swap3A_837, %swap3A_838, %swap3A_839] {strides = array<i32>} : memref<2x256x128xf32, #tpu.memory_space<vmem>>, vector<16xf32>,
      tpu.vector_store %arg7[%swap3A_837, %swap3A_838, %swap3A_839], %broadcast_in_dim3A_141 {strides = array<i32>} : memref<2x256x128xf32, #tpu.memory_space<vmem>>, vector<16xf32>,
      %add3A_841 = arith.constant 8 : i32
      %add3A_842 = arith.addi %mul3A_386, %add3A_841 : i32
      %swap3A_843 = arith.constant 0 : i32
      %swap3A_844 = arith.index_cast %swap3A_843 : i32 to index
      %swap3A_845 = arith.index_cast %add3A_842 : i32 to index
      %swap3A_846 = arith.constant 16 : index
      %swap3A_847 = tpu.vector_load %arg7[%swap3A_844, %swap3A_845, %swap3A_846] {strides = array<i32>} : memref<2x256x128xf32, #tpu.memory_space<vmem>>, vector<16xf32>,
      tpu.vector_store %arg7[%swap3A_844, %swap3A_845, %swap3A_846], %broadcast_in_dim3A_141 {strides = array<i32>} : memref<2x256x128xf32, #tpu.memory_space<vmem>>, vector<16xf32>,
      %add3A_848 = arith.constant 8 : i32
      %add3A_849 = arith.addi %mul3A_386, %add3A_848 : i32
      %swap3A_850 = arith.constant 0 : i32
      %swap3A_851 = arith.index_cast %swap3A_850 : i32 to index
      %swap3A_852 = arith.index_cast %add3A_849 : i32 to index
      %swap3A_853 = arith.constant 32 : index
      %swap3A_854 = tpu.vector_load %arg7[%swap3A_851, %swap3A_852, %swap3A_853] {strides = array<i32>} : memref<2x256x128xf32, #tpu.memory_space<vmem>>, vector<16xf32>,
      tpu.vector_store %arg7[%swap3A_851, %swap3A_852, %swap3A_853], %broadcast_in_dim3A_141 {strides = array<i32>} : memref<2x256x128xf32, #tpu.memory_space<vmem>>, vector<16xf32>,
      %add3A_855 = arith.constant 8 : i32
      %add3A_856 = arith.addi %mul3A_386, %add3A_855 : i32
      %swap3A_857 = arith.constant 0 : i32
      %swap3A_858 = arith.index_cast %swap3A_857 : i32 to index
      %swap3A_859 = arith.index_cast %add3A_856 : i32 to index
      %swap3A_860 = arith.constant 48 : index
      %swap3A_861 = tpu.vector_load %arg7[%swap3A_858, %swap3A_859, %swap3A_860] {strides = array<i32>} : memref<2x256x128xf32, #tpu.memory_space<vmem>>, vector<16xf32>,
      tpu.vector_store %arg7[%swap3A_858, %swap3A_859, %swap3A_860], %broadcast_in_dim3A_141 {strides = array<i32>} : memref<2x256x128xf32, #tpu.memory_space<vmem>>, vector<16xf32>,
      %add3A_862 = arith.constant 8 : i32
      %add3A_863 = arith.addi %mul3A_386, %add3A_862 : i32
      %swap3A_864 = arith.constant 0 : i32
      %swap3A_865 = arith.index_cast %swap3A_864 : i32 to index
      %swap3A_866 = arith.index_cast %add3A_863 : i32 to index
      %swap3A_867 = arith.constant 64 : index
      %swap3A_868 = tpu.vector_load %arg7[%swap3A_865, %swap3A_866, %swap3A_867] {strides = array<i32>} : memref<2x256x128xf32, #tpu.memory_space<vmem>>, vector<16xf32>,
      tpu.vector_store %arg7[%swap3A_865, %swap3A_866, %swap3A_867], %broadcast_in_dim3A_141 {strides = array<i32>} : memref<2x256x128xf32, #tpu.memory_space<vmem>>, vector<16xf32>,
      %add3A_869 = arith.constant 8 : i32
      %add3A_870 = arith.addi %mul3A_386, %add3A_869 : i32
      %swap3A_871 = arith.constant 0 : i32
      %swap3A_872 = arith.index_cast %swap3A_871 : i32 to index
      %swap3A_873 = arith.index_cast %add3A_870 : i32 to index
      %swap3A_874 = arith.constant 80 : index
      %swap3A_875 = tpu.vector_load %arg7[%swap3A_872, %swap3A_873, %swap3A_874] {strides = array<i32>} : memref<2x256x128xf32, #tpu.memory_space<vmem>>, vector<16xf32>,
      tpu.vector_store %arg7[%swap3A_872, %swap3A_873, %swap3A_874], %broadcast_in_dim3A_141 {strides = array<i32>} : memref<2x256x128xf32, #tpu.memory_space<vmem>>, vector<16xf32>,
      %add3A_876 = arith.constant 8 : i32
      %add3A_877 = arith.addi %mul3A_386, %add3A_876 : i32
      %swap3A_878 = arith.constant 0 : i32
      %swap3A_879 = arith.index_cast %swap3A_878 : i32 to index
      %swap3A_880 = arith.index_cast %add3A_877 : i32 to index
      %swap3A_881 = arith.constant 96 : index
      %swap3A_882 = tpu.vector_load %arg7[%swap3A_879, %swap3A_880, %swap3A_881] {strides = array<i32>} : memref<2x256x128xf32, #tpu.memory_space<vmem>>, vector<16xf32>,
      tpu.vector_store %arg7[%swap3A_879, %swap3A_880, %swap3A_881], %broadcast_in_dim3A_141 {strides = array<i32>} : memref<2x256x128xf32, #tpu.memory_space<vmem>>, vector<16xf32>,
      %add3A_883 = arith.constant 8 : i32
      %add3A_884 = arith.addi %mul3A_386, %add3A_883 : i32
      %swap3A_885 = arith.constant 0 : i32
      %swap3A_886 = arith.index_cast %swap3A_885 : i32 to index
      %swap3A_887 = arith.index_cast %add3A_884 : i32 to index
      %swap3A_888 = arith.constant 112 : index
      %swap3A_889 = tpu.vector_load %arg7[%swap3A_886, %swap3A_887, %swap3A_888] {strides = array<i32>} : memref<2x256x128xf32, #tpu.memory_space<vmem>>, vector<16xf32>,
      tpu.vector_store %arg7[%swap3A_886, %swap3A_887, %swap3A_888], %broadcast_in_dim3A_141 {strides = array<i32>} : memref<2x256x128xf32, #tpu.memory_space<vmem>>, vector<16xf32>,
      %add3A_890 = arith.constant 9 : i32
      %add3A_891 = arith.addi %mul3A_386, %add3A_890 : i32
      %swap3A_892 = arith.constant 0 : i32
      %swap3A_893 = arith.index_cast %swap3A_892 : i32 to index
      %swap3A_894 = arith.index_cast %add3A_891 : i32 to index
      %swap3A_895 = arith.constant 0 : index
      %swap3A_896 = tpu.vector_load %arg7[%swap3A_893, %swap3A_894, %swap3A_895] {strides = array<i32>} : memref<2x256x128xf32, #tpu.memory_space<vmem>>, vector<16xf32>,
      tpu.vector_store %arg7[%swap3A_893, %swap3A_894, %swap3A_895], %broadcast_in_dim3A_141 {strides = array<i32>} : memref<2x256x128xf32, #tpu.memory_space<vmem>>, vector<16xf32>,
      %add3A_897 = arith.constant 9 : i32
      %add3A_898 = arith.addi %mul3A_386, %add3A_897 : i32
      %swap3A_899 = arith.constant 0 : i32
      %swap3A_900 = arith.index_cast %swap3A_899 : i32 to index
      %swap3A_901 = arith.index_cast %add3A_898 : i32 to index
      %swap3A_902 = arith.constant 16 : index
      %swap3A_903 = tpu.vector_load %arg7[%swap3A_900, %swap3A_901, %swap3A_902] {strides = array<i32>} : memref<2x256x128xf32, #tpu.memory_space<vmem>>, vector<16xf32>,
      tpu.vector_store %arg7[%swap3A_900, %swap3A_901, %swap3A_902], %broadcast_in_dim3A_141 {strides = array<i32>} : memref<2x256x128xf32, #tpu.memory_space<vmem>>, vector<16xf32>,
      %add3A_904 = arith.constant 9 : i32
      %add3A_905 = arith.addi %mul3A_386, %add3A_904 : i32
      %swap3A_906 = arith.constant 0 : i32
      %swap3A_907 = arith.index_cast %swap3A_906 : i32 to index
      %swap3A_908 = arith.index_cast %add3A_905 : i32 to index
      %swap3A_909 = arith.constant 32 : index
      %swap3A_910 = tpu.vector_load %arg7[%swap3A_907, %swap3A_908, %swap3A_909] {strides = array<i32>} : memref<2x256x128xf32, #tpu.memory_space<vmem>>, vector<16xf32>,
      tpu.vector_store %arg7[%swap3A_907, %swap3A_908, %swap3A_909], %broadcast_in_dim3A_141 {strides = array<i32>} : memref<2x256x128xf32, #tpu.memory_space<vmem>>, vector<16xf32>,
      %add3A_911 = arith.constant 9 : i32
      %add3A_912 = arith.addi %mul3A_386, %add3A_911 : i32
      %swap3A_913 = arith.constant 0 : i32
      %swap3A_914 = arith.index_cast %swap3A_913 : i32 to index
      %swap3A_915 = arith.index_cast %add3A_912 : i32 to index
      %swap3A_916 = arith.constant 48 : index
      %swap3A_917 = tpu.vector_load %arg7[%swap3A_914, %swap3A_915, %swap3A_916] {strides = array<i32>} : memref<2x256x128xf32, #tpu.memory_space<vmem>>, vector<16xf32>,
      tpu.vector_store %arg7[%swap3A_914, %swap3A_915, %swap3A_916], %broadcast_in_dim3A_141 {strides = array<i32>} : memref<2x256x128xf32, #tpu.memory_space<vmem>>, vector<16xf32>,
      %add3A_918 = arith.constant 9 : i32
      %add3A_919 = arith.addi %mul3A_386, %add3A_918 : i32
      %swap3A_920 = arith.constant 0 : i32
      %swap3A_921 = arith.index_cast %swap3A_920 : i32 to index
      %swap3A_922 = arith.index_cast %add3A_919 : i32 to index
      %swap3A_923 = arith.constant 64 : index
      %swap3A_924 = tpu.vector_load %arg7[%swap3A_921, %swap3A_922, %swap3A_923] {strides = array<i32>} : memref<2x256x128xf32, #tpu.memory_space<vmem>>, vector<16xf32>,
      tpu.vector_store %arg7[%swap3A_921, %swap3A_922, %swap3A_923], %broadcast_in_dim3A_141 {strides = array<i32>} : memref<2x256x128xf32, #tpu.memory_space<vmem>>, vector<16xf32>,
      %add3A_925 = arith.constant 9 : i32
      %add3A_926 = arith.addi %mul3A_386, %add3A_925 : i32
      %swap3A_927 = arith.constant 0 : i32
      %swap3A_928 = arith.index_cast %swap3A_927 : i32 to index
      %swap3A_929 = arith.index_cast %add3A_926 : i32 to index
      %swap3A_930 = arith.constant 80 : index
      %swap3A_931 = tpu.vector_load %arg7[%swap3A_928, %swap3A_929, %swap3A_930] {strides = array<i32>} : memref<2x256x128xf32, #tpu.memory_space<vmem>>, vector<16xf32>,
      tpu.vector_store %arg7[%swap3A_928, %swap3A_929, %swap3A_930], %broadcast_in_dim3A_141 {strides = array<i32>} : memref<2x256x128xf32, #tpu.memory_space<vmem>>, vector<16xf32>,
      %add3A_932 = arith.constant 9 : i32
      %add3A_933 = arith.addi %mul3A_386, %add3A_932 : i32
      %swap3A_934 = arith.constant 0 : i32
      %swap3A_935 = arith.index_cast %swap3A_934 : i32 to index
      %swap3A_936 = arith.index_cast %add3A_933 : i32 to index
      %swap3A_937 = arith.constant 96 : index
      %swap3A_938 = tpu.vector_load %arg7[%swap3A_935, %swap3A_936, %swap3A_937] {strides = array<i32>} : memref<2x256x128xf32, #tpu.memory_space<vmem>>, vector<16xf32>,
      tpu.vector_store %arg7[%swap3A_935, %swap3A_936, %swap3A_937], %broadcast_in_dim3A_141 {strides = array<i32>} : memref<2x256x128xf32, #tpu.memory_space<vmem>>, vector<16xf32>,
      %add3A_939 = arith.constant 9 : i32
      %add3A_940 = arith.addi %mul3A_386, %add3A_939 : i32
      %swap3A_941 = arith.constant 0 : i32
      %swap3A_942 = arith.index_cast %swap3A_941 : i32 to index
      %swap3A_943 = arith.index_cast %add3A_940 : i32 to index
      %swap3A_944 = arith.constant 112 : index
      %swap3A_945 = tpu.vector_load %arg7[%swap3A_942, %swap3A_943, %swap3A_944] {strides = array<i32>} : memref<2x256x128xf32, #tpu.memory_space<vmem>>, vector<16xf32>,
      tpu.vector_store %arg7[%swap3A_942, %swap3A_943, %swap3A_944], %broadcast_in_dim3A_141 {strides = array<i32>} : memref<2x256x128xf32, #tpu.memory_space<vmem>>, vector<16xf32>,
      %add3A_946 = arith.constant 10 : i32
      %add3A_947 = arith.addi %mul3A_386, %add3A_946 : i32
      %swap3A_948 = arith.constant 0 : i32
      %swap3A_949 = arith.index_cast %swap3A_948 : i32 to index
      %swap3A_950 = arith.index_cast %add3A_947 : i32 to index
      %swap3A_951 = arith.constant 0 : index
      %swap3A_952 = tpu.vector_load %arg7[%swap3A_949, %swap3A_950, %swap3A_951] {strides = array<i32>} : memref<2x256x128xf32, #tpu.memory_space<vmem>>, vector<16xf32>,
      tpu.vector_store %arg7[%swap3A_949, %swap3A_950, %swap3A_951], %broadcast_in_dim3A_141 {strides = array<i32>} : memref<2x256x128xf32, #tpu.memory_space<vmem>>, vector<16xf32>,
      %add3A_953 = arith.constant 10 : i32
      %add3A_954 = arith.addi %mul3A_386, %add3A_953 : i32
      %swap3A_955 = arith.constant 0 : i32
      %swap3A_956 = arith.index_cast %swap3A_955 : i32 to index
      %swap3A_957 = arith.index_cast %add3A_954 : i32 to index
      %swap3A_958 = arith.constant 16 : index
      %swap3A_959 = tpu.vector_load %arg7[%swap3A_956, %swap3A_957, %swap3A_958] {strides = array<i32>} : memref<2x256x128xf32, #tpu.memory_space<vmem>>, vector<16xf32>,
      tpu.vector_store %arg7[%swap3A_956, %swap3A_957, %swap3A_958], %broadcast_in_dim3A_141 {strides = array<i32>} : memref<2x256x128xf32, #tpu.memory_space<vmem>>, vector<16xf32>,
      %add3A_960 = arith.constant 10 : i32
      %add3A_961 = arith.addi %mul3A_386, %add3A_960 : i32
      %swap3A_962 = arith.constant 0 : i32
      %swap3A_963 = arith.index_cast %swap3A_962 : i32 to index
      %swap3A_964 = arith.index_cast %add3A_961 : i32 to index
      %swap3A_965 = arith.constant 32 : index
      %swap3A_966 = tpu.vector_load %arg7[%swap3A_963, %swap3A_964, %swap3A_965] {strides = array<i32>} : memref<2x256x128xf32, #tpu.memory_space<vmem>>, vector<16xf32>,
      tpu.vector_store %arg7[%swap3A_963, %swap3A_964, %swap3A_965], %broadcast_in_dim3A_141 {strides = array<i32>} : memref<2x256x128xf32, #tpu.memory_space<vmem>>, vector<16xf32>,
      %add3A_967 = arith.constant 10 : i32
      %add3A_968 = arith.addi %mul3A_386, %add3A_967 : i32
      %swap3A_969 = arith.constant 0 : i32
      %swap3A_970 = arith.index_cast %swap3A_969 : i32 to index
      %swap3A_971 = arith.index_cast %add3A_968 : i32 to index
      %swap3A_972 = arith.constant 48 : index
      %swap3A_973 = tpu.vector_load %arg7[%swap3A_970, %swap3A_971, %swap3A_972] {strides = array<i32>} : memref<2x256x128xf32, #tpu.memory_space<vmem>>, vector<16xf32>,
      tpu.vector_store %arg7[%swap3A_970, %swap3A_971, %swap3A_972], %broadcast_in_dim3A_141 {strides = array<i32>} : memref<2x256x128xf32, #tpu.memory_space<vmem>>, vector<16xf32>,
      %add3A_974 = arith.constant 10 : i32
      %add3A_975 = arith.addi %mul3A_386, %add3A_974 : i32
      %swap3A_976 = arith.constant 0 : i32
      %swap3A_977 = arith.index_cast %swap3A_976 : i32 to index
      %swap3A_978 = arith.index_cast %add3A_975 : i32 to index
      %swap3A_979 = arith.constant 64 : index
      %swap3A_980 = tpu.vector_load %arg7[%swap3A_977, %swap3A_978, %swap3A_979] {strides = array<i32>} : memref<2x256x128xf32, #tpu.memory_space<vmem>>, vector<16xf32>,
      tpu.vector_store %arg7[%swap3A_977, %swap3A_978, %swap3A_979], %broadcast_in_dim3A_141 {strides = array<i32>} : memref<2x256x128xf32, #tpu.memory_space<vmem>>, vector<16xf32>,
      %add3A_981 = arith.constant 10 : i32
      %add3A_982 = arith.addi %mul3A_386, %add3A_981 : i32
      %swap3A_983 = arith.constant 0 : i32
      %swap3A_984 = arith.index_cast %swap3A_983 : i32 to index
      %swap3A_985 = arith.index_cast %add3A_982 : i32 to index
      %swap3A_986 = arith.constant 80 : index
      %swap3A_987 = tpu.vector_load %arg7[%swap3A_984, %swap3A_985, %swap3A_986] {strides = array<i32>} : memref<2x256x128xf32, #tpu.memory_space<vmem>>, vector<16xf32>,
      tpu.vector_store %arg7[%swap3A_984, %swap3A_985, %swap3A_986], %broadcast_in_dim3A_141 {strides = array<i32>} : memref<2x256x128xf32, #tpu.memory_space<vmem>>, vector<16xf32>,
      %add3A_988 = arith.constant 10 : i32
      %add3A_989 = arith.addi %mul3A_386, %add3A_988 : i32
      %swap3A_990 = arith.constant 0 : i32
      %swap3A_991 = arith.index_cast %swap3A_990 : i32 to index
      %swap3A_992 = arith.index_cast %add3A_989 : i32 to index
      %swap3A_993 = arith.constant 96 : index
      %swap3A_994 = tpu.vector_load %arg7[%swap3A_991, %swap3A_992, %swap3A_993] {strides = array<i32>} : memref<2x256x128xf32, #tpu.memory_space<vmem>>, vector<16xf32>,
      tpu.vector_store %arg7[%swap3A_991, %swap3A_992, %swap3A_993], %broadcast_in_dim3A_141 {strides = array<i32>} : memref<2x256x128xf32, #tpu.memory_space<vmem>>, vector<16xf32>,
      %add3A_995 = arith.constant 10 : i32
      %add3A_996 = arith.addi %mul3A_386, %add3A_995 : i32
      %swap3A_997 = arith.constant 0 : i32
      %swap3A_998 = arith.index_cast %swap3A_997 : i32 to index
      %swap3A_999 = arith.index_cast %add3A_996 : i32 to index
      %swap3A_1000 = arith.constant 112 : index
      %swap3A_1001 = tpu.vector_load %arg7[%swap3A_998, %swap3A_999, %swap3A_1000] {strides = array<i32>} : memref<2x256x128xf32, #tpu.memory_space<vmem>>, vector<16xf32>,
      tpu.vector_store %arg7[%swap3A_998, %swap3A_999, %swap3A_1000], %broadcast_in_dim3A_141 {strides = array<i32>} : memref<2x256x128xf32, #tpu.memory_space<vmem>>, vector<16xf32>,
      %add3A_1002 = arith.constant 11 : i32
      %add3A_1003 = arith.addi %mul3A_386, %add3A_1002 : i32
      %swap3A_1004 = arith.constant 0 : i32
      %swap3A_1005 = arith.index_cast %swap3A_1004 : i32 to index
      %swap3A_1006 = arith.index_cast %add3A_1003 : i32 to index
      %swap3A_1007 = arith.constant 0 : index
      %swap3A_1008 = tpu.vector_load %arg7[%swap3A_1005, %swap3A_1006, %swap3A_1007] {strides = array<i32>} : memref<2x256x128xf32, #tpu.memory_space<vmem>>, vector<16xf32>,
      tpu.vector_store %arg7[%swap3A_1005, %swap3A_1006, %swap3A_1007], %broadcast_in_dim3A_141 {strides = array<i32>} : memref<2x256x128xf32, #tpu.memory_space<vmem>>, vector<16xf32>,
      %add3A_1009 = arith.constant 11 : i32
      %add3A_1010 = arith.addi %mul3A_386, %add3A_1009 : i32
      %swap3A_1011 = arith.constant 0 : i32
      %swap3A_1012 = arith.index_cast %swap3A_1011 : i32 to index
      %swap3A_1013 = arith.index_cast %add3A_1010 : i32 to index
      %swap3A_1014 = arith.constant 16 : index
      %swap3A_1015 = tpu.vector_load %arg7[%swap3A_1012, %swap3A_1013, %swap3A_1014] {strides = array<i32>} : memref<2x256x128xf32, #tpu.memory_space<vmem>>, vector<16xf32>,
      tpu.vector_store %arg7[%swap3A_1012, %swap3A_1013, %swap3A_1014], %broadcast_in_dim3A_141 {strides = array<i32>} : memref<2x256x128xf32, #tpu.memory_space<vmem>>, vector<16xf32>,
      %add3A_1016 = arith.constant 11 : i32
      %add3A_1017 = arith.addi %mul3A_386, %add3A_1016 : i32
      %swap3A_1018 = arith.constant 0 : i32
      %swap3A_1019 = arith.index_cast %swap3A_1018 : i32 to index
      %swap3A_1020 = arith.index_cast %add3A_1017 : i32 to index
      %swap3A_1021 = arith.constant 32 : index
      %swap3A_1022 = tpu.vector_load %arg7[%swap3A_1019, %swap3A_1020, %swap3A_1021] {strides = array<i32>} : memref<2x256x128xf32, #tpu.memory_space<vmem>>, vector<16xf32>,
      tpu.vector_store %arg7[%swap3A_1019, %swap3A_1020, %swap3A_1021], %broadcast_in_dim3A_141 {strides = array<i32>} : memref<2x256x128xf32, #tpu.memory_space<vmem>>, vector<16xf32>,
      %add3A_1023 = arith.constant 11 : i32
      %add3A_1024 = arith.addi %mul3A_386, %add3A_1023 : i32
      %swap3A_1025 = arith.constant 0 : i32
      %swap3A_1026 = arith.index_cast %swap3A_1025 : i32 to index
      %swap3A_1027 = arith.index_cast %add3A_1024 : i32 to index
      %swap3A_1028 = arith.constant 48 : index
      %swap3A_1029 = tpu.vector_load %arg7[%swap3A_1026, %swap3A_1027, %swap3A_1028] {strides = array<i32>} : memref<2x256x128xf32, #tpu.memory_space<vmem>>, vector<16xf32>,
      tpu.vector_store %arg7[%swap3A_1026, %swap3A_1027, %swap3A_1028], %broadcast_in_dim3A_141 {strides = array<i32>} : memref<2x256x128xf32, #tpu.memory_space<vmem>>, vector<16xf32>,
      %add3A_1030 = arith.constant 11 : i32
      %add3A_1031 = arith.addi %mul3A_386, %add3A_1030 : i32
      %swap3A_1032 = arith.constant 0 : i32
      %swap3A_1033 = arith.index_cast %swap3A_1032 : i32 to index
      %swap3A_1034 = arith.index_cast %add3A_1031 : i32 to index
      %swap3A_1035 = arith.constant 64 : index
      %swap3A_1036 = tpu.vector_load %arg7[%swap3A_1033, %swap3A_1034, %swap3A_1035] {strides = array<i32>} : memref<2x256x128xf32, #tpu.memory_space<vmem>>, vector<16xf32>,
      tpu.vector_store %arg7[%swap3A_1033, %swap3A_1034, %swap3A_1035], %broadcast_in_dim3A_141 {strides = array<i32>} : memref<2x256x128xf32, #tpu.memory_space<vmem>>, vector<16xf32>,
      %add3A_1037 = arith.constant 11 : i32
      %add3A_1038 = arith.addi %mul3A_386, %add3A_1037 : i32
      %swap3A_1039 = arith.constant 0 : i32
      %swap3A_1040 = arith.index_cast %swap3A_1039 : i32 to index
      %swap3A_1041 = arith.index_cast %add3A_1038 : i32 to index
      %swap3A_1042 = arith.constant 80 : index
      %swap3A_1043 = tpu.vector_load %arg7[%swap3A_1040, %swap3A_1041, %swap3A_1042] {strides = array<i32>} : memref<2x256x128xf32, #tpu.memory_space<vmem>>, vector<16xf32>,
      tpu.vector_store %arg7[%swap3A_1040, %swap3A_1041, %swap3A_1042], %broadcast_in_dim3A_141 {strides = array<i32>} : memref<2x256x128xf32, #tpu.memory_space<vmem>>, vector<16xf32>,
      %add3A_1044 = arith.constant 11 : i32
      %add3A_1045 = arith.addi %mul3A_386, %add3A_1044 : i32
      %swap3A_1046 = arith.constant 0 : i32
      %swap3A_1047 = arith.index_cast %swap3A_1046 : i32 to index
      %swap3A_1048 = arith.index_cast %add3A_1045 : i32 to index
      %swap3A_1049 = arith.constant 96 : index
      %swap3A_1050 = tpu.vector_load %arg7[%swap3A_1047, %swap3A_1048, %swap3A_1049] {strides = array<i32>} : memref<2x256x128xf32, #tpu.memory_space<vmem>>, vector<16xf32>,
      tpu.vector_store %arg7[%swap3A_1047, %swap3A_1048, %swap3A_1049], %broadcast_in_dim3A_141 {strides = array<i32>} : memref<2x256x128xf32, #tpu.memory_space<vmem>>, vector<16xf32>,
      %add3A_1051 = arith.constant 11 : i32
      %add3A_1052 = arith.addi %mul3A_386, %add3A_1051 : i32
      %swap3A_1053 = arith.constant 0 : i32
      %swap3A_1054 = arith.index_cast %swap3A_1053 : i32 to index
      %swap3A_1055 = arith.index_cast %add3A_1052 : i32 to index
      %swap3A_1056 = arith.constant 112 : index
      %swap3A_1057 = tpu.vector_load %arg7[%swap3A_1054, %swap3A_1055, %swap3A_1056] {strides = array<i32>} : memref<2x256x128xf32, #tpu.memory_space<vmem>>, vector<16xf32>,
      tpu.vector_store %arg7[%swap3A_1054, %swap3A_1055, %swap3A_1056], %broadcast_in_dim3A_141 {strides = array<i32>} : memref<2x256x128xf32, #tpu.memory_space<vmem>>, vector<16xf32>,
      %add3A_1058 = arith.constant 12 : i32
      %add3A_1059 = arith.addi %mul3A_386, %add3A_1058 : i32
      %swap3A_1060 = arith.constant 0 : i32
      %swap3A_1061 = arith.index_cast %swap3A_1060 : i32 to index
      %swap3A_1062 = arith.index_cast %add3A_1059 : i32 to index
      %swap3A_1063 = arith.constant 0 : index
      %swap3A_1064 = tpu.vector_load %arg7[%swap3A_1061, %swap3A_1062, %swap3A_1063] {strides = array<i32>} : memref<2x256x128xf32, #tpu.memory_space<vmem>>, vector<16xf32>,
      tpu.vector_store %arg7[%swap3A_1061, %swap3A_1062, %swap3A_1063], %broadcast_in_dim3A_141 {strides = array<i32>} : memref<2x256x128xf32, #tpu.memory_space<vmem>>, vector<16xf32>,
      %add3A_1065 = arith.constant 12 : i32
      %add3A_1066 = arith.addi %mul3A_386, %add3A_1065 : i32
      %swap3A_1067 = arith.constant 0 : i32
      %swap3A_1068 = arith.index_cast %swap3A_1067 : i32 to index
      %swap3A_1069 = arith.index_cast %add3A_1066 : i32 to index
      %swap3A_1070 = arith.constant 16 : index
      %swap3A_1071 = tpu.vector_load %arg7[%swap3A_1068, %swap3A_1069, %swap3A_1070] {strides = array<i32>} : memref<2x256x128xf32, #tpu.memory_space<vmem>>, vector<16xf32>,
      tpu.vector_store %arg7[%swap3A_1068, %swap3A_1069, %swap3A_1070], %broadcast_in_dim3A_141 {strides = array<i32>} : memref<2x256x128xf32, #tpu.memory_space<vmem>>, vector<16xf32>,
      %add3A_1072 = arith.constant 12 : i32
      %add3A_1073 = arith.addi %mul3A_386, %add3A_1072 : i32
      %swap3A_1074 = arith.constant 0 : i32
      %swap3A_1075 = arith.index_cast %swap3A_1074 : i32 to index
      %swap3A_1076 = arith.index_cast %add3A_1073 : i32 to index
      %swap3A_1077 = arith.constant 32 : index
      %swap3A_1078 = tpu.vector_load %arg7[%swap3A_1075, %swap3A_1076, %swap3A_1077] {strides = array<i32>} : memref<2x256x128xf32, #tpu.memory_space<vmem>>, vector<16xf32>,
      tpu.vector_store %arg7[%swap3A_1075, %swap3A_1076, %swap3A_1077], %broadcast_in_dim3A_141 {strides = array<i32>} : memref<2x256x128xf32, #tpu.memory_space<vmem>>, vector<16xf32>,
      %add3A_1079 = arith.constant 12 : i32
      %add3A_1080 = arith.addi %mul3A_386, %add3A_1079 : i32
      %swap3A_1081 = arith.constant 0 : i32
      %swap3A_1082 = arith.index_cast %swap3A_1081 : i32 to index
      %swap3A_1083 = arith.index_cast %add3A_1080 : i32 to index
      %swap3A_1084 = arith.constant 48 : index
      %swap3A_1085 = tpu.vector_load %arg7[%swap3A_1082, %swap3A_1083, %swap3A_1084] {strides = array<i32>} : memref<2x256x128xf32, #tpu.memory_space<vmem>>, vector<16xf32>,
      tpu.vector_store %arg7[%swap3A_1082, %swap3A_1083, %swap3A_1084], %broadcast_in_dim3A_141 {strides = array<i32>} : memref<2x256x128xf32, #tpu.memory_space<vmem>>, vector<16xf32>,
      %add3A_1086 = arith.constant 12 : i32
      %add3A_1087 = arith.addi %mul3A_386, %add3A_1086 : i32
      %swap3A_1088 = arith.constant 0 : i32
      %swap3A_1089 = arith.index_cast %swap3A_1088 : i32 to index
      %swap3A_1090 = arith.index_cast %add3A_1087 : i32 to index
      %swap3A_1091 = arith.constant 64 : index
      %swap3A_1092 = tpu.vector_load %arg7[%swap3A_1089, %swap3A_1090, %swap3A_1091] {strides = array<i32>} : memref<2x256x128xf32, #tpu.memory_space<vmem>>, vector<16xf32>,
      tpu.vector_store %arg7[%swap3A_1089, %swap3A_1090, %swap3A_1091], %broadcast_in_dim3A_141 {strides = array<i32>} : memref<2x256x128xf32, #tpu.memory_space<vmem>>, vector<16xf32>,
      %add3A_1093 = arith.constant 12 : i32
      %add3A_1094 = arith.addi %mul3A_386, %add3A_1093 : i32
      %swap3A_1095 = arith.constant 0 : i32
      %swap3A_1096 = arith.index_cast %swap3A_1095 : i32 to index
      %swap3A_1097 = arith.index_cast %add3A_1094 : i32 to index
      %swap3A_1098 = arith.constant 80 : index
      %swap3A_1099 = tpu.vector_load %arg7[%swap3A_1096, %swap3A_1097, %swap3A_1098] {strides = array<i32>} : memref<2x256x128xf32, #tpu.memory_space<vmem>>, vector<16xf32>,
      tpu.vector_store %arg7[%swap3A_1096, %swap3A_1097, %swap3A_1098], %broadcast_in_dim3A_141 {strides = array<i32>} : memref<2x256x128xf32, #tpu.memory_space<vmem>>, vector<16xf32>,
      %add3A_1100 = arith.constant 12 : i32
      %add3A_1101 = arith.addi %mul3A_386, %add3A_1100 : i32
      %swap3A_1102 = arith.constant 0 : i32
      %swap3A_1103 = arith.index_cast %swap3A_1102 : i32 to index
      %swap3A_1104 = arith.index_cast %add3A_1101 : i32 to index
      %swap3A_1105 = arith.constant 96 : index
      %swap3A_1106 = tpu.vector_load %arg7[%swap3A_1103, %swap3A_1104, %swap3A_1105] {strides = array<i32>} : memref<2x256x128xf32, #tpu.memory_space<vmem>>, vector<16xf32>,
      tpu.vector_store %arg7[%swap3A_1103, %swap3A_1104, %swap3A_1105], %broadcast_in_dim3A_141 {strides = array<i32>} : memref<2x256x128xf32, #tpu.memory_space<vmem>>, vector<16xf32>,
      %add3A_1107 = arith.constant 12 : i32
      %add3A_1108 = arith.addi %mul3A_386, %add3A_1107 : i32
      %swap3A_1109 = arith.constant 0 : i32
      %swap3A_1110 = arith.index_cast %swap3A_1109 : i32 to index
      %swap3A_1111 = arith.index_cast %add3A_1108 : i32 to index
      %swap3A_1112 = arith.constant 112 : index
      %swap3A_1113 = tpu.vector_load %arg7[%swap3A_1110, %swap3A_1111, %swap3A_1112] {strides = array<i32>} : memref<2x256x128xf32, #tpu.memory_space<vmem>>, vector<16xf32>,
      tpu.vector_store %arg7[%swap3A_1110, %swap3A_1111, %swap3A_1112], %broadcast_in_dim3A_141 {strides = array<i32>} : memref<2x256x128xf32, #tpu.memory_space<vmem>>, vector<16xf32>,
      %add3A_1114 = arith.constant 13 : i32
      %add3A_1115 = arith.addi %mul3A_386, %add3A_1114 : i32
      %swap3A_1116 = arith.constant 0 : i32
      %swap3A_1117 = arith.index_cast %swap3A_1116 : i32 to index
      %swap3A_1118 = arith.index_cast %add3A_1115 : i32 to index
      %swap3A_1119 = arith.constant 0 : index
      %swap3A_1120 = tpu.vector_load %arg7[%swap3A_1117, %swap3A_1118, %swap3A_1119] {strides = array<i32>} : memref<2x256x128xf32, #tpu.memory_space<vmem>>, vector<16xf32>,
      tpu.vector_store %arg7[%swap3A_1117, %swap3A_1118, %swap3A_1119], %broadcast_in_dim3A_141 {strides = array<i32>} : memref<2x256x128xf32, #tpu.memory_space<vmem>>, vector<16xf32>,
      %add3A_1121 = arith.constant 13 : i32
      %add3A_1122 = arith.addi %mul3A_386, %add3A_1121 : i32
      %swap3A_1123 = arith.constant 0 : i32
      %swap3A_1124 = arith.index_cast %swap3A_1123 : i32 to index
      %swap3A_1125 = arith.index_cast %add3A_1122 : i32 to index
      %swap3A_1126 = arith.constant 16 : index
      %swap3A_1127 = tpu.vector_load %arg7[%swap3A_1124, %swap3A_1125, %swap3A_1126] {strides = array<i32>} : memref<2x256x128xf32, #tpu.memory_space<vmem>>, vector<16xf32>,
      tpu.vector_store %arg7[%swap3A_1124, %swap3A_1125, %swap3A_1126], %broadcast_in_dim3A_141 {strides = array<i32>} : memref<2x256x128xf32, #tpu.memory_space<vmem>>, vector<16xf32>,
      %add3A_1128 = arith.constant 13 : i32
      %add3A_1129 = arith.addi %mul3A_386, %add3A_1128 : i32
      %swap3A_1130 = arith.constant 0 : i32
      %swap3A_1131 = arith.index_cast %swap3A_1130 : i32 to index
      %swap3A_1132 = arith.index_cast %add3A_1129 : i32 to index
      %swap3A_1133 = arith.constant 32 : index
      %swap3A_1134 = tpu.vector_load %arg7[%swap3A_1131, %swap3A_1132, %swap3A_1133] {strides = array<i32>} : memref<2x256x128xf32, #tpu.memory_space<vmem>>, vector<16xf32>,
      tpu.vector_store %arg7[%swap3A_1131, %swap3A_1132, %swap3A_1133], %broadcast_in_dim3A_141 {strides = array<i32>} : memref<2x256x128xf32, #tpu.memory_space<vmem>>, vector<16xf32>,
      %add3A_1135 = arith.constant 13 : i32
      %add3A_1136 = arith.addi %mul3A_386, %add3A_1135 : i32
      %swap3A_1137 = arith.constant 0 : i32
      %swap3A_1138 = arith.index_cast %swap3A_1137 : i32 to index
      %swap3A_1139 = arith.index_cast %add3A_1136 : i32 to index
      %swap3A_1140 = arith.constant 48 : index
      %swap3A_1141 = tpu.vector_load %arg7[%swap3A_1138, %swap3A_1139, %swap3A_1140] {strides = array<i32>} : memref<2x256x128xf32, #tpu.memory_space<vmem>>, vector<16xf32>,
      tpu.vector_store %arg7[%swap3A_1138, %swap3A_1139, %swap3A_1140], %broadcast_in_dim3A_141 {strides = array<i32>} : memref<2x256x128xf32, #tpu.memory_space<vmem>>, vector<16xf32>,
      %add3A_1142 = arith.constant 13 : i32
      %add3A_1143 = arith.addi %mul3A_386, %add3A_1142 : i32
      %swap3A_1144 = arith.constant 0 : i32
      %swap3A_1145 = arith.index_cast %swap3A_1144 : i32 to index
      %swap3A_1146 = arith.index_cast %add3A_1143 : i32 to index
      %swap3A_1147 = arith.constant 64 : index
      %swap3A_1148 = tpu.vector_load %arg7[%swap3A_1145, %swap3A_1146, %swap3A_1147] {strides = array<i32>} : memref<2x256x128xf32, #tpu.memory_space<vmem>>, vector<16xf32>,
      tpu.vector_store %arg7[%swap3A_1145, %swap3A_1146, %swap3A_1147], %broadcast_in_dim3A_141 {strides = array<i32>} : memref<2x256x128xf32, #tpu.memory_space<vmem>>, vector<16xf32>,
      %add3A_1149 = arith.constant 13 : i32
      %add3A_1150 = arith.addi %mul3A_386, %add3A_1149 : i32
      %swap3A_1151 = arith.constant 0 : i32
      %swap3A_1152 = arith.index_cast %swap3A_1151 : i32 to index
      %swap3A_1153 = arith.index_cast %add3A_1150 : i32 to index
      %swap3A_1154 = arith.constant 80 : index
      %swap3A_1155 = tpu.vector_load %arg7[%swap3A_1152, %swap3A_1153, %swap3A_1154] {strides = array<i32>} : memref<2x256x128xf32, #tpu.memory_space<vmem>>, vector<16xf32>,
      tpu.vector_store %arg7[%swap3A_1152, %swap3A_1153, %swap3A_1154], %broadcast_in_dim3A_141 {strides = array<i32>} : memref<2x256x128xf32, #tpu.memory_space<vmem>>, vector<16xf32>,
      %add3A_1156 = arith.constant 13 : i32
      %add3A_1157 = arith.addi %mul3A_386, %add3A_1156 : i32
      %swap3A_1158 = arith.constant 0 : i32
      %swap3A_1159 = arith.index_cast %swap3A_1158 : i32 to index
      %swap3A_1160 = arith.index_cast %add3A_1157 : i32 to index
      %swap3A_1161 = arith.constant 96 : index
      %swap3A_1162 = tpu.vector_load %arg7[%swap3A_1159, %swap3A_1160, %swap3A_1161] {strides = array<i32>} : memref<2x256x128xf32, #tpu.memory_space<vmem>>, vector<16xf32>,
      tpu.vector_store %arg7[%swap3A_1159, %swap3A_1160, %swap3A_1161], %broadcast_in_dim3A_141 {strides = array<i32>} : memref<2x256x128xf32, #tpu.memory_space<vmem>>, vector<16xf32>,
      %add3A_1163 = arith.constant 13 : i32
      %add3A_1164 = arith.addi %mul3A_386, %add3A_1163 : i32
      %swap3A_1165 = arith.constant 0 : i32
      %swap3A_1166 = arith.index_cast %swap3A_1165 : i32 to index
      %swap3A_1167 = arith.index_cast %add3A_1164 : i32 to index
      %swap3A_1168 = arith.constant 112 : index
      %swap3A_1169 = tpu.vector_load %arg7[%swap3A_1166, %swap3A_1167, %swap3A_1168] {strides = array<i32>} : memref<2x256x128xf32, #tpu.memory_space<vmem>>, vector<16xf32>,
      tpu.vector_store %arg7[%swap3A_1166, %swap3A_1167, %swap3A_1168], %broadcast_in_dim3A_141 {strides = array<i32>} : memref<2x256x128xf32, #tpu.memory_space<vmem>>, vector<16xf32>,
      %add3A_1170 = arith.constant 14 : i32
      %add3A_1171 = arith.addi %mul3A_386, %add3A_1170 : i32
      %swap3A_1172 = arith.constant 0 : i32
      %swap3A_1173 = arith.index_cast %swap3A_1172 : i32 to index
      %swap3A_1174 = arith.index_cast %add3A_1171 : i32 to index
      %swap3A_1175 = arith.constant 0 : index
      %swap3A_1176 = tpu.vector_load %arg7[%swap3A_1173, %swap3A_1174, %swap3A_1175] {strides = array<i32>} : memref<2x256x128xf32, #tpu.memory_space<vmem>>, vector<16xf32>,
      tpu.vector_store %arg7[%swap3A_1173, %swap3A_1174, %swap3A_1175], %broadcast_in_dim3A_141 {strides = array<i32>} : memref<2x256x128xf32, #tpu.memory_space<vmem>>, vector<16xf32>,
      %add3A_1177 = arith.constant 14 : i32
      %add3A_1178 = arith.addi %mul3A_386, %add3A_1177 : i32
      %swap3A_1179 = arith.constant 0 : i32
      %swap3A_1180 = arith.index_cast %swap3A_1179 : i32 to index
      %swap3A_1181 = arith.index_cast %add3A_1178 : i32 to index
      %swap3A_1182 = arith.constant 16 : index
      %swap3A_1183 = tpu.vector_load %arg7[%swap3A_1180, %swap3A_1181, %swap3A_1182] {strides = array<i32>} : memref<2x256x128xf32, #tpu.memory_space<vmem>>, vector<16xf32>,
      tpu.vector_store %arg7[%swap3A_1180, %swap3A_1181, %swap3A_1182], %broadcast_in_dim3A_141 {strides = array<i32>} : memref<2x256x128xf32, #tpu.memory_space<vmem>>, vector<16xf32>,
      %add3A_1184 = arith.constant 14 : i32
      %add3A_1185 = arith.addi %mul3A_386, %add3A_1184 : i32
      %swap3A_1186 = arith.constant 0 : i32
      %swap3A_1187 = arith.index_cast %swap3A_1186 : i32 to index
      %swap3A_1188 = arith.index_cast %add3A_1185 : i32 to index
      %swap3A_1189 = arith.constant 32 : index
      %swap3A_1190 = tpu.vector_load %arg7[%swap3A_1187, %swap3A_1188, %swap3A_1189] {strides = array<i32>} : memref<2x256x128xf32, #tpu.memory_space<vmem>>, vector<16xf32>,
      tpu.vector_store %arg7[%swap3A_1187, %swap3A_1188, %swap3A_1189], %broadcast_in_dim3A_141 {strides = array<i32>} : memref<2x256x128xf32, #tpu.memory_space<vmem>>, vector<16xf32>,
      %add3A_1191 = arith.constant 14 : i32
      %add3A_1192 = arith.addi %mul3A_386, %add3A_1191 : i32
      %swap3A_1193 = arith.constant 0 : i32
      %swap3A_1194 = arith.index_cast %swap3A_1193 : i32 to index
      %swap3A_1195 = arith.index_cast %add3A_1192 : i32 to index
      %swap3A_1196 = arith.constant 48 : index
      %swap3A_1197 = tpu.vector_load %arg7[%swap3A_1194, %swap3A_1195, %swap3A_1196] {strides = array<i32>} : memref<2x256x128xf32, #tpu.memory_space<vmem>>, vector<16xf32>,
      tpu.vector_store %arg7[%swap3A_1194, %swap3A_1195, %swap3A_1196], %broadcast_in_dim3A_141 {strides = array<i32>} : memref<2x256x128xf32, #tpu.memory_space<vmem>>, vector<16xf32>,
      %add3A_1198 = arith.constant 14 : i32
      %add3A_1199 = arith.addi %mul3A_386, %add3A_1198 : i32
      %swap3A_1200 = arith.constant 0 : i32
      %swap3A_1201 = arith.index_cast %swap3A_1200 : i32 to index
      %swap3A_1202 = arith.index_cast %add3A_1199 : i32 to index
      %swap3A_1203 = arith.constant 64 : index
      %swap3A_1204 = tpu.vector_load %arg7[%swap3A_1201, %swap3A_1202, %swap3A_1203] {strides = array<i32>} : memref<2x256x128xf32, #tpu.memory_space<vmem>>, vector<16xf32>,
      tpu.vector_store %arg7[%swap3A_1201, %swap3A_1202, %swap3A_1203], %broadcast_in_dim3A_141 {strides = array<i32>} : memref<2x256x128xf32, #tpu.memory_space<vmem>>, vector<16xf32>,
      %add3A_1205 = arith.constant 14 : i32
      %add3A_1206 = arith.addi %mul3A_386, %add3A_1205 : i32
      %swap3A_1207 = arith.constant 0 : i32
      %swap3A_1208 = arith.index_cast %swap3A_1207 : i32 to index
      %swap3A_1209 = arith.index_cast %add3A_1206 : i32 to index
      %swap3A_1210 = arith.constant 80 : index
      %swap3A_1211 = tpu.vector_load %arg7[%swap3A_1208, %swap3A_1209, %swap3A_1210] {strides = array<i32>} : memref<2x256x128xf32, #tpu.memory_space<vmem>>, vector<16xf32>,
      tpu.vector_store %arg7[%swap3A_1208, %swap3A_1209, %swap3A_1210], %broadcast_in_dim3A_141 {strides = array<i32>} : memref<2x256x128xf32, #tpu.memory_space<vmem>>, vector<16xf32>,
      %add3A_1212 = arith.constant 14 : i32
      %add3A_1213 = arith.addi %mul3A_386, %add3A_1212 : i32
      %swap3A_1214 = arith.constant 0 : i32
      %swap3A_1215 = arith.index_cast %swap3A_1214 : i32 to index
      %swap3A_1216 = arith.index_cast %add3A_1213 : i32 to index
      %swap3A_1217 = arith.constant 96 : index
      %swap3A_1218 = tpu.vector_load %arg7[%swap3A_1215, %swap3A_1216, %swap3A_1217] {strides = array<i32>} : memref<2x256x128xf32, #tpu.memory_space<vmem>>, vector<16xf32>,
      tpu.vector_store %arg7[%swap3A_1215, %swap3A_1216, %swap3A_1217], %broadcast_in_dim3A_141 {strides = array<i32>} : memref<2x256x128xf32, #tpu.memory_space<vmem>>, vector<16xf32>,
      %add3A_1219 = arith.constant 14 : i32
      %add3A_1220 = arith.addi %mul3A_386, %add3A_1219 : i32
      %swap3A_1221 = arith.constant 0 : i32
      %swap3A_1222 = arith.index_cast %swap3A_1221 : i32 to index
      %swap3A_1223 = arith.index_cast %add3A_1220 : i32 to index
      %swap3A_1224 = arith.constant 112 : index
      %swap3A_1225 = tpu.vector_load %arg7[%swap3A_1222, %swap3A_1223, %swap3A_1224] {strides = array<i32>} : memref<2x256x128xf32, #tpu.memory_space<vmem>>, vector<16xf32>,
      tpu.vector_store %arg7[%swap3A_1222, %swap3A_1223, %swap3A_1224], %broadcast_in_dim3A_141 {strides = array<i32>} : memref<2x256x128xf32, #tpu.memory_space<vmem>>, vector<16xf32>,
      %add3A_1226 = arith.constant 15 : i32
      %add3A_1227 = arith.addi %mul3A_386, %add3A_1226 : i32
      %swap3A_1228 = arith.constant 0 : i32
      %swap3A_1229 = arith.index_cast %swap3A_1228 : i32 to index
      %swap3A_1230 = arith.index_cast %add3A_1227 : i32 to index
      %swap3A_1231 = arith.constant 0 : index
      %swap3A_1232 = tpu.vector_load %arg7[%swap3A_1229, %swap3A_1230, %swap3A_1231] {strides = array<i32>} : memref<2x256x128xf32, #tpu.memory_space<vmem>>, vector<16xf32>,
      tpu.vector_store %arg7[%swap3A_1229, %swap3A_1230, %swap3A_1231], %broadcast_in_dim3A_141 {strides = array<i32>} : memref<2x256x128xf32, #tpu.memory_space<vmem>>, vector<16xf32>,
      %add3A_1233 = arith.constant 15 : i32
      %add3A_1234 = arith.addi %mul3A_386, %add3A_1233 : i32
      %swap3A_1235 = arith.constant 0 : i32
      %swap3A_1236 = arith.index_cast %swap3A_1235 : i32 to index
      %swap3A_1237 = arith.index_cast %add3A_1234 : i32 to index
      %swap3A_1238 = arith.constant 16 : index
      %swap3A_1239 = tpu.vector_load %arg7[%swap3A_1236, %swap3A_1237, %swap3A_1238] {strides = array<i32>} : memref<2x256x128xf32, #tpu.memory_space<vmem>>, vector<16xf32>,
      tpu.vector_store %arg7[%swap3A_1236, %swap3A_1237, %swap3A_1238], %broadcast_in_dim3A_141 {strides = array<i32>} : memref<2x256x128xf32, #tpu.memory_space<vmem>>, vector<16xf32>,
      %add3A_1240 = arith.constant 15 : i32
      %add3A_1241 = arith.addi %mul3A_386, %add3A_1240 : i32
      %swap3A_1242 = arith.constant 0 : i32
      %swap3A_1243 = arith.index_cast %swap3A_1242 : i32 to index
      %swap3A_1244 = arith.index_cast %add3A_1241 : i32 to index
      %swap3A_1245 = arith.constant 32 : index
      %swap3A_1246 = tpu.vector_load %arg7[%swap3A_1243, %swap3A_1244, %swap3A_1245] {strides = array<i32>} : memref<2x256x128xf32, #tpu.memory_space<vmem>>, vector<16xf32>,
      tpu.vector_store %arg7[%swap3A_1243, %swap3A_1244, %swap3A_1245], %broadcast_in_dim3A_141 {strides = array<i32>} : memref<2x256x128xf32, #tpu.memory_space<vmem>>, vector<16xf32>,
      %add3A_1247 = arith.constant 15 : i32
      %add3A_1248 = arith.addi %mul3A_386, %add3A_1247 : i32
      %swap3A_1249 = arith.constant 0 : i32
      %swap3A_1250 = arith.index_cast %swap3A_1249 : i32 to index
      %swap3A_1251 = arith.index_cast %add3A_1248 : i32 to index
      %swap3A_1252 = arith.constant 48 : index
      %swap3A_1253 = tpu.vector_load %arg7[%swap3A_1250, %swap3A_1251, %swap3A_1252] {strides = array<i32>} : memref<2x256x128xf32, #tpu.memory_space<vmem>>, vector<16xf32>,
      tpu.vector_store %arg7[%swap3A_1250, %swap3A_1251, %swap3A_1252], %broadcast_in_dim3A_141 {strides = array<i32>} : memref<2x256x128xf32, #tpu.memory_space<vmem>>, vector<16xf32>,
      %add3A_1254 = arith.constant 15 : i32
      %add3A_1255 = arith.addi %mul3A_386, %add3A_1254 : i32
      %swap3A_1256 = arith.constant 0 : i32
      %swap3A_1257 = arith.index_cast %swap3A_1256 : i32 to index
      %swap3A_1258 = arith.index_cast %add3A_1255 : i32 to index
      %swap3A_1259 = arith.constant 64 : index
      %swap3A_1260 = tpu.vector_load %arg7[%swap3A_1257, %swap3A_1258, %swap3A_1259] {strides = array<i32>} : memref<2x256x128xf32, #tpu.memory_space<vmem>>, vector<16xf32>,
      tpu.vector_store %arg7[%swap3A_1257, %swap3A_1258, %swap3A_1259], %broadcast_in_dim3A_141 {strides = array<i32>} : memref<2x256x128xf32, #tpu.memory_space<vmem>>, vector<16xf32>,
      %add3A_1261 = arith.constant 15 : i32
      %add3A_1262 = arith.addi %mul3A_386, %add3A_1261 : i32
      %swap3A_1263 = arith.constant 0 : i32
      %swap3A_1264 = arith.index_cast %swap3A_1263 : i32 to index
      %swap3A_1265 = arith.index_cast %add3A_1262 : i32 to index
      %swap3A_1266 = arith.constant 80 : index
      %swap3A_1267 = tpu.vector_load %arg7[%swap3A_1264, %swap3A_1265, %swap3A_1266] {strides = array<i32>} : memref<2x256x128xf32, #tpu.memory_space<vmem>>, vector<16xf32>,
      tpu.vector_store %arg7[%swap3A_1264, %swap3A_1265, %swap3A_1266], %broadcast_in_dim3A_141 {strides = array<i32>} : memref<2x256x128xf32, #tpu.memory_space<vmem>>, vector<16xf32>,
      %add3A_1268 = arith.constant 15 : i32
      %add3A_1269 = arith.addi %mul3A_386, %add3A_1268 : i32
      %swap3A_1270 = arith.constant 0 : i32
      %swap3A_1271 = arith.index_cast %swap3A_1270 : i32 to index
      %swap3A_1272 = arith.index_cast %add3A_1269 : i32 to index
      %swap3A_1273 = arith.constant 96 : index
      %swap3A_1274 = tpu.vector_load %arg7[%swap3A_1271, %swap3A_1272, %swap3A_1273] {strides = array<i32>} : memref<2x256x128xf32, #tpu.memory_space<vmem>>, vector<16xf32>,
      tpu.vector_store %arg7[%swap3A_1271, %swap3A_1272, %swap3A_1273], %broadcast_in_dim3A_141 {strides = array<i32>} : memref<2x256x128xf32, #tpu.memory_space<vmem>>, vector<16xf32>,
      %add3A_1275 = arith.constant 15 : i32
      %add3A_1276 = arith.addi %mul3A_386, %add3A_1275 : i32
      %swap3A_1277 = arith.constant 0 : i32
      %swap3A_1278 = arith.index_cast %swap3A_1277 : i32 to index
      %swap3A_1279 = arith.index_cast %add3A_1276 : i32 to index
      %swap3A_1280 = arith.constant 112 : index
      %swap3A_1281 = tpu.vector_load %arg7[%swap3A_1278, %swap3A_1279, %swap3A_1280] {strides = array<i32>} : memref<2x256x128xf32, #tpu.memory_space<vmem>>, vector<16xf32>,
      tpu.vector_store %arg7[%swap3A_1278, %swap3A_1279, %swap3A_1280], %broadcast_in_dim3A_141 {strides = array<i32>} : memref<2x256x128xf32, #tpu.memory_space<vmem>>, vector<16xf32>,
      %get3A_1282 = arith.constant 0 : i32
      %get3A_1283 = arith.constant 0 : i32
      %get3A_1284 = arith.index_cast %get3A_1282 : i32 to index
      %get3A_1285 = arith.index_cast %get3A_1283 : i32 to index
      %get3A_1286 = arith.index_cast %mul3A_386 : i32 to index
      %get3A_1287 = tpu.vector_load %arg5[%get3A_1284, %get3A_1285, %get3A_1286] {strides = array<i32>} : memref<4x16x256xi32, #tpu.memory_space<vmem>>, vector<16xi32>,
      %get3A_1288 = arith.constant 0 : i32
      %get3A_1289 = arith.constant 1 : i32
      %get3A_1290 = arith.index_cast %get3A_1288 : i32 to index
      %get3A_1291 = arith.index_cast %get3A_1289 : i32 to index
      %get3A_1292 = arith.index_cast %mul3A_386 : i32 to index
      %get3A_1293 = tpu.vector_load %arg5[%get3A_1290, %get3A_1291, %get3A_1292] {strides = array<i32>} : memref<4x16x256xi32, #tpu.memory_space<vmem>>, vector<16xi32>,
      %get3A_1294 = arith.constant 0 : i32
      %get3A_1295 = arith.constant 2 : i32
      %get3A_1296 = arith.index_cast %get3A_1294 : i32 to index
      %get3A_1297 = arith.index_cast %get3A_1295 : i32 to index
      %get3A_1298 = arith.index_cast %mul3A_386 : i32 to index
      %get3A_1299 = tpu.vector_load %arg5[%get3A_1296, %get3A_1297, %get3A_1298] {strides = array<i32>} : memref<4x16x256xi32, #tpu.memory_space<vmem>>, vector<16xi32>,
      %get3A_1300 = arith.constant 0 : i32
      %get3A_1301 = arith.constant 3 : i32
      %get3A_1302 = arith.index_cast %get3A_1300 : i32 to index
      %get3A_1303 = arith.index_cast %get3A_1301 : i32 to index
      %get3A_1304 = arith.index_cast %mul3A_386 : i32 to index
      %get3A_1305 = tpu.vector_load %arg5[%get3A_1302, %get3A_1303, %get3A_1304] {strides = array<i32>} : memref<4x16x256xi32, #tpu.memory_space<vmem>>, vector<16xi32>,
      %get3A_1306 = arith.constant 0 : i32
      %get3A_1307 = arith.constant 4 : i32
      %get3A_1308 = arith.index_cast %get3A_1306 : i32 to index
      %get3A_1309 = arith.index_cast %get3A_1307 : i32 to index
      %get3A_1310 = arith.index_cast %mul3A_386 : i32 to index
      %get3A_1311 = tpu.vector_load %arg5[%get3A_1308, %get3A_1309, %get3A_1310] {strides = array<i32>} : memref<4x16x256xi32, #tpu.memory_space<vmem>>, vector<16xi32>,
      %get3A_1312 = arith.constant 0 : i32
      %get3A_1313 = arith.constant 5 : i32
      %get3A_1314 = arith.index_cast %get3A_1312 : i32 to index
      %get3A_1315 = arith.index_cast %get3A_1313 : i32 to index
      %get3A_1316 = arith.index_cast %mul3A_386 : i32 to index
      %get3A_1317 = tpu.vector_load %arg5[%get3A_1314, %get3A_1315, %get3A_1316] {strides = array<i32>} : memref<4x16x256xi32, #tpu.memory_space<vmem>>, vector<16xi32>,
      %get3A_1318 = arith.constant 0 : i32
      %get3A_1319 = arith.constant 6 : i32
      %get3A_1320 = arith.index_cast %get3A_1318 : i32 to index
      %get3A_1321 = arith.index_cast %get3A_1319 : i32 to index
      %get3A_1322 = arith.index_cast %mul3A_386 : i32 to index
      %get3A_1323 = tpu.vector_load %arg5[%get3A_1320, %get3A_1321, %get3A_1322] {strides = array<i32>} : memref<4x16x256xi32, #tpu.memory_space<vmem>>, vector<16xi32>,
      %get3A_1324 = arith.constant 0 : i32
      %get3A_1325 = arith.constant 7 : i32
      %get3A_1326 = arith.index_cast %get3A_1324 : i32 to index
      %get3A_1327 = arith.index_cast %get3A_1325 : i32 to index
      %get3A_1328 = arith.index_cast %mul3A_386 : i32 to index
      %get3A_1329 = tpu.vector_load %arg5[%get3A_1326, %get3A_1327, %get3A_1328] {strides = array<i32>} : memref<4x16x256xi32, #tpu.memory_space<vmem>>, vector<16xi32>,
      %get3A_1330 = arith.constant 0 : i32
      %get3A_1331 = arith.constant 8 : i32
      %get3A_1332 = arith.index_cast %get3A_1330 : i32 to index
      %get3A_1333 = arith.index_cast %get3A_1331 : i32 to index
      %get3A_1334 = arith.index_cast %mul3A_386 : i32 to index
      %get3A_1335 = tpu.vector_load %arg5[%get3A_1332, %get3A_1333, %get3A_1334] {strides = array<i32>} : memref<4x16x256xi32, #tpu.memory_space<vmem>>, vector<16xi32>,
      %get3A_1336 = arith.constant 0 : i32
      %get3A_1337 = arith.constant 9 : i32
      %get3A_1338 = arith.index_cast %get3A_1336 : i32 to index
      %get3A_1339 = arith.index_cast %get3A_1337 : i32 to index
      %get3A_1340 = arith.index_cast %mul3A_386 : i32 to index
      %get3A_1341 = tpu.vector_load %arg5[%get3A_1338, %get3A_1339, %get3A_1340] {strides = array<i32>} : memref<4x16x256xi32, #tpu.memory_space<vmem>>, vector<16xi32>,
      %get3A_1342 = arith.constant 0 : i32
      %get3A_1343 = arith.constant 10 : i32
      %get3A_1344 = arith.index_cast %get3A_1342 : i32 to index
      %get3A_1345 = arith.index_cast %get3A_1343 : i32 to index
      %get3A_1346 = arith.index_cast %mul3A_386 : i32 to index
      %get3A_1347 = tpu.vector_load %arg5[%get3A_1344, %get3A_1345, %get3A_1346] {strides = array<i32>} : memref<4x16x256xi32, #tpu.memory_space<vmem>>, vector<16xi32>,
      %get3A_1348 = arith.constant 0 : i32
      %get3A_1349 = arith.constant 11 : i32
      %get3A_1350 = arith.index_cast %get3A_1348 : i32 to index
      %get3A_1351 = arith.index_cast %get3A_1349 : i32 to index
      %get3A_1352 = arith.index_cast %mul3A_386 : i32 to index
      %get3A_1353 = tpu.vector_load %arg5[%get3A_1350, %get3A_1351, %get3A_1352] {strides = array<i32>} : memref<4x16x256xi32, #tpu.memory_space<vmem>>, vector<16xi32>,
      %get3A_1354 = arith.constant 0 : i32
      %get3A_1355 = arith.constant 12 : i32
      %get3A_1356 = arith.index_cast %get3A_1354 : i32 to index
      %get3A_1357 = arith.index_cast %get3A_1355 : i32 to index
      %get3A_1358 = arith.index_cast %mul3A_386 : i32 to index
      %get3A_1359 = tpu.vector_load %arg5[%get3A_1356, %get3A_1357, %get3A_1358] {strides = array<i32>} : memref<4x16x256xi32, #tpu.memory_space<vmem>>, vector<16xi32>,
      %get3A_1360 = arith.constant 0 : i32
      %get3A_1361 = arith.constant 13 : i32
      %get3A_1362 = arith.index_cast %get3A_1360 : i32 to index
      %get3A_1363 = arith.index_cast %get3A_1361 : i32 to index
      %get3A_1364 = arith.index_cast %mul3A_386 : i32 to index
      %get3A_1365 = tpu.vector_load %arg5[%get3A_1362, %get3A_1363, %get3A_1364] {strides = array<i32>} : memref<4x16x256xi32, #tpu.memory_space<vmem>>, vector<16xi32>,
      %get3A_1366 = arith.constant 0 : i32
      %get3A_1367 = arith.constant 14 : i32
      %get3A_1368 = arith.index_cast %get3A_1366 : i32 to index
      %get3A_1369 = arith.index_cast %get3A_1367 : i32 to index
      %get3A_1370 = arith.index_cast %mul3A_386 : i32 to index
      %get3A_1371 = tpu.vector_load %arg5[%get3A_1368, %get3A_1369, %get3A_1370] {strides = array<i32>} : memref<4x16x256xi32, #tpu.memory_space<vmem>>, vector<16xi32>,
      %get3A_1372 = arith.constant 0 : i32
      %get3A_1373 = arith.constant 15 : i32
      %get3A_1374 = arith.index_cast %get3A_1372 : i32 to index
      %get3A_1375 = arith.index_cast %get3A_1373 : i32 to index
      %get3A_1376 = arith.index_cast %mul3A_386 : i32 to index
      %get3A_1377 = tpu.vector_load %arg5[%get3A_1374, %get3A_1375, %get3A_1376] {strides = array<i32>} : memref<4x16x256xi32, #tpu.memory_space<vmem>>, vector<16xi32>,
      %add3A_1378 = vector.broadcast %mul3A_386 : i32 to vector<16xi32>
      %add3A_1379 = arith.addi %iota3A, %add3A_1378 : vector<16xi32>
      tpu.vector_store_idx %arg7[%broadcast_in_dim3A_159, %add3A_1379, %get3A_1287], %get3A_80 {add = true} : memref<2x256x128xf32, #tpu.memory_space<vmem>>[vector<16xi32>, vector<16xi32>, vector<16xi32>], vector<16xf32>,
      tpu.vector_store_idx %arg7[%broadcast_in_dim3A_159, %add3A_1379, %get3A_1293], %get3A_84 {add = true} : memref<2x256x128xf32, #tpu.memory_space<vmem>>[vector<16xi32>, vector<16xi32>, vector<16xi32>], vector<16xf32>,
      tpu.vector_store_idx %arg7[%broadcast_in_dim3A_159, %add3A_1379, %get3A_1299], %get3A_88 {add = true} : memref<2x256x128xf32, #tpu.memory_space<vmem>>[vector<16xi32>, vector<16xi32>, vector<16xi32>], vector<16xf32>,
      tpu.vector_store_idx %arg7[%broadcast_in_dim3A_159, %add3A_1379, %get3A_1305], %get3A_92 {add = true} : memref<2x256x128xf32, #tpu.memory_space<vmem>>[vector<16xi32>, vector<16xi32>, vector<16xi32>], vector<16xf32>,
      tpu.vector_store_idx %arg7[%broadcast_in_dim3A_159, %add3A_1379, %get3A_1311], %get3A_96 {add = true} : memref<2x256x128xf32, #tpu.memory_space<vmem>>[vector<16xi32>, vector<16xi32>, vector<16xi32>], vector<16xf32>,
      tpu.vector_store_idx %arg7[%broadcast_in_dim3A_159, %add3A_1379, %get3A_1317], %get3A_100 {add = true} : memref<2x256x128xf32, #tpu.memory_space<vmem>>[vector<16xi32>, vector<16xi32>, vector<16xi32>], vector<16xf32>,
      tpu.vector_store_idx %arg7[%broadcast_in_dim3A_159, %add3A_1379, %get3A_1323], %get3A_104 {add = true} : memref<2x256x128xf32, #tpu.memory_space<vmem>>[vector<16xi32>, vector<16xi32>, vector<16xi32>], vector<16xf32>,
      tpu.vector_store_idx %arg7[%broadcast_in_dim3A_159, %add3A_1379, %get3A_1329], %get3A_108 {add = true} : memref<2x256x128xf32, #tpu.memory_space<vmem>>[vector<16xi32>, vector<16xi32>, vector<16xi32>], vector<16xf32>,
      tpu.vector_store_idx %arg7[%broadcast_in_dim3A_159, %add3A_1379, %get3A_1335], %get3A_112 {add = true} : memref<2x256x128xf32, #tpu.memory_space<vmem>>[vector<16xi32>, vector<16xi32>, vector<16xi32>], vector<16xf32>,
      tpu.vector_store_idx %arg7[%broadcast_in_dim3A_159, %add3A_1379, %get3A_1341], %get3A_116 {add = true} : memref<2x256x128xf32, #tpu.memory_space<vmem>>[vector<16xi32>, vector<16xi32>, vector<16xi32>], vector<16xf32>,
      tpu.vector_store_idx %arg7[%broadcast_in_dim3A_159, %add3A_1379, %get3A_1347], %get3A_120 {add = true} : memref<2x256x128xf32, #tpu.memory_space<vmem>>[vector<16xi32>, vector<16xi32>, vector<16xi32>], vector<16xf32>,
      tpu.vector_store_idx %arg7[%broadcast_in_dim3A_159, %add3A_1379, %get3A_1353], %get3A_124 {add = true} : memref<2x256x128xf32, #tpu.memory_space<vmem>>[vector<16xi32>, vector<16xi32>, vector<16xi32>], vector<16xf32>,
      tpu.vector_store_idx %arg7[%broadcast_in_dim3A_159, %add3A_1379, %get3A_1359], %get3A_128 {add = true} : memref<2x256x128xf32, #tpu.memory_space<vmem>>[vector<16xi32>, vector<16xi32>, vector<16xi32>], vector<16xf32>,
      tpu.vector_store_idx %arg7[%broadcast_in_dim3A_159, %add3A_1379, %get3A_1365], %get3A_132 {add = true} : memref<2x256x128xf32, #tpu.memory_space<vmem>>[vector<16xi32>, vector<16xi32>, vector<16xi32>], vector<16xf32>,
      tpu.vector_store_idx %arg7[%broadcast_in_dim3A_159, %add3A_1379, %get3A_1371], %get3A_136 {add = true} : memref<2x256x128xf32, #tpu.memory_space<vmem>>[vector<16xi32>, vector<16xi32>, vector<16xi32>], vector<16xf32>,
      tpu.vector_store_idx %arg7[%broadcast_in_dim3A_159, %add3A_1379, %get3A_1377], %get3A_140 {add = true} : memref<2x256x128xf32, #tpu.memory_space<vmem>>[vector<16xi32>, vector<16xi32>, vector<16xi32>], vector<16xf32>,
    }
    %scan3A_164 = arith.constant 16 : i32
    %add3A_165 = arith.constant 0 : i32
    %add3A_166 = arith.addi %mul3A_2, %add3A_165 : i32
    %dma_start3A_167 = arith.constant 0 : i32
    %dma_start3A_168 = arith.constant 0 : i32
    %dma_start3A_169 = arith.constant 0 : i32
    %dma_start3A_170 = tpu.memref_slice %arg7[%dma_start3A_167, %dma_start3A_168, %dma_start3A_169] : memref<2x256x128xf32, #tpu.memory_space<vmem>> -> memref<1x256x128xf32, #tpu.memory_space<vmem>>
    %dma_start3A_171 = tpu.memref_squeeze %dma_start3A_170 : memref<1x256x128xf32, #tpu.memory_space<vmem>> -> memref<256x128xf32, #tpu.memory_space<vmem>>
    %dma_start3A_172 = arith.constant 0 : i32
    %dma_start3A_173 = arith.constant 0 : i32
    %dma_start3A_174 = tpu.memref_slice %arg4[%add3A_166, %dma_start3A_172, %dma_start3A_173] : memref<64x256x128xf32, #tpu.memory_space<hbm>> -> memref<1x256x128xf32, #tpu.memory_space<hbm>>
    %dma_start3A_175 = tpu.memref_squeeze %dma_start3A_174 : memref<1x256x128xf32, #tpu.memory_space<hbm>> -> memref<256x128xf32, #tpu.memory_space<hbm>>
    %dma_start3A_176 = arith.constant 0 : i32
    %dma_start3A_177 = arith.constant 0 : i32
    %dma_start3A_178 = tpu.memref_slice %arg4[%add3A_166, %dma_start3A_176, %dma_start3A_177] : memref<64x256x128xf32, #tpu.memory_space<hbm>> -> memref<1x256x128xf32, #tpu.memory_space<hbm>>
    %dma_start3A_179 = tpu.memref_squeeze %dma_start3A_178 : memref<1x256x128xf32, #tpu.memory_space<hbm>> -> memref<256x128xf32, #tpu.memory_space<hbm>>
    %dma_start3A_180 = arith.constant 0 : i32
    %dma_start3A_181 = arith.constant 0 : i32
    %dma_start3A_182 = tpu.memref_slice %arg7[%dma_start3A_167, %dma_start3A_180, %dma_start3A_181] : memref<2x256x128xf32, #tpu.memory_space<vmem>> -> memref<1x256x128xf32, #tpu.memory_space<vmem>>
    %dma_start3A_183 = tpu.memref_squeeze %dma_start3A_182 : memref<1x256x128xf32, #tpu.memory_space<vmem>> -> memref<256x128xf32, #tpu.memory_space<vmem>>
    tpu.enqueue_dma source(%dma_start3A_183 : memref<256x128xf32, #tpu.memory_space<vmem>>) target(%dma_start3A_179 : memref<256x128xf32, #tpu.memory_space<hbm>>) target_semaphore(%arg9 : memref<!tpu.dma_semaphore, #tpu.memory_space<semaphore_mem>>)
    %dma_wait3A_184 = arith.constant 1 : i32
    %dma_wait3A_185 = arith.constant 0 : i32
    %dma_wait3A_186 = arith.constant 0 : i32
    %dma_wait3A_187 = tpu.memref_slice %arg5[%dma_wait3A_184, %dma_wait3A_185, %dma_wait3A_186] : memref<4x16x256xi32, #tpu.memory_space<vmem>> -> memref<1x16x256xi32, #tpu.memory_space<vmem>>
    %dma_wait3A_188 = tpu.memref_squeeze %dma_wait3A_187 : memref<1x16x256xi32, #tpu.memory_space<vmem>> -> memref<16x256xi32, #tpu.memory_space<vmem>>
    %dma_wait3A_189 = arith.constant 0 : i32
    %dma_wait3A_190 = arith.constant 0 : i32
    %dma_wait3A_191 = tpu.memref_slice %arg2[%add3A_22, %dma_wait3A_189, %dma_wait3A_190] : memref<64x16x256xi32, #tpu.memory_space<hbm>> -> memref<1x16x256xi32, #tpu.memory_space<hbm>>
    %dma_wait3A_192 = tpu.memref_squeeze %dma_wait3A_191 : memref<1x16x256xi32, #tpu.memory_space<hbm>> -> memref<16x256xi32, #tpu.memory_space<hbm>>
    %dma_wait3A_193 = arith.constant 0 : i32
    %dma_wait3A_194 = arith.constant 0 : i32
    %dma_wait3A_195 = tpu.memref_slice %arg5[%dma_wait3A_184, %dma_wait3A_193, %dma_wait3A_194] : memref<4x16x256xi32, #tpu.memory_space<vmem>> -> memref<1x16x256xi32, #tpu.memory_space<vmem>>
    %dma_wait3A_196 = tpu.memref_squeeze %dma_wait3A_195 : memref<1x16x256xi32, #tpu.memory_space<vmem>> -> memref<16x256xi32, #tpu.memory_space<vmem>>
    %dma_wait3A_197 = arith.constant 0 : i32
    %dma_wait3A_198 = arith.constant 0 : i32
    %dma_wait3A_199 = tpu.memref_slice %arg2[%add3A_22, %dma_wait3A_197, %dma_wait3A_198] : memref<64x16x256xi32, #tpu.memory_space<hbm>> -> memref<1x16x256xi32, #tpu.memory_space<hbm>>
    %dma_wait3A_200 = tpu.memref_squeeze %dma_wait3A_199 : memref<1x16x256xi32, #tpu.memory_space<hbm>> -> memref<16x256xi32, #tpu.memory_space<hbm>>
    tpu.wait_dma2 semaphore(%arg8 : memref<!tpu.dma_semaphore, #tpu.memory_space<semaphore_mem>>) src(%dma_wait3A_200 : memref<16x256xi32, #tpu.memory_space<hbm>>) dst(%dma_wait3A_196 : memref<16x256xi32, #tpu.memory_space<vmem>>)
    %broadcast_in_dim3A_201 = arith.constant 1 : i32
    %broadcast_in_dim3A_202 = vector.broadcast %broadcast_in_dim3A_201 : i32 to vector<16xi32>
    %scan3A_203 = arith.constant 0 : i32
    %scan3A_204 = arith.constant 0 : i32
    %scan3A_205 = arith.constant 16 : i32
    %scan3A_206 = arith.addi %scan3A_204, %scan3A_205 : i32
    %scan3A_207 = arith.constant 1 : i32
    scf.for %scan3A_384 = %scan3A_204 to %scan3A_206 step %scan3A_207  : i32 {
      %mul3A_385 = arith.constant 16 : i32
      %mul3A_386 = arith.muli %scan3A_384, %mul3A_385 : i32
      %add3A_387 = arith.constant 0 : i32
      %add3A_388 = arith.addi %mul3A_386, %add3A_387 : i32
      %swap3A = arith.constant 1 : i32
      %swap3A_389 = arith.index_cast %swap3A : i32 to index
      %swap3A_390 = arith.index_cast %add3A_388 : i32 to index
      %swap3A_391 = arith.constant 0 : index
      %swap3A_392 = tpu.vector_load %arg7[%swap3A_389, %swap3A_390, %swap3A_391] {strides = array<i32>} : memref<2x256x128xf32, #tpu.memory_space<vmem>>, vector<16xf32>,
      tpu.vector_store %arg7[%swap3A_389, %swap3A_390, %swap3A_391], %broadcast_in_dim3A_141 {strides = array<i32>} : memref<2x256x128xf32, #tpu.memory_space<vmem>>, vector<16xf32>,
      %add3A_393 = arith.constant 0 : i32
      %add3A_394 = arith.addi %mul3A_386, %add3A_393 : i32
      %swap3A_395 = arith.constant 1 : i32
      %swap3A_396 = arith.index_cast %swap3A_395 : i32 to index
      %swap3A_397 = arith.index_cast %add3A_394 : i32 to index
      %swap3A_398 = arith.constant 16 : index
      %swap3A_399 = tpu.vector_load %arg7[%swap3A_396, %swap3A_397, %swap3A_398] {strides = array<i32>} : memref<2x256x128xf32, #tpu.memory_space<vmem>>, vector<16xf32>,
      tpu.vector_store %arg7[%swap3A_396, %swap3A_397, %swap3A_398], %broadcast_in_dim3A_141 {strides = array<i32>} : memref<2x256x128xf32, #tpu.memory_space<vmem>>, vector<16xf32>,
      %add3A_400 = arith.constant 0 : i32
      %add3A_401 = arith.addi %mul3A_386, %add3A_400 : i32
      %swap3A_402 = arith.constant 1 : i32
      %swap3A_403 = arith.index_cast %swap3A_402 : i32 to index
      %swap3A_404 = arith.index_cast %add3A_401 : i32 to index
      %swap3A_405 = arith.constant 32 : index
      %swap3A_406 = tpu.vector_load %arg7[%swap3A_403, %swap3A_404, %swap3A_405] {strides = array<i32>} : memref<2x256x128xf32, #tpu.memory_space<vmem>>, vector<16xf32>,
      tpu.vector_store %arg7[%swap3A_403, %swap3A_404, %swap3A_405], %broadcast_in_dim3A_141 {strides = array<i32>} : memref<2x256x128xf32, #tpu.memory_space<vmem>>, vector<16xf32>,
      %add3A_407 = arith.constant 0 : i32
      %add3A_408 = arith.addi %mul3A_386, %add3A_407 : i32
      %swap3A_409 = arith.constant 1 : i32
      %swap3A_410 = arith.index_cast %swap3A_409 : i32 to index
      %swap3A_411 = arith.index_cast %add3A_408 : i32 to index
      %swap3A_412 = arith.constant 48 : index
      %swap3A_413 = tpu.vector_load %arg7[%swap3A_410, %swap3A_411, %swap3A_412] {strides = array<i32>} : memref<2x256x128xf32, #tpu.memory_space<vmem>>, vector<16xf32>,
      tpu.vector_store %arg7[%swap3A_410, %swap3A_411, %swap3A_412], %broadcast_in_dim3A_141 {strides = array<i32>} : memref<2x256x128xf32, #tpu.memory_space<vmem>>, vector<16xf32>,
      %add3A_414 = arith.constant 0 : i32
      %add3A_415 = arith.addi %mul3A_386, %add3A_414 : i32
      %swap3A_416 = arith.constant 1 : i32
      %swap3A_417 = arith.index_cast %swap3A_416 : i32 to index
      %swap3A_418 = arith.index_cast %add3A_415 : i32 to index
      %swap3A_419 = arith.constant 64 : index
      %swap3A_420 = tpu.vector_load %arg7[%swap3A_417, %swap3A_418, %swap3A_419] {strides = array<i32>} : memref<2x256x128xf32, #tpu.memory_space<vmem>>, vector<16xf32>,
      tpu.vector_store %arg7[%swap3A_417, %swap3A_418, %swap3A_419], %broadcast_in_dim3A_141 {strides = array<i32>} : memref<2x256x128xf32, #tpu.memory_space<vmem>>, vector<16xf32>,
      %add3A_421 = arith.constant 0 : i32
      %add3A_422 = arith.addi %mul3A_386, %add3A_421 : i32
      %swap3A_423 = arith.constant 1 : i32
      %swap3A_424 = arith.index_cast %swap3A_423 : i32 to index
      %swap3A_425 = arith.index_cast %add3A_422 : i32 to index
      %swap3A_426 = arith.constant 80 : index
      %swap3A_427 = tpu.vector_load %arg7[%swap3A_424, %swap3A_425, %swap3A_426] {strides = array<i32>} : memref<2x256x128xf32, #tpu.memory_space<vmem>>, vector<16xf32>,
      tpu.vector_store %arg7[%swap3A_424, %swap3A_425, %swap3A_426], %broadcast_in_dim3A_141 {strides = array<i32>} : memref<2x256x128xf32, #tpu.memory_space<vmem>>, vector<16xf32>,
      %add3A_428 = arith.constant 0 : i32
      %add3A_429 = arith.addi %mul3A_386, %add3A_428 : i32
      %swap3A_430 = arith.constant 1 : i32
      %swap3A_431 = arith.index_cast %swap3A_430 : i32 to index
      %swap3A_432 = arith.index_cast %add3A_429 : i32 to index
      %swap3A_433 = arith.constant 96 : index
      %swap3A_434 = tpu.vector_load %arg7[%swap3A_431, %swap3A_432, %swap3A_433] {strides = array<i32>} : memref<2x256x128xf32, #tpu.memory_space<vmem>>, vector<16xf32>,
      tpu.vector_store %arg7[%swap3A_431, %swap3A_432, %swap3A_433], %broadcast_in_dim3A_141 {strides = array<i32>} : memref<2x256x128xf32, #tpu.memory_space<vmem>>, vector<16xf32>,
      %add3A_435 = arith.constant 0 : i32
      %add3A_436 = arith.addi %mul3A_386, %add3A_435 : i32
      %swap3A_437 = arith.constant 1 : i32
      %swap3A_438 = arith.index_cast %swap3A_437 : i32 to index
      %swap3A_439 = arith.index_cast %add3A_436 : i32 to index
      %swap3A_440 = arith.constant 112 : index
      %swap3A_441 = tpu.vector_load %arg7[%swap3A_438, %swap3A_439, %swap3A_440] {strides = array<i32>} : memref<2x256x128xf32, #tpu.memory_space<vmem>>, vector<16xf32>,
      tpu.vector_store %arg7[%swap3A_438, %swap3A_439, %swap3A_440], %broadcast_in_dim3A_141 {strides = array<i32>} : memref<2x256x128xf32, #tpu.memory_space<vmem>>, vector<16xf32>,
      %add3A_442 = arith.constant 1 : i32
      %add3A_443 = arith.addi %mul3A_386, %add3A_442 : i32
      %swap3A_444 = arith.constant 1 : i32
      %swap3A_445 = arith.index_cast %swap3A_444 : i32 to index
      %swap3A_446 = arith.index_cast %add3A_443 : i32 to index
      %swap3A_447 = arith.constant 0 : index
      %swap3A_448 = tpu.vector_load %arg7[%swap3A_445, %swap3A_446, %swap3A_447] {strides = array<i32>} : memref<2x256x128xf32, #tpu.memory_space<vmem>>, vector<16xf32>,
      tpu.vector_store %arg7[%swap3A_445, %swap3A_446, %swap3A_447], %broadcast_in_dim3A_141 {strides = array<i32>} : memref<2x256x128xf32, #tpu.memory_space<vmem>>, vector<16xf32>,
      %add3A_449 = arith.constant 1 : i32
      %add3A_450 = arith.addi %mul3A_386, %add3A_449 : i32
      %swap3A_451 = arith.constant 1 : i32
      %swap3A_452 = arith.index_cast %swap3A_451 : i32 to index
      %swap3A_453 = arith.index_cast %add3A_450 : i32 to index
      %swap3A_454 = arith.constant 16 : index
      %swap3A_455 = tpu.vector_load %arg7[%swap3A_452, %swap3A_453, %swap3A_454] {strides = array<i32>} : memref<2x256x128xf32, #tpu.memory_space<vmem>>, vector<16xf32>,
      tpu.vector_store %arg7[%swap3A_452, %swap3A_453, %swap3A_454], %broadcast_in_dim3A_141 {strides = array<i32>} : memref<2x256x128xf32, #tpu.memory_space<vmem>>, vector<16xf32>,
      %add3A_456 = arith.constant 1 : i32
      %add3A_457 = arith.addi %mul3A_386, %add3A_456 : i32
      %swap3A_458 = arith.constant 1 : i32
      %swap3A_459 = arith.index_cast %swap3A_458 : i32 to index
      %swap3A_460 = arith.index_cast %add3A_457 : i32 to index
      %swap3A_461 = arith.constant 32 : index
      %swap3A_462 = tpu.vector_load %arg7[%swap3A_459, %swap3A_460, %swap3A_461] {strides = array<i32>} : memref<2x256x128xf32, #tpu.memory_space<vmem>>, vector<16xf32>,
      tpu.vector_store %arg7[%swap3A_459, %swap3A_460, %swap3A_461], %broadcast_in_dim3A_141 {strides = array<i32>} : memref<2x256x128xf32, #tpu.memory_space<vmem>>, vector<16xf32>,
      %add3A_463 = arith.constant 1 : i32
      %add3A_464 = arith.addi %mul3A_386, %add3A_463 : i32
      %swap3A_465 = arith.constant 1 : i32
      %swap3A_466 = arith.index_cast %swap3A_465 : i32 to index
      %swap3A_467 = arith.index_cast %add3A_464 : i32 to index
      %swap3A_468 = arith.constant 48 : index
      %swap3A_469 = tpu.vector_load %arg7[%swap3A_466, %swap3A_467, %swap3A_468] {strides = array<i32>} : memref<2x256x128xf32, #tpu.memory_space<vmem>>, vector<16xf32>,
      tpu.vector_store %arg7[%swap3A_466, %swap3A_467, %swap3A_468], %broadcast_in_dim3A_141 {strides = array<i32>} : memref<2x256x128xf32, #tpu.memory_space<vmem>>, vector<16xf32>,
      %add3A_470 = arith.constant 1 : i32
      %add3A_471 = arith.addi %mul3A_386, %add3A_470 : i32
      %swap3A_472 = arith.constant 1 : i32
      %swap3A_473 = arith.index_cast %swap3A_472 : i32 to index
      %swap3A_474 = arith.index_cast %add3A_471 : i32 to index
      %swap3A_475 = arith.constant 64 : index
      %swap3A_476 = tpu.vector_load %arg7[%swap3A_473, %swap3A_474, %swap3A_475] {strides = array<i32>} : memref<2x256x128xf32, #tpu.memory_space<vmem>>, vector<16xf32>,
      tpu.vector_store %arg7[%swap3A_473, %swap3A_474, %swap3A_475], %broadcast_in_dim3A_141 {strides = array<i32>} : memref<2x256x128xf32, #tpu.memory_space<vmem>>, vector<16xf32>,
      %add3A_477 = arith.constant 1 : i32
      %add3A_478 = arith.addi %mul3A_386, %add3A_477 : i32
      %swap3A_479 = arith.constant 1 : i32
      %swap3A_480 = arith.index_cast %swap3A_479 : i32 to index
      %swap3A_481 = arith.index_cast %add3A_478 : i32 to index
      %swap3A_482 = arith.constant 80 : index
      %swap3A_483 = tpu.vector_load %arg7[%swap3A_480, %swap3A_481, %swap3A_482] {strides = array<i32>} : memref<2x256x128xf32, #tpu.memory_space<vmem>>, vector<16xf32>,
      tpu.vector_store %arg7[%swap3A_480, %swap3A_481, %swap3A_482], %broadcast_in_dim3A_141 {strides = array<i32>} : memref<2x256x128xf32, #tpu.memory_space<vmem>>, vector<16xf32>,
      %add3A_484 = arith.constant 1 : i32
      %add3A_485 = arith.addi %mul3A_386, %add3A_484 : i32
      %swap3A_486 = arith.constant 1 : i32
      %swap3A_487 = arith.index_cast %swap3A_486 : i32 to index
      %swap3A_488 = arith.index_cast %add3A_485 : i32 to index
      %swap3A_489 = arith.constant 96 : index
      %swap3A_490 = tpu.vector_load %arg7[%swap3A_487, %swap3A_488, %swap3A_489] {strides = array<i32>} : memref<2x256x128xf32, #tpu.memory_space<vmem>>, vector<16xf32>,
      tpu.vector_store %arg7[%swap3A_487, %swap3A_488, %swap3A_489], %broadcast_in_dim3A_141 {strides = array<i32>} : memref<2x256x128xf32, #tpu.memory_space<vmem>>, vector<16xf32>,
      %add3A_491 = arith.constant 1 : i32
      %add3A_492 = arith.addi %mul3A_386, %add3A_491 : i32
      %swap3A_493 = arith.constant 1 : i32
      %swap3A_494 = arith.index_cast %swap3A_493 : i32 to index
      %swap3A_495 = arith.index_cast %add3A_492 : i32 to index
      %swap3A_496 = arith.constant 112 : index
      %swap3A_497 = tpu.vector_load %arg7[%swap3A_494, %swap3A_495, %swap3A_496] {strides = array<i32>} : memref<2x256x128xf32, #tpu.memory_space<vmem>>, vector<16xf32>,
      tpu.vector_store %arg7[%swap3A_494, %swap3A_495, %swap3A_496], %broadcast_in_dim3A_141 {strides = array<i32>} : memref<2x256x128xf32, #tpu.memory_space<vmem>>, vector<16xf32>,
      %add3A_498 = arith.constant 2 : i32
      %add3A_499 = arith.addi %mul3A_386, %add3A_498 : i32
      %swap3A_500 = arith.constant 1 : i32
      %swap3A_501 = arith.index_cast %swap3A_500 : i32 to index
      %swap3A_502 = arith.index_cast %add3A_499 : i32 to index
      %swap3A_503 = arith.constant 0 : index
      %swap3A_504 = tpu.vector_load %arg7[%swap3A_501, %swap3A_502, %swap3A_503] {strides = array<i32>} : memref<2x256x128xf32, #tpu.memory_space<vmem>>, vector<16xf32>,
      tpu.vector_store %arg7[%swap3A_501, %swap3A_502, %swap3A_503], %broadcast_in_dim3A_141 {strides = array<i32>} : memref<2x256x128xf32, #tpu.memory_space<vmem>>, vector<16xf32>,
      %add3A_505 = arith.constant 2 : i32
      %add3A_506 = arith.addi %mul3A_386, %add3A_505 : i32
      %swap3A_507 = arith.constant 1 : i32
      %swap3A_508 = arith.index_cast %swap3A_507 : i32 to index
      %swap3A_509 = arith.index_cast %add3A_506 : i32 to index
      %swap3A_510 = arith.constant 16 : index
      %swap3A_511 = tpu.vector_load %arg7[%swap3A_508, %swap3A_509, %swap3A_510] {strides = array<i32>} : memref<2x256x128xf32, #tpu.memory_space<vmem>>, vector<16xf32>,
      tpu.vector_store %arg7[%swap3A_508, %swap3A_509, %swap3A_510], %broadcast_in_dim3A_141 {strides = array<i32>} : memref<2x256x128xf32, #tpu.memory_space<vmem>>, vector<16xf32>,
      %add3A_512 = arith.constant 2 : i32
      %add3A_513 = arith.addi %mul3A_386, %add3A_512 : i32
      %swap3A_514 = arith.constant 1 : i32
      %swap3A_515 = arith.index_cast %swap3A_514 : i32 to index
      %swap3A_516 = arith.index_cast %add3A_513 : i32 to index
      %swap3A_517 = arith.constant 32 : index
      %swap3A_518 = tpu.vector_load %arg7[%swap3A_515, %swap3A_516, %swap3A_517] {strides = array<i32>} : memref<2x256x128xf32, #tpu.memory_space<vmem>>, vector<16xf32>,
      tpu.vector_store %arg7[%swap3A_515, %swap3A_516, %swap3A_517], %broadcast_in_dim3A_141 {strides = array<i32>} : memref<2x256x128xf32, #tpu.memory_space<vmem>>, vector<16xf32>,
      %add3A_519 = arith.constant 2 : i32
      %add3A_520 = arith.addi %mul3A_386, %add3A_519 : i32
      %swap3A_521 = arith.constant 1 : i32
      %swap3A_522 = arith.index_cast %swap3A_521 : i32 to index
      %swap3A_523 = arith.index_cast %add3A_520 : i32 to index
      %swap3A_524 = arith.constant 48 : index
      %swap3A_525 = tpu.vector_load %arg7[%swap3A_522, %swap3A_523, %swap3A_524] {strides = array<i32>} : memref<2x256x128xf32, #tpu.memory_space<vmem>>, vector<16xf32>,
      tpu.vector_store %arg7[%swap3A_522, %swap3A_523, %swap3A_524], %broadcast_in_dim3A_141 {strides = array<i32>} : memref<2x256x128xf32, #tpu.memory_space<vmem>>, vector<16xf32>,
      %add3A_526 = arith.constant 2 : i32
      %add3A_527 = arith.addi %mul3A_386, %add3A_526 : i32
      %swap3A_528 = arith.constant 1 : i32
      %swap3A_529 = arith.index_cast %swap3A_528 : i32 to index
      %swap3A_530 = arith.index_cast %add3A_527 : i32 to index
      %swap3A_531 = arith.constant 64 : index
      %swap3A_532 = tpu.vector_load %arg7[%swap3A_529, %swap3A_530, %swap3A_531] {strides = array<i32>} : memref<2x256x128xf32, #tpu.memory_space<vmem>>, vector<16xf32>,
      tpu.vector_store %arg7[%swap3A_529, %swap3A_530, %swap3A_531], %broadcast_in_dim3A_141 {strides = array<i32>} : memref<2x256x128xf32, #tpu.memory_space<vmem>>, vector<16xf32>,
      %add3A_533 = arith.constant 2 : i32
      %add3A_534 = arith.addi %mul3A_386, %add3A_533 : i32
      %swap3A_535 = arith.constant 1 : i32
      %swap3A_536 = arith.index_cast %swap3A_535 : i32 to index
      %swap3A_537 = arith.index_cast %add3A_534 : i32 to index
      %swap3A_538 = arith.constant 80 : index
      %swap3A_539 = tpu.vector_load %arg7[%swap3A_536, %swap3A_537, %swap3A_538] {strides = array<i32>} : memref<2x256x128xf32, #tpu.memory_space<vmem>>, vector<16xf32>,
      tpu.vector_store %arg7[%swap3A_536, %swap3A_537, %swap3A_538], %broadcast_in_dim3A_141 {strides = array<i32>} : memref<2x256x128xf32, #tpu.memory_space<vmem>>, vector<16xf32>,
      %add3A_540 = arith.constant 2 : i32
      %add3A_541 = arith.addi %mul3A_386, %add3A_540 : i32
      %swap3A_542 = arith.constant 1 : i32
      %swap3A_543 = arith.index_cast %swap3A_542 : i32 to index
      %swap3A_544 = arith.index_cast %add3A_541 : i32 to index
      %swap3A_545 = arith.constant 96 : index
      %swap3A_546 = tpu.vector_load %arg7[%swap3A_543, %swap3A_544, %swap3A_545] {strides = array<i32>} : memref<2x256x128xf32, #tpu.memory_space<vmem>>, vector<16xf32>,
      tpu.vector_store %arg7[%swap3A_543, %swap3A_544, %swap3A_545], %broadcast_in_dim3A_141 {strides = array<i32>} : memref<2x256x128xf32, #tpu.memory_space<vmem>>, vector<16xf32>,
      %add3A_547 = arith.constant 2 : i32
      %add3A_548 = arith.addi %mul3A_386, %add3A_547 : i32
      %swap3A_549 = arith.constant 1 : i32
      %swap3A_550 = arith.index_cast %swap3A_549 : i32 to index
      %swap3A_551 = arith.index_cast %add3A_548 : i32 to index
      %swap3A_552 = arith.constant 112 : index
      %swap3A_553 = tpu.vector_load %arg7[%swap3A_550, %swap3A_551, %swap3A_552] {strides = array<i32>} : memref<2x256x128xf32, #tpu.memory_space<vmem>>, vector<16xf32>,
      tpu.vector_store %arg7[%swap3A_550, %swap3A_551, %swap3A_552], %broadcast_in_dim3A_141 {strides = array<i32>} : memref<2x256x128xf32, #tpu.memory_space<vmem>>, vector<16xf32>,
      %add3A_554 = arith.constant 3 : i32
      %add3A_555 = arith.addi %mul3A_386, %add3A_554 : i32
      %swap3A_556 = arith.constant 1 : i32
      %swap3A_557 = arith.index_cast %swap3A_556 : i32 to index
      %swap3A_558 = arith.index_cast %add3A_555 : i32 to index
      %swap3A_559 = arith.constant 0 : index
      %swap3A_560 = tpu.vector_load %arg7[%swap3A_557, %swap3A_558, %swap3A_559] {strides = array<i32>} : memref<2x256x128xf32, #tpu.memory_space<vmem>>, vector<16xf32>,
      tpu.vector_store %arg7[%swap3A_557, %swap3A_558, %swap3A_559], %broadcast_in_dim3A_141 {strides = array<i32>} : memref<2x256x128xf32, #tpu.memory_space<vmem>>, vector<16xf32>,
      %add3A_561 = arith.constant 3 : i32
      %add3A_562 = arith.addi %mul3A_386, %add3A_561 : i32
      %swap3A_563 = arith.constant 1 : i32
      %swap3A_564 = arith.index_cast %swap3A_563 : i32 to index
      %swap3A_565 = arith.index_cast %add3A_562 : i32 to index
      %swap3A_566 = arith.constant 16 : index
      %swap3A_567 = tpu.vector_load %arg7[%swap3A_564, %swap3A_565, %swap3A_566] {strides = array<i32>} : memref<2x256x128xf32, #tpu.memory_space<vmem>>, vector<16xf32>,
      tpu.vector_store %arg7[%swap3A_564, %swap3A_565, %swap3A_566], %broadcast_in_dim3A_141 {strides = array<i32>} : memref<2x256x128xf32, #tpu.memory_space<vmem>>, vector<16xf32>,
      %add3A_568 = arith.constant 3 : i32
      %add3A_569 = arith.addi %mul3A_386, %add3A_568 : i32
      %swap3A_570 = arith.constant 1 : i32
      %swap3A_571 = arith.index_cast %swap3A_570 : i32 to index
      %swap3A_572 = arith.index_cast %add3A_569 : i32 to index
      %swap3A_573 = arith.constant 32 : index
      %swap3A_574 = tpu.vector_load %arg7[%swap3A_571, %swap3A_572, %swap3A_573] {strides = array<i32>} : memref<2x256x128xf32, #tpu.memory_space<vmem>>, vector<16xf32>,
      tpu.vector_store %arg7[%swap3A_571, %swap3A_572, %swap3A_573], %broadcast_in_dim3A_141 {strides = array<i32>} : memref<2x256x128xf32, #tpu.memory_space<vmem>>, vector<16xf32>,
      %add3A_575 = arith.constant 3 : i32
      %add3A_576 = arith.addi %mul3A_386, %add3A_575 : i32
      %swap3A_577 = arith.constant 1 : i32
      %swap3A_578 = arith.index_cast %swap3A_577 : i32 to index
      %swap3A_579 = arith.index_cast %add3A_576 : i32 to index
      %swap3A_580 = arith.constant 48 : index
      %swap3A_581 = tpu.vector_load %arg7[%swap3A_578, %swap3A_579, %swap3A_580] {strides = array<i32>} : memref<2x256x128xf32, #tpu.memory_space<vmem>>, vector<16xf32>,
      tpu.vector_store %arg7[%swap3A_578, %swap3A_579, %swap3A_580], %broadcast_in_dim3A_141 {strides = array<i32>} : memref<2x256x128xf32, #tpu.memory_space<vmem>>, vector<16xf32>,
      %add3A_582 = arith.constant 3 : i32
      %add3A_583 = arith.addi %mul3A_386, %add3A_582 : i32
      %swap3A_584 = arith.constant 1 : i32
      %swap3A_585 = arith.index_cast %swap3A_584 : i32 to index
      %swap3A_586 = arith.index_cast %add3A_583 : i32 to index
      %swap3A_587 = arith.constant 64 : index
      %swap3A_588 = tpu.vector_load %arg7[%swap3A_585, %swap3A_586, %swap3A_587] {strides = array<i32>} : memref<2x256x128xf32, #tpu.memory_space<vmem>>, vector<16xf32>,
      tpu.vector_store %arg7[%swap3A_585, %swap3A_586, %swap3A_587], %broadcast_in_dim3A_141 {strides = array<i32>} : memref<2x256x128xf32, #tpu.memory_space<vmem>>, vector<16xf32>,
      %add3A_589 = arith.constant 3 : i32
      %add3A_590 = arith.addi %mul3A_386, %add3A_589 : i32
      %swap3A_591 = arith.constant 1 : i32
      %swap3A_592 = arith.index_cast %swap3A_591 : i32 to index
      %swap3A_593 = arith.index_cast %add3A_590 : i32 to index
      %swap3A_594 = arith.constant 80 : index
      %swap3A_595 = tpu.vector_load %arg7[%swap3A_592, %swap3A_593, %swap3A_594] {strides = array<i32>} : memref<2x256x128xf32, #tpu.memory_space<vmem>>, vector<16xf32>,
      tpu.vector_store %arg7[%swap3A_592, %swap3A_593, %swap3A_594], %broadcast_in_dim3A_141 {strides = array<i32>} : memref<2x256x128xf32, #tpu.memory_space<vmem>>, vector<16xf32>,
      %add3A_596 = arith.constant 3 : i32
      %add3A_597 = arith.addi %mul3A_386, %add3A_596 : i32
      %swap3A_598 = arith.constant 1 : i32
      %swap3A_599 = arith.index_cast %swap3A_598 : i32 to index
      %swap3A_600 = arith.index_cast %add3A_597 : i32 to index
      %swap3A_601 = arith.constant 96 : index
      %swap3A_602 = tpu.vector_load %arg7[%swap3A_599, %swap3A_600, %swap3A_601] {strides = array<i32>} : memref<2x256x128xf32, #tpu.memory_space<vmem>>, vector<16xf32>,
      tpu.vector_store %arg7[%swap3A_599, %swap3A_600, %swap3A_601], %broadcast_in_dim3A_141 {strides = array<i32>} : memref<2x256x128xf32, #tpu.memory_space<vmem>>, vector<16xf32>,
      %add3A_603 = arith.constant 3 : i32
      %add3A_604 = arith.addi %mul3A_386, %add3A_603 : i32
      %swap3A_605 = arith.constant 1 : i32
      %swap3A_606 = arith.index_cast %swap3A_605 : i32 to index
      %swap3A_607 = arith.index_cast %add3A_604 : i32 to index
      %swap3A_608 = arith.constant 112 : index
      %swap3A_609 = tpu.vector_load %arg7[%swap3A_606, %swap3A_607, %swap3A_608] {strides = array<i32>} : memref<2x256x128xf32, #tpu.memory_space<vmem>>, vector<16xf32>,
      tpu.vector_store %arg7[%swap3A_606, %swap3A_607, %swap3A_608], %broadcast_in_dim3A_141 {strides = array<i32>} : memref<2x256x128xf32, #tpu.memory_space<vmem>>, vector<16xf32>,
      %add3A_610 = arith.constant 4 : i32
      %add3A_611 = arith.addi %mul3A_386, %add3A_610 : i32
      %swap3A_612 = arith.constant 1 : i32
      %swap3A_613 = arith.index_cast %swap3A_612 : i32 to index
      %swap3A_614 = arith.index_cast %add3A_611 : i32 to index
      %swap3A_615 = arith.constant 0 : index
      %swap3A_616 = tpu.vector_load %arg7[%swap3A_613, %swap3A_614, %swap3A_615] {strides = array<i32>} : memref<2x256x128xf32, #tpu.memory_space<vmem>>, vector<16xf32>,
      tpu.vector_store %arg7[%swap3A_613, %swap3A_614, %swap3A_615], %broadcast_in_dim3A_141 {strides = array<i32>} : memref<2x256x128xf32, #tpu.memory_space<vmem>>, vector<16xf32>,
      %add3A_617 = arith.constant 4 : i32
      %add3A_618 = arith.addi %mul3A_386, %add3A_617 : i32
      %swap3A_619 = arith.constant 1 : i32
      %swap3A_620 = arith.index_cast %swap3A_619 : i32 to index
      %swap3A_621 = arith.index_cast %add3A_618 : i32 to index
      %swap3A_622 = arith.constant 16 : index
      %swap3A_623 = tpu.vector_load %arg7[%swap3A_620, %swap3A_621, %swap3A_622] {strides = array<i32>} : memref<2x256x128xf32, #tpu.memory_space<vmem>>, vector<16xf32>,
      tpu.vector_store %arg7[%swap3A_620, %swap3A_621, %swap3A_622], %broadcast_in_dim3A_141 {strides = array<i32>} : memref<2x256x128xf32, #tpu.memory_space<vmem>>, vector<16xf32>,
      %add3A_624 = arith.constant 4 : i32
      %add3A_625 = arith.addi %mul3A_386, %add3A_624 : i32
      %swap3A_626 = arith.constant 1 : i32
      %swap3A_627 = arith.index_cast %swap3A_626 : i32 to index
      %swap3A_628 = arith.index_cast %add3A_625 : i32 to index
      %swap3A_629 = arith.constant 32 : index
      %swap3A_630 = tpu.vector_load %arg7[%swap3A_627, %swap3A_628, %swap3A_629] {strides = array<i32>} : memref<2x256x128xf32, #tpu.memory_space<vmem>>, vector<16xf32>,
      tpu.vector_store %arg7[%swap3A_627, %swap3A_628, %swap3A_629], %broadcast_in_dim3A_141 {strides = array<i32>} : memref<2x256x128xf32, #tpu.memory_space<vmem>>, vector<16xf32>,
      %add3A_631 = arith.constant 4 : i32
      %add3A_632 = arith.addi %mul3A_386, %add3A_631 : i32
      %swap3A_633 = arith.constant 1 : i32
      %swap3A_634 = arith.index_cast %swap3A_633 : i32 to index
      %swap3A_635 = arith.index_cast %add3A_632 : i32 to index
      %swap3A_636 = arith.constant 48 : index
      %swap3A_637 = tpu.vector_load %arg7[%swap3A_634, %swap3A_635, %swap3A_636] {strides = array<i32>} : memref<2x256x128xf32, #tpu.memory_space<vmem>>, vector<16xf32>,
      tpu.vector_store %arg7[%swap3A_634, %swap3A_635, %swap3A_636], %broadcast_in_dim3A_141 {strides = array<i32>} : memref<2x256x128xf32, #tpu.memory_space<vmem>>, vector<16xf32>,
      %add3A_638 = arith.constant 4 : i32
      %add3A_639 = arith.addi %mul3A_386, %add3A_638 : i32
      %swap3A_640 = arith.constant 1 : i32
      %swap3A_641 = arith.index_cast %swap3A_640 : i32 to index
      %swap3A_642 = arith.index_cast %add3A_639 : i32 to index
      %swap3A_643 = arith.constant 64 : index
      %swap3A_644 = tpu.vector_load %arg7[%swap3A_641, %swap3A_642, %swap3A_643] {strides = array<i32>} : memref<2x256x128xf32, #tpu.memory_space<vmem>>, vector<16xf32>,
      tpu.vector_store %arg7[%swap3A_641, %swap3A_642, %swap3A_643], %broadcast_in_dim3A_141 {strides = array<i32>} : memref<2x256x128xf32, #tpu.memory_space<vmem>>, vector<16xf32>,
      %add3A_645 = arith.constant 4 : i32
      %add3A_646 = arith.addi %mul3A_386, %add3A_645 : i32
      %swap3A_647 = arith.constant 1 : i32
      %swap3A_648 = arith.index_cast %swap3A_647 : i32 to index
      %swap3A_649 = arith.index_cast %add3A_646 : i32 to index
      %swap3A_650 = arith.constant 80 : index
      %swap3A_651 = tpu.vector_load %arg7[%swap3A_648, %swap3A_649, %swap3A_650] {strides = array<i32>} : memref<2x256x128xf32, #tpu.memory_space<vmem>>, vector<16xf32>,
      tpu.vector_store %arg7[%swap3A_648, %swap3A_649, %swap3A_650], %broadcast_in_dim3A_141 {strides = array<i32>} : memref<2x256x128xf32, #tpu.memory_space<vmem>>, vector<16xf32>,
      %add3A_652 = arith.constant 4 : i32
      %add3A_653 = arith.addi %mul3A_386, %add3A_652 : i32
      %swap3A_654 = arith.constant 1 : i32
      %swap3A_655 = arith.index_cast %swap3A_654 : i32 to index
      %swap3A_656 = arith.index_cast %add3A_653 : i32 to index
      %swap3A_657 = arith.constant 96 : index
      %swap3A_658 = tpu.vector_load %arg7[%swap3A_655, %swap3A_656, %swap3A_657] {strides = array<i32>} : memref<2x256x128xf32, #tpu.memory_space<vmem>>, vector<16xf32>,
      tpu.vector_store %arg7[%swap3A_655, %swap3A_656, %swap3A_657], %broadcast_in_dim3A_141 {strides = array<i32>} : memref<2x256x128xf32, #tpu.memory_space<vmem>>, vector<16xf32>,
      %add3A_659 = arith.constant 4 : i32
      %add3A_660 = arith.addi %mul3A_386, %add3A_659 : i32
      %swap3A_661 = arith.constant 1 : i32
      %swap3A_662 = arith.index_cast %swap3A_661 : i32 to index
      %swap3A_663 = arith.index_cast %add3A_660 : i32 to index
      %swap3A_664 = arith.constant 112 : index
      %swap3A_665 = tpu.vector_load %arg7[%swap3A_662, %swap3A_663, %swap3A_664] {strides = array<i32>} : memref<2x256x128xf32, #tpu.memory_space<vmem>>, vector<16xf32>,
      tpu.vector_store %arg7[%swap3A_662, %swap3A_663, %swap3A_664], %broadcast_in_dim3A_141 {strides = array<i32>} : memref<2x256x128xf32, #tpu.memory_space<vmem>>, vector<16xf32>,
      %add3A_666 = arith.constant 5 : i32
      %add3A_667 = arith.addi %mul3A_386, %add3A_666 : i32
      %swap3A_668 = arith.constant 1 : i32
      %swap3A_669 = arith.index_cast %swap3A_668 : i32 to index
      %swap3A_670 = arith.index_cast %add3A_667 : i32 to index
      %swap3A_671 = arith.constant 0 : index
      %swap3A_672 = tpu.vector_load %arg7[%swap3A_669, %swap3A_670, %swap3A_671] {strides = array<i32>} : memref<2x256x128xf32, #tpu.memory_space<vmem>>, vector<16xf32>,
      tpu.vector_store %arg7[%swap3A_669, %swap3A_670, %swap3A_671], %broadcast_in_dim3A_141 {strides = array<i32>} : memref<2x256x128xf32, #tpu.memory_space<vmem>>, vector<16xf32>,
      %add3A_673 = arith.constant 5 : i32
      %add3A_674 = arith.addi %mul3A_386, %add3A_673 : i32
      %swap3A_675 = arith.constant 1 : i32
      %swap3A_676 = arith.index_cast %swap3A_675 : i32 to index
      %swap3A_677 = arith.index_cast %add3A_674 : i32 to index
      %swap3A_678 = arith.constant 16 : index
      %swap3A_679 = tpu.vector_load %arg7[%swap3A_676, %swap3A_677, %swap3A_678] {strides = array<i32>} : memref<2x256x128xf32, #tpu.memory_space<vmem>>, vector<16xf32>,
      tpu.vector_store %arg7[%swap3A_676, %swap3A_677, %swap3A_678], %broadcast_in_dim3A_141 {strides = array<i32>} : memref<2x256x128xf32, #tpu.memory_space<vmem>>, vector<16xf32>,
      %add3A_680 = arith.constant 5 : i32
      %add3A_681 = arith.addi %mul3A_386, %add3A_680 : i32
      %swap3A_682 = arith.constant 1 : i32
      %swap3A_683 = arith.index_cast %swap3A_682 : i32 to index
      %swap3A_684 = arith.index_cast %add3A_681 : i32 to index
      %swap3A_685 = arith.constant 32 : index
      %swap3A_686 = tpu.vector_load %arg7[%swap3A_683, %swap3A_684, %swap3A_685] {strides = array<i32>} : memref<2x256x128xf32, #tpu.memory_space<vmem>>, vector<16xf32>,
      tpu.vector_store %arg7[%swap3A_683, %swap3A_684, %swap3A_685], %broadcast_in_dim3A_141 {strides = array<i32>} : memref<2x256x128xf32, #tpu.memory_space<vmem>>, vector<16xf32>,
      %add3A_687 = arith.constant 5 : i32
      %add3A_688 = arith.addi %mul3A_386, %add3A_687 : i32
      %swap3A_689 = arith.constant 1 : i32
      %swap3A_690 = arith.index_cast %swap3A_689 : i32 to index
      %swap3A_691 = arith.index_cast %add3A_688 : i32 to index
      %swap3A_692 = arith.constant 48 : index
      %swap3A_693 = tpu.vector_load %arg7[%swap3A_690, %swap3A_691, %swap3A_692] {strides = array<i32>} : memref<2x256x128xf32, #tpu.memory_space<vmem>>, vector<16xf32>,
      tpu.vector_store %arg7[%swap3A_690, %swap3A_691, %swap3A_692], %broadcast_in_dim3A_141 {strides = array<i32>} : memref<2x256x128xf32, #tpu.memory_space<vmem>>, vector<16xf32>,
      %add3A_694 = arith.constant 5 : i32
      %add3A_695 = arith.addi %mul3A_386, %add3A_694 : i32
      %swap3A_696 = arith.constant 1 : i32
      %swap3A_697 = arith.index_cast %swap3A_696 : i32 to index
      %swap3A_698 = arith.index_cast %add3A_695 : i32 to index
      %swap3A_699 = arith.constant 64 : index
      %swap3A_700 = tpu.vector_load %arg7[%swap3A_697, %swap3A_698, %swap3A_699] {strides = array<i32>} : memref<2x256x128xf32, #tpu.memory_space<vmem>>, vector<16xf32>,
      tpu.vector_store %arg7[%swap3A_697, %swap3A_698, %swap3A_699], %broadcast_in_dim3A_141 {strides = array<i32>} : memref<2x256x128xf32, #tpu.memory_space<vmem>>, vector<16xf32>,
      %add3A_701 = arith.constant 5 : i32
      %add3A_702 = arith.addi %mul3A_386, %add3A_701 : i32
      %swap3A_703 = arith.constant 1 : i32
      %swap3A_704 = arith.index_cast %swap3A_703 : i32 to index
      %swap3A_705 = arith.index_cast %add3A_702 : i32 to index
      %swap3A_706 = arith.constant 80 : index
      %swap3A_707 = tpu.vector_load %arg7[%swap3A_704, %swap3A_705, %swap3A_706] {strides = array<i32>} : memref<2x256x128xf32, #tpu.memory_space<vmem>>, vector<16xf32>,
      tpu.vector_store %arg7[%swap3A_704, %swap3A_705, %swap3A_706], %broadcast_in_dim3A_141 {strides = array<i32>} : memref<2x256x128xf32, #tpu.memory_space<vmem>>, vector<16xf32>,
      %add3A_708 = arith.constant 5 : i32
      %add3A_709 = arith.addi %mul3A_386, %add3A_708 : i32
      %swap3A_710 = arith.constant 1 : i32
      %swap3A_711 = arith.index_cast %swap3A_710 : i32 to index
      %swap3A_712 = arith.index_cast %add3A_709 : i32 to index
      %swap3A_713 = arith.constant 96 : index
      %swap3A_714 = tpu.vector_load %arg7[%swap3A_711, %swap3A_712, %swap3A_713] {strides = array<i32>} : memref<2x256x128xf32, #tpu.memory_space<vmem>>, vector<16xf32>,
      tpu.vector_store %arg7[%swap3A_711, %swap3A_712, %swap3A_713], %broadcast_in_dim3A_141 {strides = array<i32>} : memref<2x256x128xf32, #tpu.memory_space<vmem>>, vector<16xf32>,
      %add3A_715 = arith.constant 5 : i32
      %add3A_716 = arith.addi %mul3A_386, %add3A_715 : i32
      %swap3A_717 = arith.constant 1 : i32
      %swap3A_718 = arith.index_cast %swap3A_717 : i32 to index
      %swap3A_719 = arith.index_cast %add3A_716 : i32 to index
      %swap3A_720 = arith.constant 112 : index
      %swap3A_721 = tpu.vector_load %arg7[%swap3A_718, %swap3A_719, %swap3A_720] {strides = array<i32>} : memref<2x256x128xf32, #tpu.memory_space<vmem>>, vector<16xf32>,
      tpu.vector_store %arg7[%swap3A_718, %swap3A_719, %swap3A_720], %broadcast_in_dim3A_141 {strides = array<i32>} : memref<2x256x128xf32, #tpu.memory_space<vmem>>, vector<16xf32>,
      %add3A_722 = arith.constant 6 : i32
      %add3A_723 = arith.addi %mul3A_386, %add3A_722 : i32
      %swap3A_724 = arith.constant 1 : i32
      %swap3A_725 = arith.index_cast %swap3A_724 : i32 to index
      %swap3A_726 = arith.index_cast %add3A_723 : i32 to index
      %swap3A_727 = arith.constant 0 : index
      %swap3A_728 = tpu.vector_load %arg7[%swap3A_725, %swap3A_726, %swap3A_727] {strides = array<i32>} : memref<2x256x128xf32, #tpu.memory_space<vmem>>, vector<16xf32>,
      tpu.vector_store %arg7[%swap3A_725, %swap3A_726, %swap3A_727], %broadcast_in_dim3A_141 {strides = array<i32>} : memref<2x256x128xf32, #tpu.memory_space<vmem>>, vector<16xf32>,
      %add3A_729 = arith.constant 6 : i32
      %add3A_730 = arith.addi %mul3A_386, %add3A_729 : i32
      %swap3A_731 = arith.constant 1 : i32
      %swap3A_732 = arith.index_cast %swap3A_731 : i32 to index
      %swap3A_733 = arith.index_cast %add3A_730 : i32 to index
      %swap3A_734 = arith.constant 16 : index
      %swap3A_735 = tpu.vector_load %arg7[%swap3A_732, %swap3A_733, %swap3A_734] {strides = array<i32>} : memref<2x256x128xf32, #tpu.memory_space<vmem>>, vector<16xf32>,
      tpu.vector_store %arg7[%swap3A_732, %swap3A_733, %swap3A_734], %broadcast_in_dim3A_141 {strides = array<i32>} : memref<2x256x128xf32, #tpu.memory_space<vmem>>, vector<16xf32>,
      %add3A_736 = arith.constant 6 : i32
      %add3A_737 = arith.addi %mul3A_386, %add3A_736 : i32
      %swap3A_738 = arith.constant 1 : i32
      %swap3A_739 = arith.index_cast %swap3A_738 : i32 to index
      %swap3A_740 = arith.index_cast %add3A_737 : i32 to index
      %swap3A_741 = arith.constant 32 : index
      %swap3A_742 = tpu.vector_load %arg7[%swap3A_739, %swap3A_740, %swap3A_741] {strides = array<i32>} : memref<2x256x128xf32, #tpu.memory_space<vmem>>, vector<16xf32>,
      tpu.vector_store %arg7[%swap3A_739, %swap3A_740, %swap3A_741], %broadcast_in_dim3A_141 {strides = array<i32>} : memref<2x256x128xf32, #tpu.memory_space<vmem>>, vector<16xf32>,
      %add3A_743 = arith.constant 6 : i32
      %add3A_744 = arith.addi %mul3A_386, %add3A_743 : i32
      %swap3A_745 = arith.constant 1 : i32
      %swap3A_746 = arith.index_cast %swap3A_745 : i32 to index
      %swap3A_747 = arith.index_cast %add3A_744 : i32 to index
      %swap3A_748 = arith.constant 48 : index
      %swap3A_749 = tpu.vector_load %arg7[%swap3A_746, %swap3A_747, %swap3A_748] {strides = array<i32>} : memref<2x256x128xf32, #tpu.memory_space<vmem>>, vector<16xf32>,
      tpu.vector_store %arg7[%swap3A_746, %swap3A_747, %swap3A_748], %broadcast_in_dim3A_141 {strides = array<i32>} : memref<2x256x128xf32, #tpu.memory_space<vmem>>, vector<16xf32>,
      %add3A_750 = arith.constant 6 : i32
      %add3A_751 = arith.addi %mul3A_386, %add3A_750 : i32
      %swap3A_752 = arith.constant 1 : i32
      %swap3A_753 = arith.index_cast %swap3A_752 : i32 to index
      %swap3A_754 = arith.index_cast %add3A_751 : i32 to index
      %swap3A_755 = arith.constant 64 : index
      %swap3A_756 = tpu.vector_load %arg7[%swap3A_753, %swap3A_754, %swap3A_755] {strides = array<i32>} : memref<2x256x128xf32, #tpu.memory_space<vmem>>, vector<16xf32>,
      tpu.vector_store %arg7[%swap3A_753, %swap3A_754, %swap3A_755], %broadcast_in_dim3A_141 {strides = array<i32>} : memref<2x256x128xf32, #tpu.memory_space<vmem>>, vector<16xf32>,
      %add3A_757 = arith.constant 6 : i32
      %add3A_758 = arith.addi %mul3A_386, %add3A_757 : i32
      %swap3A_759 = arith.constant 1 : i32
      %swap3A_760 = arith.index_cast %swap3A_759 : i32 to index
      %swap3A_761 = arith.index_cast %add3A_758 : i32 to index
      %swap3A_762 = arith.constant 80 : index
      %swap3A_763 = tpu.vector_load %arg7[%swap3A_760, %swap3A_761, %swap3A_762] {strides = array<i32>} : memref<2x256x128xf32, #tpu.memory_space<vmem>>, vector<16xf32>,
      tpu.vector_store %arg7[%swap3A_760, %swap3A_761, %swap3A_762], %broadcast_in_dim3A_141 {strides = array<i32>} : memref<2x256x128xf32, #tpu.memory_space<vmem>>, vector<16xf32>,
      %add3A_764 = arith.constant 6 : i32
      %add3A_765 = arith.addi %mul3A_386, %add3A_764 : i32
      %swap3A_766 = arith.constant 1 : i32
      %swap3A_767 = arith.index_cast %swap3A_766 : i32 to index
      %swap3A_768 = arith.index_cast %add3A_765 : i32 to index
      %swap3A_769 = arith.constant 96 : index
      %swap3A_770 = tpu.vector_load %arg7[%swap3A_767, %swap3A_768, %swap3A_769] {strides = array<i32>} : memref<2x256x128xf32, #tpu.memory_space<vmem>>, vector<16xf32>,
      tpu.vector_store %arg7[%swap3A_767, %swap3A_768, %swap3A_769], %broadcast_in_dim3A_141 {strides = array<i32>} : memref<2x256x128xf32, #tpu.memory_space<vmem>>, vector<16xf32>,
      %add3A_771 = arith.constant 6 : i32
      %add3A_772 = arith.addi %mul3A_386, %add3A_771 : i32
      %swap3A_773 = arith.constant 1 : i32
      %swap3A_774 = arith.index_cast %swap3A_773 : i32 to index
      %swap3A_775 = arith.index_cast %add3A_772 : i32 to index
      %swap3A_776 = arith.constant 112 : index
      %swap3A_777 = tpu.vector_load %arg7[%swap3A_774, %swap3A_775, %swap3A_776] {strides = array<i32>} : memref<2x256x128xf32, #tpu.memory_space<vmem>>, vector<16xf32>,
      tpu.vector_store %arg7[%swap3A_774, %swap3A_775, %swap3A_776], %broadcast_in_dim3A_141 {strides = array<i32>} : memref<2x256x128xf32, #tpu.memory_space<vmem>>, vector<16xf32>,
      %add3A_778 = arith.constant 7 : i32
      %add3A_779 = arith.addi %mul3A_386, %add3A_778 : i32
      %swap3A_780 = arith.constant 1 : i32
      %swap3A_781 = arith.index_cast %swap3A_780 : i32 to index
      %swap3A_782 = arith.index_cast %add3A_779 : i32 to index
      %swap3A_783 = arith.constant 0 : index
      %swap3A_784 = tpu.vector_load %arg7[%swap3A_781, %swap3A_782, %swap3A_783] {strides = array<i32>} : memref<2x256x128xf32, #tpu.memory_space<vmem>>, vector<16xf32>,
      tpu.vector_store %arg7[%swap3A_781, %swap3A_782, %swap3A_783], %broadcast_in_dim3A_141 {strides = array<i32>} : memref<2x256x128xf32, #tpu.memory_space<vmem>>, vector<16xf32>,
      %add3A_785 = arith.constant 7 : i32
      %add3A_786 = arith.addi %mul3A_386, %add3A_785 : i32
      %swap3A_787 = arith.constant 1 : i32
      %swap3A_788 = arith.index_cast %swap3A_787 : i32 to index
      %swap3A_789 = arith.index_cast %add3A_786 : i32 to index
      %swap3A_790 = arith.constant 16 : index
      %swap3A_791 = tpu.vector_load %arg7[%swap3A_788, %swap3A_789, %swap3A_790] {strides = array<i32>} : memref<2x256x128xf32, #tpu.memory_space<vmem>>, vector<16xf32>,
      tpu.vector_store %arg7[%swap3A_788, %swap3A_789, %swap3A_790], %broadcast_in_dim3A_141 {strides = array<i32>} : memref<2x256x128xf32, #tpu.memory_space<vmem>>, vector<16xf32>,
      %add3A_792 = arith.constant 7 : i32
      %add3A_793 = arith.addi %mul3A_386, %add3A_792 : i32
      %swap3A_794 = arith.constant 1 : i32
      %swap3A_795 = arith.index_cast %swap3A_794 : i32 to index
      %swap3A_796 = arith.index_cast %add3A_793 : i32 to index
      %swap3A_797 = arith.constant 32 : index
      %swap3A_798 = tpu.vector_load %arg7[%swap3A_795, %swap3A_796, %swap3A_797] {strides = array<i32>} : memref<2x256x128xf32, #tpu.memory_space<vmem>>, vector<16xf32>,
      tpu.vector_store %arg7[%swap3A_795, %swap3A_796, %swap3A_797], %broadcast_in_dim3A_141 {strides = array<i32>} : memref<2x256x128xf32, #tpu.memory_space<vmem>>, vector<16xf32>,
      %add3A_799 = arith.constant 7 : i32
      %add3A_800 = arith.addi %mul3A_386, %add3A_799 : i32
      %swap3A_801 = arith.constant 1 : i32
      %swap3A_802 = arith.index_cast %swap3A_801 : i32 to index
      %swap3A_803 = arith.index_cast %add3A_800 : i32 to index
      %swap3A_804 = arith.constant 48 : index
      %swap3A_805 = tpu.vector_load %arg7[%swap3A_802, %swap3A_803, %swap3A_804] {strides = array<i32>} : memref<2x256x128xf32, #tpu.memory_space<vmem>>, vector<16xf32>,
      tpu.vector_store %arg7[%swap3A_802, %swap3A_803, %swap3A_804], %broadcast_in_dim3A_141 {strides = array<i32>} : memref<2x256x128xf32, #tpu.memory_space<vmem>>, vector<16xf32>,
      %add3A_806 = arith.constant 7 : i32
      %add3A_807 = arith.addi %mul3A_386, %add3A_806 : i32
      %swap3A_808 = arith.constant 1 : i32
      %swap3A_809 = arith.index_cast %swap3A_808 : i32 to index
      %swap3A_810 = arith.index_cast %add3A_807 : i32 to index
      %swap3A_811 = arith.constant 64 : index
      %swap3A_812 = tpu.vector_load %arg7[%swap3A_809, %swap3A_810, %swap3A_811] {strides = array<i32>} : memref<2x256x128xf32, #tpu.memory_space<vmem>>, vector<16xf32>,
      tpu.vector_store %arg7[%swap3A_809, %swap3A_810, %swap3A_811], %broadcast_in_dim3A_141 {strides = array<i32>} : memref<2x256x128xf32, #tpu.memory_space<vmem>>, vector<16xf32>,
      %add3A_813 = arith.constant 7 : i32
      %add3A_814 = arith.addi %mul3A_386, %add3A_813 : i32
      %swap3A_815 = arith.constant 1 : i32
      %swap3A_816 = arith.index_cast %swap3A_815 : i32 to index
      %swap3A_817 = arith.index_cast %add3A_814 : i32 to index
      %swap3A_818 = arith.constant 80 : index
      %swap3A_819 = tpu.vector_load %arg7[%swap3A_816, %swap3A_817, %swap3A_818] {strides = array<i32>} : memref<2x256x128xf32, #tpu.memory_space<vmem>>, vector<16xf32>,
      tpu.vector_store %arg7[%swap3A_816, %swap3A_817, %swap3A_818], %broadcast_in_dim3A_141 {strides = array<i32>} : memref<2x256x128xf32, #tpu.memory_space<vmem>>, vector<16xf32>,
      %add3A_820 = arith.constant 7 : i32
      %add3A_821 = arith.addi %mul3A_386, %add3A_820 : i32
      %swap3A_822 = arith.constant 1 : i32
      %swap3A_823 = arith.index_cast %swap3A_822 : i32 to index
      %swap3A_824 = arith.index_cast %add3A_821 : i32 to index
      %swap3A_825 = arith.constant 96 : index
      %swap3A_826 = tpu.vector_load %arg7[%swap3A_823, %swap3A_824, %swap3A_825] {strides = array<i32>} : memref<2x256x128xf32, #tpu.memory_space<vmem>>, vector<16xf32>,
      tpu.vector_store %arg7[%swap3A_823, %swap3A_824, %swap3A_825], %broadcast_in_dim3A_141 {strides = array<i32>} : memref<2x256x128xf32, #tpu.memory_space<vmem>>, vector<16xf32>,
      %add3A_827 = arith.constant 7 : i32
      %add3A_828 = arith.addi %mul3A_386, %add3A_827 : i32
      %swap3A_829 = arith.constant 1 : i32
      %swap3A_830 = arith.index_cast %swap3A_829 : i32 to index
      %swap3A_831 = arith.index_cast %add3A_828 : i32 to index
      %swap3A_832 = arith.constant 112 : index
      %swap3A_833 = tpu.vector_load %arg7[%swap3A_830, %swap3A_831, %swap3A_832] {strides = array<i32>} : memref<2x256x128xf32, #tpu.memory_space<vmem>>, vector<16xf32>,
      tpu.vector_store %arg7[%swap3A_830, %swap3A_831, %swap3A_832], %broadcast_in_dim3A_141 {strides = array<i32>} : memref<2x256x128xf32, #tpu.memory_space<vmem>>, vector<16xf32>,
      %add3A_834 = arith.constant 8 : i32
      %add3A_835 = arith.addi %mul3A_386, %add3A_834 : i32
      %swap3A_836 = arith.constant 1 : i32
      %swap3A_837 = arith.index_cast %swap3A_836 : i32 to index
      %swap3A_838 = arith.index_cast %add3A_835 : i32 to index
      %swap3A_839 = arith.constant 0 : index
      %swap3A_840 = tpu.vector_load %arg7[%swap3A_837, %swap3A_838, %swap3A_839] {strides = array<i32>} : memref<2x256x128xf32, #tpu.memory_space<vmem>>, vector<16xf32>,
      tpu.vector_store %arg7[%swap3A_837, %swap3A_838, %swap3A_839], %broadcast_in_dim3A_141 {strides = array<i32>} : memref<2x256x128xf32, #tpu.memory_space<vmem>>, vector<16xf32>,
      %add3A_841 = arith.constant 8 : i32
      %add3A_842 = arith.addi %mul3A_386, %add3A_841 : i32
      %swap3A_843 = arith.constant 1 : i32
      %swap3A_844 = arith.index_cast %swap3A_843 : i32 to index
      %swap3A_845 = arith.index_cast %add3A_842 : i32 to index
      %swap3A_846 = arith.constant 16 : index
      %swap3A_847 = tpu.vector_load %arg7[%swap3A_844, %swap3A_845, %swap3A_846] {strides = array<i32>} : memref<2x256x128xf32, #tpu.memory_space<vmem>>, vector<16xf32>,
      tpu.vector_store %arg7[%swap3A_844, %swap3A_845, %swap3A_846], %broadcast_in_dim3A_141 {strides = array<i32>} : memref<2x256x128xf32, #tpu.memory_space<vmem>>, vector<16xf32>,
      %add3A_848 = arith.constant 8 : i32
      %add3A_849 = arith.addi %mul3A_386, %add3A_848 : i32
      %swap3A_850 = arith.constant 1 : i32
      %swap3A_851 = arith.index_cast %swap3A_850 : i32 to index
      %swap3A_852 = arith.index_cast %add3A_849 : i32 to index
      %swap3A_853 = arith.constant 32 : index
      %swap3A_854 = tpu.vector_load %arg7[%swap3A_851, %swap3A_852, %swap3A_853] {strides = array<i32>} : memref<2x256x128xf32, #tpu.memory_space<vmem>>, vector<16xf32>,
      tpu.vector_store %arg7[%swap3A_851, %swap3A_852, %swap3A_853], %broadcast_in_dim3A_141 {strides = array<i32>} : memref<2x256x128xf32, #tpu.memory_space<vmem>>, vector<16xf32>,
      %add3A_855 = arith.constant 8 : i32
      %add3A_856 = arith.addi %mul3A_386, %add3A_855 : i32
      %swap3A_857 = arith.constant 1 : i32
      %swap3A_858 = arith.index_cast %swap3A_857 : i32 to index
      %swap3A_859 = arith.index_cast %add3A_856 : i32 to index
      %swap3A_860 = arith.constant 48 : index
      %swap3A_861 = tpu.vector_load %arg7[%swap3A_858, %swap3A_859, %swap3A_860] {strides = array<i32>} : memref<2x256x128xf32, #tpu.memory_space<vmem>>, vector<16xf32>,
      tpu.vector_store %arg7[%swap3A_858, %swap3A_859, %swap3A_860], %broadcast_in_dim3A_141 {strides = array<i32>} : memref<2x256x128xf32, #tpu.memory_space<vmem>>, vector<16xf32>,
      %add3A_862 = arith.constant 8 : i32
      %add3A_863 = arith.addi %mul3A_386, %add3A_862 : i32
      %swap3A_864 = arith.constant 1 : i32
      %swap3A_865 = arith.index_cast %swap3A_864 : i32 to index
      %swap3A_866 = arith.index_cast %add3A_863 : i32 to index
      %swap3A_867 = arith.constant 64 : index
      %swap3A_868 = tpu.vector_load %arg7[%swap3A_865, %swap3A_866, %swap3A_867] {strides = array<i32>} : memref<2x256x128xf32, #tpu.memory_space<vmem>>, vector<16xf32>,
      tpu.vector_store %arg7[%swap3A_865, %swap3A_866, %swap3A_867], %broadcast_in_dim3A_141 {strides = array<i32>} : memref<2x256x128xf32, #tpu.memory_space<vmem>>, vector<16xf32>,
      %add3A_869 = arith.constant 8 : i32
      %add3A_870 = arith.addi %mul3A_386, %add3A_869 : i32
      %swap3A_871 = arith.constant 1 : i32
      %swap3A_872 = arith.index_cast %swap3A_871 : i32 to index
      %swap3A_873 = arith.index_cast %add3A_870 : i32 to index
      %swap3A_874 = arith.constant 80 : index
      %swap3A_875 = tpu.vector_load %arg7[%swap3A_872, %swap3A_873, %swap3A_874] {strides = array<i32>} : memref<2x256x128xf32, #tpu.memory_space<vmem>>, vector<16xf32>,
      tpu.vector_store %arg7[%swap3A_872, %swap3A_873, %swap3A_874], %broadcast_in_dim3A_141 {strides = array<i32>} : memref<2x256x128xf32, #tpu.memory_space<vmem>>, vector<16xf32>,
      %add3A_876 = arith.constant 8 : i32
      %add3A_877 = arith.addi %mul3A_386, %add3A_876 : i32
      %swap3A_878 = arith.constant 1 : i32
      %swap3A_879 = arith.index_cast %swap3A_878 : i32 to index
      %swap3A_880 = arith.index_cast %add3A_877 : i32 to index
      %swap3A_881 = arith.constant 96 : index
      %swap3A_882 = tpu.vector_load %arg7[%swap3A_879, %swap3A_880, %swap3A_881] {strides = array<i32>} : memref<2x256x128xf32, #tpu.memory_space<vmem>>, vector<16xf32>,
      tpu.vector_store %arg7[%swap3A_879, %swap3A_880, %swap3A_881], %broadcast_in_dim3A_141 {strides = array<i32>} : memref<2x256x128xf32, #tpu.memory_space<vmem>>, vector<16xf32>,
      %add3A_883 = arith.constant 8 : i32
      %add3A_884 = arith.addi %mul3A_386, %add3A_883 : i32
      %swap3A_885 = arith.constant 1 : i32
      %swap3A_886 = arith.index_cast %swap3A_885 : i32 to index
      %swap3A_887 = arith.index_cast %add3A_884 : i32 to index
      %swap3A_888 = arith.constant 112 : index
      %swap3A_889 = tpu.vector_load %arg7[%swap3A_886, %swap3A_887, %swap3A_888] {strides = array<i32>} : memref<2x256x128xf32, #tpu.memory_space<vmem>>, vector<16xf32>,
      tpu.vector_store %arg7[%swap3A_886, %swap3A_887, %swap3A_888], %broadcast_in_dim3A_141 {strides = array<i32>} : memref<2x256x128xf32, #tpu.memory_space<vmem>>, vector<16xf32>,
      %add3A_890 = arith.constant 9 : i32
      %add3A_891 = arith.addi %mul3A_386, %add3A_890 : i32
      %swap3A_892 = arith.constant 1 : i32
      %swap3A_893 = arith.index_cast %swap3A_892 : i32 to index
      %swap3A_894 = arith.index_cast %add3A_891 : i32 to index
      %swap3A_895 = arith.constant 0 : index
      %swap3A_896 = tpu.vector_load %arg7[%swap3A_893, %swap3A_894, %swap3A_895] {strides = array<i32>} : memref<2x256x128xf32, #tpu.memory_space<vmem>>, vector<16xf32>,
      tpu.vector_store %arg7[%swap3A_893, %swap3A_894, %swap3A_895], %broadcast_in_dim3A_141 {strides = array<i32>} : memref<2x256x128xf32, #tpu.memory_space<vmem>>, vector<16xf32>,
      %add3A_897 = arith.constant 9 : i32
      %add3A_898 = arith.addi %mul3A_386, %add3A_897 : i32
      %swap3A_899 = arith.constant 1 : i32
      %swap3A_900 = arith.index_cast %swap3A_899 : i32 to index
      %swap3A_901 = arith.index_cast %add3A_898 : i32 to index
      %swap3A_902 = arith.constant 16 : index
      %swap3A_903 = tpu.vector_load %arg7[%swap3A_900, %swap3A_901, %swap3A_902] {strides = array<i32>} : memref<2x256x128xf32, #tpu.memory_space<vmem>>, vector<16xf32>,
      tpu.vector_store %arg7[%swap3A_900, %swap3A_901, %swap3A_902], %broadcast_in_dim3A_141 {strides = array<i32>} : memref<2x256x128xf32, #tpu.memory_space<vmem>>, vector<16xf32>,
      %add3A_904 = arith.constant 9 : i32
      %add3A_905 = arith.addi %mul3A_386, %add3A_904 : i32
      %swap3A_906 = arith.constant 1 : i32
      %swap3A_907 = arith.index_cast %swap3A_906 : i32 to index
      %swap3A_908 = arith.index_cast %add3A_905 : i32 to index
      %swap3A_909 = arith.constant 32 : index
      %swap3A_910 = tpu.vector_load %arg7[%swap3A_907, %swap3A_908, %swap3A_909] {strides = array<i32>} : memref<2x256x128xf32, #tpu.memory_space<vmem>>, vector<16xf32>,
      tpu.vector_store %arg7[%swap3A_907, %swap3A_908, %swap3A_909], %broadcast_in_dim3A_141 {strides = array<i32>} : memref<2x256x128xf32, #tpu.memory_space<vmem>>, vector<16xf32>,
      %add3A_911 = arith.constant 9 : i32
      %add3A_912 = arith.addi %mul3A_386, %add3A_911 : i32
      %swap3A_913 = arith.constant 1 : i32
      %swap3A_914 = arith.index_cast %swap3A_913 : i32 to index
      %swap3A_915 = arith.index_cast %add3A_912 : i32 to index
      %swap3A_916 = arith.constant 48 : index
      %swap3A_917 = tpu.vector_load %arg7[%swap3A_914, %swap3A_915, %swap3A_916] {strides = array<i32>} : memref<2x256x128xf32, #tpu.memory_space<vmem>>, vector<16xf32>,
      tpu.vector_store %arg7[%swap3A_914, %swap3A_915, %swap3A_916], %broadcast_in_dim3A_141 {strides = array<i32>} : memref<2x256x128xf32, #tpu.memory_space<vmem>>, vector<16xf32>,
      %add3A_918 = arith.constant 9 : i32
      %add3A_919 = arith.addi %mul3A_386, %add3A_918 : i32
      %swap3A_920 = arith.constant 1 : i32
      %swap3A_921 = arith.index_cast %swap3A_920 : i32 to index
      %swap3A_922 = arith.index_cast %add3A_919 : i32 to index
      %swap3A_923 = arith.constant 64 : index
      %swap3A_924 = tpu.vector_load %arg7[%swap3A_921, %swap3A_922, %swap3A_923] {strides = array<i32>} : memref<2x256x128xf32, #tpu.memory_space<vmem>>, vector<16xf32>,
      tpu.vector_store %arg7[%swap3A_921, %swap3A_922, %swap3A_923], %broadcast_in_dim3A_141 {strides = array<i32>} : memref<2x256x128xf32, #tpu.memory_space<vmem>>, vector<16xf32>,
      %add3A_925 = arith.constant 9 : i32
      %add3A_926 = arith.addi %mul3A_386, %add3A_925 : i32
      %swap3A_927 = arith.constant 1 : i32
      %swap3A_928 = arith.index_cast %swap3A_927 : i32 to index
      %swap3A_929 = arith.index_cast %add3A_926 : i32 to index
      %swap3A_930 = arith.constant 80 : index
      %swap3A_931 = tpu.vector_load %arg7[%swap3A_928, %swap3A_929, %swap3A_930] {strides = array<i32>} : memref<2x256x128xf32, #tpu.memory_space<vmem>>, vector<16xf32>,
      tpu.vector_store %arg7[%swap3A_928, %swap3A_929, %swap3A_930], %broadcast_in_dim3A_141 {strides = array<i32>} : memref<2x256x128xf32, #tpu.memory_space<vmem>>, vector<16xf32>,
      %add3A_932 = arith.constant 9 : i32
      %add3A_933 = arith.addi %mul3A_386, %add3A_932 : i32
      %swap3A_934 = arith.constant 1 : i32
      %swap3A_935 = arith.index_cast %swap3A_934 : i32 to index
      %swap3A_936 = arith.index_cast %add3A_933 : i32 to index
      %swap3A_937 = arith.constant 96 : index
      %swap3A_938 = tpu.vector_load %arg7[%swap3A_935, %swap3A_936, %swap3A_937] {strides = array<i32>} : memref<2x256x128xf32, #tpu.memory_space<vmem>>, vector<16xf32>,
      tpu.vector_store %arg7[%swap3A_935, %swap3A_936, %swap3A_937], %broadcast_in_dim3A_141 {strides = array<i32>} : memref<2x256x128xf32, #tpu.memory_space<vmem>>, vector<16xf32>,
      %add3A_939 = arith.constant 9 : i32
      %add3A_940 = arith.addi %mul3A_386, %add3A_939 : i32
      %swap3A_941 = arith.constant 1 : i32
      %swap3A_942 = arith.index_cast %swap3A_941 : i32 to index
      %swap3A_943 = arith.index_cast %add3A_940 : i32 to index
      %swap3A_944 = arith.constant 112 : index
      %swap3A_945 = tpu.vector_load %arg7[%swap3A_942, %swap3A_943, %swap3A_944] {strides = array<i32>} : memref<2x256x128xf32, #tpu.memory_space<vmem>>, vector<16xf32>,
      tpu.vector_store %arg7[%swap3A_942, %swap3A_943, %swap3A_944], %broadcast_in_dim3A_141 {strides = array<i32>} : memref<2x256x128xf32, #tpu.memory_space<vmem>>, vector<16xf32>,
      %add3A_946 = arith.constant 10 : i32
      %add3A_947 = arith.addi %mul3A_386, %add3A_946 : i32
      %swap3A_948 = arith.constant 1 : i32
      %swap3A_949 = arith.index_cast %swap3A_948 : i32 to index
      %swap3A_950 = arith.index_cast %add3A_947 : i32 to index
      %swap3A_951 = arith.constant 0 : index
      %swap3A_952 = tpu.vector_load %arg7[%swap3A_949, %swap3A_950, %swap3A_951] {strides = array<i32>} : memref<2x256x128xf32, #tpu.memory_space<vmem>>, vector<16xf32>,
      tpu.vector_store %arg7[%swap3A_949, %swap3A_950, %swap3A_951], %broadcast_in_dim3A_141 {strides = array<i32>} : memref<2x256x128xf32, #tpu.memory_space<vmem>>, vector<16xf32>,
      %add3A_953 = arith.constant 10 : i32
      %add3A_954 = arith.addi %mul3A_386, %add3A_953 : i32
      %swap3A_955 = arith.constant 1 : i32
      %swap3A_956 = arith.index_cast %swap3A_955 : i32 to index
      %swap3A_957 = arith.index_cast %add3A_954 : i32 to index
      %swap3A_958 = arith.constant 16 : index
      %swap3A_959 = tpu.vector_load %arg7[%swap3A_956, %swap3A_957, %swap3A_958] {strides = array<i32>} : memref<2x256x128xf32, #tpu.memory_space<vmem>>, vector<16xf32>,
      tpu.vector_store %arg7[%swap3A_956, %swap3A_957, %swap3A_958], %broadcast_in_dim3A_141 {strides = array<i32>} : memref<2x256x128xf32, #tpu.memory_space<vmem>>, vector<16xf32>,
      %add3A_960 = arith.constant 10 : i32
      %add3A_961 = arith.addi %mul3A_386, %add3A_960 : i32
      %swap3A_962 = arith.constant 1 : i32
      %swap3A_963 = arith.index_cast %swap3A_962 : i32 to index
      %swap3A_964 = arith.index_cast %add3A_961 : i32 to index
      %swap3A_965 = arith.constant 32 : index
      %swap3A_966 = tpu.vector_load %arg7[%swap3A_963, %swap3A_964, %swap3A_965] {strides = array<i32>} : memref<2x256x128xf32, #tpu.memory_space<vmem>>, vector<16xf32>,
      tpu.vector_store %arg7[%swap3A_963, %swap3A_964, %swap3A_965], %broadcast_in_dim3A_141 {strides = array<i32>} : memref<2x256x128xf32, #tpu.memory_space<vmem>>, vector<16xf32>,
      %add3A_967 = arith.constant 10 : i32
      %add3A_968 = arith.addi %mul3A_386, %add3A_967 : i32
      %swap3A_969 = arith.constant 1 : i32
      %swap3A_970 = arith.index_cast %swap3A_969 : i32 to index
      %swap3A_971 = arith.index_cast %add3A_968 : i32 to index
      %swap3A_972 = arith.constant 48 : index
      %swap3A_973 = tpu.vector_load %arg7[%swap3A_970, %swap3A_971, %swap3A_972] {strides = array<i32>} : memref<2x256x128xf32, #tpu.memory_space<vmem>>, vector<16xf32>,
      tpu.vector_store %arg7[%swap3A_970, %swap3A_971, %swap3A_972], %broadcast_in_dim3A_141 {strides = array<i32>} : memref<2x256x128xf32, #tpu.memory_space<vmem>>, vector<16xf32>,
      %add3A_974 = arith.constant 10 : i32
      %add3A_975 = arith.addi %mul3A_386, %add3A_974 : i32
      %swap3A_976 = arith.constant 1 : i32
      %swap3A_977 = arith.index_cast %swap3A_976 : i32 to index
      %swap3A_978 = arith.index_cast %add3A_975 : i32 to index
      %swap3A_979 = arith.constant 64 : index
      %swap3A_980 = tpu.vector_load %arg7[%swap3A_977, %swap3A_978, %swap3A_979] {strides = array<i32>} : memref<2x256x128xf32, #tpu.memory_space<vmem>>, vector<16xf32>,
      tpu.vector_store %arg7[%swap3A_977, %swap3A_978, %swap3A_979], %broadcast_in_dim3A_141 {strides = array<i32>} : memref<2x256x128xf32, #tpu.memory_space<vmem>>, vector<16xf32>,
      %add3A_981 = arith.constant 10 : i32
      %add3A_982 = arith.addi %mul3A_386, %add3A_981 : i32
      %swap3A_983 = arith.constant 1 : i32
      %swap3A_984 = arith.index_cast %swap3A_983 : i32 to index
      %swap3A_985 = arith.index_cast %add3A_982 : i32 to index
      %swap3A_986 = arith.constant 80 : index
      %swap3A_987 = tpu.vector_load %arg7[%swap3A_984, %swap3A_985, %swap3A_986] {strides = array<i32>} : memref<2x256x128xf32, #tpu.memory_space<vmem>>, vector<16xf32>,
      tpu.vector_store %arg7[%swap3A_984, %swap3A_985, %swap3A_986], %broadcast_in_dim3A_141 {strides = array<i32>} : memref<2x256x128xf32, #tpu.memory_space<vmem>>, vector<16xf32>,
      %add3A_988 = arith.constant 10 : i32
      %add3A_989 = arith.addi %mul3A_386, %add3A_988 : i32
      %swap3A_990 = arith.constant 1 : i32
      %swap3A_991 = arith.index_cast %swap3A_990 : i32 to index
      %swap3A_992 = arith.index_cast %add3A_989 : i32 to index
      %swap3A_993 = arith.constant 96 : index
      %swap3A_994 = tpu.vector_load %arg7[%swap3A_991, %swap3A_992, %swap3A_993] {strides = array<i32>} : memref<2x256x128xf32, #tpu.memory_space<vmem>>, vector<16xf32>,
      tpu.vector_store %arg7[%swap3A_991, %swap3A_992, %swap3A_993], %broadcast_in_dim3A_141 {strides = array<i32>} : memref<2x256x128xf32, #tpu.memory_space<vmem>>, vector<16xf32>,
      %add3A_995 = arith.constant 10 : i32
      %add3A_996 = arith.addi %mul3A_386, %add3A_995 : i32
      %swap3A_997 = arith.constant 1 : i32
      %swap3A_998 = arith.index_cast %swap3A_997 : i32 to index
      %swap3A_999 = arith.index_cast %add3A_996 : i32 to index
      %swap3A_1000 = arith.constant 112 : index
      %swap3A_1001 = tpu.vector_load %arg7[%swap3A_998, %swap3A_999, %swap3A_1000] {strides = array<i32>} : memref<2x256x128xf32, #tpu.memory_space<vmem>>, vector<16xf32>,
      tpu.vector_store %arg7[%swap3A_998, %swap3A_999, %swap3A_1000], %broadcast_in_dim3A_141 {strides = array<i32>} : memref<2x256x128xf32, #tpu.memory_space<vmem>>, vector<16xf32>,
      %add3A_1002 = arith.constant 11 : i32
      %add3A_1003 = arith.addi %mul3A_386, %add3A_1002 : i32
      %swap3A_1004 = arith.constant 1 : i32
      %swap3A_1005 = arith.index_cast %swap3A_1004 : i32 to index
      %swap3A_1006 = arith.index_cast %add3A_1003 : i32 to index
      %swap3A_1007 = arith.constant 0 : index
      %swap3A_1008 = tpu.vector_load %arg7[%swap3A_1005, %swap3A_1006, %swap3A_1007] {strides = array<i32>} : memref<2x256x128xf32, #tpu.memory_space<vmem>>, vector<16xf32>,
      tpu.vector_store %arg7[%swap3A_1005, %swap3A_1006, %swap3A_1007], %broadcast_in_dim3A_141 {strides = array<i32>} : memref<2x256x128xf32, #tpu.memory_space<vmem>>, vector<16xf32>,
      %add3A_1009 = arith.constant 11 : i32
      %add3A_1010 = arith.addi %mul3A_386, %add3A_1009 : i32
      %swap3A_1011 = arith.constant 1 : i32
      %swap3A_1012 = arith.index_cast %swap3A_1011 : i32 to index
      %swap3A_1013 = arith.index_cast %add3A_1010 : i32 to index
      %swap3A_1014 = arith.constant 16 : index
      %swap3A_1015 = tpu.vector_load %arg7[%swap3A_1012, %swap3A_1013, %swap3A_1014] {strides = array<i32>} : memref<2x256x128xf32, #tpu.memory_space<vmem>>, vector<16xf32>,
      tpu.vector_store %arg7[%swap3A_1012, %swap3A_1013, %swap3A_1014], %broadcast_in_dim3A_141 {strides = array<i32>} : memref<2x256x128xf32, #tpu.memory_space<vmem>>, vector<16xf32>,
      %add3A_1016 = arith.constant 11 : i32
      %add3A_1017 = arith.addi %mul3A_386, %add3A_1016 : i32
      %swap3A_1018 = arith.constant 1 : i32
      %swap3A_1019 = arith.index_cast %swap3A_1018 : i32 to index
      %swap3A_1020 = arith.index_cast %add3A_1017 : i32 to index
      %swap3A_1021 = arith.constant 32 : index
      %swap3A_1022 = tpu.vector_load %arg7[%swap3A_1019, %swap3A_1020, %swap3A_1021] {strides = array<i32>} : memref<2x256x128xf32, #tpu.memory_space<vmem>>, vector<16xf32>,
      tpu.vector_store %arg7[%swap3A_1019, %swap3A_1020, %swap3A_1021], %broadcast_in_dim3A_141 {strides = array<i32>} : memref<2x256x128xf32, #tpu.memory_space<vmem>>, vector<16xf32>,
      %add3A_1023 = arith.constant 11 : i32
      %add3A_1024 = arith.addi %mul3A_386, %add3A_1023 : i32
      %swap3A_1025 = arith.constant 1 : i32
      %swap3A_1026 = arith.index_cast %swap3A_1025 : i32 to index
      %swap3A_1027 = arith.index_cast %add3A_1024 : i32 to index
      %swap3A_1028 = arith.constant 48 : index
      %swap3A_1029 = tpu.vector_load %arg7[%swap3A_1026, %swap3A_1027, %swap3A_1028] {strides = array<i32>} : memref<2x256x128xf32, #tpu.memory_space<vmem>>, vector<16xf32>,
      tpu.vector_store %arg7[%swap3A_1026, %swap3A_1027, %swap3A_1028], %broadcast_in_dim3A_141 {strides = array<i32>} : memref<2x256x128xf32, #tpu.memory_space<vmem>>, vector<16xf32>,
      %add3A_1030 = arith.constant 11 : i32
      %add3A_1031 = arith.addi %mul3A_386, %add3A_1030 : i32
      %swap3A_1032 = arith.constant 1 : i32
      %swap3A_1033 = arith.index_cast %swap3A_1032 : i32 to index
      %swap3A_1034 = arith.index_cast %add3A_1031 : i32 to index
      %swap3A_1035 = arith.constant 64 : index
      %swap3A_1036 = tpu.vector_load %arg7[%swap3A_1033, %swap3A_1034, %swap3A_1035] {strides = array<i32>} : memref<2x256x128xf32, #tpu.memory_space<vmem>>, vector<16xf32>,
      tpu.vector_store %arg7[%swap3A_1033, %swap3A_1034, %swap3A_1035], %broadcast_in_dim3A_141 {strides = array<i32>} : memref<2x256x128xf32, #tpu.memory_space<vmem>>, vector<16xf32>,
      %add3A_1037 = arith.constant 11 : i32
      %add3A_1038 = arith.addi %mul3A_386, %add3A_1037 : i32
      %swap3A_1039 = arith.constant 1 : i32
      %swap3A_1040 = arith.index_cast %swap3A_1039 : i32 to index
      %swap3A_1041 = arith.index_cast %add3A_1038 : i32 to index
      %swap3A_1042 = arith.constant 80 : index
      %swap3A_1043 = tpu.vector_load %arg7[%swap3A_1040, %swap3A_1041, %swap3A_1042] {strides = array<i32>} : memref<2x256x128xf32, #tpu.memory_space<vmem>>, vector<16xf32>,
      tpu.vector_store %arg7[%swap3A_1040, %swap3A_1041, %swap3A_1042], %broadcast_in_dim3A_141 {strides = array<i32>} : memref<2x256x128xf32, #tpu.memory_space<vmem>>, vector<16xf32>,
      %add3A_1044 = arith.constant 11 : i32
      %add3A_1045 = arith.addi %mul3A_386, %add3A_1044 : i32
      %swap3A_1046 = arith.constant 1 : i32
      %swap3A_1047 = arith.index_cast %swap3A_1046 : i32 to index
      %swap3A_1048 = arith.index_cast %add3A_1045 : i32 to index
      %swap3A_1049 = arith.constant 96 : index
      %swap3A_1050 = tpu.vector_load %arg7[%swap3A_1047, %swap3A_1048, %swap3A_1049] {strides = array<i32>} : memref<2x256x128xf32, #tpu.memory_space<vmem>>, vector<16xf32>,
      tpu.vector_store %arg7[%swap3A_1047, %swap3A_1048, %swap3A_1049], %broadcast_in_dim3A_141 {strides = array<i32>} : memref<2x256x128xf32, #tpu.memory_space<vmem>>, vector<16xf32>,
      %add3A_1051 = arith.constant 11 : i32
      %add3A_1052 = arith.addi %mul3A_386, %add3A_1051 : i32
      %swap3A_1053 = arith.constant 1 : i32
      %swap3A_1054 = arith.index_cast %swap3A_1053 : i32 to index
      %swap3A_1055 = arith.index_cast %add3A_1052 : i32 to index
      %swap3A_1056 = arith.constant 112 : index
      %swap3A_1057 = tpu.vector_load %arg7[%swap3A_1054, %swap3A_1055, %swap3A_1056] {strides = array<i32>} : memref<2x256x128xf32, #tpu.memory_space<vmem>>, vector<16xf32>,
      tpu.vector_store %arg7[%swap3A_1054, %swap3A_1055, %swap3A_1056], %broadcast_in_dim3A_141 {strides = array<i32>} : memref<2x256x128xf32, #tpu.memory_space<vmem>>, vector<16xf32>,
      %add3A_1058 = arith.constant 12 : i32
      %add3A_1059 = arith.addi %mul3A_386, %add3A_1058 : i32
      %swap3A_1060 = arith.constant 1 : i32
      %swap3A_1061 = arith.index_cast %swap3A_1060 : i32 to index
      %swap3A_1062 = arith.index_cast %add3A_1059 : i32 to index
      %swap3A_1063 = arith.constant 0 : index
      %swap3A_1064 = tpu.vector_load %arg7[%swap3A_1061, %swap3A_1062, %swap3A_1063] {strides = array<i32>} : memref<2x256x128xf32, #tpu.memory_space<vmem>>, vector<16xf32>,
      tpu.vector_store %arg7[%swap3A_1061, %swap3A_1062, %swap3A_1063], %broadcast_in_dim3A_141 {strides = array<i32>} : memref<2x256x128xf32, #tpu.memory_space<vmem>>, vector<16xf32>,
      %add3A_1065 = arith.constant 12 : i32
      %add3A_1066 = arith.addi %mul3A_386, %add3A_1065 : i32
      %swap3A_1067 = arith.constant 1 : i32
      %swap3A_1068 = arith.index_cast %swap3A_1067 : i32 to index
      %swap3A_1069 = arith.index_cast %add3A_1066 : i32 to index
      %swap3A_1070 = arith.constant 16 : index
      %swap3A_1071 = tpu.vector_load %arg7[%swap3A_1068, %swap3A_1069, %swap3A_1070] {strides = array<i32>} : memref<2x256x128xf32, #tpu.memory_space<vmem>>, vector<16xf32>,
      tpu.vector_store %arg7[%swap3A_1068, %swap3A_1069, %swap3A_1070], %broadcast_in_dim3A_141 {strides = array<i32>} : memref<2x256x128xf32, #tpu.memory_space<vmem>>, vector<16xf32>,
      %add3A_1072 = arith.constant 12 : i32
      %add3A_1073 = arith.addi %mul3A_386, %add3A_1072 : i32
      %swap3A_1074 = arith.constant 1 : i32
      %swap3A_1075 = arith.index_cast %swap3A_1074 : i32 to index
      %swap3A_1076 = arith.index_cast %add3A_1073 : i32 to index
      %swap3A_1077 = arith.constant 32 : index
      %swap3A_1078 = tpu.vector_load %arg7[%swap3A_1075, %swap3A_1076, %swap3A_1077] {strides = array<i32>} : memref<2x256x128xf32, #tpu.memory_space<vmem>>, vector<16xf32>,
      tpu.vector_store %arg7[%swap3A_1075, %swap3A_1076, %swap3A_1077], %broadcast_in_dim3A_141 {strides = array<i32>} : memref<2x256x128xf32, #tpu.memory_space<vmem>>, vector<16xf32>,
      %add3A_1079 = arith.constant 12 : i32
      %add3A_1080 = arith.addi %mul3A_386, %add3A_1079 : i32
      %swap3A_1081 = arith.constant 1 : i32
      %swap3A_1082 = arith.index_cast %swap3A_1081 : i32 to index
      %swap3A_1083 = arith.index_cast %add3A_1080 : i32 to index
      %swap3A_1084 = arith.constant 48 : index
      %swap3A_1085 = tpu.vector_load %arg7[%swap3A_1082, %swap3A_1083, %swap3A_1084] {strides = array<i32>} : memref<2x256x128xf32, #tpu.memory_space<vmem>>, vector<16xf32>,
      tpu.vector_store %arg7[%swap3A_1082, %swap3A_1083, %swap3A_1084], %broadcast_in_dim3A_141 {strides = array<i32>} : memref<2x256x128xf32, #tpu.memory_space<vmem>>, vector<16xf32>,
      %add3A_1086 = arith.constant 12 : i32
      %add3A_1087 = arith.addi %mul3A_386, %add3A_1086 : i32
      %swap3A_1088 = arith.constant 1 : i32
      %swap3A_1089 = arith.index_cast %swap3A_1088 : i32 to index
      %swap3A_1090 = arith.index_cast %add3A_1087 : i32 to index
      %swap3A_1091 = arith.constant 64 : index
      %swap3A_1092 = tpu.vector_load %arg7[%swap3A_1089, %swap3A_1090, %swap3A_1091] {strides = array<i32>} : memref<2x256x128xf32, #tpu.memory_space<vmem>>, vector<16xf32>,
      tpu.vector_store %arg7[%swap3A_1089, %swap3A_1090, %swap3A_1091], %broadcast_in_dim3A_141 {strides = array<i32>} : memref<2x256x128xf32, #tpu.memory_space<vmem>>, vector<16xf32>,
      %add3A_1093 = arith.constant 12 : i32
      %add3A_1094 = arith.addi %mul3A_386, %add3A_1093 : i32
      %swap3A_1095 = arith.constant 1 : i32
      %swap3A_1096 = arith.index_cast %swap3A_1095 : i32 to index
      %swap3A_1097 = arith.index_cast %add3A_1094 : i32 to index
      %swap3A_1098 = arith.constant 80 : index
      %swap3A_1099 = tpu.vector_load %arg7[%swap3A_1096, %swap3A_1097, %swap3A_1098] {strides = array<i32>} : memref<2x256x128xf32, #tpu.memory_space<vmem>>, vector<16xf32>,
      tpu.vector_store %arg7[%swap3A_1096, %swap3A_1097, %swap3A_1098], %broadcast_in_dim3A_141 {strides = array<i32>} : memref<2x256x128xf32, #tpu.memory_space<vmem>>, vector<16xf32>,
      %add3A_1100 = arith.constant 12 : i32
      %add3A_1101 = arith.addi %mul3A_386, %add3A_1100 : i32
      %swap3A_1102 = arith.constant 1 : i32
      %swap3A_1103 = arith.index_cast %swap3A_1102 : i32 to index
      %swap3A_1104 = arith.index_cast %add3A_1101 : i32 to index
      %swap3A_1105 = arith.constant 96 : index
      %swap3A_1106 = tpu.vector_load %arg7[%swap3A_1103, %swap3A_1104, %swap3A_1105] {strides = array<i32>} : memref<2x256x128xf32, #tpu.memory_space<vmem>>, vector<16xf32>,
      tpu.vector_store %arg7[%swap3A_1103, %swap3A_1104, %swap3A_1105], %broadcast_in_dim3A_141 {strides = array<i32>} : memref<2x256x128xf32, #tpu.memory_space<vmem>>, vector<16xf32>,
      %add3A_1107 = arith.constant 12 : i32
      %add3A_1108 = arith.addi %mul3A_386, %add3A_1107 : i32
      %swap3A_1109 = arith.constant 1 : i32
      %swap3A_1110 = arith.index_cast %swap3A_1109 : i32 to index
      %swap3A_1111 = arith.index_cast %add3A_1108 : i32 to index
      %swap3A_1112 = arith.constant 112 : index
      %swap3A_1113 = tpu.vector_load %arg7[%swap3A_1110, %swap3A_1111, %swap3A_1112] {strides = array<i32>} : memref<2x256x128xf32, #tpu.memory_space<vmem>>, vector<16xf32>,
      tpu.vector_store %arg7[%swap3A_1110, %swap3A_1111, %swap3A_1112], %broadcast_in_dim3A_141 {strides = array<i32>} : memref<2x256x128xf32, #tpu.memory_space<vmem>>, vector<16xf32>,
      %add3A_1114 = arith.constant 13 : i32
      %add3A_1115 = arith.addi %mul3A_386, %add3A_1114 : i32
      %swap3A_1116 = arith.constant 1 : i32
      %swap3A_1117 = arith.index_cast %swap3A_1116 : i32 to index
      %swap3A_1118 = arith.index_cast %add3A_1115 : i32 to index
      %swap3A_1119 = arith.constant 0 : index
      %swap3A_1120 = tpu.vector_load %arg7[%swap3A_1117, %swap3A_1118, %swap3A_1119] {strides = array<i32>} : memref<2x256x128xf32, #tpu.memory_space<vmem>>, vector<16xf32>,
      tpu.vector_store %arg7[%swap3A_1117, %swap3A_1118, %swap3A_1119], %broadcast_in_dim3A_141 {strides = array<i32>} : memref<2x256x128xf32, #tpu.memory_space<vmem>>, vector<16xf32>,
      %add3A_1121 = arith.constant 13 : i32
      %add3A_1122 = arith.addi %mul3A_386, %add3A_1121 : i32
      %swap3A_1123 = arith.constant 1 : i32
      %swap3A_1124 = arith.index_cast %swap3A_1123 : i32 to index
      %swap3A_1125 = arith.index_cast %add3A_1122 : i32 to index
      %swap3A_1126 = arith.constant 16 : index
      %swap3A_1127 = tpu.vector_load %arg7[%swap3A_1124, %swap3A_1125, %swap3A_1126] {strides = array<i32>} : memref<2x256x128xf32, #tpu.memory_space<vmem>>, vector<16xf32>,
      tpu.vector_store %arg7[%swap3A_1124, %swap3A_1125, %swap3A_1126], %broadcast_in_dim3A_141 {strides = array<i32>} : memref<2x256x128xf32, #tpu.memory_space<vmem>>, vector<16xf32>,
      %add3A_1128 = arith.constant 13 : i32
      %add3A_1129 = arith.addi %mul3A_386, %add3A_1128 : i32
      %swap3A_1130 = arith.constant 1 : i32
      %swap3A_1131 = arith.index_cast %swap3A_1130 : i32 to index
      %swap3A_1132 = arith.index_cast %add3A_1129 : i32 to index
      %swap3A_1133 = arith.constant 32 : index
      %swap3A_1134 = tpu.vector_load %arg7[%swap3A_1131, %swap3A_1132, %swap3A_1133] {strides = array<i32>} : memref<2x256x128xf32, #tpu.memory_space<vmem>>, vector<16xf32>,
      tpu.vector_store %arg7[%swap3A_1131, %swap3A_1132, %swap3A_1133], %broadcast_in_dim3A_141 {strides = array<i32>} : memref<2x256x128xf32, #tpu.memory_space<vmem>>, vector<16xf32>,
      %add3A_1135 = arith.constant 13 : i32
      %add3A_1136 = arith.addi %mul3A_386, %add3A_1135 : i32
      %swap3A_1137 = arith.constant 1 : i32
      %swap3A_1138 = arith.index_cast %swap3A_1137 : i32 to index
      %swap3A_1139 = arith.index_cast %add3A_1136 : i32 to index
      %swap3A_1140 = arith.constant 48 : index
      %swap3A_1141 = tpu.vector_load %arg7[%swap3A_1138, %swap3A_1139, %swap3A_1140] {strides = array<i32>} : memref<2x256x128xf32, #tpu.memory_space<vmem>>, vector<16xf32>,
      tpu.vector_store %arg7[%swap3A_1138, %swap3A_1139, %swap3A_1140], %broadcast_in_dim3A_141 {strides = array<i32>} : memref<2x256x128xf32, #tpu.memory_space<vmem>>, vector<16xf32>,
      %add3A_1142 = arith.constant 13 : i32
      %add3A_1143 = arith.addi %mul3A_386, %add3A_1142 : i32
      %swap3A_1144 = arith.constant 1 : i32
      %swap3A_1145 = arith.index_cast %swap3A_1144 : i32 to index
      %swap3A_1146 = arith.index_cast %add3A_1143 : i32 to index
      %swap3A_1147 = arith.constant 64 : index
      %swap3A_1148 = tpu.vector_load %arg7[%swap3A_1145, %swap3A_1146, %swap3A_1147] {strides = array<i32>} : memref<2x256x128xf32, #tpu.memory_space<vmem>>, vector<16xf32>,
      tpu.vector_store %arg7[%swap3A_1145, %swap3A_1146, %swap3A_1147], %broadcast_in_dim3A_141 {strides = array<i32>} : memref<2x256x128xf32, #tpu.memory_space<vmem>>, vector<16xf32>,
      %add3A_1149 = arith.constant 13 : i32
      %add3A_1150 = arith.addi %mul3A_386, %add3A_1149 : i32
      %swap3A_1151 = arith.constant 1 : i32
      %swap3A_1152 = arith.index_cast %swap3A_1151 : i32 to index
      %swap3A_1153 = arith.index_cast %add3A_1150 : i32 to index
      %swap3A_1154 = arith.constant 80 : index
      %swap3A_1155 = tpu.vector_load %arg7[%swap3A_1152, %swap3A_1153, %swap3A_1154] {strides = array<i32>} : memref<2x256x128xf32, #tpu.memory_space<vmem>>, vector<16xf32>,
      tpu.vector_store %arg7[%swap3A_1152, %swap3A_1153, %swap3A_1154], %broadcast_in_dim3A_141 {strides = array<i32>} : memref<2x256x128xf32, #tpu.memory_space<vmem>>, vector<16xf32>,
      %add3A_1156 = arith.constant 13 : i32
      %add3A_1157 = arith.addi %mul3A_386, %add3A_1156 : i32
      %swap3A_1158 = arith.constant 1 : i32
      %swap3A_1159 = arith.index_cast %swap3A_1158 : i32 to index
      %swap3A_1160 = arith.index_cast %add3A_1157 : i32 to index
      %swap3A_1161 = arith.constant 96 : index
      %swap3A_1162 = tpu.vector_load %arg7[%swap3A_1159, %swap3A_1160, %swap3A_1161] {strides = array<i32>} : memref<2x256x128xf32, #tpu.memory_space<vmem>>, vector<16xf32>,
      tpu.vector_store %arg7[%swap3A_1159, %swap3A_1160, %swap3A_1161], %broadcast_in_dim3A_141 {strides = array<i32>} : memref<2x256x128xf32, #tpu.memory_space<vmem>>, vector<16xf32>,
      %add3A_1163 = arith.constant 13 : i32
      %add3A_1164 = arith.addi %mul3A_386, %add3A_1163 : i32
      %swap3A_1165 = arith.constant 1 : i32
      %swap3A_1166 = arith.index_cast %swap3A_1165 : i32 to index
      %swap3A_1167 = arith.index_cast %add3A_1164 : i32 to index
      %swap3A_1168 = arith.constant 112 : index
      %swap3A_1169 = tpu.vector_load %arg7[%swap3A_1166, %swap3A_1167, %swap3A_1168] {strides = array<i32>} : memref<2x256x128xf32, #tpu.memory_space<vmem>>, vector<16xf32>,
      tpu.vector_store %arg7[%swap3A_1166, %swap3A_1167, %swap3A_1168], %broadcast_in_dim3A_141 {strides = array<i32>} : memref<2x256x128xf32, #tpu.memory_space<vmem>>, vector<16xf32>,
      %add3A_1170 = arith.constant 14 : i32
      %add3A_1171 = arith.addi %mul3A_386, %add3A_1170 : i32
      %swap3A_1172 = arith.constant 1 : i32
      %swap3A_1173 = arith.index_cast %swap3A_1172 : i32 to index
      %swap3A_1174 = arith.index_cast %add3A_1171 : i32 to index
      %swap3A_1175 = arith.constant 0 : index
      %swap3A_1176 = tpu.vector_load %arg7[%swap3A_1173, %swap3A_1174, %swap3A_1175] {strides = array<i32>} : memref<2x256x128xf32, #tpu.memory_space<vmem>>, vector<16xf32>,
      tpu.vector_store %arg7[%swap3A_1173, %swap3A_1174, %swap3A_1175], %broadcast_in_dim3A_141 {strides = array<i32>} : memref<2x256x128xf32, #tpu.memory_space<vmem>>, vector<16xf32>,
      %add3A_1177 = arith.constant 14 : i32
      %add3A_1178 = arith.addi %mul3A_386, %add3A_1177 : i32
      %swap3A_1179 = arith.constant 1 : i32
      %swap3A_1180 = arith.index_cast %swap3A_1179 : i32 to index
      %swap3A_1181 = arith.index_cast %add3A_1178 : i32 to index
      %swap3A_1182 = arith.constant 16 : index
      %swap3A_1183 = tpu.vector_load %arg7[%swap3A_1180, %swap3A_1181, %swap3A_1182] {strides = array<i32>} : memref<2x256x128xf32, #tpu.memory_space<vmem>>, vector<16xf32>,
      tpu.vector_store %arg7[%swap3A_1180, %swap3A_1181, %swap3A_1182], %broadcast_in_dim3A_141 {strides = array<i32>} : memref<2x256x128xf32, #tpu.memory_space<vmem>>, vector<16xf32>,
      %add3A_1184 = arith.constant 14 : i32
      %add3A_1185 = arith.addi %mul3A_386, %add3A_1184 : i32
      %swap3A_1186 = arith.constant 1 : i32
      %swap3A_1187 = arith.index_cast %swap3A_1186 : i32 to index
      %swap3A_1188 = arith.index_cast %add3A_1185 : i32 to index
      %swap3A_1189 = arith.constant 32 : index
      %swap3A_1190 = tpu.vector_load %arg7[%swap3A_1187, %swap3A_1188, %swap3A_1189] {strides = array<i32>} : memref<2x256x128xf32, #tpu.memory_space<vmem>>, vector<16xf32>,
      tpu.vector_store %arg7[%swap3A_1187, %swap3A_1188, %swap3A_1189], %broadcast_in_dim3A_141 {strides = array<i32>} : memref<2x256x128xf32, #tpu.memory_space<vmem>>, vector<16xf32>,
      %add3A_1191 = arith.constant 14 : i32
      %add3A_1192 = arith.addi %mul3A_386, %add3A_1191 : i32
      %swap3A_1193 = arith.constant 1 : i32
      %swap3A_1194 = arith.index_cast %swap3A_1193 : i32 to index
      %swap3A_1195 = arith.index_cast %add3A_1192 : i32 to index
      %swap3A_1196 = arith.constant 48 : index
      %swap3A_1197 = tpu.vector_load %arg7[%swap3A_1194, %swap3A_1195, %swap3A_1196] {strides = array<i32>} : memref<2x256x128xf32, #tpu.memory_space<vmem>>, vector<16xf32>,
      tpu.vector_store %arg7[%swap3A_1194, %swap3A_1195, %swap3A_1196], %broadcast_in_dim3A_141 {strides = array<i32>} : memref<2x256x128xf32, #tpu.memory_space<vmem>>, vector<16xf32>,
      %add3A_1198 = arith.constant 14 : i32
      %add3A_1199 = arith.addi %mul3A_386, %add3A_1198 : i32
      %swap3A_1200 = arith.constant 1 : i32
      %swap3A_1201 = arith.index_cast %swap3A_1200 : i32 to index
      %swap3A_1202 = arith.index_cast %add3A_1199 : i32 to index
      %swap3A_1203 = arith.constant 64 : index
      %swap3A_1204 = tpu.vector_load %arg7[%swap3A_1201, %swap3A_1202, %swap3A_1203] {strides = array<i32>} : memref<2x256x128xf32, #tpu.memory_space<vmem>>, vector<16xf32>,
      tpu.vector_store %arg7[%swap3A_1201, %swap3A_1202, %swap3A_1203], %broadcast_in_dim3A_141 {strides = array<i32>} : memref<2x256x128xf32, #tpu.memory_space<vmem>>, vector<16xf32>,
      %add3A_1205 = arith.constant 14 : i32
      %add3A_1206 = arith.addi %mul3A_386, %add3A_1205 : i32
      %swap3A_1207 = arith.constant 1 : i32
      %swap3A_1208 = arith.index_cast %swap3A_1207 : i32 to index
      %swap3A_1209 = arith.index_cast %add3A_1206 : i32 to index
      %swap3A_1210 = arith.constant 80 : index
      %swap3A_1211 = tpu.vector_load %arg7[%swap3A_1208, %swap3A_1209, %swap3A_1210] {strides = array<i32>} : memref<2x256x128xf32, #tpu.memory_space<vmem>>, vector<16xf32>,
      tpu.vector_store %arg7[%swap3A_1208, %swap3A_1209, %swap3A_1210], %broadcast_in_dim3A_141 {strides = array<i32>} : memref<2x256x128xf32, #tpu.memory_space<vmem>>, vector<16xf32>,
      %add3A_1212 = arith.constant 14 : i32
      %add3A_1213 = arith.addi %mul3A_386, %add3A_1212 : i32
      %swap3A_1214 = arith.constant 1 : i32
      %swap3A_1215 = arith.index_cast %swap3A_1214 : i32 to index
      %swap3A_1216 = arith.index_cast %add3A_1213 : i32 to index
      %swap3A_1217 = arith.constant 96 : index
      %swap3A_1218 = tpu.vector_load %arg7[%swap3A_1215, %swap3A_1216, %swap3A_1217] {strides = array<i32>} : memref<2x256x128xf32, #tpu.memory_space<vmem>>, vector<16xf32>,
      tpu.vector_store %arg7[%swap3A_1215, %swap3A_1216, %swap3A_1217], %broadcast_in_dim3A_141 {strides = array<i32>} : memref<2x256x128xf32, #tpu.memory_space<vmem>>, vector<16xf32>,
      %add3A_1219 = arith.constant 14 : i32
      %add3A_1220 = arith.addi %mul3A_386, %add3A_1219 : i32
      %swap3A_1221 = arith.constant 1 : i32
      %swap3A_1222 = arith.index_cast %swap3A_1221 : i32 to index
      %swap3A_1223 = arith.index_cast %add3A_1220 : i32 to index
      %swap3A_1224 = arith.constant 112 : index
      %swap3A_1225 = tpu.vector_load %arg7[%swap3A_1222, %swap3A_1223, %swap3A_1224] {strides = array<i32>} : memref<2x256x128xf32, #tpu.memory_space<vmem>>, vector<16xf32>,
      tpu.vector_store %arg7[%swap3A_1222, %swap3A_1223, %swap3A_1224], %broadcast_in_dim3A_141 {strides = array<i32>} : memref<2x256x128xf32, #tpu.memory_space<vmem>>, vector<16xf32>,
      %add3A_1226 = arith.constant 15 : i32
      %add3A_1227 = arith.addi %mul3A_386, %add3A_1226 : i32
      %swap3A_1228 = arith.constant 1 : i32
      %swap3A_1229 = arith.index_cast %swap3A_1228 : i32 to index
      %swap3A_1230 = arith.index_cast %add3A_1227 : i32 to index
      %swap3A_1231 = arith.constant 0 : index
      %swap3A_1232 = tpu.vector_load %arg7[%swap3A_1229, %swap3A_1230, %swap3A_1231] {strides = array<i32>} : memref<2x256x128xf32, #tpu.memory_space<vmem>>, vector<16xf32>,
      tpu.vector_store %arg7[%swap3A_1229, %swap3A_1230, %swap3A_1231], %broadcast_in_dim3A_141 {strides = array<i32>} : memref<2x256x128xf32, #tpu.memory_space<vmem>>, vector<16xf32>,
      %add3A_1233 = arith.constant 15 : i32
      %add3A_1234 = arith.addi %mul3A_386, %add3A_1233 : i32
      %swap3A_1235 = arith.constant 1 : i32
      %swap3A_1236 = arith.index_cast %swap3A_1235 : i32 to index
      %swap3A_1237 = arith.index_cast %add3A_1234 : i32 to index
      %swap3A_1238 = arith.constant 16 : index
      %swap3A_1239 = tpu.vector_load %arg7[%swap3A_1236, %swap3A_1237, %swap3A_1238] {strides = array<i32>} : memref<2x256x128xf32, #tpu.memory_space<vmem>>, vector<16xf32>,
      tpu.vector_store %arg7[%swap3A_1236, %swap3A_1237, %swap3A_1238], %broadcast_in_dim3A_141 {strides = array<i32>} : memref<2x256x128xf32, #tpu.memory_space<vmem>>, vector<16xf32>,
      %add3A_1240 = arith.constant 15 : i32
      %add3A_1241 = arith.addi %mul3A_386, %add3A_1240 : i32
      %swap3A_1242 = arith.constant 1 : i32
      %swap3A_1243 = arith.index_cast %swap3A_1242 : i32 to index
      %swap3A_1244 = arith.index_cast %add3A_1241 : i32 to index
      %swap3A_1245 = arith.constant 32 : index
      %swap3A_1246 = tpu.vector_load %arg7[%swap3A_1243, %swap3A_1244, %swap3A_1245] {strides = array<i32>} : memref<2x256x128xf32, #tpu.memory_space<vmem>>, vector<16xf32>,
      tpu.vector_store %arg7[%swap3A_1243, %swap3A_1244, %swap3A_1245], %broadcast_in_dim3A_141 {strides = array<i32>} : memref<2x256x128xf32, #tpu.memory_space<vmem>>, vector<16xf32>,
      %add3A_1247 = arith.constant 15 : i32
      %add3A_1248 = arith.addi %mul3A_386, %add3A_1247 : i32
      %swap3A_1249 = arith.constant 1 : i32
      %swap3A_1250 = arith.index_cast %swap3A_1249 : i32 to index
      %swap3A_1251 = arith.index_cast %add3A_1248 : i32 to index
      %swap3A_1252 = arith.constant 48 : index
      %swap3A_1253 = tpu.vector_load %arg7[%swap3A_1250, %swap3A_1251, %swap3A_1252] {strides = array<i32>} : memref<2x256x128xf32, #tpu.memory_space<vmem>>, vector<16xf32>,
      tpu.vector_store %arg7[%swap3A_1250, %swap3A_1251, %swap3A_1252], %broadcast_in_dim3A_141 {strides = array<i32>} : memref<2x256x128xf32, #tpu.memory_space<vmem>>, vector<16xf32>,
      %add3A_1254 = arith.constant 15 : i32
      %add3A_1255 = arith.addi %mul3A_386, %add3A_1254 : i32
      %swap3A_1256 = arith.constant 1 : i32
      %swap3A_1257 = arith.index_cast %swap3A_1256 : i32 to index
      %swap3A_1258 = arith.index_cast %add3A_1255 : i32 to index
      %swap3A_1259 = arith.constant 64 : index
      %swap3A_1260 = tpu.vector_load %arg7[%swap3A_1257, %swap3A_1258, %swap3A_1259] {strides = array<i32>} : memref<2x256x128xf32, #tpu.memory_space<vmem>>, vector<16xf32>,
      tpu.vector_store %arg7[%swap3A_1257, %swap3A_1258, %swap3A_1259], %broadcast_in_dim3A_141 {strides = array<i32>} : memref<2x256x128xf32, #tpu.memory_space<vmem>>, vector<16xf32>,
      %add3A_1261 = arith.constant 15 : i32
      %add3A_1262 = arith.addi %mul3A_386, %add3A_1261 : i32
      %swap3A_1263 = arith.constant 1 : i32
      %swap3A_1264 = arith.index_cast %swap3A_1263 : i32 to index
      %swap3A_1265 = arith.index_cast %add3A_1262 : i32 to index
      %swap3A_1266 = arith.constant 80 : index
      %swap3A_1267 = tpu.vector_load %arg7[%swap3A_1264, %swap3A_1265, %swap3A_1266] {strides = array<i32>} : memref<2x256x128xf32, #tpu.memory_space<vmem>>, vector<16xf32>,
      tpu.vector_store %arg7[%swap3A_1264, %swap3A_1265, %swap3A_1266], %broadcast_in_dim3A_141 {strides = array<i32>} : memref<2x256x128xf32, #tpu.memory_space<vmem>>, vector<16xf32>,
      %add3A_1268 = arith.constant 15 : i32
      %add3A_1269 = arith.addi %mul3A_386, %add3A_1268 : i32
      %swap3A_1270 = arith.constant 1 : i32
      %swap3A_1271 = arith.index_cast %swap3A_1270 : i32 to index
      %swap3A_1272 = arith.index_cast %add3A_1269 : i32 to index
      %swap3A_1273 = arith.constant 96 : index
      %swap3A_1274 = tpu.vector_load %arg7[%swap3A_1271, %swap3A_1272, %swap3A_1273] {strides = array<i32>} : memref<2x256x128xf32, #tpu.memory_space<vmem>>, vector<16xf32>,
      tpu.vector_store %arg7[%swap3A_1271, %swap3A_1272, %swap3A_1273], %broadcast_in_dim3A_141 {strides = array<i32>} : memref<2x256x128xf32, #tpu.memory_space<vmem>>, vector<16xf32>,
      %add3A_1275 = arith.constant 15 : i32
      %add3A_1276 = arith.addi %mul3A_386, %add3A_1275 : i32
      %swap3A_1277 = arith.constant 1 : i32
      %swap3A_1278 = arith.index_cast %swap3A_1277 : i32 to index
      %swap3A_1279 = arith.index_cast %add3A_1276 : i32 to index
      %swap3A_1280 = arith.constant 112 : index
      %swap3A_1281 = tpu.vector_load %arg7[%swap3A_1278, %swap3A_1279, %swap3A_1280] {strides = array<i32>} : memref<2x256x128xf32, #tpu.memory_space<vmem>>, vector<16xf32>,
      tpu.vector_store %arg7[%swap3A_1278, %swap3A_1279, %swap3A_1280], %broadcast_in_dim3A_141 {strides = array<i32>} : memref<2x256x128xf32, #tpu.memory_space<vmem>>, vector<16xf32>,
      %get3A_1282 = arith.constant 1 : i32
      %get3A_1283 = arith.constant 0 : i32
      %get3A_1284 = arith.index_cast %get3A_1282 : i32 to index
      %get3A_1285 = arith.index_cast %get3A_1283 : i32 to index
      %get3A_1286 = arith.index_cast %mul3A_386 : i32 to index
      %get3A_1287 = tpu.vector_load %arg5[%get3A_1284, %get3A_1285, %get3A_1286] {strides = array<i32>} : memref<4x16x256xi32, #tpu.memory_space<vmem>>, vector<16xi32>,
      %get3A_1288 = arith.constant 1 : i32
      %get3A_1289 = arith.constant 1 : i32
      %get3A_1290 = arith.index_cast %get3A_1288 : i32 to index
      %get3A_1291 = arith.index_cast %get3A_1289 : i32 to index
      %get3A_1292 = arith.index_cast %mul3A_386 : i32 to index
      %get3A_1293 = tpu.vector_load %arg5[%get3A_1290, %get3A_1291, %get3A_1292] {strides = array<i32>} : memref<4x16x256xi32, #tpu.memory_space<vmem>>, vector<16xi32>,
      %get3A_1294 = arith.constant 1 : i32
      %get3A_1295 = arith.constant 2 : i32
      %get3A_1296 = arith.index_cast %get3A_1294 : i32 to index
      %get3A_1297 = arith.index_cast %get3A_1295 : i32 to index
      %get3A_1298 = arith.index_cast %mul3A_386 : i32 to index
      %get3A_1299 = tpu.vector_load %arg5[%get3A_1296, %get3A_1297, %get3A_1298] {strides = array<i32>} : memref<4x16x256xi32, #tpu.memory_space<vmem>>, vector<16xi32>,
      %get3A_1300 = arith.constant 1 : i32
      %get3A_1301 = arith.constant 3 : i32
      %get3A_1302 = arith.index_cast %get3A_1300 : i32 to index
      %get3A_1303 = arith.index_cast %get3A_1301 : i32 to index
      %get3A_1304 = arith.index_cast %mul3A_386 : i32 to index
      %get3A_1305 = tpu.vector_load %arg5[%get3A_1302, %get3A_1303, %get3A_1304] {strides = array<i32>} : memref<4x16x256xi32, #tpu.memory_space<vmem>>, vector<16xi32>,
      %get3A_1306 = arith.constant 1 : i32
      %get3A_1307 = arith.constant 4 : i32
      %get3A_1308 = arith.index_cast %get3A_1306 : i32 to index
      %get3A_1309 = arith.index_cast %get3A_1307 : i32 to index
      %get3A_1310 = arith.index_cast %mul3A_386 : i32 to index
      %get3A_1311 = tpu.vector_load %arg5[%get3A_1308, %get3A_1309, %get3A_1310] {strides = array<i32>} : memref<4x16x256xi32, #tpu.memory_space<vmem>>, vector<16xi32>,
      %get3A_1312 = arith.constant 1 : i32
      %get3A_1313 = arith.constant 5 : i32
      %get3A_1314 = arith.index_cast %get3A_1312 : i32 to index
      %get3A_1315 = arith.index_cast %get3A_1313 : i32 to index
      %get3A_1316 = arith.index_cast %mul3A_386 : i32 to index
      %get3A_1317 = tpu.vector_load %arg5[%get3A_1314, %get3A_1315, %get3A_1316] {strides = array<i32>} : memref<4x16x256xi32, #tpu.memory_space<vmem>>, vector<16xi32>,
      %get3A_1318 = arith.constant 1 : i32
      %get3A_1319 = arith.constant 6 : i32
      %get3A_1320 = arith.index_cast %get3A_1318 : i32 to index
      %get3A_1321 = arith.index_cast %get3A_1319 : i32 to index
      %get3A_1322 = arith.index_cast %mul3A_386 : i32 to index
      %get3A_1323 = tpu.vector_load %arg5[%get3A_1320, %get3A_1321, %get3A_1322] {strides = array<i32>} : memref<4x16x256xi32, #tpu.memory_space<vmem>>, vector<16xi32>,
      %get3A_1324 = arith.constant 1 : i32
      %get3A_1325 = arith.constant 7 : i32
      %get3A_1326 = arith.index_cast %get3A_1324 : i32 to index
      %get3A_1327 = arith.index_cast %get3A_1325 : i32 to index
      %get3A_1328 = arith.index_cast %mul3A_386 : i32 to index
      %get3A_1329 = tpu.vector_load %arg5[%get3A_1326, %get3A_1327, %get3A_1328] {strides = array<i32>} : memref<4x16x256xi32, #tpu.memory_space<vmem>>, vector<16xi32>,
      %get3A_1330 = arith.constant 1 : i32
      %get3A_1331 = arith.constant 8 : i32
      %get3A_1332 = arith.index_cast %get3A_1330 : i32 to index
      %get3A_1333 = arith.index_cast %get3A_1331 : i32 to index
      %get3A_1334 = arith.index_cast %mul3A_386 : i32 to index
      %get3A_1335 = tpu.vector_load %arg5[%get3A_1332, %get3A_1333, %get3A_1334] {strides = array<i32>} : memref<4x16x256xi32, #tpu.memory_space<vmem>>, vector<16xi32>,
      %get3A_1336 = arith.constant 1 : i32
      %get3A_1337 = arith.constant 9 : i32
      %get3A_1338 = arith.index_cast %get3A_1336 : i32 to index
      %get3A_1339 = arith.index_cast %get3A_1337 : i32 to index
      %get3A_1340 = arith.index_cast %mul3A_386 : i32 to index
      %get3A_1341 = tpu.vector_load %arg5[%get3A_1338, %get3A_1339, %get3A_1340] {strides = array<i32>} : memref<4x16x256xi32, #tpu.memory_space<vmem>>, vector<16xi32>,
      %get3A_1342 = arith.constant 1 : i32
      %get3A_1343 = arith.constant 10 : i32
      %get3A_1344 = arith.index_cast %get3A_1342 : i32 to index
      %get3A_1345 = arith.index_cast %get3A_1343 : i32 to index
      %get3A_1346 = arith.index_cast %mul3A_386 : i32 to index
      %get3A_1347 = tpu.vector_load %arg5[%get3A_1344, %get3A_1345, %get3A_1346] {strides = array<i32>} : memref<4x16x256xi32, #tpu.memory_space<vmem>>, vector<16xi32>,
      %get3A_1348 = arith.constant 1 : i32
      %get3A_1349 = arith.constant 11 : i32
      %get3A_1350 = arith.index_cast %get3A_1348 : i32 to index
      %get3A_1351 = arith.index_cast %get3A_1349 : i32 to index
      %get3A_1352 = arith.index_cast %mul3A_386 : i32 to index
      %get3A_1353 = tpu.vector_load %arg5[%get3A_1350, %get3A_1351, %get3A_1352] {strides = array<i32>} : memref<4x16x256xi32, #tpu.memory_space<vmem>>, vector<16xi32>,
      %get3A_1354 = arith.constant 1 : i32
      %get3A_1355 = arith.constant 12 : i32
      %get3A_1356 = arith.index_cast %get3A_1354 : i32 to index
      %get3A_1357 = arith.index_cast %get3A_1355 : i32 to index
      %get3A_1358 = arith.index_cast %mul3A_386 : i32 to index
      %get3A_1359 = tpu.vector_load %arg5[%get3A_1356, %get3A_1357, %get3A_1358] {strides = array<i32>} : memref<4x16x256xi32, #tpu.memory_space<vmem>>, vector<16xi32>,
      %get3A_1360 = arith.constant 1 : i32
      %get3A_1361 = arith.constant 13 : i32
      %get3A_1362 = arith.index_cast %get3A_1360 : i32 to index
      %get3A_1363 = arith.index_cast %get3A_1361 : i32 to index
      %get3A_1364 = arith.index_cast %mul3A_386 : i32 to index
      %get3A_1365 = tpu.vector_load %arg5[%get3A_1362, %get3A_1363, %get3A_1364] {strides = array<i32>} : memref<4x16x256xi32, #tpu.memory_space<vmem>>, vector<16xi32>,
      %get3A_1366 = arith.constant 1 : i32
      %get3A_1367 = arith.constant 14 : i32
      %get3A_1368 = arith.index_cast %get3A_1366 : i32 to index
      %get3A_1369 = arith.index_cast %get3A_1367 : i32 to index
      %get3A_1370 = arith.index_cast %mul3A_386 : i32 to index
      %get3A_1371 = tpu.vector_load %arg5[%get3A_1368, %get3A_1369, %get3A_1370] {strides = array<i32>} : memref<4x16x256xi32, #tpu.memory_space<vmem>>, vector<16xi32>,
      %get3A_1372 = arith.constant 1 : i32
      %get3A_1373 = arith.constant 15 : i32
      %get3A_1374 = arith.index_cast %get3A_1372 : i32 to index
      %get3A_1375 = arith.index_cast %get3A_1373 : i32 to index
      %get3A_1376 = arith.index_cast %mul3A_386 : i32 to index
      %get3A_1377 = tpu.vector_load %arg5[%get3A_1374, %get3A_1375, %get3A_1376] {strides = array<i32>} : memref<4x16x256xi32, #tpu.memory_space<vmem>>, vector<16xi32>,
      %add3A_1378 = vector.broadcast %mul3A_386 : i32 to vector<16xi32>
      %add3A_1379 = arith.addi %iota3A, %add3A_1378 : vector<16xi32>
      tpu.vector_store_idx %arg7[%broadcast_in_dim3A_202, %add3A_1379, %get3A_1287], %get3A_80 {add = true} : memref<2x256x128xf32, #tpu.memory_space<vmem>>[vector<16xi32>, vector<16xi32>, vector<16xi32>], vector<16xf32>,
      tpu.vector_store_idx %arg7[%broadcast_in_dim3A_202, %add3A_1379, %get3A_1293], %get3A_84 {add = true} : memref<2x256x128xf32, #tpu.memory_space<vmem>>[vector<16xi32>, vector<16xi32>, vector<16xi32>], vector<16xf32>,
      tpu.vector_store_idx %arg7[%broadcast_in_dim3A_202, %add3A_1379, %get3A_1299], %get3A_88 {add = true} : memref<2x256x128xf32, #tpu.memory_space<vmem>>[vector<16xi32>, vector<16xi32>, vector<16xi32>], vector<16xf32>,
      tpu.vector_store_idx %arg7[%broadcast_in_dim3A_202, %add3A_1379, %get3A_1305], %get3A_92 {add = true} : memref<2x256x128xf32, #tpu.memory_space<vmem>>[vector<16xi32>, vector<16xi32>, vector<16xi32>], vector<16xf32>,
      tpu.vector_store_idx %arg7[%broadcast_in_dim3A_202, %add3A_1379, %get3A_1311], %get3A_96 {add = true} : memref<2x256x128xf32, #tpu.memory_space<vmem>>[vector<16xi32>, vector<16xi32>, vector<16xi32>], vector<16xf32>,
      tpu.vector_store_idx %arg7[%broadcast_in_dim3A_202, %add3A_1379, %get3A_1317], %get3A_100 {add = true} : memref<2x256x128xf32, #tpu.memory_space<vmem>>[vector<16xi32>, vector<16xi32>, vector<16xi32>], vector<16xf32>,
      tpu.vector_store_idx %arg7[%broadcast_in_dim3A_202, %add3A_1379, %get3A_1323], %get3A_104 {add = true} : memref<2x256x128xf32, #tpu.memory_space<vmem>>[vector<16xi32>, vector<16xi32>, vector<16xi32>], vector<16xf32>,
      tpu.vector_store_idx %arg7[%broadcast_in_dim3A_202, %add3A_1379, %get3A_1329], %get3A_108 {add = true} : memref<2x256x128xf32, #tpu.memory_space<vmem>>[vector<16xi32>, vector<16xi32>, vector<16xi32>], vector<16xf32>,
      tpu.vector_store_idx %arg7[%broadcast_in_dim3A_202, %add3A_1379, %get3A_1335], %get3A_112 {add = true} : memref<2x256x128xf32, #tpu.memory_space<vmem>>[vector<16xi32>, vector<16xi32>, vector<16xi32>], vector<16xf32>,
      tpu.vector_store_idx %arg7[%broadcast_in_dim3A_202, %add3A_1379, %get3A_1341], %get3A_116 {add = true} : memref<2x256x128xf32, #tpu.memory_space<vmem>>[vector<16xi32>, vector<16xi32>, vector<16xi32>], vector<16xf32>,
      tpu.vector_store_idx %arg7[%broadcast_in_dim3A_202, %add3A_1379, %get3A_1347], %get3A_120 {add = true} : memref<2x256x128xf32, #tpu.memory_space<vmem>>[vector<16xi32>, vector<16xi32>, vector<16xi32>], vector<16xf32>,
      tpu.vector_store_idx %arg7[%broadcast_in_dim3A_202, %add3A_1379, %get3A_1353], %get3A_124 {add = true} : memref<2x256x128xf32, #tpu.memory_space<vmem>>[vector<16xi32>, vector<16xi32>, vector<16xi32>], vector<16xf32>,
      tpu.vector_store_idx %arg7[%broadcast_in_dim3A_202, %add3A_1379, %get3A_1359], %get3A_128 {add = true} : memref<2x256x128xf32, #tpu.memory_space<vmem>>[vector<16xi32>, vector<16xi32>, vector<16xi32>], vector<16xf32>,
      tpu.vector_store_idx %arg7[%broadcast_in_dim3A_202, %add3A_1379, %get3A_1365], %get3A_132 {add = true} : memref<2x256x128xf32, #tpu.memory_space<vmem>>[vector<16xi32>, vector<16xi32>, vector<16xi32>], vector<16xf32>,
      tpu.vector_store_idx %arg7[%broadcast_in_dim3A_202, %add3A_1379, %get3A_1371], %get3A_136 {add = true} : memref<2x256x128xf32, #tpu.memory_space<vmem>>[vector<16xi32>, vector<16xi32>, vector<16xi32>], vector<16xf32>,
      tpu.vector_store_idx %arg7[%broadcast_in_dim3A_202, %add3A_1379, %get3A_1377], %get3A_140 {add = true} : memref<2x256x128xf32, #tpu.memory_space<vmem>>[vector<16xi32>, vector<16xi32>, vector<16xi32>], vector<16xf32>,
    }
    %scan3A_208 = arith.constant 16 : i32
    %add3A_209 = arith.constant 1 : i32
    %add3A_210 = arith.addi %mul3A_2, %add3A_209 : i32
    %dma_start3A_211 = arith.constant 1 : i32
    %dma_start3A_212 = arith.constant 0 : i32
    %dma_start3A_213 = arith.constant 0 : i32
    %dma_start3A_214 = tpu.memref_slice %arg7[%dma_start3A_211, %dma_start3A_212, %dma_start3A_213] : memref<2x256x128xf32, #tpu.memory_space<vmem>> -> memref<1x256x128xf32, #tpu.memory_space<vmem>>
    %dma_start3A_215 = tpu.memref_squeeze %dma_start3A_214 : memref<1x256x128xf32, #tpu.memory_space<vmem>> -> memref<256x128xf32, #tpu.memory_space<vmem>>
    %dma_start3A_216 = arith.constant 0 : i32
    %dma_start3A_217 = arith.constant 0 : i32
    %dma_start3A_218 = tpu.memref_slice %arg4[%add3A_210, %dma_start3A_216, %dma_start3A_217] : memref<64x256x128xf32, #tpu.memory_space<hbm>> -> memref<1x256x128xf32, #tpu.memory_space<hbm>>
    %dma_start3A_219 = tpu.memref_squeeze %dma_start3A_218 : memref<1x256x128xf32, #tpu.memory_space<hbm>> -> memref<256x128xf32, #tpu.memory_space<hbm>>
    %dma_start3A_220 = arith.constant 0 : i32
    %dma_start3A_221 = arith.constant 0 : i32
    %dma_start3A_222 = tpu.memref_slice %arg4[%add3A_210, %dma_start3A_220, %dma_start3A_221] : memref<64x256x128xf32, #tpu.memory_space<hbm>> -> memref<1x256x128xf32, #tpu.memory_space<hbm>>
    %dma_start3A_223 = tpu.memref_squeeze %dma_start3A_222 : memref<1x256x128xf32, #tpu.memory_space<hbm>> -> memref<256x128xf32, #tpu.memory_space<hbm>>
    %dma_start3A_224 = arith.constant 0 : i32
    %dma_start3A_225 = arith.constant 0 : i32
    %dma_start3A_226 = tpu.memref_slice %arg7[%dma_start3A_211, %dma_start3A_224, %dma_start3A_225] : memref<2x256x128xf32, #tpu.memory_space<vmem>> -> memref<1x256x128xf32, #tpu.memory_space<vmem>>
    %dma_start3A_227 = tpu.memref_squeeze %dma_start3A_226 : memref<1x256x128xf32, #tpu.memory_space<vmem>> -> memref<256x128xf32, #tpu.memory_space<vmem>>
    tpu.enqueue_dma source(%dma_start3A_227 : memref<256x128xf32, #tpu.memory_space<vmem>>) target(%dma_start3A_223 : memref<256x128xf32, #tpu.memory_space<hbm>>) target_semaphore(%arg9 : memref<!tpu.dma_semaphore, #tpu.memory_space<semaphore_mem>>)
    %dma_wait3A_228 = arith.constant 2 : i32
    %dma_wait3A_229 = arith.constant 0 : i32
    %dma_wait3A_230 = arith.constant 0 : i32
    %dma_wait3A_231 = tpu.memref_slice %arg5[%dma_wait3A_228, %dma_wait3A_229, %dma_wait3A_230] : memref<4x16x256xi32, #tpu.memory_space<vmem>> -> memref<1x16x256xi32, #tpu.memory_space<vmem>>
    %dma_wait3A_232 = tpu.memref_squeeze %dma_wait3A_231 : memref<1x16x256xi32, #tpu.memory_space<vmem>> -> memref<16x256xi32, #tpu.memory_space<vmem>>
    %dma_wait3A_233 = arith.constant 0 : i32
    %dma_wait3A_234 = arith.constant 0 : i32
    %dma_wait3A_235 = tpu.memref_slice %arg2[%add3A_41, %dma_wait3A_233, %dma_wait3A_234] : memref<64x16x256xi32, #tpu.memory_space<hbm>> -> memref<1x16x256xi32, #tpu.memory_space<hbm>>
    %dma_wait3A_236 = tpu.memref_squeeze %dma_wait3A_235 : memref<1x16x256xi32, #tpu.memory_space<hbm>> -> memref<16x256xi32, #tpu.memory_space<hbm>>
    %dma_wait3A_237 = arith.constant 0 : i32
    %dma_wait3A_238 = arith.constant 0 : i32
    %dma_wait3A_239 = tpu.memref_slice %arg5[%dma_wait3A_228, %dma_wait3A_237, %dma_wait3A_238] : memref<4x16x256xi32, #tpu.memory_space<vmem>> -> memref<1x16x256xi32, #tpu.memory_space<vmem>>
    %dma_wait3A_240 = tpu.memref_squeeze %dma_wait3A_239 : memref<1x16x256xi32, #tpu.memory_space<vmem>> -> memref<16x256xi32, #tpu.memory_space<vmem>>
    %dma_wait3A_241 = arith.constant 0 : i32
    %dma_wait3A_242 = arith.constant 0 : i32
    %dma_wait3A_243 = tpu.memref_slice %arg2[%add3A_41, %dma_wait3A_241, %dma_wait3A_242] : memref<64x16x256xi32, #tpu.memory_space<hbm>> -> memref<1x16x256xi32, #tpu.memory_space<hbm>>
    %dma_wait3A_244 = tpu.memref_squeeze %dma_wait3A_243 : memref<1x16x256xi32, #tpu.memory_space<hbm>> -> memref<16x256xi32, #tpu.memory_space<hbm>>
    tpu.wait_dma2 semaphore(%arg8 : memref<!tpu.dma_semaphore, #tpu.memory_space<semaphore_mem>>) src(%dma_wait3A_244 : memref<16x256xi32, #tpu.memory_space<hbm>>) dst(%dma_wait3A_240 : memref<16x256xi32, #tpu.memory_space<vmem>>)
    %dma_wait3A_245 = arith.constant 0 : i32
    %dma_wait3A_246 = arith.constant 0 : i32
    %dma_wait3A_247 = arith.constant 0 : i32
    %dma_wait3A_248 = tpu.memref_slice %arg7[%dma_wait3A_245, %dma_wait3A_246, %dma_wait3A_247] : memref<2x256x128xf32, #tpu.memory_space<vmem>> -> memref<1x256x128xf32, #tpu.memory_space<vmem>>
    %dma_wait3A_249 = tpu.memref_squeeze %dma_wait3A_248 : memref<1x256x128xf32, #tpu.memory_space<vmem>> -> memref<256x128xf32, #tpu.memory_space<vmem>>
    %dma_wait3A_250 = arith.constant 0 : i32
    %dma_wait3A_251 = arith.constant 0 : i32
    %dma_wait3A_252 = tpu.memref_slice %arg4[%add3A_166, %dma_wait3A_250, %dma_wait3A_251] : memref<64x256x128xf32, #tpu.memory_space<hbm>> -> memref<1x256x128xf32, #tpu.memory_space<hbm>>
    %dma_wait3A_253 = tpu.memref_squeeze %dma_wait3A_252 : memref<1x256x128xf32, #tpu.memory_space<hbm>> -> memref<256x128xf32, #tpu.memory_space<hbm>>
    %dma_wait3A_254 = arith.constant 0 : i32
    %dma_wait3A_255 = arith.constant 0 : i32
    %dma_wait3A_256 = tpu.memref_slice %arg4[%add3A_166, %dma_wait3A_254, %dma_wait3A_255] : memref<64x256x128xf32, #tpu.memory_space<hbm>> -> memref<1x256x128xf32, #tpu.memory_space<hbm>>
    %dma_wait3A_257 = tpu.memref_squeeze %dma_wait3A_256 : memref<1x256x128xf32, #tpu.memory_space<hbm>> -> memref<256x128xf32, #tpu.memory_space<hbm>>
    %dma_wait3A_258 = arith.constant 0 : i32
    %dma_wait3A_259 = arith.constant 0 : i32
    %dma_wait3A_260 = tpu.memref_slice %arg7[%dma_wait3A_245, %dma_wait3A_258, %dma_wait3A_259] : memref<2x256x128xf32, #tpu.memory_space<vmem>> -> memref<1x256x128xf32, #tpu.memory_space<vmem>>
    %dma_wait3A_261 = tpu.memref_squeeze %dma_wait3A_260 : memref<1x256x128xf32, #tpu.memory_space<vmem>> -> memref<256x128xf32, #tpu.memory_space<vmem>>
    tpu.wait_dma2 semaphore(%arg9 : memref<!tpu.dma_semaphore, #tpu.memory_space<semaphore_mem>>) src(%dma_wait3A_261 : memref<256x128xf32, #tpu.memory_space<vmem>>) dst(%dma_wait3A_257 : memref<256x128xf32, #tpu.memory_space<hbm>>)
    %broadcast_in_dim3A_262 = arith.constant 0 : i32
    %broadcast_in_dim3A_263 = vector.broadcast %broadcast_in_dim3A_262 : i32 to vector<16xi32>
    %scan3A_264 = arith.constant 0 : i32
    %scan3A_265 = arith.constant 0 : i32
    %scan3A_266 = arith.constant 16 : i32
    %scan3A_267 = arith.addi %scan3A_265, %scan3A_266 : i32
    %scan3A_268 = arith.constant 1 : i32
    scf.for %scan3A_384 = %scan3A_265 to %scan3A_267 step %scan3A_268  : i32 {
      %mul3A_385 = arith.constant 16 : i32
      %mul3A_386 = arith.muli %scan3A_384, %mul3A_385 : i32
      %add3A_387 = arith.constant 0 : i32
      %add3A_388 = arith.addi %mul3A_386, %add3A_387 : i32
      %swap3A = arith.constant 0 : i32
      %swap3A_389 = arith.index_cast %swap3A : i32 to index
      %swap3A_390 = arith.index_cast %add3A_388 : i32 to index
      %swap3A_391 = arith.constant 0 : index
      %swap3A_392 = tpu.vector_load %arg7[%swap3A_389, %swap3A_390, %swap3A_391] {strides = array<i32>} : memref<2x256x128xf32, #tpu.memory_space<vmem>>, vector<16xf32>,
      tpu.vector_store %arg7[%swap3A_389, %swap3A_390, %swap3A_391], %broadcast_in_dim3A_141 {strides = array<i32>} : memref<2x256x128xf32, #tpu.memory_space<vmem>>, vector<16xf32>,
      %add3A_393 = arith.constant 0 : i32
      %add3A_394 = arith.addi %mul3A_386, %add3A_393 : i32
      %swap3A_395 = arith.constant 0 : i32
      %swap3A_396 = arith.index_cast %swap3A_395 : i32 to index
      %swap3A_397 = arith.index_cast %add3A_394 : i32 to index
      %swap3A_398 = arith.constant 16 : index
      %swap3A_399 = tpu.vector_load %arg7[%swap3A_396, %swap3A_397, %swap3A_398] {strides = array<i32>} : memref<2x256x128xf32, #tpu.memory_space<vmem>>, vector<16xf32>,
      tpu.vector_store %arg7[%swap3A_396, %swap3A_397, %swap3A_398], %broadcast_in_dim3A_141 {strides = array<i32>} : memref<2x256x128xf32, #tpu.memory_space<vmem>>, vector<16xf32>,
      %add3A_400 = arith.constant 0 : i32
      %add3A_401 = arith.addi %mul3A_386, %add3A_400 : i32
      %swap3A_402 = arith.constant 0 : i32
      %swap3A_403 = arith.index_cast %swap3A_402 : i32 to index
      %swap3A_404 = arith.index_cast %add3A_401 : i32 to index
      %swap3A_405 = arith.constant 32 : index
      %swap3A_406 = tpu.vector_load %arg7[%swap3A_403, %swap3A_404, %swap3A_405] {strides = array<i32>} : memref<2x256x128xf32, #tpu.memory_space<vmem>>, vector<16xf32>,
      tpu.vector_store %arg7[%swap3A_403, %swap3A_404, %swap3A_405], %broadcast_in_dim3A_141 {strides = array<i32>} : memref<2x256x128xf32, #tpu.memory_space<vmem>>, vector<16xf32>,
      %add3A_407 = arith.constant 0 : i32
      %add3A_408 = arith.addi %mul3A_386, %add3A_407 : i32
      %swap3A_409 = arith.constant 0 : i32
      %swap3A_410 = arith.index_cast %swap3A_409 : i32 to index
      %swap3A_411 = arith.index_cast %add3A_408 : i32 to index
      %swap3A_412 = arith.constant 48 : index
      %swap3A_413 = tpu.vector_load %arg7[%swap3A_410, %swap3A_411, %swap3A_412] {strides = array<i32>} : memref<2x256x128xf32, #tpu.memory_space<vmem>>, vector<16xf32>,
      tpu.vector_store %arg7[%swap3A_410, %swap3A_411, %swap3A_412], %broadcast_in_dim3A_141 {strides = array<i32>} : memref<2x256x128xf32, #tpu.memory_space<vmem>>, vector<16xf32>,
      %add3A_414 = arith.constant 0 : i32
      %add3A_415 = arith.addi %mul3A_386, %add3A_414 : i32
      %swap3A_416 = arith.constant 0 : i32
      %swap3A_417 = arith.index_cast %swap3A_416 : i32 to index
      %swap3A_418 = arith.index_cast %add3A_415 : i32 to index
      %swap3A_419 = arith.constant 64 : index
      %swap3A_420 = tpu.vector_load %arg7[%swap3A_417, %swap3A_418, %swap3A_419] {strides = array<i32>} : memref<2x256x128xf32, #tpu.memory_space<vmem>>, vector<16xf32>,
      tpu.vector_store %arg7[%swap3A_417, %swap3A_418, %swap3A_419], %broadcast_in_dim3A_141 {strides = array<i32>} : memref<2x256x128xf32, #tpu.memory_space<vmem>>, vector<16xf32>,
      %add3A_421 = arith.constant 0 : i32
      %add3A_422 = arith.addi %mul3A_386, %add3A_421 : i32
      %swap3A_423 = arith.constant 0 : i32
      %swap3A_424 = arith.index_cast %swap3A_423 : i32 to index
      %swap3A_425 = arith.index_cast %add3A_422 : i32 to index
      %swap3A_426 = arith.constant 80 : index
      %swap3A_427 = tpu.vector_load %arg7[%swap3A_424, %swap3A_425, %swap3A_426] {strides = array<i32>} : memref<2x256x128xf32, #tpu.memory_space<vmem>>, vector<16xf32>,
      tpu.vector_store %arg7[%swap3A_424, %swap3A_425, %swap3A_426], %broadcast_in_dim3A_141 {strides = array<i32>} : memref<2x256x128xf32, #tpu.memory_space<vmem>>, vector<16xf32>,
      %add3A_428 = arith.constant 0 : i32
      %add3A_429 = arith.addi %mul3A_386, %add3A_428 : i32
      %swap3A_430 = arith.constant 0 : i32
      %swap3A_431 = arith.index_cast %swap3A_430 : i32 to index
      %swap3A_432 = arith.index_cast %add3A_429 : i32 to index
      %swap3A_433 = arith.constant 96 : index
      %swap3A_434 = tpu.vector_load %arg7[%swap3A_431, %swap3A_432, %swap3A_433] {strides = array<i32>} : memref<2x256x128xf32, #tpu.memory_space<vmem>>, vector<16xf32>,
      tpu.vector_store %arg7[%swap3A_431, %swap3A_432, %swap3A_433], %broadcast_in_dim3A_141 {strides = array<i32>} : memref<2x256x128xf32, #tpu.memory_space<vmem>>, vector<16xf32>,
      %add3A_435 = arith.constant 0 : i32
      %add3A_436 = arith.addi %mul3A_386, %add3A_435 : i32
      %swap3A_437 = arith.constant 0 : i32
      %swap3A_438 = arith.index_cast %swap3A_437 : i32 to index
      %swap3A_439 = arith.index_cast %add3A_436 : i32 to index
      %swap3A_440 = arith.constant 112 : index
      %swap3A_441 = tpu.vector_load %arg7[%swap3A_438, %swap3A_439, %swap3A_440] {strides = array<i32>} : memref<2x256x128xf32, #tpu.memory_space<vmem>>, vector<16xf32>,
      tpu.vector_store %arg7[%swap3A_438, %swap3A_439, %swap3A_440], %broadcast_in_dim3A_141 {strides = array<i32>} : memref<2x256x128xf32, #tpu.memory_space<vmem>>, vector<16xf32>,
      %add3A_442 = arith.constant 1 : i32
      %add3A_443 = arith.addi %mul3A_386, %add3A_442 : i32
      %swap3A_444 = arith.constant 0 : i32
      %swap3A_445 = arith.index_cast %swap3A_444 : i32 to index
      %swap3A_446 = arith.index_cast %add3A_443 : i32 to index
      %swap3A_447 = arith.constant 0 : index
      %swap3A_448 = tpu.vector_load %arg7[%swap3A_445, %swap3A_446, %swap3A_447] {strides = array<i32>} : memref<2x256x128xf32, #tpu.memory_space<vmem>>, vector<16xf32>,
      tpu.vector_store %arg7[%swap3A_445, %swap3A_446, %swap3A_447], %broadcast_in_dim3A_141 {strides = array<i32>} : memref<2x256x128xf32, #tpu.memory_space<vmem>>, vector<16xf32>,
      %add3A_449 = arith.constant 1 : i32
      %add3A_450 = arith.addi %mul3A_386, %add3A_449 : i32
      %swap3A_451 = arith.constant 0 : i32
      %swap3A_452 = arith.index_cast %swap3A_451 : i32 to index
      %swap3A_453 = arith.index_cast %add3A_450 : i32 to index
      %swap3A_454 = arith.constant 16 : index
      %swap3A_455 = tpu.vector_load %arg7[%swap3A_452, %swap3A_453, %swap3A_454] {strides = array<i32>} : memref<2x256x128xf32, #tpu.memory_space<vmem>>, vector<16xf32>,
      tpu.vector_store %arg7[%swap3A_452, %swap3A_453, %swap3A_454], %broadcast_in_dim3A_141 {strides = array<i32>} : memref<2x256x128xf32, #tpu.memory_space<vmem>>, vector<16xf32>,
      %add3A_456 = arith.constant 1 : i32
      %add3A_457 = arith.addi %mul3A_386, %add3A_456 : i32
      %swap3A_458 = arith.constant 0 : i32
      %swap3A_459 = arith.index_cast %swap3A_458 : i32 to index
      %swap3A_460 = arith.index_cast %add3A_457 : i32 to index
      %swap3A_461 = arith.constant 32 : index
      %swap3A_462 = tpu.vector_load %arg7[%swap3A_459, %swap3A_460, %swap3A_461] {strides = array<i32>} : memref<2x256x128xf32, #tpu.memory_space<vmem>>, vector<16xf32>,
      tpu.vector_store %arg7[%swap3A_459, %swap3A_460, %swap3A_461], %broadcast_in_dim3A_141 {strides = array<i32>} : memref<2x256x128xf32, #tpu.memory_space<vmem>>, vector<16xf32>,
      %add3A_463 = arith.constant 1 : i32
      %add3A_464 = arith.addi %mul3A_386, %add3A_463 : i32
      %swap3A_465 = arith.constant 0 : i32
      %swap3A_466 = arith.index_cast %swap3A_465 : i32 to index
      %swap3A_467 = arith.index_cast %add3A_464 : i32 to index
      %swap3A_468 = arith.constant 48 : index
      %swap3A_469 = tpu.vector_load %arg7[%swap3A_466, %swap3A_467, %swap3A_468] {strides = array<i32>} : memref<2x256x128xf32, #tpu.memory_space<vmem>>, vector<16xf32>,
      tpu.vector_store %arg7[%swap3A_466, %swap3A_467, %swap3A_468], %broadcast_in_dim3A_141 {strides = array<i32>} : memref<2x256x128xf32, #tpu.memory_space<vmem>>, vector<16xf32>,
      %add3A_470 = arith.constant 1 : i32
      %add3A_471 = arith.addi %mul3A_386, %add3A_470 : i32
      %swap3A_472 = arith.constant 0 : i32
      %swap3A_473 = arith.index_cast %swap3A_472 : i32 to index
      %swap3A_474 = arith.index_cast %add3A_471 : i32 to index
      %swap3A_475 = arith.constant 64 : index
      %swap3A_476 = tpu.vector_load %arg7[%swap3A_473, %swap3A_474, %swap3A_475] {strides = array<i32>} : memref<2x256x128xf32, #tpu.memory_space<vmem>>, vector<16xf32>,
      tpu.vector_store %arg7[%swap3A_473, %swap3A_474, %swap3A_475], %broadcast_in_dim3A_141 {strides = array<i32>} : memref<2x256x128xf32, #tpu.memory_space<vmem>>, vector<16xf32>,
      %add3A_477 = arith.constant 1 : i32
      %add3A_478 = arith.addi %mul3A_386, %add3A_477 : i32
      %swap3A_479 = arith.constant 0 : i32
      %swap3A_480 = arith.index_cast %swap3A_479 : i32 to index
      %swap3A_481 = arith.index_cast %add3A_478 : i32 to index
      %swap3A_482 = arith.constant 80 : index
      %swap3A_483 = tpu.vector_load %arg7[%swap3A_480, %swap3A_481, %swap3A_482] {strides = array<i32>} : memref<2x256x128xf32, #tpu.memory_space<vmem>>, vector<16xf32>,
      tpu.vector_store %arg7[%swap3A_480, %swap3A_481, %swap3A_482], %broadcast_in_dim3A_141 {strides = array<i32>} : memref<2x256x128xf32, #tpu.memory_space<vmem>>, vector<16xf32>,
      %add3A_484 = arith.constant 1 : i32
      %add3A_485 = arith.addi %mul3A_386, %add3A_484 : i32
      %swap3A_486 = arith.constant 0 : i32
      %swap3A_487 = arith.index_cast %swap3A_486 : i32 to index
      %swap3A_488 = arith.index_cast %add3A_485 : i32 to index
      %swap3A_489 = arith.constant 96 : index
      %swap3A_490 = tpu.vector_load %arg7[%swap3A_487, %swap3A_488, %swap3A_489] {strides = array<i32>} : memref<2x256x128xf32, #tpu.memory_space<vmem>>, vector<16xf32>,
      tpu.vector_store %arg7[%swap3A_487, %swap3A_488, %swap3A_489], %broadcast_in_dim3A_141 {strides = array<i32>} : memref<2x256x128xf32, #tpu.memory_space<vmem>>, vector<16xf32>,
      %add3A_491 = arith.constant 1 : i32
      %add3A_492 = arith.addi %mul3A_386, %add3A_491 : i32
      %swap3A_493 = arith.constant 0 : i32
      %swap3A_494 = arith.index_cast %swap3A_493 : i32 to index
      %swap3A_495 = arith.index_cast %add3A_492 : i32 to index
      %swap3A_496 = arith.constant 112 : index
      %swap3A_497 = tpu.vector_load %arg7[%swap3A_494, %swap3A_495, %swap3A_496] {strides = array<i32>} : memref<2x256x128xf32, #tpu.memory_space<vmem>>, vector<16xf32>,
      tpu.vector_store %arg7[%swap3A_494, %swap3A_495, %swap3A_496], %broadcast_in_dim3A_141 {strides = array<i32>} : memref<2x256x128xf32, #tpu.memory_space<vmem>>, vector<16xf32>,
      %add3A_498 = arith.constant 2 : i32
      %add3A_499 = arith.addi %mul3A_386, %add3A_498 : i32
      %swap3A_500 = arith.constant 0 : i32
      %swap3A_501 = arith.index_cast %swap3A_500 : i32 to index
      %swap3A_502 = arith.index_cast %add3A_499 : i32 to index
      %swap3A_503 = arith.constant 0 : index
      %swap3A_504 = tpu.vector_load %arg7[%swap3A_501, %swap3A_502, %swap3A_503] {strides = array<i32>} : memref<2x256x128xf32, #tpu.memory_space<vmem>>, vector<16xf32>,
      tpu.vector_store %arg7[%swap3A_501, %swap3A_502, %swap3A_503], %broadcast_in_dim3A_141 {strides = array<i32>} : memref<2x256x128xf32, #tpu.memory_space<vmem>>, vector<16xf32>,
      %add3A_505 = arith.constant 2 : i32
      %add3A_506 = arith.addi %mul3A_386, %add3A_505 : i32
      %swap3A_507 = arith.constant 0 : i32
      %swap3A_508 = arith.index_cast %swap3A_507 : i32 to index
      %swap3A_509 = arith.index_cast %add3A_506 : i32 to index
      %swap3A_510 = arith.constant 16 : index
      %swap3A_511 = tpu.vector_load %arg7[%swap3A_508, %swap3A_509, %swap3A_510] {strides = array<i32>} : memref<2x256x128xf32, #tpu.memory_space<vmem>>, vector<16xf32>,
      tpu.vector_store %arg7[%swap3A_508, %swap3A_509, %swap3A_510], %broadcast_in_dim3A_141 {strides = array<i32>} : memref<2x256x128xf32, #tpu.memory_space<vmem>>, vector<16xf32>,
      %add3A_512 = arith.constant 2 : i32
      %add3A_513 = arith.addi %mul3A_386, %add3A_512 : i32
      %swap3A_514 = arith.constant 0 : i32
      %swap3A_515 = arith.index_cast %swap3A_514 : i32 to index
      %swap3A_516 = arith.index_cast %add3A_513 : i32 to index
      %swap3A_517 = arith.constant 32 : index
      %swap3A_518 = tpu.vector_load %arg7[%swap3A_515, %swap3A_516, %swap3A_517] {strides = array<i32>} : memref<2x256x128xf32, #tpu.memory_space<vmem>>, vector<16xf32>,
      tpu.vector_store %arg7[%swap3A_515, %swap3A_516, %swap3A_517], %broadcast_in_dim3A_141 {strides = array<i32>} : memref<2x256x128xf32, #tpu.memory_space<vmem>>, vector<16xf32>,
      %add3A_519 = arith.constant 2 : i32
      %add3A_520 = arith.addi %mul3A_386, %add3A_519 : i32
      %swap3A_521 = arith.constant 0 : i32
      %swap3A_522 = arith.index_cast %swap3A_521 : i32 to index
      %swap3A_523 = arith.index_cast %add3A_520 : i32 to index
      %swap3A_524 = arith.constant 48 : index
      %swap3A_525 = tpu.vector_load %arg7[%swap3A_522, %swap3A_523, %swap3A_524] {strides = array<i32>} : memref<2x256x128xf32, #tpu.memory_space<vmem>>, vector<16xf32>,
      tpu.vector_store %arg7[%swap3A_522, %swap3A_523, %swap3A_524], %broadcast_in_dim3A_141 {strides = array<i32>} : memref<2x256x128xf32, #tpu.memory_space<vmem>>, vector<16xf32>,
      %add3A_526 = arith.constant 2 : i32
      %add3A_527 = arith.addi %mul3A_386, %add3A_526 : i32
      %swap3A_528 = arith.constant 0 : i32
      %swap3A_529 = arith.index_cast %swap3A_528 : i32 to index
      %swap3A_530 = arith.index_cast %add3A_527 : i32 to index
      %swap3A_531 = arith.constant 64 : index
      %swap3A_532 = tpu.vector_load %arg7[%swap3A_529, %swap3A_530, %swap3A_531] {strides = array<i32>} : memref<2x256x128xf32, #tpu.memory_space<vmem>>, vector<16xf32>,
      tpu.vector_store %arg7[%swap3A_529, %swap3A_530, %swap3A_531], %broadcast_in_dim3A_141 {strides = array<i32>} : memref<2x256x128xf32, #tpu.memory_space<vmem>>, vector<16xf32>,
      %add3A_533 = arith.constant 2 : i32
      %add3A_534 = arith.addi %mul3A_386, %add3A_533 : i32
      %swap3A_535 = arith.constant 0 : i32
      %swap3A_536 = arith.index_cast %swap3A_535 : i32 to index
      %swap3A_537 = arith.index_cast %add3A_534 : i32 to index
      %swap3A_538 = arith.constant 80 : index
      %swap3A_539 = tpu.vector_load %arg7[%swap3A_536, %swap3A_537, %swap3A_538] {strides = array<i32>} : memref<2x256x128xf32, #tpu.memory_space<vmem>>, vector<16xf32>,
      tpu.vector_store %arg7[%swap3A_536, %swap3A_537, %swap3A_538], %broadcast_in_dim3A_141 {strides = array<i32>} : memref<2x256x128xf32, #tpu.memory_space<vmem>>, vector<16xf32>,
      %add3A_540 = arith.constant 2 : i32
      %add3A_541 = arith.addi %mul3A_386, %add3A_540 : i32
      %swap3A_542 = arith.constant 0 : i32
      %swap3A_543 = arith.index_cast %swap3A_542 : i32 to index
      %swap3A_544 = arith.index_cast %add3A_541 : i32 to index
      %swap3A_545 = arith.constant 96 : index
      %swap3A_546 = tpu.vector_load %arg7[%swap3A_543, %swap3A_544, %swap3A_545] {strides = array<i32>} : memref<2x256x128xf32, #tpu.memory_space<vmem>>, vector<16xf32>,
      tpu.vector_store %arg7[%swap3A_543, %swap3A_544, %swap3A_545], %broadcast_in_dim3A_141 {strides = array<i32>} : memref<2x256x128xf32, #tpu.memory_space<vmem>>, vector<16xf32>,
      %add3A_547 = arith.constant 2 : i32
      %add3A_548 = arith.addi %mul3A_386, %add3A_547 : i32
      %swap3A_549 = arith.constant 0 : i32
      %swap3A_550 = arith.index_cast %swap3A_549 : i32 to index
      %swap3A_551 = arith.index_cast %add3A_548 : i32 to index
      %swap3A_552 = arith.constant 112 : index
      %swap3A_553 = tpu.vector_load %arg7[%swap3A_550, %swap3A_551, %swap3A_552] {strides = array<i32>} : memref<2x256x128xf32, #tpu.memory_space<vmem>>, vector<16xf32>,
      tpu.vector_store %arg7[%swap3A_550, %swap3A_551, %swap3A_552], %broadcast_in_dim3A_141 {strides = array<i32>} : memref<2x256x128xf32, #tpu.memory_space<vmem>>, vector<16xf32>,
      %add3A_554 = arith.constant 3 : i32
      %add3A_555 = arith.addi %mul3A_386, %add3A_554 : i32
      %swap3A_556 = arith.constant 0 : i32
      %swap3A_557 = arith.index_cast %swap3A_556 : i32 to index
      %swap3A_558 = arith.index_cast %add3A_555 : i32 to index
      %swap3A_559 = arith.constant 0 : index
      %swap3A_560 = tpu.vector_load %arg7[%swap3A_557, %swap3A_558, %swap3A_559] {strides = array<i32>} : memref<2x256x128xf32, #tpu.memory_space<vmem>>, vector<16xf32>,
      tpu.vector_store %arg7[%swap3A_557, %swap3A_558, %swap3A_559], %broadcast_in_dim3A_141 {strides = array<i32>} : memref<2x256x128xf32, #tpu.memory_space<vmem>>, vector<16xf32>,
      %add3A_561 = arith.constant 3 : i32
      %add3A_562 = arith.addi %mul3A_386, %add3A_561 : i32
      %swap3A_563 = arith.constant 0 : i32
      %swap3A_564 = arith.index_cast %swap3A_563 : i32 to index
      %swap3A_565 = arith.index_cast %add3A_562 : i32 to index
      %swap3A_566 = arith.constant 16 : index
      %swap3A_567 = tpu.vector_load %arg7[%swap3A_564, %swap3A_565, %swap3A_566] {strides = array<i32>} : memref<2x256x128xf32, #tpu.memory_space<vmem>>, vector<16xf32>,
      tpu.vector_store %arg7[%swap3A_564, %swap3A_565, %swap3A_566], %broadcast_in_dim3A_141 {strides = array<i32>} : memref<2x256x128xf32, #tpu.memory_space<vmem>>, vector<16xf32>,
      %add3A_568 = arith.constant 3 : i32
      %add3A_569 = arith.addi %mul3A_386, %add3A_568 : i32
      %swap3A_570 = arith.constant 0 : i32
      %swap3A_571 = arith.index_cast %swap3A_570 : i32 to index
      %swap3A_572 = arith.index_cast %add3A_569 : i32 to index
      %swap3A_573 = arith.constant 32 : index
      %swap3A_574 = tpu.vector_load %arg7[%swap3A_571, %swap3A_572, %swap3A_573] {strides = array<i32>} : memref<2x256x128xf32, #tpu.memory_space<vmem>>, vector<16xf32>,
      tpu.vector_store %arg7[%swap3A_571, %swap3A_572, %swap3A_573], %broadcast_in_dim3A_141 {strides = array<i32>} : memref<2x256x128xf32, #tpu.memory_space<vmem>>, vector<16xf32>,
      %add3A_575 = arith.constant 3 : i32
      %add3A_576 = arith.addi %mul3A_386, %add3A_575 : i32
      %swap3A_577 = arith.constant 0 : i32
      %swap3A_578 = arith.index_cast %swap3A_577 : i32 to index
      %swap3A_579 = arith.index_cast %add3A_576 : i32 to index
      %swap3A_580 = arith.constant 48 : index
      %swap3A_581 = tpu.vector_load %arg7[%swap3A_578, %swap3A_579, %swap3A_580] {strides = array<i32>} : memref<2x256x128xf32, #tpu.memory_space<vmem>>, vector<16xf32>,
      tpu.vector_store %arg7[%swap3A_578, %swap3A_579, %swap3A_580], %broadcast_in_dim3A_141 {strides = array<i32>} : memref<2x256x128xf32, #tpu.memory_space<vmem>>, vector<16xf32>,
      %add3A_582 = arith.constant 3 : i32
      %add3A_583 = arith.addi %mul3A_386, %add3A_582 : i32
      %swap3A_584 = arith.constant 0 : i32
      %swap3A_585 = arith.index_cast %swap3A_584 : i32 to index
      %swap3A_586 = arith.index_cast %add3A_583 : i32 to index
      %swap3A_587 = arith.constant 64 : index
      %swap3A_588 = tpu.vector_load %arg7[%swap3A_585, %swap3A_586, %swap3A_587] {strides = array<i32>} : memref<2x256x128xf32, #tpu.memory_space<vmem>>, vector<16xf32>,
      tpu.vector_store %arg7[%swap3A_585, %swap3A_586, %swap3A_587], %broadcast_in_dim3A_141 {strides = array<i32>} : memref<2x256x128xf32, #tpu.memory_space<vmem>>, vector<16xf32>,
      %add3A_589 = arith.constant 3 : i32
      %add3A_590 = arith.addi %mul3A_386, %add3A_589 : i32
      %swap3A_591 = arith.constant 0 : i32
      %swap3A_592 = arith.index_cast %swap3A_591 : i32 to index
      %swap3A_593 = arith.index_cast %add3A_590 : i32 to index
      %swap3A_594 = arith.constant 80 : index
      %swap3A_595 = tpu.vector_load %arg7[%swap3A_592, %swap3A_593, %swap3A_594] {strides = array<i32>} : memref<2x256x128xf32, #tpu.memory_space<vmem>>, vector<16xf32>,
      tpu.vector_store %arg7[%swap3A_592, %swap3A_593, %swap3A_594], %broadcast_in_dim3A_141 {strides = array<i32>} : memref<2x256x128xf32, #tpu.memory_space<vmem>>, vector<16xf32>,
      %add3A_596 = arith.constant 3 : i32
      %add3A_597 = arith.addi %mul3A_386, %add3A_596 : i32
      %swap3A_598 = arith.constant 0 : i32
      %swap3A_599 = arith.index_cast %swap3A_598 : i32 to index
      %swap3A_600 = arith.index_cast %add3A_597 : i32 to index
      %swap3A_601 = arith.constant 96 : index
      %swap3A_602 = tpu.vector_load %arg7[%swap3A_599, %swap3A_600, %swap3A_601] {strides = array<i32>} : memref<2x256x128xf32, #tpu.memory_space<vmem>>, vector<16xf32>,
      tpu.vector_store %arg7[%swap3A_599, %swap3A_600, %swap3A_601], %broadcast_in_dim3A_141 {strides = array<i32>} : memref<2x256x128xf32, #tpu.memory_space<vmem>>, vector<16xf32>,
      %add3A_603 = arith.constant 3 : i32
      %add3A_604 = arith.addi %mul3A_386, %add3A_603 : i32
      %swap3A_605 = arith.constant 0 : i32
      %swap3A_606 = arith.index_cast %swap3A_605 : i32 to index
      %swap3A_607 = arith.index_cast %add3A_604 : i32 to index
      %swap3A_608 = arith.constant 112 : index
      %swap3A_609 = tpu.vector_load %arg7[%swap3A_606, %swap3A_607, %swap3A_608] {strides = array<i32>} : memref<2x256x128xf32, #tpu.memory_space<vmem>>, vector<16xf32>,
      tpu.vector_store %arg7[%swap3A_606, %swap3A_607, %swap3A_608], %broadcast_in_dim3A_141 {strides = array<i32>} : memref<2x256x128xf32, #tpu.memory_space<vmem>>, vector<16xf32>,
      %add3A_610 = arith.constant 4 : i32
      %add3A_611 = arith.addi %mul3A_386, %add3A_610 : i32
      %swap3A_612 = arith.constant 0 : i32
      %swap3A_613 = arith.index_cast %swap3A_612 : i32 to index
      %swap3A_614 = arith.index_cast %add3A_611 : i32 to index
      %swap3A_615 = arith.constant 0 : index
      %swap3A_616 = tpu.vector_load %arg7[%swap3A_613, %swap3A_614, %swap3A_615] {strides = array<i32>} : memref<2x256x128xf32, #tpu.memory_space<vmem>>, vector<16xf32>,
      tpu.vector_store %arg7[%swap3A_613, %swap3A_614, %swap3A_615], %broadcast_in_dim3A_141 {strides = array<i32>} : memref<2x256x128xf32, #tpu.memory_space<vmem>>, vector<16xf32>,
      %add3A_617 = arith.constant 4 : i32
      %add3A_618 = arith.addi %mul3A_386, %add3A_617 : i32
      %swap3A_619 = arith.constant 0 : i32
      %swap3A_620 = arith.index_cast %swap3A_619 : i32 to index
      %swap3A_621 = arith.index_cast %add3A_618 : i32 to index
      %swap3A_622 = arith.constant 16 : index
      %swap3A_623 = tpu.vector_load %arg7[%swap3A_620, %swap3A_621, %swap3A_622] {strides = array<i32>} : memref<2x256x128xf32, #tpu.memory_space<vmem>>, vector<16xf32>,
      tpu.vector_store %arg7[%swap3A_620, %swap3A_621, %swap3A_622], %broadcast_in_dim3A_141 {strides = array<i32>} : memref<2x256x128xf32, #tpu.memory_space<vmem>>, vector<16xf32>,
      %add3A_624 = arith.constant 4 : i32
      %add3A_625 = arith.addi %mul3A_386, %add3A_624 : i32
      %swap3A_626 = arith.constant 0 : i32
      %swap3A_627 = arith.index_cast %swap3A_626 : i32 to index
      %swap3A_628 = arith.index_cast %add3A_625 : i32 to index
      %swap3A_629 = arith.constant 32 : index
      %swap3A_630 = tpu.vector_load %arg7[%swap3A_627, %swap3A_628, %swap3A_629] {strides = array<i32>} : memref<2x256x128xf32, #tpu.memory_space<vmem>>, vector<16xf32>,
      tpu.vector_store %arg7[%swap3A_627, %swap3A_628, %swap3A_629], %broadcast_in_dim3A_141 {strides = array<i32>} : memref<2x256x128xf32, #tpu.memory_space<vmem>>, vector<16xf32>,
      %add3A_631 = arith.constant 4 : i32
      %add3A_632 = arith.addi %mul3A_386, %add3A_631 : i32
      %swap3A_633 = arith.constant 0 : i32
      %swap3A_634 = arith.index_cast %swap3A_633 : i32 to index
      %swap3A_635 = arith.index_cast %add3A_632 : i32 to index
      %swap3A_636 = arith.constant 48 : index
      %swap3A_637 = tpu.vector_load %arg7[%swap3A_634, %swap3A_635, %swap3A_636] {strides = array<i32>} : memref<2x256x128xf32, #tpu.memory_space<vmem>>, vector<16xf32>,
      tpu.vector_store %arg7[%swap3A_634, %swap3A_635, %swap3A_636], %broadcast_in_dim3A_141 {strides = array<i32>} : memref<2x256x128xf32, #tpu.memory_space<vmem>>, vector<16xf32>,
      %add3A_638 = arith.constant 4 : i32
      %add3A_639 = arith.addi %mul3A_386, %add3A_638 : i32
      %swap3A_640 = arith.constant 0 : i32
      %swap3A_641 = arith.index_cast %swap3A_640 : i32 to index
      %swap3A_642 = arith.index_cast %add3A_639 : i32 to index
      %swap3A_643 = arith.constant 64 : index
      %swap3A_644 = tpu.vector_load %arg7[%swap3A_641, %swap3A_642, %swap3A_643] {strides = array<i32>} : memref<2x256x128xf32, #tpu.memory_space<vmem>>, vector<16xf32>,
      tpu.vector_store %arg7[%swap3A_641, %swap3A_642, %swap3A_643], %broadcast_in_dim3A_141 {strides = array<i32>} : memref<2x256x128xf32, #tpu.memory_space<vmem>>, vector<16xf32>,
      %add3A_645 = arith.constant 4 : i32
      %add3A_646 = arith.addi %mul3A_386, %add3A_645 : i32
      %swap3A_647 = arith.constant 0 : i32
      %swap3A_648 = arith.index_cast %swap3A_647 : i32 to index
      %swap3A_649 = arith.index_cast %add3A_646 : i32 to index
      %swap3A_650 = arith.constant 80 : index
      %swap3A_651 = tpu.vector_load %arg7[%swap3A_648, %swap3A_649, %swap3A_650] {strides = array<i32>} : memref<2x256x128xf32, #tpu.memory_space<vmem>>, vector<16xf32>,
      tpu.vector_store %arg7[%swap3A_648, %swap3A_649, %swap3A_650], %broadcast_in_dim3A_141 {strides = array<i32>} : memref<2x256x128xf32, #tpu.memory_space<vmem>>, vector<16xf32>,
      %add3A_652 = arith.constant 4 : i32
      %add3A_653 = arith.addi %mul3A_386, %add3A_652 : i32
      %swap3A_654 = arith.constant 0 : i32
      %swap3A_655 = arith.index_cast %swap3A_654 : i32 to index
      %swap3A_656 = arith.index_cast %add3A_653 : i32 to index
      %swap3A_657 = arith.constant 96 : index
      %swap3A_658 = tpu.vector_load %arg7[%swap3A_655, %swap3A_656, %swap3A_657] {strides = array<i32>} : memref<2x256x128xf32, #tpu.memory_space<vmem>>, vector<16xf32>,
      tpu.vector_store %arg7[%swap3A_655, %swap3A_656, %swap3A_657], %broadcast_in_dim3A_141 {strides = array<i32>} : memref<2x256x128xf32, #tpu.memory_space<vmem>>, vector<16xf32>,
      %add3A_659 = arith.constant 4 : i32
      %add3A_660 = arith.addi %mul3A_386, %add3A_659 : i32
      %swap3A_661 = arith.constant 0 : i32
      %swap3A_662 = arith.index_cast %swap3A_661 : i32 to index
      %swap3A_663 = arith.index_cast %add3A_660 : i32 to index
      %swap3A_664 = arith.constant 112 : index
      %swap3A_665 = tpu.vector_load %arg7[%swap3A_662, %swap3A_663, %swap3A_664] {strides = array<i32>} : memref<2x256x128xf32, #tpu.memory_space<vmem>>, vector<16xf32>,
      tpu.vector_store %arg7[%swap3A_662, %swap3A_663, %swap3A_664], %broadcast_in_dim3A_141 {strides = array<i32>} : memref<2x256x128xf32, #tpu.memory_space<vmem>>, vector<16xf32>,
      %add3A_666 = arith.constant 5 : i32
      %add3A_667 = arith.addi %mul3A_386, %add3A_666 : i32
      %swap3A_668 = arith.constant 0 : i32
      %swap3A_669 = arith.index_cast %swap3A_668 : i32 to index
      %swap3A_670 = arith.index_cast %add3A_667 : i32 to index
      %swap3A_671 = arith.constant 0 : index
      %swap3A_672 = tpu.vector_load %arg7[%swap3A_669, %swap3A_670, %swap3A_671] {strides = array<i32>} : memref<2x256x128xf32, #tpu.memory_space<vmem>>, vector<16xf32>,
      tpu.vector_store %arg7[%swap3A_669, %swap3A_670, %swap3A_671], %broadcast_in_dim3A_141 {strides = array<i32>} : memref<2x256x128xf32, #tpu.memory_space<vmem>>, vector<16xf32>,
      %add3A_673 = arith.constant 5 : i32
      %add3A_674 = arith.addi %mul3A_386, %add3A_673 : i32
      %swap3A_675 = arith.constant 0 : i32
      %swap3A_676 = arith.index_cast %swap3A_675 : i32 to index
      %swap3A_677 = arith.index_cast %add3A_674 : i32 to index
      %swap3A_678 = arith.constant 16 : index
      %swap3A_679 = tpu.vector_load %arg7[%swap3A_676, %swap3A_677, %swap3A_678] {strides = array<i32>} : memref<2x256x128xf32, #tpu.memory_space<vmem>>, vector<16xf32>,
      tpu.vector_store %arg7[%swap3A_676, %swap3A_677, %swap3A_678], %broadcast_in_dim3A_141 {strides = array<i32>} : memref<2x256x128xf32, #tpu.memory_space<vmem>>, vector<16xf32>,
      %add3A_680 = arith.constant 5 : i32
      %add3A_681 = arith.addi %mul3A_386, %add3A_680 : i32
      %swap3A_682 = arith.constant 0 : i32
      %swap3A_683 = arith.index_cast %swap3A_682 : i32 to index
      %swap3A_684 = arith.index_cast %add3A_681 : i32 to index
      %swap3A_685 = arith.constant 32 : index
      %swap3A_686 = tpu.vector_load %arg7[%swap3A_683, %swap3A_684, %swap3A_685] {strides = array<i32>} : memref<2x256x128xf32, #tpu.memory_space<vmem>>, vector<16xf32>,
      tpu.vector_store %arg7[%swap3A_683, %swap3A_684, %swap3A_685], %broadcast_in_dim3A_141 {strides = array<i32>} : memref<2x256x128xf32, #tpu.memory_space<vmem>>, vector<16xf32>,
      %add3A_687 = arith.constant 5 : i32
      %add3A_688 = arith.addi %mul3A_386, %add3A_687 : i32
      %swap3A_689 = arith.constant 0 : i32
      %swap3A_690 = arith.index_cast %swap3A_689 : i32 to index
      %swap3A_691 = arith.index_cast %add3A_688 : i32 to index
      %swap3A_692 = arith.constant 48 : index
      %swap3A_693 = tpu.vector_load %arg7[%swap3A_690, %swap3A_691, %swap3A_692] {strides = array<i32>} : memref<2x256x128xf32, #tpu.memory_space<vmem>>, vector<16xf32>,
      tpu.vector_store %arg7[%swap3A_690, %swap3A_691, %swap3A_692], %broadcast_in_dim3A_141 {strides = array<i32>} : memref<2x256x128xf32, #tpu.memory_space<vmem>>, vector<16xf32>,
      %add3A_694 = arith.constant 5 : i32
      %add3A_695 = arith.addi %mul3A_386, %add3A_694 : i32
      %swap3A_696 = arith.constant 0 : i32
      %swap3A_697 = arith.index_cast %swap3A_696 : i32 to index
      %swap3A_698 = arith.index_cast %add3A_695 : i32 to index
      %swap3A_699 = arith.constant 64 : index
      %swap3A_700 = tpu.vector_load %arg7[%swap3A_697, %swap3A_698, %swap3A_699] {strides = array<i32>} : memref<2x256x128xf32, #tpu.memory_space<vmem>>, vector<16xf32>,
      tpu.vector_store %arg7[%swap3A_697, %swap3A_698, %swap3A_699], %broadcast_in_dim3A_141 {strides = array<i32>} : memref<2x256x128xf32, #tpu.memory_space<vmem>>, vector<16xf32>,
      %add3A_701 = arith.constant 5 : i32
      %add3A_702 = arith.addi %mul3A_386, %add3A_701 : i32
      %swap3A_703 = arith.constant 0 : i32
      %swap3A_704 = arith.index_cast %swap3A_703 : i32 to index
      %swap3A_705 = arith.index_cast %add3A_702 : i32 to index
      %swap3A_706 = arith.constant 80 : index
      %swap3A_707 = tpu.vector_load %arg7[%swap3A_704, %swap3A_705, %swap3A_706] {strides = array<i32>} : memref<2x256x128xf32, #tpu.memory_space<vmem>>, vector<16xf32>,
      tpu.vector_store %arg7[%swap3A_704, %swap3A_705, %swap3A_706], %broadcast_in_dim3A_141 {strides = array<i32>} : memref<2x256x128xf32, #tpu.memory_space<vmem>>, vector<16xf32>,
      %add3A_708 = arith.constant 5 : i32
      %add3A_709 = arith.addi %mul3A_386, %add3A_708 : i32
      %swap3A_710 = arith.constant 0 : i32
      %swap3A_711 = arith.index_cast %swap3A_710 : i32 to index
      %swap3A_712 = arith.index_cast %add3A_709 : i32 to index
      %swap3A_713 = arith.constant 96 : index
      %swap3A_714 = tpu.vector_load %arg7[%swap3A_711, %swap3A_712, %swap3A_713] {strides = array<i32>} : memref<2x256x128xf32, #tpu.memory_space<vmem>>, vector<16xf32>,
      tpu.vector_store %arg7[%swap3A_711, %swap3A_712, %swap3A_713], %broadcast_in_dim3A_141 {strides = array<i32>} : memref<2x256x128xf32, #tpu.memory_space<vmem>>, vector<16xf32>,
      %add3A_715 = arith.constant 5 : i32
      %add3A_716 = arith.addi %mul3A_386, %add3A_715 : i32
      %swap3A_717 = arith.constant 0 : i32
      %swap3A_718 = arith.index_cast %swap3A_717 : i32 to index
      %swap3A_719 = arith.index_cast %add3A_716 : i32 to index
      %swap3A_720 = arith.constant 112 : index
      %swap3A_721 = tpu.vector_load %arg7[%swap3A_718, %swap3A_719, %swap3A_720] {strides = array<i32>} : memref<2x256x128xf32, #tpu.memory_space<vmem>>, vector<16xf32>,
      tpu.vector_store %arg7[%swap3A_718, %swap3A_719, %swap3A_720], %broadcast_in_dim3A_141 {strides = array<i32>} : memref<2x256x128xf32, #tpu.memory_space<vmem>>, vector<16xf32>,
      %add3A_722 = arith.constant 6 : i32
      %add3A_723 = arith.addi %mul3A_386, %add3A_722 : i32
      %swap3A_724 = arith.constant 0 : i32
      %swap3A_725 = arith.index_cast %swap3A_724 : i32 to index
      %swap3A_726 = arith.index_cast %add3A_723 : i32 to index
      %swap3A_727 = arith.constant 0 : index
      %swap3A_728 = tpu.vector_load %arg7[%swap3A_725, %swap3A_726, %swap3A_727] {strides = array<i32>} : memref<2x256x128xf32, #tpu.memory_space<vmem>>, vector<16xf32>,
      tpu.vector_store %arg7[%swap3A_725, %swap3A_726, %swap3A_727], %broadcast_in_dim3A_141 {strides = array<i32>} : memref<2x256x128xf32, #tpu.memory_space<vmem>>, vector<16xf32>,
      %add3A_729 = arith.constant 6 : i32
      %add3A_730 = arith.addi %mul3A_386, %add3A_729 : i32
      %swap3A_731 = arith.constant 0 : i32
      %swap3A_732 = arith.index_cast %swap3A_731 : i32 to index
      %swap3A_733 = arith.index_cast %add3A_730 : i32 to index
      %swap3A_734 = arith.constant 16 : index
      %swap3A_735 = tpu.vector_load %arg7[%swap3A_732, %swap3A_733, %swap3A_734] {strides = array<i32>} : memref<2x256x128xf32, #tpu.memory_space<vmem>>, vector<16xf32>,
      tpu.vector_store %arg7[%swap3A_732, %swap3A_733, %swap3A_734], %broadcast_in_dim3A_141 {strides = array<i32>} : memref<2x256x128xf32, #tpu.memory_space<vmem>>, vector<16xf32>,
      %add3A_736 = arith.constant 6 : i32
      %add3A_737 = arith.addi %mul3A_386, %add3A_736 : i32
      %swap3A_738 = arith.constant 0 : i32
      %swap3A_739 = arith.index_cast %swap3A_738 : i32 to index
      %swap3A_740 = arith.index_cast %add3A_737 : i32 to index
      %swap3A_741 = arith.constant 32 : index
      %swap3A_742 = tpu.vector_load %arg7[%swap3A_739, %swap3A_740, %swap3A_741] {strides = array<i32>} : memref<2x256x128xf32, #tpu.memory_space<vmem>>, vector<16xf32>,
      tpu.vector_store %arg7[%swap3A_739, %swap3A_740, %swap3A_741], %broadcast_in_dim3A_141 {strides = array<i32>} : memref<2x256x128xf32, #tpu.memory_space<vmem>>, vector<16xf32>,
      %add3A_743 = arith.constant 6 : i32
      %add3A_744 = arith.addi %mul3A_386, %add3A_743 : i32
      %swap3A_745 = arith.constant 0 : i32
      %swap3A_746 = arith.index_cast %swap3A_745 : i32 to index
      %swap3A_747 = arith.index_cast %add3A_744 : i32 to index
      %swap3A_748 = arith.constant 48 : index
      %swap3A_749 = tpu.vector_load %arg7[%swap3A_746, %swap3A_747, %swap3A_748] {strides = array<i32>} : memref<2x256x128xf32, #tpu.memory_space<vmem>>, vector<16xf32>,
      tpu.vector_store %arg7[%swap3A_746, %swap3A_747, %swap3A_748], %broadcast_in_dim3A_141 {strides = array<i32>} : memref<2x256x128xf32, #tpu.memory_space<vmem>>, vector<16xf32>,
      %add3A_750 = arith.constant 6 : i32
      %add3A_751 = arith.addi %mul3A_386, %add3A_750 : i32
      %swap3A_752 = arith.constant 0 : i32
      %swap3A_753 = arith.index_cast %swap3A_752 : i32 to index
      %swap3A_754 = arith.index_cast %add3A_751 : i32 to index
      %swap3A_755 = arith.constant 64 : index
      %swap3A_756 = tpu.vector_load %arg7[%swap3A_753, %swap3A_754, %swap3A_755] {strides = array<i32>} : memref<2x256x128xf32, #tpu.memory_space<vmem>>, vector<16xf32>,
      tpu.vector_store %arg7[%swap3A_753, %swap3A_754, %swap3A_755], %broadcast_in_dim3A_141 {strides = array<i32>} : memref<2x256x128xf32, #tpu.memory_space<vmem>>, vector<16xf32>,
      %add3A_757 = arith.constant 6 : i32
      %add3A_758 = arith.addi %mul3A_386, %add3A_757 : i32
      %swap3A_759 = arith.constant 0 : i32
      %swap3A_760 = arith.index_cast %swap3A_759 : i32 to index
      %swap3A_761 = arith.index_cast %add3A_758 : i32 to index
      %swap3A_762 = arith.constant 80 : index
      %swap3A_763 = tpu.vector_load %arg7[%swap3A_760, %swap3A_761, %swap3A_762] {strides = array<i32>} : memref<2x256x128xf32, #tpu.memory_space<vmem>>, vector<16xf32>,
      tpu.vector_store %arg7[%swap3A_760, %swap3A_761, %swap3A_762], %broadcast_in_dim3A_141 {strides = array<i32>} : memref<2x256x128xf32, #tpu.memory_space<vmem>>, vector<16xf32>,
      %add3A_764 = arith.constant 6 : i32
      %add3A_765 = arith.addi %mul3A_386, %add3A_764 : i32
      %swap3A_766 = arith.constant 0 : i32
      %swap3A_767 = arith.index_cast %swap3A_766 : i32 to index
      %swap3A_768 = arith.index_cast %add3A_765 : i32 to index
      %swap3A_769 = arith.constant 96 : index
      %swap3A_770 = tpu.vector_load %arg7[%swap3A_767, %swap3A_768, %swap3A_769] {strides = array<i32>} : memref<2x256x128xf32, #tpu.memory_space<vmem>>, vector<16xf32>,
      tpu.vector_store %arg7[%swap3A_767, %swap3A_768, %swap3A_769], %broadcast_in_dim3A_141 {strides = array<i32>} : memref<2x256x128xf32, #tpu.memory_space<vmem>>, vector<16xf32>,
      %add3A_771 = arith.constant 6 : i32
      %add3A_772 = arith.addi %mul3A_386, %add3A_771 : i32
      %swap3A_773 = arith.constant 0 : i32
      %swap3A_774 = arith.index_cast %swap3A_773 : i32 to index
      %swap3A_775 = arith.index_cast %add3A_772 : i32 to index
      %swap3A_776 = arith.constant 112 : index
      %swap3A_777 = tpu.vector_load %arg7[%swap3A_774, %swap3A_775, %swap3A_776] {strides = array<i32>} : memref<2x256x128xf32, #tpu.memory_space<vmem>>, vector<16xf32>,
      tpu.vector_store %arg7[%swap3A_774, %swap3A_775, %swap3A_776], %broadcast_in_dim3A_141 {strides = array<i32>} : memref<2x256x128xf32, #tpu.memory_space<vmem>>, vector<16xf32>,
      %add3A_778 = arith.constant 7 : i32
      %add3A_779 = arith.addi %mul3A_386, %add3A_778 : i32
      %swap3A_780 = arith.constant 0 : i32
      %swap3A_781 = arith.index_cast %swap3A_780 : i32 to index
      %swap3A_782 = arith.index_cast %add3A_779 : i32 to index
      %swap3A_783 = arith.constant 0 : index
      %swap3A_784 = tpu.vector_load %arg7[%swap3A_781, %swap3A_782, %swap3A_783] {strides = array<i32>} : memref<2x256x128xf32, #tpu.memory_space<vmem>>, vector<16xf32>,
      tpu.vector_store %arg7[%swap3A_781, %swap3A_782, %swap3A_783], %broadcast_in_dim3A_141 {strides = array<i32>} : memref<2x256x128xf32, #tpu.memory_space<vmem>>, vector<16xf32>,
      %add3A_785 = arith.constant 7 : i32
      %add3A_786 = arith.addi %mul3A_386, %add3A_785 : i32
      %swap3A_787 = arith.constant 0 : i32
      %swap3A_788 = arith.index_cast %swap3A_787 : i32 to index
      %swap3A_789 = arith.index_cast %add3A_786 : i32 to index
      %swap3A_790 = arith.constant 16 : index
      %swap3A_791 = tpu.vector_load %arg7[%swap3A_788, %swap3A_789, %swap3A_790] {strides = array<i32>} : memref<2x256x128xf32, #tpu.memory_space<vmem>>, vector<16xf32>,
      tpu.vector_store %arg7[%swap3A_788, %swap3A_789, %swap3A_790], %broadcast_in_dim3A_141 {strides = array<i32>} : memref<2x256x128xf32, #tpu.memory_space<vmem>>, vector<16xf32>,
      %add3A_792 = arith.constant 7 : i32
      %add3A_793 = arith.addi %mul3A_386, %add3A_792 : i32
      %swap3A_794 = arith.constant 0 : i32
      %swap3A_795 = arith.index_cast %swap3A_794 : i32 to index
      %swap3A_796 = arith.index_cast %add3A_793 : i32 to index
      %swap3A_797 = arith.constant 32 : index
      %swap3A_798 = tpu.vector_load %arg7[%swap3A_795, %swap3A_796, %swap3A_797] {strides = array<i32>} : memref<2x256x128xf32, #tpu.memory_space<vmem>>, vector<16xf32>,
      tpu.vector_store %arg7[%swap3A_795, %swap3A_796, %swap3A_797], %broadcast_in_dim3A_141 {strides = array<i32>} : memref<2x256x128xf32, #tpu.memory_space<vmem>>, vector<16xf32>,
      %add3A_799 = arith.constant 7 : i32
      %add3A_800 = arith.addi %mul3A_386, %add3A_799 : i32
      %swap3A_801 = arith.constant 0 : i32
      %swap3A_802 = arith.index_cast %swap3A_801 : i32 to index
      %swap3A_803 = arith.index_cast %add3A_800 : i32 to index
      %swap3A_804 = arith.constant 48 : index
      %swap3A_805 = tpu.vector_load %arg7[%swap3A_802, %swap3A_803, %swap3A_804] {strides = array<i32>} : memref<2x256x128xf32, #tpu.memory_space<vmem>>, vector<16xf32>,
      tpu.vector_store %arg7[%swap3A_802, %swap3A_803, %swap3A_804], %broadcast_in_dim3A_141 {strides = array<i32>} : memref<2x256x128xf32, #tpu.memory_space<vmem>>, vector<16xf32>,
      %add3A_806 = arith.constant 7 : i32
      %add3A_807 = arith.addi %mul3A_386, %add3A_806 : i32
      %swap3A_808 = arith.constant 0 : i32
      %swap3A_809 = arith.index_cast %swap3A_808 : i32 to index
      %swap3A_810 = arith.index_cast %add3A_807 : i32 to index
      %swap3A_811 = arith.constant 64 : index
      %swap3A_812 = tpu.vector_load %arg7[%swap3A_809, %swap3A_810, %swap3A_811] {strides = array<i32>} : memref<2x256x128xf32, #tpu.memory_space<vmem>>, vector<16xf32>,
      tpu.vector_store %arg7[%swap3A_809, %swap3A_810, %swap3A_811], %broadcast_in_dim3A_141 {strides = array<i32>} : memref<2x256x128xf32, #tpu.memory_space<vmem>>, vector<16xf32>,
      %add3A_813 = arith.constant 7 : i32
      %add3A_814 = arith.addi %mul3A_386, %add3A_813 : i32
      %swap3A_815 = arith.constant 0 : i32
      %swap3A_816 = arith.index_cast %swap3A_815 : i32 to index
      %swap3A_817 = arith.index_cast %add3A_814 : i32 to index
      %swap3A_818 = arith.constant 80 : index
      %swap3A_819 = tpu.vector_load %arg7[%swap3A_816, %swap3A_817, %swap3A_818] {strides = array<i32>} : memref<2x256x128xf32, #tpu.memory_space<vmem>>, vector<16xf32>,
      tpu.vector_store %arg7[%swap3A_816, %swap3A_817, %swap3A_818], %broadcast_in_dim3A_141 {strides = array<i32>} : memref<2x256x128xf32, #tpu.memory_space<vmem>>, vector<16xf32>,
      %add3A_820 = arith.constant 7 : i32
      %add3A_821 = arith.addi %mul3A_386, %add3A_820 : i32
      %swap3A_822 = arith.constant 0 : i32
      %swap3A_823 = arith.index_cast %swap3A_822 : i32 to index
      %swap3A_824 = arith.index_cast %add3A_821 : i32 to index
      %swap3A_825 = arith.constant 96 : index
      %swap3A_826 = tpu.vector_load %arg7[%swap3A_823, %swap3A_824, %swap3A_825] {strides = array<i32>} : memref<2x256x128xf32, #tpu.memory_space<vmem>>, vector<16xf32>,
      tpu.vector_store %arg7[%swap3A_823, %swap3A_824, %swap3A_825], %broadcast_in_dim3A_141 {strides = array<i32>} : memref<2x256x128xf32, #tpu.memory_space<vmem>>, vector<16xf32>,
      %add3A_827 = arith.constant 7 : i32
      %add3A_828 = arith.addi %mul3A_386, %add3A_827 : i32
      %swap3A_829 = arith.constant 0 : i32
      %swap3A_830 = arith.index_cast %swap3A_829 : i32 to index
      %swap3A_831 = arith.index_cast %add3A_828 : i32 to index
      %swap3A_832 = arith.constant 112 : index
      %swap3A_833 = tpu.vector_load %arg7[%swap3A_830, %swap3A_831, %swap3A_832] {strides = array<i32>} : memref<2x256x128xf32, #tpu.memory_space<vmem>>, vector<16xf32>,
      tpu.vector_store %arg7[%swap3A_830, %swap3A_831, %swap3A_832], %broadcast_in_dim3A_141 {strides = array<i32>} : memref<2x256x128xf32, #tpu.memory_space<vmem>>, vector<16xf32>,
      %add3A_834 = arith.constant 8 : i32
      %add3A_835 = arith.addi %mul3A_386, %add3A_834 : i32
      %swap3A_836 = arith.constant 0 : i32
      %swap3A_837 = arith.index_cast %swap3A_836 : i32 to index
      %swap3A_838 = arith.index_cast %add3A_835 : i32 to index
      %swap3A_839 = arith.constant 0 : index
      %swap3A_840 = tpu.vector_load %arg7[%swap3A_837, %swap3A_838, %swap3A_839] {strides = array<i32>} : memref<2x256x128xf32, #tpu.memory_space<vmem>>, vector<16xf32>,
      tpu.vector_store %arg7[%swap3A_837, %swap3A_838, %swap3A_839], %broadcast_in_dim3A_141 {strides = array<i32>} : memref<2x256x128xf32, #tpu.memory_space<vmem>>, vector<16xf32>,
      %add3A_841 = arith.constant 8 : i32
      %add3A_842 = arith.addi %mul3A_386, %add3A_841 : i32
      %swap3A_843 = arith.constant 0 : i32
      %swap3A_844 = arith.index_cast %swap3A_843 : i32 to index
      %swap3A_845 = arith.index_cast %add3A_842 : i32 to index
      %swap3A_846 = arith.constant 16 : index
      %swap3A_847 = tpu.vector_load %arg7[%swap3A_844, %swap3A_845, %swap3A_846] {strides = array<i32>} : memref<2x256x128xf32, #tpu.memory_space<vmem>>, vector<16xf32>,
      tpu.vector_store %arg7[%swap3A_844, %swap3A_845, %swap3A_846], %broadcast_in_dim3A_141 {strides = array<i32>} : memref<2x256x128xf32, #tpu.memory_space<vmem>>, vector<16xf32>,
      %add3A_848 = arith.constant 8 : i32
      %add3A_849 = arith.addi %mul3A_386, %add3A_848 : i32
      %swap3A_850 = arith.constant 0 : i32
      %swap3A_851 = arith.index_cast %swap3A_850 : i32 to index
      %swap3A_852 = arith.index_cast %add3A_849 : i32 to index
      %swap3A_853 = arith.constant 32 : index
      %swap3A_854 = tpu.vector_load %arg7[%swap3A_851, %swap3A_852, %swap3A_853] {strides = array<i32>} : memref<2x256x128xf32, #tpu.memory_space<vmem>>, vector<16xf32>,
      tpu.vector_store %arg7[%swap3A_851, %swap3A_852, %swap3A_853], %broadcast_in_dim3A_141 {strides = array<i32>} : memref<2x256x128xf32, #tpu.memory_space<vmem>>, vector<16xf32>,
      %add3A_855 = arith.constant 8 : i32
      %add3A_856 = arith.addi %mul3A_386, %add3A_855 : i32
      %swap3A_857 = arith.constant 0 : i32
      %swap3A_858 = arith.index_cast %swap3A_857 : i32 to index
      %swap3A_859 = arith.index_cast %add3A_856 : i32 to index
      %swap3A_860 = arith.constant 48 : index
      %swap3A_861 = tpu.vector_load %arg7[%swap3A_858, %swap3A_859, %swap3A_860] {strides = array<i32>} : memref<2x256x128xf32, #tpu.memory_space<vmem>>, vector<16xf32>,
      tpu.vector_store %arg7[%swap3A_858, %swap3A_859, %swap3A_860], %broadcast_in_dim3A_141 {strides = array<i32>} : memref<2x256x128xf32, #tpu.memory_space<vmem>>, vector<16xf32>,
      %add3A_862 = arith.constant 8 : i32
      %add3A_863 = arith.addi %mul3A_386, %add3A_862 : i32
      %swap3A_864 = arith.constant 0 : i32
      %swap3A_865 = arith.index_cast %swap3A_864 : i32 to index
      %swap3A_866 = arith.index_cast %add3A_863 : i32 to index
      %swap3A_867 = arith.constant 64 : index
      %swap3A_868 = tpu.vector_load %arg7[%swap3A_865, %swap3A_866, %swap3A_867] {strides = array<i32>} : memref<2x256x128xf32, #tpu.memory_space<vmem>>, vector<16xf32>,
      tpu.vector_store %arg7[%swap3A_865, %swap3A_866, %swap3A_867], %broadcast_in_dim3A_141 {strides = array<i32>} : memref<2x256x128xf32, #tpu.memory_space<vmem>>, vector<16xf32>,
      %add3A_869 = arith.constant 8 : i32
      %add3A_870 = arith.addi %mul3A_386, %add3A_869 : i32
      %swap3A_871 = arith.constant 0 : i32
      %swap3A_872 = arith.index_cast %swap3A_871 : i32 to index
      %swap3A_873 = arith.index_cast %add3A_870 : i32 to index
      %swap3A_874 = arith.constant 80 : index
      %swap3A_875 = tpu.vector_load %arg7[%swap3A_872, %swap3A_873, %swap3A_874] {strides = array<i32>} : memref<2x256x128xf32, #tpu.memory_space<vmem>>, vector<16xf32>,
      tpu.vector_store %arg7[%swap3A_872, %swap3A_873, %swap3A_874], %broadcast_in_dim3A_141 {strides = array<i32>} : memref<2x256x128xf32, #tpu.memory_space<vmem>>, vector<16xf32>,
      %add3A_876 = arith.constant 8 : i32
      %add3A_877 = arith.addi %mul3A_386, %add3A_876 : i32
      %swap3A_878 = arith.constant 0 : i32
      %swap3A_879 = arith.index_cast %swap3A_878 : i32 to index
      %swap3A_880 = arith.index_cast %add3A_877 : i32 to index
      %swap3A_881 = arith.constant 96 : index
      %swap3A_882 = tpu.vector_load %arg7[%swap3A_879, %swap3A_880, %swap3A_881] {strides = array<i32>} : memref<2x256x128xf32, #tpu.memory_space<vmem>>, vector<16xf32>,
      tpu.vector_store %arg7[%swap3A_879, %swap3A_880, %swap3A_881], %broadcast_in_dim3A_141 {strides = array<i32>} : memref<2x256x128xf32, #tpu.memory_space<vmem>>, vector<16xf32>,
      %add3A_883 = arith.constant 8 : i32
      %add3A_884 = arith.addi %mul3A_386, %add3A_883 : i32
      %swap3A_885 = arith.constant 0 : i32
      %swap3A_886 = arith.index_cast %swap3A_885 : i32 to index
      %swap3A_887 = arith.index_cast %add3A_884 : i32 to index
      %swap3A_888 = arith.constant 112 : index
      %swap3A_889 = tpu.vector_load %arg7[%swap3A_886, %swap3A_887, %swap3A_888] {strides = array<i32>} : memref<2x256x128xf32, #tpu.memory_space<vmem>>, vector<16xf32>,
      tpu.vector_store %arg7[%swap3A_886, %swap3A_887, %swap3A_888], %broadcast_in_dim3A_141 {strides = array<i32>} : memref<2x256x128xf32, #tpu.memory_space<vmem>>, vector<16xf32>,
      %add3A_890 = arith.constant 9 : i32
      %add3A_891 = arith.addi %mul3A_386, %add3A_890 : i32
      %swap3A_892 = arith.constant 0 : i32
      %swap3A_893 = arith.index_cast %swap3A_892 : i32 to index
      %swap3A_894 = arith.index_cast %add3A_891 : i32 to index
      %swap3A_895 = arith.constant 0 : index
      %swap3A_896 = tpu.vector_load %arg7[%swap3A_893, %swap3A_894, %swap3A_895] {strides = array<i32>} : memref<2x256x128xf32, #tpu.memory_space<vmem>>, vector<16xf32>,
      tpu.vector_store %arg7[%swap3A_893, %swap3A_894, %swap3A_895], %broadcast_in_dim3A_141 {strides = array<i32>} : memref<2x256x128xf32, #tpu.memory_space<vmem>>, vector<16xf32>,
      %add3A_897 = arith.constant 9 : i32
      %add3A_898 = arith.addi %mul3A_386, %add3A_897 : i32
      %swap3A_899 = arith.constant 0 : i32
      %swap3A_900 = arith.index_cast %swap3A_899 : i32 to index
      %swap3A_901 = arith.index_cast %add3A_898 : i32 to index
      %swap3A_902 = arith.constant 16 : index
      %swap3A_903 = tpu.vector_load %arg7[%swap3A_900, %swap3A_901, %swap3A_902] {strides = array<i32>} : memref<2x256x128xf32, #tpu.memory_space<vmem>>, vector<16xf32>,
      tpu.vector_store %arg7[%swap3A_900, %swap3A_901, %swap3A_902], %broadcast_in_dim3A_141 {strides = array<i32>} : memref<2x256x128xf32, #tpu.memory_space<vmem>>, vector<16xf32>,
      %add3A_904 = arith.constant 9 : i32
      %add3A_905 = arith.addi %mul3A_386, %add3A_904 : i32
      %swap3A_906 = arith.constant 0 : i32
      %swap3A_907 = arith.index_cast %swap3A_906 : i32 to index
      %swap3A_908 = arith.index_cast %add3A_905 : i32 to index
      %swap3A_909 = arith.constant 32 : index
      %swap3A_910 = tpu.vector_load %arg7[%swap3A_907, %swap3A_908, %swap3A_909] {strides = array<i32>} : memref<2x256x128xf32, #tpu.memory_space<vmem>>, vector<16xf32>,
      tpu.vector_store %arg7[%swap3A_907, %swap3A_908, %swap3A_909], %broadcast_in_dim3A_141 {strides = array<i32>} : memref<2x256x128xf32, #tpu.memory_space<vmem>>, vector<16xf32>,
      %add3A_911 = arith.constant 9 : i32
      %add3A_912 = arith.addi %mul3A_386, %add3A_911 : i32
      %swap3A_913 = arith.constant 0 : i32
      %swap3A_914 = arith.index_cast %swap3A_913 : i32 to index
      %swap3A_915 = arith.index_cast %add3A_912 : i32 to index
      %swap3A_916 = arith.constant 48 : index
      %swap3A_917 = tpu.vector_load %arg7[%swap3A_914, %swap3A_915, %swap3A_916] {strides = array<i32>} : memref<2x256x128xf32, #tpu.memory_space<vmem>>, vector<16xf32>,
      tpu.vector_store %arg7[%swap3A_914, %swap3A_915, %swap3A_916], %broadcast_in_dim3A_141 {strides = array<i32>} : memref<2x256x128xf32, #tpu.memory_space<vmem>>, vector<16xf32>,
      %add3A_918 = arith.constant 9 : i32
      %add3A_919 = arith.addi %mul3A_386, %add3A_918 : i32
      %swap3A_920 = arith.constant 0 : i32
      %swap3A_921 = arith.index_cast %swap3A_920 : i32 to index
      %swap3A_922 = arith.index_cast %add3A_919 : i32 to index
      %swap3A_923 = arith.constant 64 : index
      %swap3A_924 = tpu.vector_load %arg7[%swap3A_921, %swap3A_922, %swap3A_923] {strides = array<i32>} : memref<2x256x128xf32, #tpu.memory_space<vmem>>, vector<16xf32>,
      tpu.vector_store %arg7[%swap3A_921, %swap3A_922, %swap3A_923], %broadcast_in_dim3A_141 {strides = array<i32>} : memref<2x256x128xf32, #tpu.memory_space<vmem>>, vector<16xf32>,
      %add3A_925 = arith.constant 9 : i32
      %add3A_926 = arith.addi %mul3A_386, %add3A_925 : i32
      %swap3A_927 = arith.constant 0 : i32
      %swap3A_928 = arith.index_cast %swap3A_927 : i32 to index
      %swap3A_929 = arith.index_cast %add3A_926 : i32 to index
      %swap3A_930 = arith.constant 80 : index
      %swap3A_931 = tpu.vector_load %arg7[%swap3A_928, %swap3A_929, %swap3A_930] {strides = array<i32>} : memref<2x256x128xf32, #tpu.memory_space<vmem>>, vector<16xf32>,
      tpu.vector_store %arg7[%swap3A_928, %swap3A_929, %swap3A_930], %broadcast_in_dim3A_141 {strides = array<i32>} : memref<2x256x128xf32, #tpu.memory_space<vmem>>, vector<16xf32>,
      %add3A_932 = arith.constant 9 : i32
      %add3A_933 = arith.addi %mul3A_386, %add3A_932 : i32
      %swap3A_934 = arith.constant 0 : i32
      %swap3A_935 = arith.index_cast %swap3A_934 : i32 to index
      %swap3A_936 = arith.index_cast %add3A_933 : i32 to index
      %swap3A_937 = arith.constant 96 : index
      %swap3A_938 = tpu.vector_load %arg7[%swap3A_935, %swap3A_936, %swap3A_937] {strides = array<i32>} : memref<2x256x128xf32, #tpu.memory_space<vmem>>, vector<16xf32>,
      tpu.vector_store %arg7[%swap3A_935, %swap3A_936, %swap3A_937], %broadcast_in_dim3A_141 {strides = array<i32>} : memref<2x256x128xf32, #tpu.memory_space<vmem>>, vector<16xf32>,
      %add3A_939 = arith.constant 9 : i32
      %add3A_940 = arith.addi %mul3A_386, %add3A_939 : i32
      %swap3A_941 = arith.constant 0 : i32
      %swap3A_942 = arith.index_cast %swap3A_941 : i32 to index
      %swap3A_943 = arith.index_cast %add3A_940 : i32 to index
      %swap3A_944 = arith.constant 112 : index
      %swap3A_945 = tpu.vector_load %arg7[%swap3A_942, %swap3A_943, %swap3A_944] {strides = array<i32>} : memref<2x256x128xf32, #tpu.memory_space<vmem>>, vector<16xf32>,
      tpu.vector_store %arg7[%swap3A_942, %swap3A_943, %swap3A_944], %broadcast_in_dim3A_141 {strides = array<i32>} : memref<2x256x128xf32, #tpu.memory_space<vmem>>, vector<16xf32>,
      %add3A_946 = arith.constant 10 : i32
      %add3A_947 = arith.addi %mul3A_386, %add3A_946 : i32
      %swap3A_948 = arith.constant 0 : i32
      %swap3A_949 = arith.index_cast %swap3A_948 : i32 to index
      %swap3A_950 = arith.index_cast %add3A_947 : i32 to index
      %swap3A_951 = arith.constant 0 : index
      %swap3A_952 = tpu.vector_load %arg7[%swap3A_949, %swap3A_950, %swap3A_951] {strides = array<i32>} : memref<2x256x128xf32, #tpu.memory_space<vmem>>, vector<16xf32>,
      tpu.vector_store %arg7[%swap3A_949, %swap3A_950, %swap3A_951], %broadcast_in_dim3A_141 {strides = array<i32>} : memref<2x256x128xf32, #tpu.memory_space<vmem>>, vector<16xf32>,
      %add3A_953 = arith.constant 10 : i32
      %add3A_954 = arith.addi %mul3A_386, %add3A_953 : i32
      %swap3A_955 = arith.constant 0 : i32
      %swap3A_956 = arith.index_cast %swap3A_955 : i32 to index
      %swap3A_957 = arith.index_cast %add3A_954 : i32 to index
      %swap3A_958 = arith.constant 16 : index
      %swap3A_959 = tpu.vector_load %arg7[%swap3A_956, %swap3A_957, %swap3A_958] {strides = array<i32>} : memref<2x256x128xf32, #tpu.memory_space<vmem>>, vector<16xf32>,
      tpu.vector_store %arg7[%swap3A_956, %swap3A_957, %swap3A_958], %broadcast_in_dim3A_141 {strides = array<i32>} : memref<2x256x128xf32, #tpu.memory_space<vmem>>, vector<16xf32>,
      %add3A_960 = arith.constant 10 : i32
      %add3A_961 = arith.addi %mul3A_386, %add3A_960 : i32
      %swap3A_962 = arith.constant 0 : i32
      %swap3A_963 = arith.index_cast %swap3A_962 : i32 to index
      %swap3A_964 = arith.index_cast %add3A_961 : i32 to index
      %swap3A_965 = arith.constant 32 : index
      %swap3A_966 = tpu.vector_load %arg7[%swap3A_963, %swap3A_964, %swap3A_965] {strides = array<i32>} : memref<2x256x128xf32, #tpu.memory_space<vmem>>, vector<16xf32>,
      tpu.vector_store %arg7[%swap3A_963, %swap3A_964, %swap3A_965], %broadcast_in_dim3A_141 {strides = array<i32>} : memref<2x256x128xf32, #tpu.memory_space<vmem>>, vector<16xf32>,
      %add3A_967 = arith.constant 10 : i32
      %add3A_968 = arith.addi %mul3A_386, %add3A_967 : i32
      %swap3A_969 = arith.constant 0 : i32
      %swap3A_970 = arith.index_cast %swap3A_969 : i32 to index
      %swap3A_971 = arith.index_cast %add3A_968 : i32 to index
      %swap3A_972 = arith.constant 48 : index
      %swap3A_973 = tpu.vector_load %arg7[%swap3A_970, %swap3A_971, %swap3A_972] {strides = array<i32>} : memref<2x256x128xf32, #tpu.memory_space<vmem>>, vector<16xf32>,
      tpu.vector_store %arg7[%swap3A_970, %swap3A_971, %swap3A_972], %broadcast_in_dim3A_141 {strides = array<i32>} : memref<2x256x128xf32, #tpu.memory_space<vmem>>, vector<16xf32>,
      %add3A_974 = arith.constant 10 : i32
      %add3A_975 = arith.addi %mul3A_386, %add3A_974 : i32
      %swap3A_976 = arith.constant 0 : i32
      %swap3A_977 = arith.index_cast %swap3A_976 : i32 to index
      %swap3A_978 = arith.index_cast %add3A_975 : i32 to index
      %swap3A_979 = arith.constant 64 : index
      %swap3A_980 = tpu.vector_load %arg7[%swap3A_977, %swap3A_978, %swap3A_979] {strides = array<i32>} : memref<2x256x128xf32, #tpu.memory_space<vmem>>, vector<16xf32>,
      tpu.vector_store %arg7[%swap3A_977, %swap3A_978, %swap3A_979], %broadcast_in_dim3A_141 {strides = array<i32>} : memref<2x256x128xf32, #tpu.memory_space<vmem>>, vector<16xf32>,
      %add3A_981 = arith.constant 10 : i32
      %add3A_982 = arith.addi %mul3A_386, %add3A_981 : i32
      %swap3A_983 = arith.constant 0 : i32
      %swap3A_984 = arith.index_cast %swap3A_983 : i32 to index
      %swap3A_985 = arith.index_cast %add3A_982 : i32 to index
      %swap3A_986 = arith.constant 80 : index
      %swap3A_987 = tpu.vector_load %arg7[%swap3A_984, %swap3A_985, %swap3A_986] {strides = array<i32>} : memref<2x256x128xf32, #tpu.memory_space<vmem>>, vector<16xf32>,
      tpu.vector_store %arg7[%swap3A_984, %swap3A_985, %swap3A_986], %broadcast_in_dim3A_141 {strides = array<i32>} : memref<2x256x128xf32, #tpu.memory_space<vmem>>, vector<16xf32>,
      %add3A_988 = arith.constant 10 : i32
      %add3A_989 = arith.addi %mul3A_386, %add3A_988 : i32
      %swap3A_990 = arith.constant 0 : i32
      %swap3A_991 = arith.index_cast %swap3A_990 : i32 to index
      %swap3A_992 = arith.index_cast %add3A_989 : i32 to index
      %swap3A_993 = arith.constant 96 : index
      %swap3A_994 = tpu.vector_load %arg7[%swap3A_991, %swap3A_992, %swap3A_993] {strides = array<i32>} : memref<2x256x128xf32, #tpu.memory_space<vmem>>, vector<16xf32>,
      tpu.vector_store %arg7[%swap3A_991, %swap3A_992, %swap3A_993], %broadcast_in_dim3A_141 {strides = array<i32>} : memref<2x256x128xf32, #tpu.memory_space<vmem>>, vector<16xf32>,
      %add3A_995 = arith.constant 10 : i32
      %add3A_996 = arith.addi %mul3A_386, %add3A_995 : i32
      %swap3A_997 = arith.constant 0 : i32
      %swap3A_998 = arith.index_cast %swap3A_997 : i32 to index
      %swap3A_999 = arith.index_cast %add3A_996 : i32 to index
      %swap3A_1000 = arith.constant 112 : index
      %swap3A_1001 = tpu.vector_load %arg7[%swap3A_998, %swap3A_999, %swap3A_1000] {strides = array<i32>} : memref<2x256x128xf32, #tpu.memory_space<vmem>>, vector<16xf32>,
      tpu.vector_store %arg7[%swap3A_998, %swap3A_999, %swap3A_1000], %broadcast_in_dim3A_141 {strides = array<i32>} : memref<2x256x128xf32, #tpu.memory_space<vmem>>, vector<16xf32>,
      %add3A_1002 = arith.constant 11 : i32
      %add3A_1003 = arith.addi %mul3A_386, %add3A_1002 : i32
      %swap3A_1004 = arith.constant 0 : i32
      %swap3A_1005 = arith.index_cast %swap3A_1004 : i32 to index
      %swap3A_1006 = arith.index_cast %add3A_1003 : i32 to index
      %swap3A_1007 = arith.constant 0 : index
      %swap3A_1008 = tpu.vector_load %arg7[%swap3A_1005, %swap3A_1006, %swap3A_1007] {strides = array<i32>} : memref<2x256x128xf32, #tpu.memory_space<vmem>>, vector<16xf32>,
      tpu.vector_store %arg7[%swap3A_1005, %swap3A_1006, %swap3A_1007], %broadcast_in_dim3A_141 {strides = array<i32>} : memref<2x256x128xf32, #tpu.memory_space<vmem>>, vector<16xf32>,
      %add3A_1009 = arith.constant 11 : i32
      %add3A_1010 = arith.addi %mul3A_386, %add3A_1009 : i32
      %swap3A_1011 = arith.constant 0 : i32
      %swap3A_1012 = arith.index_cast %swap3A_1011 : i32 to index
      %swap3A_1013 = arith.index_cast %add3A_1010 : i32 to index
      %swap3A_1014 = arith.constant 16 : index
      %swap3A_1015 = tpu.vector_load %arg7[%swap3A_1012, %swap3A_1013, %swap3A_1014] {strides = array<i32>} : memref<2x256x128xf32, #tpu.memory_space<vmem>>, vector<16xf32>,
      tpu.vector_store %arg7[%swap3A_1012, %swap3A_1013, %swap3A_1014], %broadcast_in_dim3A_141 {strides = array<i32>} : memref<2x256x128xf32, #tpu.memory_space<vmem>>, vector<16xf32>,
      %add3A_1016 = arith.constant 11 : i32
      %add3A_1017 = arith.addi %mul3A_386, %add3A_1016 : i32
      %swap3A_1018 = arith.constant 0 : i32
      %swap3A_1019 = arith.index_cast %swap3A_1018 : i32 to index
      %swap3A_1020 = arith.index_cast %add3A_1017 : i32 to index
      %swap3A_1021 = arith.constant 32 : index
      %swap3A_1022 = tpu.vector_load %arg7[%swap3A_1019, %swap3A_1020, %swap3A_1021] {strides = array<i32>} : memref<2x256x128xf32, #tpu.memory_space<vmem>>, vector<16xf32>,
      tpu.vector_store %arg7[%swap3A_1019, %swap3A_1020, %swap3A_1021], %broadcast_in_dim3A_141 {strides = array<i32>} : memref<2x256x128xf32, #tpu.memory_space<vmem>>, vector<16xf32>,
      %add3A_1023 = arith.constant 11 : i32
      %add3A_1024 = arith.addi %mul3A_386, %add3A_1023 : i32
      %swap3A_1025 = arith.constant 0 : i32
      %swap3A_1026 = arith.index_cast %swap3A_1025 : i32 to index
      %swap3A_1027 = arith.index_cast %add3A_1024 : i32 to index
      %swap3A_1028 = arith.constant 48 : index
      %swap3A_1029 = tpu.vector_load %arg7[%swap3A_1026, %swap3A_1027, %swap3A_1028] {strides = array<i32>} : memref<2x256x128xf32, #tpu.memory_space<vmem>>, vector<16xf32>,
      tpu.vector_store %arg7[%swap3A_1026, %swap3A_1027, %swap3A_1028], %broadcast_in_dim3A_141 {strides = array<i32>} : memref<2x256x128xf32, #tpu.memory_space<vmem>>, vector<16xf32>,
      %add3A_1030 = arith.constant 11 : i32
      %add3A_1031 = arith.addi %mul3A_386, %add3A_1030 : i32
      %swap3A_1032 = arith.constant 0 : i32
      %swap3A_1033 = arith.index_cast %swap3A_1032 : i32 to index
      %swap3A_1034 = arith.index_cast %add3A_1031 : i32 to index
      %swap3A_1035 = arith.constant 64 : index
      %swap3A_1036 = tpu.vector_load %arg7[%swap3A_1033, %swap3A_1034, %swap3A_1035] {strides = array<i32>} : memref<2x256x128xf32, #tpu.memory_space<vmem>>, vector<16xf32>,
      tpu.vector_store %arg7[%swap3A_1033, %swap3A_1034, %swap3A_1035], %broadcast_in_dim3A_141 {strides = array<i32>} : memref<2x256x128xf32, #tpu.memory_space<vmem>>, vector<16xf32>,
      %add3A_1037 = arith.constant 11 : i32
      %add3A_1038 = arith.addi %mul3A_386, %add3A_1037 : i32
      %swap3A_1039 = arith.constant 0 : i32
      %swap3A_1040 = arith.index_cast %swap3A_1039 : i32 to index
      %swap3A_1041 = arith.index_cast %add3A_1038 : i32 to index
      %swap3A_1042 = arith.constant 80 : index
      %swap3A_1043 = tpu.vector_load %arg7[%swap3A_1040, %swap3A_1041, %swap3A_1042] {strides = array<i32>} : memref<2x256x128xf32, #tpu.memory_space<vmem>>, vector<16xf32>,
      tpu.vector_store %arg7[%swap3A_1040, %swap3A_1041, %swap3A_1042], %broadcast_in_dim3A_141 {strides = array<i32>} : memref<2x256x128xf32, #tpu.memory_space<vmem>>, vector<16xf32>,
      %add3A_1044 = arith.constant 11 : i32
      %add3A_1045 = arith.addi %mul3A_386, %add3A_1044 : i32
      %swap3A_1046 = arith.constant 0 : i32
      %swap3A_1047 = arith.index_cast %swap3A_1046 : i32 to index
      %swap3A_1048 = arith.index_cast %add3A_1045 : i32 to index
      %swap3A_1049 = arith.constant 96 : index
      %swap3A_1050 = tpu.vector_load %arg7[%swap3A_1047, %swap3A_1048, %swap3A_1049] {strides = array<i32>} : memref<2x256x128xf32, #tpu.memory_space<vmem>>, vector<16xf32>,
      tpu.vector_store %arg7[%swap3A_1047, %swap3A_1048, %swap3A_1049], %broadcast_in_dim3A_141 {strides = array<i32>} : memref<2x256x128xf32, #tpu.memory_space<vmem>>, vector<16xf32>,
      %add3A_1051 = arith.constant 11 : i32
      %add3A_1052 = arith.addi %mul3A_386, %add3A_1051 : i32
      %swap3A_1053 = arith.constant 0 : i32
      %swap3A_1054 = arith.index_cast %swap3A_1053 : i32 to index
      %swap3A_1055 = arith.index_cast %add3A_1052 : i32 to index
      %swap3A_1056 = arith.constant 112 : index
      %swap3A_1057 = tpu.vector_load %arg7[%swap3A_1054, %swap3A_1055, %swap3A_1056] {strides = array<i32>} : memref<2x256x128xf32, #tpu.memory_space<vmem>>, vector<16xf32>,
      tpu.vector_store %arg7[%swap3A_1054, %swap3A_1055, %swap3A_1056], %broadcast_in_dim3A_141 {strides = array<i32>} : memref<2x256x128xf32, #tpu.memory_space<vmem>>, vector<16xf32>,
      %add3A_1058 = arith.constant 12 : i32
      %add3A_1059 = arith.addi %mul3A_386, %add3A_1058 : i32
      %swap3A_1060 = arith.constant 0 : i32
      %swap3A_1061 = arith.index_cast %swap3A_1060 : i32 to index
      %swap3A_1062 = arith.index_cast %add3A_1059 : i32 to index
      %swap3A_1063 = arith.constant 0 : index
      %swap3A_1064 = tpu.vector_load %arg7[%swap3A_1061, %swap3A_1062, %swap3A_1063] {strides = array<i32>} : memref<2x256x128xf32, #tpu.memory_space<vmem>>, vector<16xf32>,
      tpu.vector_store %arg7[%swap3A_1061, %swap3A_1062, %swap3A_1063], %broadcast_in_dim3A_141 {strides = array<i32>} : memref<2x256x128xf32, #tpu.memory_space<vmem>>, vector<16xf32>,
      %add3A_1065 = arith.constant 12 : i32
      %add3A_1066 = arith.addi %mul3A_386, %add3A_1065 : i32
      %swap3A_1067 = arith.constant 0 : i32
      %swap3A_1068 = arith.index_cast %swap3A_1067 : i32 to index
      %swap3A_1069 = arith.index_cast %add3A_1066 : i32 to index
      %swap3A_1070 = arith.constant 16 : index
      %swap3A_1071 = tpu.vector_load %arg7[%swap3A_1068, %swap3A_1069, %swap3A_1070] {strides = array<i32>} : memref<2x256x128xf32, #tpu.memory_space<vmem>>, vector<16xf32>,
      tpu.vector_store %arg7[%swap3A_1068, %swap3A_1069, %swap3A_1070], %broadcast_in_dim3A_141 {strides = array<i32>} : memref<2x256x128xf32, #tpu.memory_space<vmem>>, vector<16xf32>,
      %add3A_1072 = arith.constant 12 : i32
      %add3A_1073 = arith.addi %mul3A_386, %add3A_1072 : i32
      %swap3A_1074 = arith.constant 0 : i32
      %swap3A_1075 = arith.index_cast %swap3A_1074 : i32 to index
      %swap3A_1076 = arith.index_cast %add3A_1073 : i32 to index
      %swap3A_1077 = arith.constant 32 : index
      %swap3A_1078 = tpu.vector_load %arg7[%swap3A_1075, %swap3A_1076, %swap3A_1077] {strides = array<i32>} : memref<2x256x128xf32, #tpu.memory_space<vmem>>, vector<16xf32>,
      tpu.vector_store %arg7[%swap3A_1075, %swap3A_1076, %swap3A_1077], %broadcast_in_dim3A_141 {strides = array<i32>} : memref<2x256x128xf32, #tpu.memory_space<vmem>>, vector<16xf32>,
      %add3A_1079 = arith.constant 12 : i32
      %add3A_1080 = arith.addi %mul3A_386, %add3A_1079 : i32
      %swap3A_1081 = arith.constant 0 : i32
      %swap3A_1082 = arith.index_cast %swap3A_1081 : i32 to index
      %swap3A_1083 = arith.index_cast %add3A_1080 : i32 to index
      %swap3A_1084 = arith.constant 48 : index
      %swap3A_1085 = tpu.vector_load %arg7[%swap3A_1082, %swap3A_1083, %swap3A_1084] {strides = array<i32>} : memref<2x256x128xf32, #tpu.memory_space<vmem>>, vector<16xf32>,
      tpu.vector_store %arg7[%swap3A_1082, %swap3A_1083, %swap3A_1084], %broadcast_in_dim3A_141 {strides = array<i32>} : memref<2x256x128xf32, #tpu.memory_space<vmem>>, vector<16xf32>,
      %add3A_1086 = arith.constant 12 : i32
      %add3A_1087 = arith.addi %mul3A_386, %add3A_1086 : i32
      %swap3A_1088 = arith.constant 0 : i32
      %swap3A_1089 = arith.index_cast %swap3A_1088 : i32 to index
      %swap3A_1090 = arith.index_cast %add3A_1087 : i32 to index
      %swap3A_1091 = arith.constant 64 : index
      %swap3A_1092 = tpu.vector_load %arg7[%swap3A_1089, %swap3A_1090, %swap3A_1091] {strides = array<i32>} : memref<2x256x128xf32, #tpu.memory_space<vmem>>, vector<16xf32>,
      tpu.vector_store %arg7[%swap3A_1089, %swap3A_1090, %swap3A_1091], %broadcast_in_dim3A_141 {strides = array<i32>} : memref<2x256x128xf32, #tpu.memory_space<vmem>>, vector<16xf32>,
      %add3A_1093 = arith.constant 12 : i32
      %add3A_1094 = arith.addi %mul3A_386, %add3A_1093 : i32
      %swap3A_1095 = arith.constant 0 : i32
      %swap3A_1096 = arith.index_cast %swap3A_1095 : i32 to index
      %swap3A_1097 = arith.index_cast %add3A_1094 : i32 to index
      %swap3A_1098 = arith.constant 80 : index
      %swap3A_1099 = tpu.vector_load %arg7[%swap3A_1096, %swap3A_1097, %swap3A_1098] {strides = array<i32>} : memref<2x256x128xf32, #tpu.memory_space<vmem>>, vector<16xf32>,
      tpu.vector_store %arg7[%swap3A_1096, %swap3A_1097, %swap3A_1098], %broadcast_in_dim3A_141 {strides = array<i32>} : memref<2x256x128xf32, #tpu.memory_space<vmem>>, vector<16xf32>,
      %add3A_1100 = arith.constant 12 : i32
      %add3A_1101 = arith.addi %mul3A_386, %add3A_1100 : i32
      %swap3A_1102 = arith.constant 0 : i32
      %swap3A_1103 = arith.index_cast %swap3A_1102 : i32 to index
      %swap3A_1104 = arith.index_cast %add3A_1101 : i32 to index
      %swap3A_1105 = arith.constant 96 : index
      %swap3A_1106 = tpu.vector_load %arg7[%swap3A_1103, %swap3A_1104, %swap3A_1105] {strides = array<i32>} : memref<2x256x128xf32, #tpu.memory_space<vmem>>, vector<16xf32>,
      tpu.vector_store %arg7[%swap3A_1103, %swap3A_1104, %swap3A_1105], %broadcast_in_dim3A_141 {strides = array<i32>} : memref<2x256x128xf32, #tpu.memory_space<vmem>>, vector<16xf32>,
      %add3A_1107 = arith.constant 12 : i32
      %add3A_1108 = arith.addi %mul3A_386, %add3A_1107 : i32
      %swap3A_1109 = arith.constant 0 : i32
      %swap3A_1110 = arith.index_cast %swap3A_1109 : i32 to index
      %swap3A_1111 = arith.index_cast %add3A_1108 : i32 to index
      %swap3A_1112 = arith.constant 112 : index
      %swap3A_1113 = tpu.vector_load %arg7[%swap3A_1110, %swap3A_1111, %swap3A_1112] {strides = array<i32>} : memref<2x256x128xf32, #tpu.memory_space<vmem>>, vector<16xf32>,
      tpu.vector_store %arg7[%swap3A_1110, %swap3A_1111, %swap3A_1112], %broadcast_in_dim3A_141 {strides = array<i32>} : memref<2x256x128xf32, #tpu.memory_space<vmem>>, vector<16xf32>,
      %add3A_1114 = arith.constant 13 : i32
      %add3A_1115 = arith.addi %mul3A_386, %add3A_1114 : i32
      %swap3A_1116 = arith.constant 0 : i32
      %swap3A_1117 = arith.index_cast %swap3A_1116 : i32 to index
      %swap3A_1118 = arith.index_cast %add3A_1115 : i32 to index
      %swap3A_1119 = arith.constant 0 : index
      %swap3A_1120 = tpu.vector_load %arg7[%swap3A_1117, %swap3A_1118, %swap3A_1119] {strides = array<i32>} : memref<2x256x128xf32, #tpu.memory_space<vmem>>, vector<16xf32>,
      tpu.vector_store %arg7[%swap3A_1117, %swap3A_1118, %swap3A_1119], %broadcast_in_dim3A_141 {strides = array<i32>} : memref<2x256x128xf32, #tpu.memory_space<vmem>>, vector<16xf32>,
      %add3A_1121 = arith.constant 13 : i32
      %add3A_1122 = arith.addi %mul3A_386, %add3A_1121 : i32
      %swap3A_1123 = arith.constant 0 : i32
      %swap3A_1124 = arith.index_cast %swap3A_1123 : i32 to index
      %swap3A_1125 = arith.index_cast %add3A_1122 : i32 to index
      %swap3A_1126 = arith.constant 16 : index
      %swap3A_1127 = tpu.vector_load %arg7[%swap3A_1124, %swap3A_1125, %swap3A_1126] {strides = array<i32>} : memref<2x256x128xf32, #tpu.memory_space<vmem>>, vector<16xf32>,
      tpu.vector_store %arg7[%swap3A_1124, %swap3A_1125, %swap3A_1126], %broadcast_in_dim3A_141 {strides = array<i32>} : memref<2x256x128xf32, #tpu.memory_space<vmem>>, vector<16xf32>,
      %add3A_1128 = arith.constant 13 : i32
      %add3A_1129 = arith.addi %mul3A_386, %add3A_1128 : i32
      %swap3A_1130 = arith.constant 0 : i32
      %swap3A_1131 = arith.index_cast %swap3A_1130 : i32 to index
      %swap3A_1132 = arith.index_cast %add3A_1129 : i32 to index
      %swap3A_1133 = arith.constant 32 : index
      %swap3A_1134 = tpu.vector_load %arg7[%swap3A_1131, %swap3A_1132, %swap3A_1133] {strides = array<i32>} : memref<2x256x128xf32, #tpu.memory_space<vmem>>, vector<16xf32>,
      tpu.vector_store %arg7[%swap3A_1131, %swap3A_1132, %swap3A_1133], %broadcast_in_dim3A_141 {strides = array<i32>} : memref<2x256x128xf32, #tpu.memory_space<vmem>>, vector<16xf32>,
      %add3A_1135 = arith.constant 13 : i32
      %add3A_1136 = arith.addi %mul3A_386, %add3A_1135 : i32
      %swap3A_1137 = arith.constant 0 : i32
      %swap3A_1138 = arith.index_cast %swap3A_1137 : i32 to index
      %swap3A_1139 = arith.index_cast %add3A_1136 : i32 to index
      %swap3A_1140 = arith.constant 48 : index
      %swap3A_1141 = tpu.vector_load %arg7[%swap3A_1138, %swap3A_1139, %swap3A_1140] {strides = array<i32>} : memref<2x256x128xf32, #tpu.memory_space<vmem>>, vector<16xf32>,
      tpu.vector_store %arg7[%swap3A_1138, %swap3A_1139, %swap3A_1140], %broadcast_in_dim3A_141 {strides = array<i32>} : memref<2x256x128xf32, #tpu.memory_space<vmem>>, vector<16xf32>,
      %add3A_1142 = arith.constant 13 : i32
      %add3A_1143 = arith.addi %mul3A_386, %add3A_1142 : i32
      %swap3A_1144 = arith.constant 0 : i32
      %swap3A_1145 = arith.index_cast %swap3A_1144 : i32 to index
      %swap3A_1146 = arith.index_cast %add3A_1143 : i32 to index
      %swap3A_1147 = arith.constant 64 : index
      %swap3A_1148 = tpu.vector_load %arg7[%swap3A_1145, %swap3A_1146, %swap3A_1147] {strides = array<i32>} : memref<2x256x128xf32, #tpu.memory_space<vmem>>, vector<16xf32>,
      tpu.vector_store %arg7[%swap3A_1145, %swap3A_1146, %swap3A_1147], %broadcast_in_dim3A_141 {strides = array<i32>} : memref<2x256x128xf32, #tpu.memory_space<vmem>>, vector<16xf32>,
      %add3A_1149 = arith.constant 13 : i32
      %add3A_1150 = arith.addi %mul3A_386, %add3A_1149 : i32
      %swap3A_1151 = arith.constant 0 : i32
      %swap3A_1152 = arith.index_cast %swap3A_1151 : i32 to index
      %swap3A_1153 = arith.index_cast %add3A_1150 : i32 to index
      %swap3A_1154 = arith.constant 80 : index
      %swap3A_1155 = tpu.vector_load %arg7[%swap3A_1152, %swap3A_1153, %swap3A_1154] {strides = array<i32>} : memref<2x256x128xf32, #tpu.memory_space<vmem>>, vector<16xf32>,
      tpu.vector_store %arg7[%swap3A_1152, %swap3A_1153, %swap3A_1154], %broadcast_in_dim3A_141 {strides = array<i32>} : memref<2x256x128xf32, #tpu.memory_space<vmem>>, vector<16xf32>,
      %add3A_1156 = arith.constant 13 : i32
      %add3A_1157 = arith.addi %mul3A_386, %add3A_1156 : i32
      %swap3A_1158 = arith.constant 0 : i32
      %swap3A_1159 = arith.index_cast %swap3A_1158 : i32 to index
      %swap3A_1160 = arith.index_cast %add3A_1157 : i32 to index
      %swap3A_1161 = arith.constant 96 : index
      %swap3A_1162 = tpu.vector_load %arg7[%swap3A_1159, %swap3A_1160, %swap3A_1161] {strides = array<i32>} : memref<2x256x128xf32, #tpu.memory_space<vmem>>, vector<16xf32>,
      tpu.vector_store %arg7[%swap3A_1159, %swap3A_1160, %swap3A_1161], %broadcast_in_dim3A_141 {strides = array<i32>} : memref<2x256x128xf32, #tpu.memory_space<vmem>>, vector<16xf32>,
      %add3A_1163 = arith.constant 13 : i32
      %add3A_1164 = arith.addi %mul3A_386, %add3A_1163 : i32
      %swap3A_1165 = arith.constant 0 : i32
      %swap3A_1166 = arith.index_cast %swap3A_1165 : i32 to index
      %swap3A_1167 = arith.index_cast %add3A_1164 : i32 to index
      %swap3A_1168 = arith.constant 112 : index
      %swap3A_1169 = tpu.vector_load %arg7[%swap3A_1166, %swap3A_1167, %swap3A_1168] {strides = array<i32>} : memref<2x256x128xf32, #tpu.memory_space<vmem>>, vector<16xf32>,
      tpu.vector_store %arg7[%swap3A_1166, %swap3A_1167, %swap3A_1168], %broadcast_in_dim3A_141 {strides = array<i32>} : memref<2x256x128xf32, #tpu.memory_space<vmem>>, vector<16xf32>,
      %add3A_1170 = arith.constant 14 : i32
      %add3A_1171 = arith.addi %mul3A_386, %add3A_1170 : i32
      %swap3A_1172 = arith.constant 0 : i32
      %swap3A_1173 = arith.index_cast %swap3A_1172 : i32 to index
      %swap3A_1174 = arith.index_cast %add3A_1171 : i32 to index
      %swap3A_1175 = arith.constant 0 : index
      %swap3A_1176 = tpu.vector_load %arg7[%swap3A_1173, %swap3A_1174, %swap3A_1175] {strides = array<i32>} : memref<2x256x128xf32, #tpu.memory_space<vmem>>, vector<16xf32>,
      tpu.vector_store %arg7[%swap3A_1173, %swap3A_1174, %swap3A_1175], %broadcast_in_dim3A_141 {strides = array<i32>} : memref<2x256x128xf32, #tpu.memory_space<vmem>>, vector<16xf32>,
      %add3A_1177 = arith.constant 14 : i32
      %add3A_1178 = arith.addi %mul3A_386, %add3A_1177 : i32
      %swap3A_1179 = arith.constant 0 : i32
      %swap3A_1180 = arith.index_cast %swap3A_1179 : i32 to index
      %swap3A_1181 = arith.index_cast %add3A_1178 : i32 to index
      %swap3A_1182 = arith.constant 16 : index
      %swap3A_1183 = tpu.vector_load %arg7[%swap3A_1180, %swap3A_1181, %swap3A_1182] {strides = array<i32>} : memref<2x256x128xf32, #tpu.memory_space<vmem>>, vector<16xf32>,
      tpu.vector_store %arg7[%swap3A_1180, %swap3A_1181, %swap3A_1182], %broadcast_in_dim3A_141 {strides = array<i32>} : memref<2x256x128xf32, #tpu.memory_space<vmem>>, vector<16xf32>,
      %add3A_1184 = arith.constant 14 : i32
      %add3A_1185 = arith.addi %mul3A_386, %add3A_1184 : i32
      %swap3A_1186 = arith.constant 0 : i32
      %swap3A_1187 = arith.index_cast %swap3A_1186 : i32 to index
      %swap3A_1188 = arith.index_cast %add3A_1185 : i32 to index
      %swap3A_1189 = arith.constant 32 : index
      %swap3A_1190 = tpu.vector_load %arg7[%swap3A_1187, %swap3A_1188, %swap3A_1189] {strides = array<i32>} : memref<2x256x128xf32, #tpu.memory_space<vmem>>, vector<16xf32>,
      tpu.vector_store %arg7[%swap3A_1187, %swap3A_1188, %swap3A_1189], %broadcast_in_dim3A_141 {strides = array<i32>} : memref<2x256x128xf32, #tpu.memory_space<vmem>>, vector<16xf32>,
      %add3A_1191 = arith.constant 14 : i32
      %add3A_1192 = arith.addi %mul3A_386, %add3A_1191 : i32
      %swap3A_1193 = arith.constant 0 : i32
      %swap3A_1194 = arith.index_cast %swap3A_1193 : i32 to index
      %swap3A_1195 = arith.index_cast %add3A_1192 : i32 to index
      %swap3A_1196 = arith.constant 48 : index
      %swap3A_1197 = tpu.vector_load %arg7[%swap3A_1194, %swap3A_1195, %swap3A_1196] {strides = array<i32>} : memref<2x256x128xf32, #tpu.memory_space<vmem>>, vector<16xf32>,
      tpu.vector_store %arg7[%swap3A_1194, %swap3A_1195, %swap3A_1196], %broadcast_in_dim3A_141 {strides = array<i32>} : memref<2x256x128xf32, #tpu.memory_space<vmem>>, vector<16xf32>,
      %add3A_1198 = arith.constant 14 : i32
      %add3A_1199 = arith.addi %mul3A_386, %add3A_1198 : i32
      %swap3A_1200 = arith.constant 0 : i32
      %swap3A_1201 = arith.index_cast %swap3A_1200 : i32 to index
      %swap3A_1202 = arith.index_cast %add3A_1199 : i32 to index
      %swap3A_1203 = arith.constant 64 : index
      %swap3A_1204 = tpu.vector_load %arg7[%swap3A_1201, %swap3A_1202, %swap3A_1203] {strides = array<i32>} : memref<2x256x128xf32, #tpu.memory_space<vmem>>, vector<16xf32>,
      tpu.vector_store %arg7[%swap3A_1201, %swap3A_1202, %swap3A_1203], %broadcast_in_dim3A_141 {strides = array<i32>} : memref<2x256x128xf32, #tpu.memory_space<vmem>>, vector<16xf32>,
      %add3A_1205 = arith.constant 14 : i32
      %add3A_1206 = arith.addi %mul3A_386, %add3A_1205 : i32
      %swap3A_1207 = arith.constant 0 : i32
      %swap3A_1208 = arith.index_cast %swap3A_1207 : i32 to index
      %swap3A_1209 = arith.index_cast %add3A_1206 : i32 to index
      %swap3A_1210 = arith.constant 80 : index
      %swap3A_1211 = tpu.vector_load %arg7[%swap3A_1208, %swap3A_1209, %swap3A_1210] {strides = array<i32>} : memref<2x256x128xf32, #tpu.memory_space<vmem>>, vector<16xf32>,
      tpu.vector_store %arg7[%swap3A_1208, %swap3A_1209, %swap3A_1210], %broadcast_in_dim3A_141 {strides = array<i32>} : memref<2x256x128xf32, #tpu.memory_space<vmem>>, vector<16xf32>,
      %add3A_1212 = arith.constant 14 : i32
      %add3A_1213 = arith.addi %mul3A_386, %add3A_1212 : i32
      %swap3A_1214 = arith.constant 0 : i32
      %swap3A_1215 = arith.index_cast %swap3A_1214 : i32 to index
      %swap3A_1216 = arith.index_cast %add3A_1213 : i32 to index
      %swap3A_1217 = arith.constant 96 : index
      %swap3A_1218 = tpu.vector_load %arg7[%swap3A_1215, %swap3A_1216, %swap3A_1217] {strides = array<i32>} : memref<2x256x128xf32, #tpu.memory_space<vmem>>, vector<16xf32>,
      tpu.vector_store %arg7[%swap3A_1215, %swap3A_1216, %swap3A_1217], %broadcast_in_dim3A_141 {strides = array<i32>} : memref<2x256x128xf32, #tpu.memory_space<vmem>>, vector<16xf32>,
      %add3A_1219 = arith.constant 14 : i32
      %add3A_1220 = arith.addi %mul3A_386, %add3A_1219 : i32
      %swap3A_1221 = arith.constant 0 : i32
      %swap3A_1222 = arith.index_cast %swap3A_1221 : i32 to index
      %swap3A_1223 = arith.index_cast %add3A_1220 : i32 to index
      %swap3A_1224 = arith.constant 112 : index
      %swap3A_1225 = tpu.vector_load %arg7[%swap3A_1222, %swap3A_1223, %swap3A_1224] {strides = array<i32>} : memref<2x256x128xf32, #tpu.memory_space<vmem>>, vector<16xf32>,
      tpu.vector_store %arg7[%swap3A_1222, %swap3A_1223, %swap3A_1224], %broadcast_in_dim3A_141 {strides = array<i32>} : memref<2x256x128xf32, #tpu.memory_space<vmem>>, vector<16xf32>,
      %add3A_1226 = arith.constant 15 : i32
      %add3A_1227 = arith.addi %mul3A_386, %add3A_1226 : i32
      %swap3A_1228 = arith.constant 0 : i32
      %swap3A_1229 = arith.index_cast %swap3A_1228 : i32 to index
      %swap3A_1230 = arith.index_cast %add3A_1227 : i32 to index
      %swap3A_1231 = arith.constant 0 : index
      %swap3A_1232 = tpu.vector_load %arg7[%swap3A_1229, %swap3A_1230, %swap3A_1231] {strides = array<i32>} : memref<2x256x128xf32, #tpu.memory_space<vmem>>, vector<16xf32>,
      tpu.vector_store %arg7[%swap3A_1229, %swap3A_1230, %swap3A_1231], %broadcast_in_dim3A_141 {strides = array<i32>} : memref<2x256x128xf32, #tpu.memory_space<vmem>>, vector<16xf32>,
      %add3A_1233 = arith.constant 15 : i32
      %add3A_1234 = arith.addi %mul3A_386, %add3A_1233 : i32
      %swap3A_1235 = arith.constant 0 : i32
      %swap3A_1236 = arith.index_cast %swap3A_1235 : i32 to index
      %swap3A_1237 = arith.index_cast %add3A_1234 : i32 to index
      %swap3A_1238 = arith.constant 16 : index
      %swap3A_1239 = tpu.vector_load %arg7[%swap3A_1236, %swap3A_1237, %swap3A_1238] {strides = array<i32>} : memref<2x256x128xf32, #tpu.memory_space<vmem>>, vector<16xf32>,
      tpu.vector_store %arg7[%swap3A_1236, %swap3A_1237, %swap3A_1238], %broadcast_in_dim3A_141 {strides = array<i32>} : memref<2x256x128xf32, #tpu.memory_space<vmem>>, vector<16xf32>,
      %add3A_1240 = arith.constant 15 : i32
      %add3A_1241 = arith.addi %mul3A_386, %add3A_1240 : i32
      %swap3A_1242 = arith.constant 0 : i32
      %swap3A_1243 = arith.index_cast %swap3A_1242 : i32 to index
      %swap3A_1244 = arith.index_cast %add3A_1241 : i32 to index
      %swap3A_1245 = arith.constant 32 : index
      %swap3A_1246 = tpu.vector_load %arg7[%swap3A_1243, %swap3A_1244, %swap3A_1245] {strides = array<i32>} : memref<2x256x128xf32, #tpu.memory_space<vmem>>, vector<16xf32>,
      tpu.vector_store %arg7[%swap3A_1243, %swap3A_1244, %swap3A_1245], %broadcast_in_dim3A_141 {strides = array<i32>} : memref<2x256x128xf32, #tpu.memory_space<vmem>>, vector<16xf32>,
      %add3A_1247 = arith.constant 15 : i32
      %add3A_1248 = arith.addi %mul3A_386, %add3A_1247 : i32
      %swap3A_1249 = arith.constant 0 : i32
      %swap3A_1250 = arith.index_cast %swap3A_1249 : i32 to index
      %swap3A_1251 = arith.index_cast %add3A_1248 : i32 to index
      %swap3A_1252 = arith.constant 48 : index
      %swap3A_1253 = tpu.vector_load %arg7[%swap3A_1250, %swap3A_1251, %swap3A_1252] {strides = array<i32>} : memref<2x256x128xf32, #tpu.memory_space<vmem>>, vector<16xf32>,
      tpu.vector_store %arg7[%swap3A_1250, %swap3A_1251, %swap3A_1252], %broadcast_in_dim3A_141 {strides = array<i32>} : memref<2x256x128xf32, #tpu.memory_space<vmem>>, vector<16xf32>,
      %add3A_1254 = arith.constant 15 : i32
      %add3A_1255 = arith.addi %mul3A_386, %add3A_1254 : i32
      %swap3A_1256 = arith.constant 0 : i32
      %swap3A_1257 = arith.index_cast %swap3A_1256 : i32 to index
      %swap3A_1258 = arith.index_cast %add3A_1255 : i32 to index
      %swap3A_1259 = arith.constant 64 : index
      %swap3A_1260 = tpu.vector_load %arg7[%swap3A_1257, %swap3A_1258, %swap3A_1259] {strides = array<i32>} : memref<2x256x128xf32, #tpu.memory_space<vmem>>, vector<16xf32>,
      tpu.vector_store %arg7[%swap3A_1257, %swap3A_1258, %swap3A_1259], %broadcast_in_dim3A_141 {strides = array<i32>} : memref<2x256x128xf32, #tpu.memory_space<vmem>>, vector<16xf32>,
      %add3A_1261 = arith.constant 15 : i32
      %add3A_1262 = arith.addi %mul3A_386, %add3A_1261 : i32
      %swap3A_1263 = arith.constant 0 : i32
      %swap3A_1264 = arith.index_cast %swap3A_1263 : i32 to index
      %swap3A_1265 = arith.index_cast %add3A_1262 : i32 to index
      %swap3A_1266 = arith.constant 80 : index
      %swap3A_1267 = tpu.vector_load %arg7[%swap3A_1264, %swap3A_1265, %swap3A_1266] {strides = array<i32>} : memref<2x256x128xf32, #tpu.memory_space<vmem>>, vector<16xf32>,
      tpu.vector_store %arg7[%swap3A_1264, %swap3A_1265, %swap3A_1266], %broadcast_in_dim3A_141 {strides = array<i32>} : memref<2x256x128xf32, #tpu.memory_space<vmem>>, vector<16xf32>,
      %add3A_1268 = arith.constant 15 : i32
      %add3A_1269 = arith.addi %mul3A_386, %add3A_1268 : i32
      %swap3A_1270 = arith.constant 0 : i32
      %swap3A_1271 = arith.index_cast %swap3A_1270 : i32 to index
      %swap3A_1272 = arith.index_cast %add3A_1269 : i32 to index
      %swap3A_1273 = arith.constant 96 : index
      %swap3A_1274 = tpu.vector_load %arg7[%swap3A_1271, %swap3A_1272, %swap3A_1273] {strides = array<i32>} : memref<2x256x128xf32, #tpu.memory_space<vmem>>, vector<16xf32>,
      tpu.vector_store %arg7[%swap3A_1271, %swap3A_1272, %swap3A_1273], %broadcast_in_dim3A_141 {strides = array<i32>} : memref<2x256x128xf32, #tpu.memory_space<vmem>>, vector<16xf32>,
      %add3A_1275 = arith.constant 15 : i32
      %add3A_1276 = arith.addi %mul3A_386, %add3A_1275 : i32
      %swap3A_1277 = arith.constant 0 : i32
      %swap3A_1278 = arith.index_cast %swap3A_1277 : i32 to index
      %swap3A_1279 = arith.index_cast %add3A_1276 : i32 to index
      %swap3A_1280 = arith.constant 112 : index
      %swap3A_1281 = tpu.vector_load %arg7[%swap3A_1278, %swap3A_1279, %swap3A_1280] {strides = array<i32>} : memref<2x256x128xf32, #tpu.memory_space<vmem>>, vector<16xf32>,
      tpu.vector_store %arg7[%swap3A_1278, %swap3A_1279, %swap3A_1280], %broadcast_in_dim3A_141 {strides = array<i32>} : memref<2x256x128xf32, #tpu.memory_space<vmem>>, vector<16xf32>,
      %get3A_1282 = arith.constant 2 : i32
      %get3A_1283 = arith.constant 0 : i32
      %get3A_1284 = arith.index_cast %get3A_1282 : i32 to index
      %get3A_1285 = arith.index_cast %get3A_1283 : i32 to index
      %get3A_1286 = arith.index_cast %mul3A_386 : i32 to index
      %get3A_1287 = tpu.vector_load %arg5[%get3A_1284, %get3A_1285, %get3A_1286] {strides = array<i32>} : memref<4x16x256xi32, #tpu.memory_space<vmem>>, vector<16xi32>,
      %get3A_1288 = arith.constant 2 : i32
      %get3A_1289 = arith.constant 1 : i32
      %get3A_1290 = arith.index_cast %get3A_1288 : i32 to index
      %get3A_1291 = arith.index_cast %get3A_1289 : i32 to index
      %get3A_1292 = arith.index_cast %mul3A_386 : i32 to index
      %get3A_1293 = tpu.vector_load %arg5[%get3A_1290, %get3A_1291, %get3A_1292] {strides = array<i32>} : memref<4x16x256xi32, #tpu.memory_space<vmem>>, vector<16xi32>,
      %get3A_1294 = arith.constant 2 : i32
      %get3A_1295 = arith.constant 2 : i32
      %get3A_1296 = arith.index_cast %get3A_1294 : i32 to index
      %get3A_1297 = arith.index_cast %get3A_1295 : i32 to index
      %get3A_1298 = arith.index_cast %mul3A_386 : i32 to index
      %get3A_1299 = tpu.vector_load %arg5[%get3A_1296, %get3A_1297, %get3A_1298] {strides = array<i32>} : memref<4x16x256xi32, #tpu.memory_space<vmem>>, vector<16xi32>,
      %get3A_1300 = arith.constant 2 : i32
      %get3A_1301 = arith.constant 3 : i32
      %get3A_1302 = arith.index_cast %get3A_1300 : i32 to index
      %get3A_1303 = arith.index_cast %get3A_1301 : i32 to index
      %get3A_1304 = arith.index_cast %mul3A_386 : i32 to index
      %get3A_1305 = tpu.vector_load %arg5[%get3A_1302, %get3A_1303, %get3A_1304] {strides = array<i32>} : memref<4x16x256xi32, #tpu.memory_space<vmem>>, vector<16xi32>,
      %get3A_1306 = arith.constant 2 : i32
      %get3A_1307 = arith.constant 4 : i32
      %get3A_1308 = arith.index_cast %get3A_1306 : i32 to index
      %get3A_1309 = arith.index_cast %get3A_1307 : i32 to index
      %get3A_1310 = arith.index_cast %mul3A_386 : i32 to index
      %get3A_1311 = tpu.vector_load %arg5[%get3A_1308, %get3A_1309, %get3A_1310] {strides = array<i32>} : memref<4x16x256xi32, #tpu.memory_space<vmem>>, vector<16xi32>,
      %get3A_1312 = arith.constant 2 : i32
      %get3A_1313 = arith.constant 5 : i32
      %get3A_1314 = arith.index_cast %get3A_1312 : i32 to index
      %get3A_1315 = arith.index_cast %get3A_1313 : i32 to index
      %get3A_1316 = arith.index_cast %mul3A_386 : i32 to index
      %get3A_1317 = tpu.vector_load %arg5[%get3A_1314, %get3A_1315, %get3A_1316] {strides = array<i32>} : memref<4x16x256xi32, #tpu.memory_space<vmem>>, vector<16xi32>,
      %get3A_1318 = arith.constant 2 : i32
      %get3A_1319 = arith.constant 6 : i32
      %get3A_1320 = arith.index_cast %get3A_1318 : i32 to index
      %get3A_1321 = arith.index_cast %get3A_1319 : i32 to index
      %get3A_1322 = arith.index_cast %mul3A_386 : i32 to index
      %get3A_1323 = tpu.vector_load %arg5[%get3A_1320, %get3A_1321, %get3A_1322] {strides = array<i32>} : memref<4x16x256xi32, #tpu.memory_space<vmem>>, vector<16xi32>,
      %get3A_1324 = arith.constant 2 : i32
      %get3A_1325 = arith.constant 7 : i32
      %get3A_1326 = arith.index_cast %get3A_1324 : i32 to index
      %get3A_1327 = arith.index_cast %get3A_1325 : i32 to index
      %get3A_1328 = arith.index_cast %mul3A_386 : i32 to index
      %get3A_1329 = tpu.vector_load %arg5[%get3A_1326, %get3A_1327, %get3A_1328] {strides = array<i32>} : memref<4x16x256xi32, #tpu.memory_space<vmem>>, vector<16xi32>,
      %get3A_1330 = arith.constant 2 : i32
      %get3A_1331 = arith.constant 8 : i32
      %get3A_1332 = arith.index_cast %get3A_1330 : i32 to index
      %get3A_1333 = arith.index_cast %get3A_1331 : i32 to index
      %get3A_1334 = arith.index_cast %mul3A_386 : i32 to index
      %get3A_1335 = tpu.vector_load %arg5[%get3A_1332, %get3A_1333, %get3A_1334] {strides = array<i32>} : memref<4x16x256xi32, #tpu.memory_space<vmem>>, vector<16xi32>,
      %get3A_1336 = arith.constant 2 : i32
      %get3A_1337 = arith.constant 9 : i32
      %get3A_1338 = arith.index_cast %get3A_1336 : i32 to index
      %get3A_1339 = arith.index_cast %get3A_1337 : i32 to index
      %get3A_1340 = arith.index_cast %mul3A_386 : i32 to index
      %get3A_1341 = tpu.vector_load %arg5[%get3A_1338, %get3A_1339, %get3A_1340] {strides = array<i32>} : memref<4x16x256xi32, #tpu.memory_space<vmem>>, vector<16xi32>,
      %get3A_1342 = arith.constant 2 : i32
      %get3A_1343 = arith.constant 10 : i32
      %get3A_1344 = arith.index_cast %get3A_1342 : i32 to index
      %get3A_1345 = arith.index_cast %get3A_1343 : i32 to index
      %get3A_1346 = arith.index_cast %mul3A_386 : i32 to index
      %get3A_1347 = tpu.vector_load %arg5[%get3A_1344, %get3A_1345, %get3A_1346] {strides = array<i32>} : memref<4x16x256xi32, #tpu.memory_space<vmem>>, vector<16xi32>,
      %get3A_1348 = arith.constant 2 : i32
      %get3A_1349 = arith.constant 11 : i32
      %get3A_1350 = arith.index_cast %get3A_1348 : i32 to index
      %get3A_1351 = arith.index_cast %get3A_1349 : i32 to index
      %get3A_1352 = arith.index_cast %mul3A_386 : i32 to index
      %get3A_1353 = tpu.vector_load %arg5[%get3A_1350, %get3A_1351, %get3A_1352] {strides = array<i32>} : memref<4x16x256xi32, #tpu.memory_space<vmem>>, vector<16xi32>,
      %get3A_1354 = arith.constant 2 : i32
      %get3A_1355 = arith.constant 12 : i32
      %get3A_1356 = arith.index_cast %get3A_1354 : i32 to index
      %get3A_1357 = arith.index_cast %get3A_1355 : i32 to index
      %get3A_1358 = arith.index_cast %mul3A_386 : i32 to index
      %get3A_1359 = tpu.vector_load %arg5[%get3A_1356, %get3A_1357, %get3A_1358] {strides = array<i32>} : memref<4x16x256xi32, #tpu.memory_space<vmem>>, vector<16xi32>,
      %get3A_1360 = arith.constant 2 : i32
      %get3A_1361 = arith.constant 13 : i32
      %get3A_1362 = arith.index_cast %get3A_1360 : i32 to index
      %get3A_1363 = arith.index_cast %get3A_1361 : i32 to index
      %get3A_1364 = arith.index_cast %mul3A_386 : i32 to index
      %get3A_1365 = tpu.vector_load %arg5[%get3A_1362, %get3A_1363, %get3A_1364] {strides = array<i32>} : memref<4x16x256xi32, #tpu.memory_space<vmem>>, vector<16xi32>,
      %get3A_1366 = arith.constant 2 : i32
      %get3A_1367 = arith.constant 14 : i32
      %get3A_1368 = arith.index_cast %get3A_1366 : i32 to index
      %get3A_1369 = arith.index_cast %get3A_1367 : i32 to index
      %get3A_1370 = arith.index_cast %mul3A_386 : i32 to index
      %get3A_1371 = tpu.vector_load %arg5[%get3A_1368, %get3A_1369, %get3A_1370] {strides = array<i32>} : memref<4x16x256xi32, #tpu.memory_space<vmem>>, vector<16xi32>,
      %get3A_1372 = arith.constant 2 : i32
      %get3A_1373 = arith.constant 15 : i32
      %get3A_1374 = arith.index_cast %get3A_1372 : i32 to index
      %get3A_1375 = arith.index_cast %get3A_1373 : i32 to index
      %get3A_1376 = arith.index_cast %mul3A_386 : i32 to index
      %get3A_1377 = tpu.vector_load %arg5[%get3A_1374, %get3A_1375, %get3A_1376] {strides = array<i32>} : memref<4x16x256xi32, #tpu.memory_space<vmem>>, vector<16xi32>,
      %add3A_1378 = vector.broadcast %mul3A_386 : i32 to vector<16xi32>
      %add3A_1379 = arith.addi %iota3A, %add3A_1378 : vector<16xi32>
      tpu.vector_store_idx %arg7[%broadcast_in_dim3A_263, %add3A_1379, %get3A_1287], %get3A_80 {add = true} : memref<2x256x128xf32, #tpu.memory_space<vmem>>[vector<16xi32>, vector<16xi32>, vector<16xi32>], vector<16xf32>,
      tpu.vector_store_idx %arg7[%broadcast_in_dim3A_263, %add3A_1379, %get3A_1293], %get3A_84 {add = true} : memref<2x256x128xf32, #tpu.memory_space<vmem>>[vector<16xi32>, vector<16xi32>, vector<16xi32>], vector<16xf32>,
      tpu.vector_store_idx %arg7[%broadcast_in_dim3A_263, %add3A_1379, %get3A_1299], %get3A_88 {add = true} : memref<2x256x128xf32, #tpu.memory_space<vmem>>[vector<16xi32>, vector<16xi32>, vector<16xi32>], vector<16xf32>,
      tpu.vector_store_idx %arg7[%broadcast_in_dim3A_263, %add3A_1379, %get3A_1305], %get3A_92 {add = true} : memref<2x256x128xf32, #tpu.memory_space<vmem>>[vector<16xi32>, vector<16xi32>, vector<16xi32>], vector<16xf32>,
      tpu.vector_store_idx %arg7[%broadcast_in_dim3A_263, %add3A_1379, %get3A_1311], %get3A_96 {add = true} : memref<2x256x128xf32, #tpu.memory_space<vmem>>[vector<16xi32>, vector<16xi32>, vector<16xi32>], vector<16xf32>,
      tpu.vector_store_idx %arg7[%broadcast_in_dim3A_263, %add3A_1379, %get3A_1317], %get3A_100 {add = true} : memref<2x256x128xf32, #tpu.memory_space<vmem>>[vector<16xi32>, vector<16xi32>, vector<16xi32>], vector<16xf32>,
      tpu.vector_store_idx %arg7[%broadcast_in_dim3A_263, %add3A_1379, %get3A_1323], %get3A_104 {add = true} : memref<2x256x128xf32, #tpu.memory_space<vmem>>[vector<16xi32>, vector<16xi32>, vector<16xi32>], vector<16xf32>,
      tpu.vector_store_idx %arg7[%broadcast_in_dim3A_263, %add3A_1379, %get3A_1329], %get3A_108 {add = true} : memref<2x256x128xf32, #tpu.memory_space<vmem>>[vector<16xi32>, vector<16xi32>, vector<16xi32>], vector<16xf32>,
      tpu.vector_store_idx %arg7[%broadcast_in_dim3A_263, %add3A_1379, %get3A_1335], %get3A_112 {add = true} : memref<2x256x128xf32, #tpu.memory_space<vmem>>[vector<16xi32>, vector<16xi32>, vector<16xi32>], vector<16xf32>,
      tpu.vector_store_idx %arg7[%broadcast_in_dim3A_263, %add3A_1379, %get3A_1341], %get3A_116 {add = true} : memref<2x256x128xf32, #tpu.memory_space<vmem>>[vector<16xi32>, vector<16xi32>, vector<16xi32>], vector<16xf32>,
      tpu.vector_store_idx %arg7[%broadcast_in_dim3A_263, %add3A_1379, %get3A_1347], %get3A_120 {add = true} : memref<2x256x128xf32, #tpu.memory_space<vmem>>[vector<16xi32>, vector<16xi32>, vector<16xi32>], vector<16xf32>,
      tpu.vector_store_idx %arg7[%broadcast_in_dim3A_263, %add3A_1379, %get3A_1353], %get3A_124 {add = true} : memref<2x256x128xf32, #tpu.memory_space<vmem>>[vector<16xi32>, vector<16xi32>, vector<16xi32>], vector<16xf32>,
      tpu.vector_store_idx %arg7[%broadcast_in_dim3A_263, %add3A_1379, %get3A_1359], %get3A_128 {add = true} : memref<2x256x128xf32, #tpu.memory_space<vmem>>[vector<16xi32>, vector<16xi32>, vector<16xi32>], vector<16xf32>,
      tpu.vector_store_idx %arg7[%broadcast_in_dim3A_263, %add3A_1379, %get3A_1365], %get3A_132 {add = true} : memref<2x256x128xf32, #tpu.memory_space<vmem>>[vector<16xi32>, vector<16xi32>, vector<16xi32>], vector<16xf32>,
      tpu.vector_store_idx %arg7[%broadcast_in_dim3A_263, %add3A_1379, %get3A_1371], %get3A_136 {add = true} : memref<2x256x128xf32, #tpu.memory_space<vmem>>[vector<16xi32>, vector<16xi32>, vector<16xi32>], vector<16xf32>,
      tpu.vector_store_idx %arg7[%broadcast_in_dim3A_263, %add3A_1379, %get3A_1377], %get3A_140 {add = true} : memref<2x256x128xf32, #tpu.memory_space<vmem>>[vector<16xi32>, vector<16xi32>, vector<16xi32>], vector<16xf32>,
    }
    %scan3A_269 = arith.constant 16 : i32
    %add3A_270 = arith.constant 2 : i32
    %add3A_271 = arith.addi %mul3A_2, %add3A_270 : i32
    %dma_start3A_272 = arith.constant 0 : i32
    %dma_start3A_273 = arith.constant 0 : i32
    %dma_start3A_274 = arith.constant 0 : i32
    %dma_start3A_275 = tpu.memref_slice %arg7[%dma_start3A_272, %dma_start3A_273, %dma_start3A_274] : memref<2x256x128xf32, #tpu.memory_space<vmem>> -> memref<1x256x128xf32, #tpu.memory_space<vmem>>
    %dma_start3A_276 = tpu.memref_squeeze %dma_start3A_275 : memref<1x256x128xf32, #tpu.memory_space<vmem>> -> memref<256x128xf32, #tpu.memory_space<vmem>>
    %dma_start3A_277 = arith.constant 0 : i32
    %dma_start3A_278 = arith.constant 0 : i32
    %dma_start3A_279 = tpu.memref_slice %arg4[%add3A_271, %dma_start3A_277, %dma_start3A_278] : memref<64x256x128xf32, #tpu.memory_space<hbm>> -> memref<1x256x128xf32, #tpu.memory_space<hbm>>
    %dma_start3A_280 = tpu.memref_squeeze %dma_start3A_279 : memref<1x256x128xf32, #tpu.memory_space<hbm>> -> memref<256x128xf32, #tpu.memory_space<hbm>>
    %dma_start3A_281 = arith.constant 0 : i32
    %dma_start3A_282 = arith.constant 0 : i32
    %dma_start3A_283 = tpu.memref_slice %arg4[%add3A_271, %dma_start3A_281, %dma_start3A_282] : memref<64x256x128xf32, #tpu.memory_space<hbm>> -> memref<1x256x128xf32, #tpu.memory_space<hbm>>
    %dma_start3A_284 = tpu.memref_squeeze %dma_start3A_283 : memref<1x256x128xf32, #tpu.memory_space<hbm>> -> memref<256x128xf32, #tpu.memory_space<hbm>>
    %dma_start3A_285 = arith.constant 0 : i32
    %dma_start3A_286 = arith.constant 0 : i32
    %dma_start3A_287 = tpu.memref_slice %arg7[%dma_start3A_272, %dma_start3A_285, %dma_start3A_286] : memref<2x256x128xf32, #tpu.memory_space<vmem>> -> memref<1x256x128xf32, #tpu.memory_space<vmem>>
    %dma_start3A_288 = tpu.memref_squeeze %dma_start3A_287 : memref<1x256x128xf32, #tpu.memory_space<vmem>> -> memref<256x128xf32, #tpu.memory_space<vmem>>
    tpu.enqueue_dma source(%dma_start3A_288 : memref<256x128xf32, #tpu.memory_space<vmem>>) target(%dma_start3A_284 : memref<256x128xf32, #tpu.memory_space<hbm>>) target_semaphore(%arg9 : memref<!tpu.dma_semaphore, #tpu.memory_space<semaphore_mem>>)
    %dma_wait3A_289 = arith.constant 3 : i32
    %dma_wait3A_290 = arith.constant 0 : i32
    %dma_wait3A_291 = arith.constant 0 : i32
    %dma_wait3A_292 = tpu.memref_slice %arg5[%dma_wait3A_289, %dma_wait3A_290, %dma_wait3A_291] : memref<4x16x256xi32, #tpu.memory_space<vmem>> -> memref<1x16x256xi32, #tpu.memory_space<vmem>>
    %dma_wait3A_293 = tpu.memref_squeeze %dma_wait3A_292 : memref<1x16x256xi32, #tpu.memory_space<vmem>> -> memref<16x256xi32, #tpu.memory_space<vmem>>
    %dma_wait3A_294 = arith.constant 0 : i32
    %dma_wait3A_295 = arith.constant 0 : i32
    %dma_wait3A_296 = tpu.memref_slice %arg2[%add3A_60, %dma_wait3A_294, %dma_wait3A_295] : memref<64x16x256xi32, #tpu.memory_space<hbm>> -> memref<1x16x256xi32, #tpu.memory_space<hbm>>
    %dma_wait3A_297 = tpu.memref_squeeze %dma_wait3A_296 : memref<1x16x256xi32, #tpu.memory_space<hbm>> -> memref<16x256xi32, #tpu.memory_space<hbm>>
    %dma_wait3A_298 = arith.constant 0 : i32
    %dma_wait3A_299 = arith.constant 0 : i32
    %dma_wait3A_300 = tpu.memref_slice %arg5[%dma_wait3A_289, %dma_wait3A_298, %dma_wait3A_299] : memref<4x16x256xi32, #tpu.memory_space<vmem>> -> memref<1x16x256xi32, #tpu.memory_space<vmem>>
    %dma_wait3A_301 = tpu.memref_squeeze %dma_wait3A_300 : memref<1x16x256xi32, #tpu.memory_space<vmem>> -> memref<16x256xi32, #tpu.memory_space<vmem>>
    %dma_wait3A_302 = arith.constant 0 : i32
    %dma_wait3A_303 = arith.constant 0 : i32
    %dma_wait3A_304 = tpu.memref_slice %arg2[%add3A_60, %dma_wait3A_302, %dma_wait3A_303] : memref<64x16x256xi32, #tpu.memory_space<hbm>> -> memref<1x16x256xi32, #tpu.memory_space<hbm>>
    %dma_wait3A_305 = tpu.memref_squeeze %dma_wait3A_304 : memref<1x16x256xi32, #tpu.memory_space<hbm>> -> memref<16x256xi32, #tpu.memory_space<hbm>>
    tpu.wait_dma2 semaphore(%arg8 : memref<!tpu.dma_semaphore, #tpu.memory_space<semaphore_mem>>) src(%dma_wait3A_305 : memref<16x256xi32, #tpu.memory_space<hbm>>) dst(%dma_wait3A_301 : memref<16x256xi32, #tpu.memory_space<vmem>>)
    %dma_wait3A_306 = arith.constant 1 : i32
    %dma_wait3A_307 = arith.constant 0 : i32
    %dma_wait3A_308 = arith.constant 0 : i32
    %dma_wait3A_309 = tpu.memref_slice %arg7[%dma_wait3A_306, %dma_wait3A_307, %dma_wait3A_308] : memref<2x256x128xf32, #tpu.memory_space<vmem>> -> memref<1x256x128xf32, #tpu.memory_space<vmem>>
    %dma_wait3A_310 = tpu.memref_squeeze %dma_wait3A_309 : memref<1x256x128xf32, #tpu.memory_space<vmem>> -> memref<256x128xf32, #tpu.memory_space<vmem>>
    %dma_wait3A_311 = arith.constant 0 : i32
    %dma_wait3A_312 = arith.constant 0 : i32
    %dma_wait3A_313 = tpu.memref_slice %arg4[%add3A_210, %dma_wait3A_311, %dma_wait3A_312] : memref<64x256x128xf32, #tpu.memory_space<hbm>> -> memref<1x256x128xf32, #tpu.memory_space<hbm>>
    %dma_wait3A_314 = tpu.memref_squeeze %dma_wait3A_313 : memref<1x256x128xf32, #tpu.memory_space<hbm>> -> memref<256x128xf32, #tpu.memory_space<hbm>>
    %dma_wait3A_315 = arith.constant 0 : i32
    %dma_wait3A_316 = arith.constant 0 : i32
    %dma_wait3A_317 = tpu.memref_slice %arg4[%add3A_210, %dma_wait3A_315, %dma_wait3A_316] : memref<64x256x128xf32, #tpu.memory_space<hbm>> -> memref<1x256x128xf32, #tpu.memory_space<hbm>>
    %dma_wait3A_318 = tpu.memref_squeeze %dma_wait3A_317 : memref<1x256x128xf32, #tpu.memory_space<hbm>> -> memref<256x128xf32, #tpu.memory_space<hbm>>
    %dma_wait3A_319 = arith.constant 0 : i32
    %dma_wait3A_320 = arith.constant 0 : i32
    %dma_wait3A_321 = tpu.memref_slice %arg7[%dma_wait3A_306, %dma_wait3A_319, %dma_wait3A_320] : memref<2x256x128xf32, #tpu.memory_space<vmem>> -> memref<1x256x128xf32, #tpu.memory_space<vmem>>
    %dma_wait3A_322 = tpu.memref_squeeze %dma_wait3A_321 : memref<1x256x128xf32, #tpu.memory_space<vmem>> -> memref<256x128xf32, #tpu.memory_space<vmem>>
    tpu.wait_dma2 semaphore(%arg9 : memref<!tpu.dma_semaphore, #tpu.memory_space<semaphore_mem>>) src(%dma_wait3A_322 : memref<256x128xf32, #tpu.memory_space<vmem>>) dst(%dma_wait3A_318 : memref<256x128xf32, #tpu.memory_space<hbm>>)
    %broadcast_in_dim3A_323 = arith.constant 1 : i32
    %broadcast_in_dim3A_324 = vector.broadcast %broadcast_in_dim3A_323 : i32 to vector<16xi32>
    %scan3A_325 = arith.constant 0 : i32
    %scan3A_326 = arith.constant 0 : i32
    %scan3A_327 = arith.constant 16 : i32
    %scan3A_328 = arith.addi %scan3A_326, %scan3A_327 : i32
    %scan3A_329 = arith.constant 1 : i32
    scf.for %scan3A_384 = %scan3A_326 to %scan3A_328 step %scan3A_329  : i32 {
      %mul3A_385 = arith.constant 16 : i32
      %mul3A_386 = arith.muli %scan3A_384, %mul3A_385 : i32
      %add3A_387 = arith.constant 0 : i32
      %add3A_388 = arith.addi %mul3A_386, %add3A_387 : i32
      %swap3A = arith.constant 1 : i32
      %swap3A_389 = arith.index_cast %swap3A : i32 to index
      %swap3A_390 = arith.index_cast %add3A_388 : i32 to index
      %swap3A_391 = arith.constant 0 : index
      %swap3A_392 = tpu.vector_load %arg7[%swap3A_389, %swap3A_390, %swap3A_391] {strides = array<i32>} : memref<2x256x128xf32, #tpu.memory_space<vmem>>, vector<16xf32>,
      tpu.vector_store %arg7[%swap3A_389, %swap3A_390, %swap3A_391], %broadcast_in_dim3A_141 {strides = array<i32>} : memref<2x256x128xf32, #tpu.memory_space<vmem>>, vector<16xf32>,
      %add3A_393 = arith.constant 0 : i32
      %add3A_394 = arith.addi %mul3A_386, %add3A_393 : i32
      %swap3A_395 = arith.constant 1 : i32
      %swap3A_396 = arith.index_cast %swap3A_395 : i32 to index
      %swap3A_397 = arith.index_cast %add3A_394 : i32 to index
      %swap3A_398 = arith.constant 16 : index
      %swap3A_399 = tpu.vector_load %arg7[%swap3A_396, %swap3A_397, %swap3A_398] {strides = array<i32>} : memref<2x256x128xf32, #tpu.memory_space<vmem>>, vector<16xf32>,
      tpu.vector_store %arg7[%swap3A_396, %swap3A_397, %swap3A_398], %broadcast_in_dim3A_141 {strides = array<i32>} : memref<2x256x128xf32, #tpu.memory_space<vmem>>, vector<16xf32>,
      %add3A_400 = arith.constant 0 : i32
      %add3A_401 = arith.addi %mul3A_386, %add3A_400 : i32
      %swap3A_402 = arith.constant 1 : i32
      %swap3A_403 = arith.index_cast %swap3A_402 : i32 to index
      %swap3A_404 = arith.index_cast %add3A_401 : i32 to index
      %swap3A_405 = arith.constant 32 : index
      %swap3A_406 = tpu.vector_load %arg7[%swap3A_403, %swap3A_404, %swap3A_405] {strides = array<i32>} : memref<2x256x128xf32, #tpu.memory_space<vmem>>, vector<16xf32>,
      tpu.vector_store %arg7[%swap3A_403, %swap3A_404, %swap3A_405], %broadcast_in_dim3A_141 {strides = array<i32>} : memref<2x256x128xf32, #tpu.memory_space<vmem>>, vector<16xf32>,
      %add3A_407 = arith.constant 0 : i32
      %add3A_408 = arith.addi %mul3A_386, %add3A_407 : i32
      %swap3A_409 = arith.constant 1 : i32
      %swap3A_410 = arith.index_cast %swap3A_409 : i32 to index
      %swap3A_411 = arith.index_cast %add3A_408 : i32 to index
      %swap3A_412 = arith.constant 48 : index
      %swap3A_413 = tpu.vector_load %arg7[%swap3A_410, %swap3A_411, %swap3A_412] {strides = array<i32>} : memref<2x256x128xf32, #tpu.memory_space<vmem>>, vector<16xf32>,
      tpu.vector_store %arg7[%swap3A_410, %swap3A_411, %swap3A_412], %broadcast_in_dim3A_141 {strides = array<i32>} : memref<2x256x128xf32, #tpu.memory_space<vmem>>, vector<16xf32>,
      %add3A_414 = arith.constant 0 : i32
      %add3A_415 = arith.addi %mul3A_386, %add3A_414 : i32
      %swap3A_416 = arith.constant 1 : i32
      %swap3A_417 = arith.index_cast %swap3A_416 : i32 to index
      %swap3A_418 = arith.index_cast %add3A_415 : i32 to index
      %swap3A_419 = arith.constant 64 : index
      %swap3A_420 = tpu.vector_load %arg7[%swap3A_417, %swap3A_418, %swap3A_419] {strides = array<i32>} : memref<2x256x128xf32, #tpu.memory_space<vmem>>, vector<16xf32>,
      tpu.vector_store %arg7[%swap3A_417, %swap3A_418, %swap3A_419], %broadcast_in_dim3A_141 {strides = array<i32>} : memref<2x256x128xf32, #tpu.memory_space<vmem>>, vector<16xf32>,
      %add3A_421 = arith.constant 0 : i32
      %add3A_422 = arith.addi %mul3A_386, %add3A_421 : i32
      %swap3A_423 = arith.constant 1 : i32
      %swap3A_424 = arith.index_cast %swap3A_423 : i32 to index
      %swap3A_425 = arith.index_cast %add3A_422 : i32 to index
      %swap3A_426 = arith.constant 80 : index
      %swap3A_427 = tpu.vector_load %arg7[%swap3A_424, %swap3A_425, %swap3A_426] {strides = array<i32>} : memref<2x256x128xf32, #tpu.memory_space<vmem>>, vector<16xf32>,
      tpu.vector_store %arg7[%swap3A_424, %swap3A_425, %swap3A_426], %broadcast_in_dim3A_141 {strides = array<i32>} : memref<2x256x128xf32, #tpu.memory_space<vmem>>, vector<16xf32>,
      %add3A_428 = arith.constant 0 : i32
      %add3A_429 = arith.addi %mul3A_386, %add3A_428 : i32
      %swap3A_430 = arith.constant 1 : i32
      %swap3A_431 = arith.index_cast %swap3A_430 : i32 to index
      %swap3A_432 = arith.index_cast %add3A_429 : i32 to index
      %swap3A_433 = arith.constant 96 : index
      %swap3A_434 = tpu.vector_load %arg7[%swap3A_431, %swap3A_432, %swap3A_433] {strides = array<i32>} : memref<2x256x128xf32, #tpu.memory_space<vmem>>, vector<16xf32>,
      tpu.vector_store %arg7[%swap3A_431, %swap3A_432, %swap3A_433], %broadcast_in_dim3A_141 {strides = array<i32>} : memref<2x256x128xf32, #tpu.memory_space<vmem>>, vector<16xf32>,
      %add3A_435 = arith.constant 0 : i32
      %add3A_436 = arith.addi %mul3A_386, %add3A_435 : i32
      %swap3A_437 = arith.constant 1 : i32
      %swap3A_438 = arith.index_cast %swap3A_437 : i32 to index
      %swap3A_439 = arith.index_cast %add3A_436 : i32 to index
      %swap3A_440 = arith.constant 112 : index
      %swap3A_441 = tpu.vector_load %arg7[%swap3A_438, %swap3A_439, %swap3A_440] {strides = array<i32>} : memref<2x256x128xf32, #tpu.memory_space<vmem>>, vector<16xf32>,
      tpu.vector_store %arg7[%swap3A_438, %swap3A_439, %swap3A_440], %broadcast_in_dim3A_141 {strides = array<i32>} : memref<2x256x128xf32, #tpu.memory_space<vmem>>, vector<16xf32>,
      %add3A_442 = arith.constant 1 : i32
      %add3A_443 = arith.addi %mul3A_386, %add3A_442 : i32
      %swap3A_444 = arith.constant 1 : i32
      %swap3A_445 = arith.index_cast %swap3A_444 : i32 to index
      %swap3A_446 = arith.index_cast %add3A_443 : i32 to index
      %swap3A_447 = arith.constant 0 : index
      %swap3A_448 = tpu.vector_load %arg7[%swap3A_445, %swap3A_446, %swap3A_447] {strides = array<i32>} : memref<2x256x128xf32, #tpu.memory_space<vmem>>, vector<16xf32>,
      tpu.vector_store %arg7[%swap3A_445, %swap3A_446, %swap3A_447], %broadcast_in_dim3A_141 {strides = array<i32>} : memref<2x256x128xf32, #tpu.memory_space<vmem>>, vector<16xf32>,
      %add3A_449 = arith.constant 1 : i32
      %add3A_450 = arith.addi %mul3A_386, %add3A_449 : i32
      %swap3A_451 = arith.constant 1 : i32
      %swap3A_452 = arith.index_cast %swap3A_451 : i32 to index
      %swap3A_453 = arith.index_cast %add3A_450 : i32 to index
      %swap3A_454 = arith.constant 16 : index
      %swap3A_455 = tpu.vector_load %arg7[%swap3A_452, %swap3A_453, %swap3A_454] {strides = array<i32>} : memref<2x256x128xf32, #tpu.memory_space<vmem>>, vector<16xf32>,
      tpu.vector_store %arg7[%swap3A_452, %swap3A_453, %swap3A_454], %broadcast_in_dim3A_141 {strides = array<i32>} : memref<2x256x128xf32, #tpu.memory_space<vmem>>, vector<16xf32>,
      %add3A_456 = arith.constant 1 : i32
      %add3A_457 = arith.addi %mul3A_386, %add3A_456 : i32
      %swap3A_458 = arith.constant 1 : i32
      %swap3A_459 = arith.index_cast %swap3A_458 : i32 to index
      %swap3A_460 = arith.index_cast %add3A_457 : i32 to index
      %swap3A_461 = arith.constant 32 : index
      %swap3A_462 = tpu.vector_load %arg7[%swap3A_459, %swap3A_460, %swap3A_461] {strides = array<i32>} : memref<2x256x128xf32, #tpu.memory_space<vmem>>, vector<16xf32>,
      tpu.vector_store %arg7[%swap3A_459, %swap3A_460, %swap3A_461], %broadcast_in_dim3A_141 {strides = array<i32>} : memref<2x256x128xf32, #tpu.memory_space<vmem>>, vector<16xf32>,
      %add3A_463 = arith.constant 1 : i32
      %add3A_464 = arith.addi %mul3A_386, %add3A_463 : i32
      %swap3A_465 = arith.constant 1 : i32
      %swap3A_466 = arith.index_cast %swap3A_465 : i32 to index
      %swap3A_467 = arith.index_cast %add3A_464 : i32 to index
      %swap3A_468 = arith.constant 48 : index
      %swap3A_469 = tpu.vector_load %arg7[%swap3A_466, %swap3A_467, %swap3A_468] {strides = array<i32>} : memref<2x256x128xf32, #tpu.memory_space<vmem>>, vector<16xf32>,
      tpu.vector_store %arg7[%swap3A_466, %swap3A_467, %swap3A_468], %broadcast_in_dim3A_141 {strides = array<i32>} : memref<2x256x128xf32, #tpu.memory_space<vmem>>, vector<16xf32>,
      %add3A_470 = arith.constant 1 : i32
      %add3A_471 = arith.addi %mul3A_386, %add3A_470 : i32
      %swap3A_472 = arith.constant 1 : i32
      %swap3A_473 = arith.index_cast %swap3A_472 : i32 to index
      %swap3A_474 = arith.index_cast %add3A_471 : i32 to index
      %swap3A_475 = arith.constant 64 : index
      %swap3A_476 = tpu.vector_load %arg7[%swap3A_473, %swap3A_474, %swap3A_475] {strides = array<i32>} : memref<2x256x128xf32, #tpu.memory_space<vmem>>, vector<16xf32>,
      tpu.vector_store %arg7[%swap3A_473, %swap3A_474, %swap3A_475], %broadcast_in_dim3A_141 {strides = array<i32>} : memref<2x256x128xf32, #tpu.memory_space<vmem>>, vector<16xf32>,
      %add3A_477 = arith.constant 1 : i32
      %add3A_478 = arith.addi %mul3A_386, %add3A_477 : i32
      %swap3A_479 = arith.constant 1 : i32
      %swap3A_480 = arith.index_cast %swap3A_479 : i32 to index
      %swap3A_481 = arith.index_cast %add3A_478 : i32 to index
      %swap3A_482 = arith.constant 80 : index
      %swap3A_483 = tpu.vector_load %arg7[%swap3A_480, %swap3A_481, %swap3A_482] {strides = array<i32>} : memref<2x256x128xf32, #tpu.memory_space<vmem>>, vector<16xf32>,
      tpu.vector_store %arg7[%swap3A_480, %swap3A_481, %swap3A_482], %broadcast_in_dim3A_141 {strides = array<i32>} : memref<2x256x128xf32, #tpu.memory_space<vmem>>, vector<16xf32>,
      %add3A_484 = arith.constant 1 : i32
      %add3A_485 = arith.addi %mul3A_386, %add3A_484 : i32
      %swap3A_486 = arith.constant 1 : i32
      %swap3A_487 = arith.index_cast %swap3A_486 : i32 to index
      %swap3A_488 = arith.index_cast %add3A_485 : i32 to index
      %swap3A_489 = arith.constant 96 : index
      %swap3A_490 = tpu.vector_load %arg7[%swap3A_487, %swap3A_488, %swap3A_489] {strides = array<i32>} : memref<2x256x128xf32, #tpu.memory_space<vmem>>, vector<16xf32>,
      tpu.vector_store %arg7[%swap3A_487, %swap3A_488, %swap3A_489], %broadcast_in_dim3A_141 {strides = array<i32>} : memref<2x256x128xf32, #tpu.memory_space<vmem>>, vector<16xf32>,
      %add3A_491 = arith.constant 1 : i32
      %add3A_492 = arith.addi %mul3A_386, %add3A_491 : i32
      %swap3A_493 = arith.constant 1 : i32
      %swap3A_494 = arith.index_cast %swap3A_493 : i32 to index
      %swap3A_495 = arith.index_cast %add3A_492 : i32 to index
      %swap3A_496 = arith.constant 112 : index
      %swap3A_497 = tpu.vector_load %arg7[%swap3A_494, %swap3A_495, %swap3A_496] {strides = array<i32>} : memref<2x256x128xf32, #tpu.memory_space<vmem>>, vector<16xf32>,
      tpu.vector_store %arg7[%swap3A_494, %swap3A_495, %swap3A_496], %broadcast_in_dim3A_141 {strides = array<i32>} : memref<2x256x128xf32, #tpu.memory_space<vmem>>, vector<16xf32>,
      %add3A_498 = arith.constant 2 : i32
      %add3A_499 = arith.addi %mul3A_386, %add3A_498 : i32
      %swap3A_500 = arith.constant 1 : i32
      %swap3A_501 = arith.index_cast %swap3A_500 : i32 to index
      %swap3A_502 = arith.index_cast %add3A_499 : i32 to index
      %swap3A_503 = arith.constant 0 : index
      %swap3A_504 = tpu.vector_load %arg7[%swap3A_501, %swap3A_502, %swap3A_503] {strides = array<i32>} : memref<2x256x128xf32, #tpu.memory_space<vmem>>, vector<16xf32>,
      tpu.vector_store %arg7[%swap3A_501, %swap3A_502, %swap3A_503], %broadcast_in_dim3A_141 {strides = array<i32>} : memref<2x256x128xf32, #tpu.memory_space<vmem>>, vector<16xf32>,
      %add3A_505 = arith.constant 2 : i32
      %add3A_506 = arith.addi %mul3A_386, %add3A_505 : i32
      %swap3A_507 = arith.constant 1 : i32
      %swap3A_508 = arith.index_cast %swap3A_507 : i32 to index
      %swap3A_509 = arith.index_cast %add3A_506 : i32 to index
      %swap3A_510 = arith.constant 16 : index
      %swap3A_511 = tpu.vector_load %arg7[%swap3A_508, %swap3A_509, %swap3A_510] {strides = array<i32>} : memref<2x256x128xf32, #tpu.memory_space<vmem>>, vector<16xf32>,
      tpu.vector_store %arg7[%swap3A_508, %swap3A_509, %swap3A_510], %broadcast_in_dim3A_141 {strides = array<i32>} : memref<2x256x128xf32, #tpu.memory_space<vmem>>, vector<16xf32>,
      %add3A_512 = arith.constant 2 : i32
      %add3A_513 = arith.addi %mul3A_386, %add3A_512 : i32
      %swap3A_514 = arith.constant 1 : i32
      %swap3A_515 = arith.index_cast %swap3A_514 : i32 to index
      %swap3A_516 = arith.index_cast %add3A_513 : i32 to index
      %swap3A_517 = arith.constant 32 : index
      %swap3A_518 = tpu.vector_load %arg7[%swap3A_515, %swap3A_516, %swap3A_517] {strides = array<i32>} : memref<2x256x128xf32, #tpu.memory_space<vmem>>, vector<16xf32>,
      tpu.vector_store %arg7[%swap3A_515, %swap3A_516, %swap3A_517], %broadcast_in_dim3A_141 {strides = array<i32>} : memref<2x256x128xf32, #tpu.memory_space<vmem>>, vector<16xf32>,
      %add3A_519 = arith.constant 2 : i32
      %add3A_520 = arith.addi %mul3A_386, %add3A_519 : i32
      %swap3A_521 = arith.constant 1 : i32
      %swap3A_522 = arith.index_cast %swap3A_521 : i32 to index
      %swap3A_523 = arith.index_cast %add3A_520 : i32 to index
      %swap3A_524 = arith.constant 48 : index
      %swap3A_525 = tpu.vector_load %arg7[%swap3A_522, %swap3A_523, %swap3A_524] {strides = array<i32>} : memref<2x256x128xf32, #tpu.memory_space<vmem>>, vector<16xf32>,
      tpu.vector_store %arg7[%swap3A_522, %swap3A_523, %swap3A_524], %broadcast_in_dim3A_141 {strides = array<i32>} : memref<2x256x128xf32, #tpu.memory_space<vmem>>, vector<16xf32>,
      %add3A_526 = arith.constant 2 : i32
      %add3A_527 = arith.addi %mul3A_386, %add3A_526 : i32
      %swap3A_528 = arith.constant 1 : i32
      %swap3A_529 = arith.index_cast %swap3A_528 : i32 to index
      %swap3A_530 = arith.index_cast %add3A_527 : i32 to index
      %swap3A_531 = arith.constant 64 : index
      %swap3A_532 = tpu.vector_load %arg7[%swap3A_529, %swap3A_530, %swap3A_531] {strides = array<i32>} : memref<2x256x128xf32, #tpu.memory_space<vmem>>, vector<16xf32>,
      tpu.vector_store %arg7[%swap3A_529, %swap3A_530, %swap3A_531], %broadcast_in_dim3A_141 {strides = array<i32>} : memref<2x256x128xf32, #tpu.memory_space<vmem>>, vector<16xf32>,
      %add3A_533 = arith.constant 2 : i32
      %add3A_534 = arith.addi %mul3A_386, %add3A_533 : i32
      %swap3A_535 = arith.constant 1 : i32
      %swap3A_536 = arith.index_cast %swap3A_535 : i32 to index
      %swap3A_537 = arith.index_cast %add3A_534 : i32 to index
      %swap3A_538 = arith.constant 80 : index
      %swap3A_539 = tpu.vector_load %arg7[%swap3A_536, %swap3A_537, %swap3A_538] {strides = array<i32>} : memref<2x256x128xf32, #tpu.memory_space<vmem>>, vector<16xf32>,
      tpu.vector_store %arg7[%swap3A_536, %swap3A_537, %swap3A_538], %broadcast_in_dim3A_141 {strides = array<i32>} : memref<2x256x128xf32, #tpu.memory_space<vmem>>, vector<16xf32>,
      %add3A_540 = arith.constant 2 : i32
      %add3A_541 = arith.addi %mul3A_386, %add3A_540 : i32
      %swap3A_542 = arith.constant 1 : i32
      %swap3A_543 = arith.index_cast %swap3A_542 : i32 to index
      %swap3A_544 = arith.index_cast %add3A_541 : i32 to index
      %swap3A_545 = arith.constant 96 : index
      %swap3A_546 = tpu.vector_load %arg7[%swap3A_543, %swap3A_544, %swap3A_545] {strides = array<i32>} : memref<2x256x128xf32, #tpu.memory_space<vmem>>, vector<16xf32>,
      tpu.vector_store %arg7[%swap3A_543, %swap3A_544, %swap3A_545], %broadcast_in_dim3A_141 {strides = array<i32>} : memref<2x256x128xf32, #tpu.memory_space<vmem>>, vector<16xf32>,
      %add3A_547 = arith.constant 2 : i32
      %add3A_548 = arith.addi %mul3A_386, %add3A_547 : i32
      %swap3A_549 = arith.constant 1 : i32
      %swap3A_550 = arith.index_cast %swap3A_549 : i32 to index
      %swap3A_551 = arith.index_cast %add3A_548 : i32 to index
      %swap3A_552 = arith.constant 112 : index
      %swap3A_553 = tpu.vector_load %arg7[%swap3A_550, %swap3A_551, %swap3A_552] {strides = array<i32>} : memref<2x256x128xf32, #tpu.memory_space<vmem>>, vector<16xf32>,
      tpu.vector_store %arg7[%swap3A_550, %swap3A_551, %swap3A_552], %broadcast_in_dim3A_141 {strides = array<i32>} : memref<2x256x128xf32, #tpu.memory_space<vmem>>, vector<16xf32>,
      %add3A_554 = arith.constant 3 : i32
      %add3A_555 = arith.addi %mul3A_386, %add3A_554 : i32
      %swap3A_556 = arith.constant 1 : i32
      %swap3A_557 = arith.index_cast %swap3A_556 : i32 to index
      %swap3A_558 = arith.index_cast %add3A_555 : i32 to index
      %swap3A_559 = arith.constant 0 : index
      %swap3A_560 = tpu.vector_load %arg7[%swap3A_557, %swap3A_558, %swap3A_559] {strides = array<i32>} : memref<2x256x128xf32, #tpu.memory_space<vmem>>, vector<16xf32>,
      tpu.vector_store %arg7[%swap3A_557, %swap3A_558, %swap3A_559], %broadcast_in_dim3A_141 {strides = array<i32>} : memref<2x256x128xf32, #tpu.memory_space<vmem>>, vector<16xf32>,
      %add3A_561 = arith.constant 3 : i32
      %add3A_562 = arith.addi %mul3A_386, %add3A_561 : i32
      %swap3A_563 = arith.constant 1 : i32
      %swap3A_564 = arith.index_cast %swap3A_563 : i32 to index
      %swap3A_565 = arith.index_cast %add3A_562 : i32 to index
      %swap3A_566 = arith.constant 16 : index
      %swap3A_567 = tpu.vector_load %arg7[%swap3A_564, %swap3A_565, %swap3A_566] {strides = array<i32>} : memref<2x256x128xf32, #tpu.memory_space<vmem>>, vector<16xf32>,
      tpu.vector_store %arg7[%swap3A_564, %swap3A_565, %swap3A_566], %broadcast_in_dim3A_141 {strides = array<i32>} : memref<2x256x128xf32, #tpu.memory_space<vmem>>, vector<16xf32>,
      %add3A_568 = arith.constant 3 : i32
      %add3A_569 = arith.addi %mul3A_386, %add3A_568 : i32
      %swap3A_570 = arith.constant 1 : i32
      %swap3A_571 = arith.index_cast %swap3A_570 : i32 to index
      %swap3A_572 = arith.index_cast %add3A_569 : i32 to index
      %swap3A_573 = arith.constant 32 : index
      %swap3A_574 = tpu.vector_load %arg7[%swap3A_571, %swap3A_572, %swap3A_573] {strides = array<i32>} : memref<2x256x128xf32, #tpu.memory_space<vmem>>, vector<16xf32>,
      tpu.vector_store %arg7[%swap3A_571, %swap3A_572, %swap3A_573], %broadcast_in_dim3A_141 {strides = array<i32>} : memref<2x256x128xf32, #tpu.memory_space<vmem>>, vector<16xf32>,
      %add3A_575 = arith.constant 3 : i32
      %add3A_576 = arith.addi %mul3A_386, %add3A_575 : i32
      %swap3A_577 = arith.constant 1 : i32
      %swap3A_578 = arith.index_cast %swap3A_577 : i32 to index
      %swap3A_579 = arith.index_cast %add3A_576 : i32 to index
      %swap3A_580 = arith.constant 48 : index
      %swap3A_581 = tpu.vector_load %arg7[%swap3A_578, %swap3A_579, %swap3A_580] {strides = array<i32>} : memref<2x256x128xf32, #tpu.memory_space<vmem>>, vector<16xf32>,
      tpu.vector_store %arg7[%swap3A_578, %swap3A_579, %swap3A_580], %broadcast_in_dim3A_141 {strides = array<i32>} : memref<2x256x128xf32, #tpu.memory_space<vmem>>, vector<16xf32>,
      %add3A_582 = arith.constant 3 : i32
      %add3A_583 = arith.addi %mul3A_386, %add3A_582 : i32
      %swap3A_584 = arith.constant 1 : i32
      %swap3A_585 = arith.index_cast %swap3A_584 : i32 to index
      %swap3A_586 = arith.index_cast %add3A_583 : i32 to index
      %swap3A_587 = arith.constant 64 : index
      %swap3A_588 = tpu.vector_load %arg7[%swap3A_585, %swap3A_586, %swap3A_587] {strides = array<i32>} : memref<2x256x128xf32, #tpu.memory_space<vmem>>, vector<16xf32>,
      tpu.vector_store %arg7[%swap3A_585, %swap3A_586, %swap3A_587], %broadcast_in_dim3A_141 {strides = array<i32>} : memref<2x256x128xf32, #tpu.memory_space<vmem>>, vector<16xf32>,
      %add3A_589 = arith.constant 3 : i32
      %add3A_590 = arith.addi %mul3A_386, %add3A_589 : i32
      %swap3A_591 = arith.constant 1 : i32
      %swap3A_592 = arith.index_cast %swap3A_591 : i32 to index
      %swap3A_593 = arith.index_cast %add3A_590 : i32 to index
      %swap3A_594 = arith.constant 80 : index
      %swap3A_595 = tpu.vector_load %arg7[%swap3A_592, %swap3A_593, %swap3A_594] {strides = array<i32>} : memref<2x256x128xf32, #tpu.memory_space<vmem>>, vector<16xf32>,
      tpu.vector_store %arg7[%swap3A_592, %swap3A_593, %swap3A_594], %broadcast_in_dim3A_141 {strides = array<i32>} : memref<2x256x128xf32, #tpu.memory_space<vmem>>, vector<16xf32>,
      %add3A_596 = arith.constant 3 : i32
      %add3A_597 = arith.addi %mul3A_386, %add3A_596 : i32
      %swap3A_598 = arith.constant 1 : i32
      %swap3A_599 = arith.index_cast %swap3A_598 : i32 to index
      %swap3A_600 = arith.index_cast %add3A_597 : i32 to index
      %swap3A_601 = arith.constant 96 : index
      %swap3A_602 = tpu.vector_load %arg7[%swap3A_599, %swap3A_600, %swap3A_601] {strides = array<i32>} : memref<2x256x128xf32, #tpu.memory_space<vmem>>, vector<16xf32>,
      tpu.vector_store %arg7[%swap3A_599, %swap3A_600, %swap3A_601], %broadcast_in_dim3A_141 {strides = array<i32>} : memref<2x256x128xf32, #tpu.memory_space<vmem>>, vector<16xf32>,
      %add3A_603 = arith.constant 3 : i32
      %add3A_604 = arith.addi %mul3A_386, %add3A_603 : i32
      %swap3A_605 = arith.constant 1 : i32
      %swap3A_606 = arith.index_cast %swap3A_605 : i32 to index
      %swap3A_607 = arith.index_cast %add3A_604 : i32 to index
      %swap3A_608 = arith.constant 112 : index
      %swap3A_609 = tpu.vector_load %arg7[%swap3A_606, %swap3A_607, %swap3A_608] {strides = array<i32>} : memref<2x256x128xf32, #tpu.memory_space<vmem>>, vector<16xf32>,
      tpu.vector_store %arg7[%swap3A_606, %swap3A_607, %swap3A_608], %broadcast_in_dim3A_141 {strides = array<i32>} : memref<2x256x128xf32, #tpu.memory_space<vmem>>, vector<16xf32>,
      %add3A_610 = arith.constant 4 : i32
      %add3A_611 = arith.addi %mul3A_386, %add3A_610 : i32
      %swap3A_612 = arith.constant 1 : i32
      %swap3A_613 = arith.index_cast %swap3A_612 : i32 to index
      %swap3A_614 = arith.index_cast %add3A_611 : i32 to index
      %swap3A_615 = arith.constant 0 : index
      %swap3A_616 = tpu.vector_load %arg7[%swap3A_613, %swap3A_614, %swap3A_615] {strides = array<i32>} : memref<2x256x128xf32, #tpu.memory_space<vmem>>, vector<16xf32>,
      tpu.vector_store %arg7[%swap3A_613, %swap3A_614, %swap3A_615], %broadcast_in_dim3A_141 {strides = array<i32>} : memref<2x256x128xf32, #tpu.memory_space<vmem>>, vector<16xf32>,
      %add3A_617 = arith.constant 4 : i32
      %add3A_618 = arith.addi %mul3A_386, %add3A_617 : i32
      %swap3A_619 = arith.constant 1 : i32
      %swap3A_620 = arith.index_cast %swap3A_619 : i32 to index
      %swap3A_621 = arith.index_cast %add3A_618 : i32 to index
      %swap3A_622 = arith.constant 16 : index
      %swap3A_623 = tpu.vector_load %arg7[%swap3A_620, %swap3A_621, %swap3A_622] {strides = array<i32>} : memref<2x256x128xf32, #tpu.memory_space<vmem>>, vector<16xf32>,
      tpu.vector_store %arg7[%swap3A_620, %swap3A_621, %swap3A_622], %broadcast_in_dim3A_141 {strides = array<i32>} : memref<2x256x128xf32, #tpu.memory_space<vmem>>, vector<16xf32>,
      %add3A_624 = arith.constant 4 : i32
      %add3A_625 = arith.addi %mul3A_386, %add3A_624 : i32
      %swap3A_626 = arith.constant 1 : i32
      %swap3A_627 = arith.index_cast %swap3A_626 : i32 to index
      %swap3A_628 = arith.index_cast %add3A_625 : i32 to index
      %swap3A_629 = arith.constant 32 : index
      %swap3A_630 = tpu.vector_load %arg7[%swap3A_627, %swap3A_628, %swap3A_629] {strides = array<i32>} : memref<2x256x128xf32, #tpu.memory_space<vmem>>, vector<16xf32>,
      tpu.vector_store %arg7[%swap3A_627, %swap3A_628, %swap3A_629], %broadcast_in_dim3A_141 {strides = array<i32>} : memref<2x256x128xf32, #tpu.memory_space<vmem>>, vector<16xf32>,
      %add3A_631 = arith.constant 4 : i32
      %add3A_632 = arith.addi %mul3A_386, %add3A_631 : i32
      %swap3A_633 = arith.constant 1 : i32
      %swap3A_634 = arith.index_cast %swap3A_633 : i32 to index
      %swap3A_635 = arith.index_cast %add3A_632 : i32 to index
      %swap3A_636 = arith.constant 48 : index
      %swap3A_637 = tpu.vector_load %arg7[%swap3A_634, %swap3A_635, %swap3A_636] {strides = array<i32>} : memref<2x256x128xf32, #tpu.memory_space<vmem>>, vector<16xf32>,
      tpu.vector_store %arg7[%swap3A_634, %swap3A_635, %swap3A_636], %broadcast_in_dim3A_141 {strides = array<i32>} : memref<2x256x128xf32, #tpu.memory_space<vmem>>, vector<16xf32>,
      %add3A_638 = arith.constant 4 : i32
      %add3A_639 = arith.addi %mul3A_386, %add3A_638 : i32
      %swap3A_640 = arith.constant 1 : i32
      %swap3A_641 = arith.index_cast %swap3A_640 : i32 to index
      %swap3A_642 = arith.index_cast %add3A_639 : i32 to index
      %swap3A_643 = arith.constant 64 : index
      %swap3A_644 = tpu.vector_load %arg7[%swap3A_641, %swap3A_642, %swap3A_643] {strides = array<i32>} : memref<2x256x128xf32, #tpu.memory_space<vmem>>, vector<16xf32>,
      tpu.vector_store %arg7[%swap3A_641, %swap3A_642, %swap3A_643], %broadcast_in_dim3A_141 {strides = array<i32>} : memref<2x256x128xf32, #tpu.memory_space<vmem>>, vector<16xf32>,
      %add3A_645 = arith.constant 4 : i32
      %add3A_646 = arith.addi %mul3A_386, %add3A_645 : i32
      %swap3A_647 = arith.constant 1 : i32
      %swap3A_648 = arith.index_cast %swap3A_647 : i32 to index
      %swap3A_649 = arith.index_cast %add3A_646 : i32 to index
      %swap3A_650 = arith.constant 80 : index
      %swap3A_651 = tpu.vector_load %arg7[%swap3A_648, %swap3A_649, %swap3A_650] {strides = array<i32>} : memref<2x256x128xf32, #tpu.memory_space<vmem>>, vector<16xf32>,
      tpu.vector_store %arg7[%swap3A_648, %swap3A_649, %swap3A_650], %broadcast_in_dim3A_141 {strides = array<i32>} : memref<2x256x128xf32, #tpu.memory_space<vmem>>, vector<16xf32>,
      %add3A_652 = arith.constant 4 : i32
      %add3A_653 = arith.addi %mul3A_386, %add3A_652 : i32
      %swap3A_654 = arith.constant 1 : i32
      %swap3A_655 = arith.index_cast %swap3A_654 : i32 to index
      %swap3A_656 = arith.index_cast %add3A_653 : i32 to index
      %swap3A_657 = arith.constant 96 : index
      %swap3A_658 = tpu.vector_load %arg7[%swap3A_655, %swap3A_656, %swap3A_657] {strides = array<i32>} : memref<2x256x128xf32, #tpu.memory_space<vmem>>, vector<16xf32>,
      tpu.vector_store %arg7[%swap3A_655, %swap3A_656, %swap3A_657], %broadcast_in_dim3A_141 {strides = array<i32>} : memref<2x256x128xf32, #tpu.memory_space<vmem>>, vector<16xf32>,
      %add3A_659 = arith.constant 4 : i32
      %add3A_660 = arith.addi %mul3A_386, %add3A_659 : i32
      %swap3A_661 = arith.constant 1 : i32
      %swap3A_662 = arith.index_cast %swap3A_661 : i32 to index
      %swap3A_663 = arith.index_cast %add3A_660 : i32 to index
      %swap3A_664 = arith.constant 112 : index
      %swap3A_665 = tpu.vector_load %arg7[%swap3A_662, %swap3A_663, %swap3A_664] {strides = array<i32>} : memref<2x256x128xf32, #tpu.memory_space<vmem>>, vector<16xf32>,
      tpu.vector_store %arg7[%swap3A_662, %swap3A_663, %swap3A_664], %broadcast_in_dim3A_141 {strides = array<i32>} : memref<2x256x128xf32, #tpu.memory_space<vmem>>, vector<16xf32>,
      %add3A_666 = arith.constant 5 : i32
      %add3A_667 = arith.addi %mul3A_386, %add3A_666 : i32
      %swap3A_668 = arith.constant 1 : i32
      %swap3A_669 = arith.index_cast %swap3A_668 : i32 to index
      %swap3A_670 = arith.index_cast %add3A_667 : i32 to index
      %swap3A_671 = arith.constant 0 : index
      %swap3A_672 = tpu.vector_load %arg7[%swap3A_669, %swap3A_670, %swap3A_671] {strides = array<i32>} : memref<2x256x128xf32, #tpu.memory_space<vmem>>, vector<16xf32>,
      tpu.vector_store %arg7[%swap3A_669, %swap3A_670, %swap3A_671], %broadcast_in_dim3A_141 {strides = array<i32>} : memref<2x256x128xf32, #tpu.memory_space<vmem>>, vector<16xf32>,
      %add3A_673 = arith.constant 5 : i32
      %add3A_674 = arith.addi %mul3A_386, %add3A_673 : i32
      %swap3A_675 = arith.constant 1 : i32
      %swap3A_676 = arith.index_cast %swap3A_675 : i32 to index
      %swap3A_677 = arith.index_cast %add3A_674 : i32 to index
      %swap3A_678 = arith.constant 16 : index
      %swap3A_679 = tpu.vector_load %arg7[%swap3A_676, %swap3A_677, %swap3A_678] {strides = array<i32>} : memref<2x256x128xf32, #tpu.memory_space<vmem>>, vector<16xf32>,
      tpu.vector_store %arg7[%swap3A_676, %swap3A_677, %swap3A_678], %broadcast_in_dim3A_141 {strides = array<i32>} : memref<2x256x128xf32, #tpu.memory_space<vmem>>, vector<16xf32>,
      %add3A_680 = arith.constant 5 : i32
      %add3A_681 = arith.addi %mul3A_386, %add3A_680 : i32
      %swap3A_682 = arith.constant 1 : i32
      %swap3A_683 = arith.index_cast %swap3A_682 : i32 to index
      %swap3A_684 = arith.index_cast %add3A_681 : i32 to index
      %swap3A_685 = arith.constant 32 : index
      %swap3A_686 = tpu.vector_load %arg7[%swap3A_683, %swap3A_684, %swap3A_685] {strides = array<i32>} : memref<2x256x128xf32, #tpu.memory_space<vmem>>, vector<16xf32>,
      tpu.vector_store %arg7[%swap3A_683, %swap3A_684, %swap3A_685], %broadcast_in_dim3A_141 {strides = array<i32>} : memref<2x256x128xf32, #tpu.memory_space<vmem>>, vector<16xf32>,
      %add3A_687 = arith.constant 5 : i32
      %add3A_688 = arith.addi %mul3A_386, %add3A_687 : i32
      %swap3A_689 = arith.constant 1 : i32
      %swap3A_690 = arith.index_cast %swap3A_689 : i32 to index
      %swap3A_691 = arith.index_cast %add3A_688 : i32 to index
      %swap3A_692 = arith.constant 48 : index
      %swap3A_693 = tpu.vector_load %arg7[%swap3A_690, %swap3A_691, %swap3A_692] {strides = array<i32>} : memref<2x256x128xf32, #tpu.memory_space<vmem>>, vector<16xf32>,
      tpu.vector_store %arg7[%swap3A_690, %swap3A_691, %swap3A_692], %broadcast_in_dim3A_141 {strides = array<i32>} : memref<2x256x128xf32, #tpu.memory_space<vmem>>, vector<16xf32>,
      %add3A_694 = arith.constant 5 : i32
      %add3A_695 = arith.addi %mul3A_386, %add3A_694 : i32
      %swap3A_696 = arith.constant 1 : i32
      %swap3A_697 = arith.index_cast %swap3A_696 : i32 to index
      %swap3A_698 = arith.index_cast %add3A_695 : i32 to index
      %swap3A_699 = arith.constant 64 : index
      %swap3A_700 = tpu.vector_load %arg7[%swap3A_697, %swap3A_698, %swap3A_699] {strides = array<i32>} : memref<2x256x128xf32, #tpu.memory_space<vmem>>, vector<16xf32>,
      tpu.vector_store %arg7[%swap3A_697, %swap3A_698, %swap3A_699], %broadcast_in_dim3A_141 {strides = array<i32>} : memref<2x256x128xf32, #tpu.memory_space<vmem>>, vector<16xf32>,
      %add3A_701 = arith.constant 5 : i32
      %add3A_702 = arith.addi %mul3A_386, %add3A_701 : i32
      %swap3A_703 = arith.constant 1 : i32
      %swap3A_704 = arith.index_cast %swap3A_703 : i32 to index
      %swap3A_705 = arith.index_cast %add3A_702 : i32 to index
      %swap3A_706 = arith.constant 80 : index
      %swap3A_707 = tpu.vector_load %arg7[%swap3A_704, %swap3A_705, %swap3A_706] {strides = array<i32>} : memref<2x256x128xf32, #tpu.memory_space<vmem>>, vector<16xf32>,
      tpu.vector_store %arg7[%swap3A_704, %swap3A_705, %swap3A_706], %broadcast_in_dim3A_141 {strides = array<i32>} : memref<2x256x128xf32, #tpu.memory_space<vmem>>, vector<16xf32>,
      %add3A_708 = arith.constant 5 : i32
      %add3A_709 = arith.addi %mul3A_386, %add3A_708 : i32
      %swap3A_710 = arith.constant 1 : i32
      %swap3A_711 = arith.index_cast %swap3A_710 : i32 to index
      %swap3A_712 = arith.index_cast %add3A_709 : i32 to index
      %swap3A_713 = arith.constant 96 : index
      %swap3A_714 = tpu.vector_load %arg7[%swap3A_711, %swap3A_712, %swap3A_713] {strides = array<i32>} : memref<2x256x128xf32, #tpu.memory_space<vmem>>, vector<16xf32>,
      tpu.vector_store %arg7[%swap3A_711, %swap3A_712, %swap3A_713], %broadcast_in_dim3A_141 {strides = array<i32>} : memref<2x256x128xf32, #tpu.memory_space<vmem>>, vector<16xf32>,
      %add3A_715 = arith.constant 5 : i32
      %add3A_716 = arith.addi %mul3A_386, %add3A_715 : i32
      %swap3A_717 = arith.constant 1 : i32
      %swap3A_718 = arith.index_cast %swap3A_717 : i32 to index
      %swap3A_719 = arith.index_cast %add3A_716 : i32 to index
      %swap3A_720 = arith.constant 112 : index
      %swap3A_721 = tpu.vector_load %arg7[%swap3A_718, %swap3A_719, %swap3A_720] {strides = array<i32>} : memref<2x256x128xf32, #tpu.memory_space<vmem>>, vector<16xf32>,
      tpu.vector_store %arg7[%swap3A_718, %swap3A_719, %swap3A_720], %broadcast_in_dim3A_141 {strides = array<i32>} : memref<2x256x128xf32, #tpu.memory_space<vmem>>, vector<16xf32>,
      %add3A_722 = arith.constant 6 : i32
      %add3A_723 = arith.addi %mul3A_386, %add3A_722 : i32
      %swap3A_724 = arith.constant 1 : i32
      %swap3A_725 = arith.index_cast %swap3A_724 : i32 to index
      %swap3A_726 = arith.index_cast %add3A_723 : i32 to index
      %swap3A_727 = arith.constant 0 : index
      %swap3A_728 = tpu.vector_load %arg7[%swap3A_725, %swap3A_726, %swap3A_727] {strides = array<i32>} : memref<2x256x128xf32, #tpu.memory_space<vmem>>, vector<16xf32>,
      tpu.vector_store %arg7[%swap3A_725, %swap3A_726, %swap3A_727], %broadcast_in_dim3A_141 {strides = array<i32>} : memref<2x256x128xf32, #tpu.memory_space<vmem>>, vector<16xf32>,
      %add3A_729 = arith.constant 6 : i32
      %add3A_730 = arith.addi %mul3A_386, %add3A_729 : i32
      %swap3A_731 = arith.constant 1 : i32
      %swap3A_732 = arith.index_cast %swap3A_731 : i32 to index
      %swap3A_733 = arith.index_cast %add3A_730 : i32 to index
      %swap3A_734 = arith.constant 16 : index
      %swap3A_735 = tpu.vector_load %arg7[%swap3A_732, %swap3A_733, %swap3A_734] {strides = array<i32>} : memref<2x256x128xf32, #tpu.memory_space<vmem>>, vector<16xf32>,
      tpu.vector_store %arg7[%swap3A_732, %swap3A_733, %swap3A_734], %broadcast_in_dim3A_141 {strides = array<i32>} : memref<2x256x128xf32, #tpu.memory_space<vmem>>, vector<16xf32>,
      %add3A_736 = arith.constant 6 : i32
      %add3A_737 = arith.addi %mul3A_386, %add3A_736 : i32
      %swap3A_738 = arith.constant 1 : i32
      %swap3A_739 = arith.index_cast %swap3A_738 : i32 to index
      %swap3A_740 = arith.index_cast %add3A_737 : i32 to index
      %swap3A_741 = arith.constant 32 : index
      %swap3A_742 = tpu.vector_load %arg7[%swap3A_739, %swap3A_740, %swap3A_741] {strides = array<i32>} : memref<2x256x128xf32, #tpu.memory_space<vmem>>, vector<16xf32>,
      tpu.vector_store %arg7[%swap3A_739, %swap3A_740, %swap3A_741], %broadcast_in_dim3A_141 {strides = array<i32>} : memref<2x256x128xf32, #tpu.memory_space<vmem>>, vector<16xf32>,
      %add3A_743 = arith.constant 6 : i32
      %add3A_744 = arith.addi %mul3A_386, %add3A_743 : i32
      %swap3A_745 = arith.constant 1 : i32
      %swap3A_746 = arith.index_cast %swap3A_745 : i32 to index
      %swap3A_747 = arith.index_cast %add3A_744 : i32 to index
      %swap3A_748 = arith.constant 48 : index
      %swap3A_749 = tpu.vector_load %arg7[%swap3A_746, %swap3A_747, %swap3A_748] {strides = array<i32>} : memref<2x256x128xf32, #tpu.memory_space<vmem>>, vector<16xf32>,
      tpu.vector_store %arg7[%swap3A_746, %swap3A_747, %swap3A_748], %broadcast_in_dim3A_141 {strides = array<i32>} : memref<2x256x128xf32, #tpu.memory_space<vmem>>, vector<16xf32>,
      %add3A_750 = arith.constant 6 : i32
      %add3A_751 = arith.addi %mul3A_386, %add3A_750 : i32
      %swap3A_752 = arith.constant 1 : i32
      %swap3A_753 = arith.index_cast %swap3A_752 : i32 to index
      %swap3A_754 = arith.index_cast %add3A_751 : i32 to index
      %swap3A_755 = arith.constant 64 : index
      %swap3A_756 = tpu.vector_load %arg7[%swap3A_753, %swap3A_754, %swap3A_755] {strides = array<i32>} : memref<2x256x128xf32, #tpu.memory_space<vmem>>, vector<16xf32>,
      tpu.vector_store %arg7[%swap3A_753, %swap3A_754, %swap3A_755], %broadcast_in_dim3A_141 {strides = array<i32>} : memref<2x256x128xf32, #tpu.memory_space<vmem>>, vector<16xf32>,
      %add3A_757 = arith.constant 6 : i32
      %add3A_758 = arith.addi %mul3A_386, %add3A_757 : i32
      %swap3A_759 = arith.constant 1 : i32
      %swap3A_760 = arith.index_cast %swap3A_759 : i32 to index
      %swap3A_761 = arith.index_cast %add3A_758 : i32 to index
      %swap3A_762 = arith.constant 80 : index
      %swap3A_763 = tpu.vector_load %arg7[%swap3A_760, %swap3A_761, %swap3A_762] {strides = array<i32>} : memref<2x256x128xf32, #tpu.memory_space<vmem>>, vector<16xf32>,
      tpu.vector_store %arg7[%swap3A_760, %swap3A_761, %swap3A_762], %broadcast_in_dim3A_141 {strides = array<i32>} : memref<2x256x128xf32, #tpu.memory_space<vmem>>, vector<16xf32>,
      %add3A_764 = arith.constant 6 : i32
      %add3A_765 = arith.addi %mul3A_386, %add3A_764 : i32
      %swap3A_766 = arith.constant 1 : i32
      %swap3A_767 = arith.index_cast %swap3A_766 : i32 to index
      %swap3A_768 = arith.index_cast %add3A_765 : i32 to index
      %swap3A_769 = arith.constant 96 : index
      %swap3A_770 = tpu.vector_load %arg7[%swap3A_767, %swap3A_768, %swap3A_769] {strides = array<i32>} : memref<2x256x128xf32, #tpu.memory_space<vmem>>, vector<16xf32>,
      tpu.vector_store %arg7[%swap3A_767, %swap3A_768, %swap3A_769], %broadcast_in_dim3A_141 {strides = array<i32>} : memref<2x256x128xf32, #tpu.memory_space<vmem>>, vector<16xf32>,
      %add3A_771 = arith.constant 6 : i32
      %add3A_772 = arith.addi %mul3A_386, %add3A_771 : i32
      %swap3A_773 = arith.constant 1 : i32
      %swap3A_774 = arith.index_cast %swap3A_773 : i32 to index
      %swap3A_775 = arith.index_cast %add3A_772 : i32 to index
      %swap3A_776 = arith.constant 112 : index
      %swap3A_777 = tpu.vector_load %arg7[%swap3A_774, %swap3A_775, %swap3A_776] {strides = array<i32>} : memref<2x256x128xf32, #tpu.memory_space<vmem>>, vector<16xf32>,
      tpu.vector_store %arg7[%swap3A_774, %swap3A_775, %swap3A_776], %broadcast_in_dim3A_141 {strides = array<i32>} : memref<2x256x128xf32, #tpu.memory_space<vmem>>, vector<16xf32>,
      %add3A_778 = arith.constant 7 : i32
      %add3A_779 = arith.addi %mul3A_386, %add3A_778 : i32
      %swap3A_780 = arith.constant 1 : i32
      %swap3A_781 = arith.index_cast %swap3A_780 : i32 to index
      %swap3A_782 = arith.index_cast %add3A_779 : i32 to index
      %swap3A_783 = arith.constant 0 : index
      %swap3A_784 = tpu.vector_load %arg7[%swap3A_781, %swap3A_782, %swap3A_783] {strides = array<i32>} : memref<2x256x128xf32, #tpu.memory_space<vmem>>, vector<16xf32>,
      tpu.vector_store %arg7[%swap3A_781, %swap3A_782, %swap3A_783], %broadcast_in_dim3A_141 {strides = array<i32>} : memref<2x256x128xf32, #tpu.memory_space<vmem>>, vector<16xf32>,
      %add3A_785 = arith.constant 7 : i32
      %add3A_786 = arith.addi %mul3A_386, %add3A_785 : i32
      %swap3A_787 = arith.constant 1 : i32
      %swap3A_788 = arith.index_cast %swap3A_787 : i32 to index
      %swap3A_789 = arith.index_cast %add3A_786 : i32 to index
      %swap3A_790 = arith.constant 16 : index
      %swap3A_791 = tpu.vector_load %arg7[%swap3A_788, %swap3A_789, %swap3A_790] {strides = array<i32>} : memref<2x256x128xf32, #tpu.memory_space<vmem>>, vector<16xf32>,
      tpu.vector_store %arg7[%swap3A_788, %swap3A_789, %swap3A_790], %broadcast_in_dim3A_141 {strides = array<i32>} : memref<2x256x128xf32, #tpu.memory_space<vmem>>, vector<16xf32>,
      %add3A_792 = arith.constant 7 : i32
      %add3A_793 = arith.addi %mul3A_386, %add3A_792 : i32
      %swap3A_794 = arith.constant 1 : i32
      %swap3A_795 = arith.index_cast %swap3A_794 : i32 to index
      %swap3A_796 = arith.index_cast %add3A_793 : i32 to index
      %swap3A_797 = arith.constant 32 : index
      %swap3A_798 = tpu.vector_load %arg7[%swap3A_795, %swap3A_796, %swap3A_797] {strides = array<i32>} : memref<2x256x128xf32, #tpu.memory_space<vmem>>, vector<16xf32>,
      tpu.vector_store %arg7[%swap3A_795, %swap3A_796, %swap3A_797], %broadcast_in_dim3A_141 {strides = array<i32>} : memref<2x256x128xf32, #tpu.memory_space<vmem>>, vector<16xf32>,
      %add3A_799 = arith.constant 7 : i32
      %add3A_800 = arith.addi %mul3A_386, %add3A_799 : i32
      %swap3A_801 = arith.constant 1 : i32
      %swap3A_802 = arith.index_cast %swap3A_801 : i32 to index
      %swap3A_803 = arith.index_cast %add3A_800 : i32 to index
      %swap3A_804 = arith.constant 48 : index
      %swap3A_805 = tpu.vector_load %arg7[%swap3A_802, %swap3A_803, %swap3A_804] {strides = array<i32>} : memref<2x256x128xf32, #tpu.memory_space<vmem>>, vector<16xf32>,
      tpu.vector_store %arg7[%swap3A_802, %swap3A_803, %swap3A_804], %broadcast_in_dim3A_141 {strides = array<i32>} : memref<2x256x128xf32, #tpu.memory_space<vmem>>, vector<16xf32>,
      %add3A_806 = arith.constant 7 : i32
      %add3A_807 = arith.addi %mul3A_386, %add3A_806 : i32
      %swap3A_808 = arith.constant 1 : i32
      %swap3A_809 = arith.index_cast %swap3A_808 : i32 to index
      %swap3A_810 = arith.index_cast %add3A_807 : i32 to index
      %swap3A_811 = arith.constant 64 : index
      %swap3A_812 = tpu.vector_load %arg7[%swap3A_809, %swap3A_810, %swap3A_811] {strides = array<i32>} : memref<2x256x128xf32, #tpu.memory_space<vmem>>, vector<16xf32>,
      tpu.vector_store %arg7[%swap3A_809, %swap3A_810, %swap3A_811], %broadcast_in_dim3A_141 {strides = array<i32>} : memref<2x256x128xf32, #tpu.memory_space<vmem>>, vector<16xf32>,
      %add3A_813 = arith.constant 7 : i32
      %add3A_814 = arith.addi %mul3A_386, %add3A_813 : i32
      %swap3A_815 = arith.constant 1 : i32
      %swap3A_816 = arith.index_cast %swap3A_815 : i32 to index
      %swap3A_817 = arith.index_cast %add3A_814 : i32 to index
      %swap3A_818 = arith.constant 80 : index
      %swap3A_819 = tpu.vector_load %arg7[%swap3A_816, %swap3A_817, %swap3A_818] {strides = array<i32>} : memref<2x256x128xf32, #tpu.memory_space<vmem>>, vector<16xf32>,
      tpu.vector_store %arg7[%swap3A_816, %swap3A_817, %swap3A_818], %broadcast_in_dim3A_141 {strides = array<i32>} : memref<2x256x128xf32, #tpu.memory_space<vmem>>, vector<16xf32>,
      %add3A_820 = arith.constant 7 : i32
      %add3A_821 = arith.addi %mul3A_386, %add3A_820 : i32
      %swap3A_822 = arith.constant 1 : i32
      %swap3A_823 = arith.index_cast %swap3A_822 : i32 to index
      %swap3A_824 = arith.index_cast %add3A_821 : i32 to index
      %swap3A_825 = arith.constant 96 : index
      %swap3A_826 = tpu.vector_load %arg7[%swap3A_823, %swap3A_824, %swap3A_825] {strides = array<i32>} : memref<2x256x128xf32, #tpu.memory_space<vmem>>, vector<16xf32>,
      tpu.vector_store %arg7[%swap3A_823, %swap3A_824, %swap3A_825], %broadcast_in_dim3A_141 {strides = array<i32>} : memref<2x256x128xf32, #tpu.memory_space<vmem>>, vector<16xf32>,
      %add3A_827 = arith.constant 7 : i32
      %add3A_828 = arith.addi %mul3A_386, %add3A_827 : i32
      %swap3A_829 = arith.constant 1 : i32
      %swap3A_830 = arith.index_cast %swap3A_829 : i32 to index
      %swap3A_831 = arith.index_cast %add3A_828 : i32 to index
      %swap3A_832 = arith.constant 112 : index
      %swap3A_833 = tpu.vector_load %arg7[%swap3A_830, %swap3A_831, %swap3A_832] {strides = array<i32>} : memref<2x256x128xf32, #tpu.memory_space<vmem>>, vector<16xf32>,
      tpu.vector_store %arg7[%swap3A_830, %swap3A_831, %swap3A_832], %broadcast_in_dim3A_141 {strides = array<i32>} : memref<2x256x128xf32, #tpu.memory_space<vmem>>, vector<16xf32>,
      %add3A_834 = arith.constant 8 : i32
      %add3A_835 = arith.addi %mul3A_386, %add3A_834 : i32
      %swap3A_836 = arith.constant 1 : i32
      %swap3A_837 = arith.index_cast %swap3A_836 : i32 to index
      %swap3A_838 = arith.index_cast %add3A_835 : i32 to index
      %swap3A_839 = arith.constant 0 : index
      %swap3A_840 = tpu.vector_load %arg7[%swap3A_837, %swap3A_838, %swap3A_839] {strides = array<i32>} : memref<2x256x128xf32, #tpu.memory_space<vmem>>, vector<16xf32>,
      tpu.vector_store %arg7[%swap3A_837, %swap3A_838, %swap3A_839], %broadcast_in_dim3A_141 {strides = array<i32>} : memref<2x256x128xf32, #tpu.memory_space<vmem>>, vector<16xf32>,
      %add3A_841 = arith.constant 8 : i32
      %add3A_842 = arith.addi %mul3A_386, %add3A_841 : i32
      %swap3A_843 = arith.constant 1 : i32
      %swap3A_844 = arith.index_cast %swap3A_843 : i32 to index
      %swap3A_845 = arith.index_cast %add3A_842 : i32 to index
      %swap3A_846 = arith.constant 16 : index
      %swap3A_847 = tpu.vector_load %arg7[%swap3A_844, %swap3A_845, %swap3A_846] {strides = array<i32>} : memref<2x256x128xf32, #tpu.memory_space<vmem>>, vector<16xf32>,
      tpu.vector_store %arg7[%swap3A_844, %swap3A_845, %swap3A_846], %broadcast_in_dim3A_141 {strides = array<i32>} : memref<2x256x128xf32, #tpu.memory_space<vmem>>, vector<16xf32>,
      %add3A_848 = arith.constant 8 : i32
      %add3A_849 = arith.addi %mul3A_386, %add3A_848 : i32
      %swap3A_850 = arith.constant 1 : i32
      %swap3A_851 = arith.index_cast %swap3A_850 : i32 to index
      %swap3A_852 = arith.index_cast %add3A_849 : i32 to index
      %swap3A_853 = arith.constant 32 : index
      %swap3A_854 = tpu.vector_load %arg7[%swap3A_851, %swap3A_852, %swap3A_853] {strides = array<i32>} : memref<2x256x128xf32, #tpu.memory_space<vmem>>, vector<16xf32>,
      tpu.vector_store %arg7[%swap3A_851, %swap3A_852, %swap3A_853], %broadcast_in_dim3A_141 {strides = array<i32>} : memref<2x256x128xf32, #tpu.memory_space<vmem>>, vector<16xf32>,
      %add3A_855 = arith.constant 8 : i32
      %add3A_856 = arith.addi %mul3A_386, %add3A_855 : i32
      %swap3A_857 = arith.constant 1 : i32
      %swap3A_858 = arith.index_cast %swap3A_857 : i32 to index
      %swap3A_859 = arith.index_cast %add3A_856 : i32 to index
      %swap3A_860 = arith.constant 48 : index
      %swap3A_861 = tpu.vector_load %arg7[%swap3A_858, %swap3A_859, %swap3A_860] {strides = array<i32>} : memref<2x256x128xf32, #tpu.memory_space<vmem>>, vector<16xf32>,
      tpu.vector_store %arg7[%swap3A_858, %swap3A_859, %swap3A_860], %broadcast_in_dim3A_141 {strides = array<i32>} : memref<2x256x128xf32, #tpu.memory_space<vmem>>, vector<16xf32>,
      %add3A_862 = arith.constant 8 : i32
      %add3A_863 = arith.addi %mul3A_386, %add3A_862 : i32
      %swap3A_864 = arith.constant 1 : i32
      %swap3A_865 = arith.index_cast %swap3A_864 : i32 to index
      %swap3A_866 = arith.index_cast %add3A_863 : i32 to index
      %swap3A_867 = arith.constant 64 : index
      %swap3A_868 = tpu.vector_load %arg7[%swap3A_865, %swap3A_866, %swap3A_867] {strides = array<i32>} : memref<2x256x128xf32, #tpu.memory_space<vmem>>, vector<16xf32>,
      tpu.vector_store %arg7[%swap3A_865, %swap3A_866, %swap3A_867], %broadcast_in_dim3A_141 {strides = array<i32>} : memref<2x256x128xf32, #tpu.memory_space<vmem>>, vector<16xf32>,
      %add3A_869 = arith.constant 8 : i32
      %add3A_870 = arith.addi %mul3A_386, %add3A_869 : i32
      %swap3A_871 = arith.constant 1 : i32
      %swap3A_872 = arith.index_cast %swap3A_871 : i32 to index
      %swap3A_873 = arith.index_cast %add3A_870 : i32 to index
      %swap3A_874 = arith.constant 80 : index
      %swap3A_875 = tpu.vector_load %arg7[%swap3A_872, %swap3A_873, %swap3A_874] {strides = array<i32>} : memref<2x256x128xf32, #tpu.memory_space<vmem>>, vector<16xf32>,
      tpu.vector_store %arg7[%swap3A_872, %swap3A_873, %swap3A_874], %broadcast_in_dim3A_141 {strides = array<i32>} : memref<2x256x128xf32, #tpu.memory_space<vmem>>, vector<16xf32>,
      %add3A_876 = arith.constant 8 : i32
      %add3A_877 = arith.addi %mul3A_386, %add3A_876 : i32
      %swap3A_878 = arith.constant 1 : i32
      %swap3A_879 = arith.index_cast %swap3A_878 : i32 to index
      %swap3A_880 = arith.index_cast %add3A_877 : i32 to index
      %swap3A_881 = arith.constant 96 : index
      %swap3A_882 = tpu.vector_load %arg7[%swap3A_879, %swap3A_880, %swap3A_881] {strides = array<i32>} : memref<2x256x128xf32, #tpu.memory_space<vmem>>, vector<16xf32>,
      tpu.vector_store %arg7[%swap3A_879, %swap3A_880, %swap3A_881], %broadcast_in_dim3A_141 {strides = array<i32>} : memref<2x256x128xf32, #tpu.memory_space<vmem>>, vector<16xf32>,
      %add3A_883 = arith.constant 8 : i32
      %add3A_884 = arith.addi %mul3A_386, %add3A_883 : i32
      %swap3A_885 = arith.constant 1 : i32
      %swap3A_886 = arith.index_cast %swap3A_885 : i32 to index
      %swap3A_887 = arith.index_cast %add3A_884 : i32 to index
      %swap3A_888 = arith.constant 112 : index
      %swap3A_889 = tpu.vector_load %arg7[%swap3A_886, %swap3A_887, %swap3A_888] {strides = array<i32>} : memref<2x256x128xf32, #tpu.memory_space<vmem>>, vector<16xf32>,
      tpu.vector_store %arg7[%swap3A_886, %swap3A_887, %swap3A_888], %broadcast_in_dim3A_141 {strides = array<i32>} : memref<2x256x128xf32, #tpu.memory_space<vmem>>, vector<16xf32>,
      %add3A_890 = arith.constant 9 : i32
      %add3A_891 = arith.addi %mul3A_386, %add3A_890 : i32
      %swap3A_892 = arith.constant 1 : i32
      %swap3A_893 = arith.index_cast %swap3A_892 : i32 to index
      %swap3A_894 = arith.index_cast %add3A_891 : i32 to index
      %swap3A_895 = arith.constant 0 : index
      %swap3A_896 = tpu.vector_load %arg7[%swap3A_893, %swap3A_894, %swap3A_895] {strides = array<i32>} : memref<2x256x128xf32, #tpu.memory_space<vmem>>, vector<16xf32>,
      tpu.vector_store %arg7[%swap3A_893, %swap3A_894, %swap3A_895], %broadcast_in_dim3A_141 {strides = array<i32>} : memref<2x256x128xf32, #tpu.memory_space<vmem>>, vector<16xf32>,
      %add3A_897 = arith.constant 9 : i32
      %add3A_898 = arith.addi %mul3A_386, %add3A_897 : i32
      %swap3A_899 = arith.constant 1 : i32
      %swap3A_900 = arith.index_cast %swap3A_899 : i32 to index
      %swap3A_901 = arith.index_cast %add3A_898 : i32 to index
      %swap3A_902 = arith.constant 16 : index
      %swap3A_903 = tpu.vector_load %arg7[%swap3A_900, %swap3A_901, %swap3A_902] {strides = array<i32>} : memref<2x256x128xf32, #tpu.memory_space<vmem>>, vector<16xf32>,
      tpu.vector_store %arg7[%swap3A_900, %swap3A_901, %swap3A_902], %broadcast_in_dim3A_141 {strides = array<i32>} : memref<2x256x128xf32, #tpu.memory_space<vmem>>, vector<16xf32>,
      %add3A_904 = arith.constant 9 : i32
      %add3A_905 = arith.addi %mul3A_386, %add3A_904 : i32
      %swap3A_906 = arith.constant 1 : i32
      %swap3A_907 = arith.index_cast %swap3A_906 : i32 to index
      %swap3A_908 = arith.index_cast %add3A_905 : i32 to index
      %swap3A_909 = arith.constant 32 : index
      %swap3A_910 = tpu.vector_load %arg7[%swap3A_907, %swap3A_908, %swap3A_909] {strides = array<i32>} : memref<2x256x128xf32, #tpu.memory_space<vmem>>, vector<16xf32>,
      tpu.vector_store %arg7[%swap3A_907, %swap3A_908, %swap3A_909], %broadcast_in_dim3A_141 {strides = array<i32>} : memref<2x256x128xf32, #tpu.memory_space<vmem>>, vector<16xf32>,
      %add3A_911 = arith.constant 9 : i32
      %add3A_912 = arith.addi %mul3A_386, %add3A_911 : i32
      %swap3A_913 = arith.constant 1 : i32
      %swap3A_914 = arith.index_cast %swap3A_913 : i32 to index
      %swap3A_915 = arith.index_cast %add3A_912 : i32 to index
      %swap3A_916 = arith.constant 48 : index
      %swap3A_917 = tpu.vector_load %arg7[%swap3A_914, %swap3A_915, %swap3A_916] {strides = array<i32>} : memref<2x256x128xf32, #tpu.memory_space<vmem>>, vector<16xf32>,
      tpu.vector_store %arg7[%swap3A_914, %swap3A_915, %swap3A_916], %broadcast_in_dim3A_141 {strides = array<i32>} : memref<2x256x128xf32, #tpu.memory_space<vmem>>, vector<16xf32>,
      %add3A_918 = arith.constant 9 : i32
      %add3A_919 = arith.addi %mul3A_386, %add3A_918 : i32
      %swap3A_920 = arith.constant 1 : i32
      %swap3A_921 = arith.index_cast %swap3A_920 : i32 to index
      %swap3A_922 = arith.index_cast %add3A_919 : i32 to index
      %swap3A_923 = arith.constant 64 : index
      %swap3A_924 = tpu.vector_load %arg7[%swap3A_921, %swap3A_922, %swap3A_923] {strides = array<i32>} : memref<2x256x128xf32, #tpu.memory_space<vmem>>, vector<16xf32>,
      tpu.vector_store %arg7[%swap3A_921, %swap3A_922, %swap3A_923], %broadcast_in_dim3A_141 {strides = array<i32>} : memref<2x256x128xf32, #tpu.memory_space<vmem>>, vector<16xf32>,
      %add3A_925 = arith.constant 9 : i32
      %add3A_926 = arith.addi %mul3A_386, %add3A_925 : i32
      %swap3A_927 = arith.constant 1 : i32
      %swap3A_928 = arith.index_cast %swap3A_927 : i32 to index
      %swap3A_929 = arith.index_cast %add3A_926 : i32 to index
      %swap3A_930 = arith.constant 80 : index
      %swap3A_931 = tpu.vector_load %arg7[%swap3A_928, %swap3A_929, %swap3A_930] {strides = array<i32>} : memref<2x256x128xf32, #tpu.memory_space<vmem>>, vector<16xf32>,
      tpu.vector_store %arg7[%swap3A_928, %swap3A_929, %swap3A_930], %broadcast_in_dim3A_141 {strides = array<i32>} : memref<2x256x128xf32, #tpu.memory_space<vmem>>, vector<16xf32>,
      %add3A_932 = arith.constant 9 : i32
      %add3A_933 = arith.addi %mul3A_386, %add3A_932 : i32
      %swap3A_934 = arith.constant 1 : i32
      %swap3A_935 = arith.index_cast %swap3A_934 : i32 to index
      %swap3A_936 = arith.index_cast %add3A_933 : i32 to index
      %swap3A_937 = arith.constant 96 : index
      %swap3A_938 = tpu.vector_load %arg7[%swap3A_935, %swap3A_936, %swap3A_937] {strides = array<i32>} : memref<2x256x128xf32, #tpu.memory_space<vmem>>, vector<16xf32>,
      tpu.vector_store %arg7[%swap3A_935, %swap3A_936, %swap3A_937], %broadcast_in_dim3A_141 {strides = array<i32>} : memref<2x256x128xf32, #tpu.memory_space<vmem>>, vector<16xf32>,
      %add3A_939 = arith.constant 9 : i32
      %add3A_940 = arith.addi %mul3A_386, %add3A_939 : i32
      %swap3A_941 = arith.constant 1 : i32
      %swap3A_942 = arith.index_cast %swap3A_941 : i32 to index
      %swap3A_943 = arith.index_cast %add3A_940 : i32 to index
      %swap3A_944 = arith.constant 112 : index
      %swap3A_945 = tpu.vector_load %arg7[%swap3A_942, %swap3A_943, %swap3A_944] {strides = array<i32>} : memref<2x256x128xf32, #tpu.memory_space<vmem>>, vector<16xf32>,
      tpu.vector_store %arg7[%swap3A_942, %swap3A_943, %swap3A_944], %broadcast_in_dim3A_141 {strides = array<i32>} : memref<2x256x128xf32, #tpu.memory_space<vmem>>, vector<16xf32>,
      %add3A_946 = arith.constant 10 : i32
      %add3A_947 = arith.addi %mul3A_386, %add3A_946 : i32
      %swap3A_948 = arith.constant 1 : i32
      %swap3A_949 = arith.index_cast %swap3A_948 : i32 to index
      %swap3A_950 = arith.index_cast %add3A_947 : i32 to index
      %swap3A_951 = arith.constant 0 : index
      %swap3A_952 = tpu.vector_load %arg7[%swap3A_949, %swap3A_950, %swap3A_951] {strides = array<i32>} : memref<2x256x128xf32, #tpu.memory_space<vmem>>, vector<16xf32>,
      tpu.vector_store %arg7[%swap3A_949, %swap3A_950, %swap3A_951], %broadcast_in_dim3A_141 {strides = array<i32>} : memref<2x256x128xf32, #tpu.memory_space<vmem>>, vector<16xf32>,
      %add3A_953 = arith.constant 10 : i32
      %add3A_954 = arith.addi %mul3A_386, %add3A_953 : i32
      %swap3A_955 = arith.constant 1 : i32
      %swap3A_956 = arith.index_cast %swap3A_955 : i32 to index
      %swap3A_957 = arith.index_cast %add3A_954 : i32 to index
      %swap3A_958 = arith.constant 16 : index
      %swap3A_959 = tpu.vector_load %arg7[%swap3A_956, %swap3A_957, %swap3A_958] {strides = array<i32>} : memref<2x256x128xf32, #tpu.memory_space<vmem>>, vector<16xf32>,
      tpu.vector_store %arg7[%swap3A_956, %swap3A_957, %swap3A_958], %broadcast_in_dim3A_141 {strides = array<i32>} : memref<2x256x128xf32, #tpu.memory_space<vmem>>, vector<16xf32>,
      %add3A_960 = arith.constant 10 : i32
      %add3A_961 = arith.addi %mul3A_386, %add3A_960 : i32
      %swap3A_962 = arith.constant 1 : i32
      %swap3A_963 = arith.index_cast %swap3A_962 : i32 to index
      %swap3A_964 = arith.index_cast %add3A_961 : i32 to index
      %swap3A_965 = arith.constant 32 : index
      %swap3A_966 = tpu.vector_load %arg7[%swap3A_963, %swap3A_964, %swap3A_965] {strides = array<i32>} : memref<2x256x128xf32, #tpu.memory_space<vmem>>, vector<16xf32>,
      tpu.vector_store %arg7[%swap3A_963, %swap3A_964, %swap3A_965], %broadcast_in_dim3A_141 {strides = array<i32>} : memref<2x256x128xf32, #tpu.memory_space<vmem>>, vector<16xf32>,
      %add3A_967 = arith.constant 10 : i32
      %add3A_968 = arith.addi %mul3A_386, %add3A_967 : i32
      %swap3A_969 = arith.constant 1 : i32
      %swap3A_970 = arith.index_cast %swap3A_969 : i32 to index
      %swap3A_971 = arith.index_cast %add3A_968 : i32 to index
      %swap3A_972 = arith.constant 48 : index
      %swap3A_973 = tpu.vector_load %arg7[%swap3A_970, %swap3A_971, %swap3A_972] {strides = array<i32>} : memref<2x256x128xf32, #tpu.memory_space<vmem>>, vector<16xf32>,
      tpu.vector_store %arg7[%swap3A_970, %swap3A_971, %swap3A_972], %broadcast_in_dim3A_141 {strides = array<i32>} : memref<2x256x128xf32, #tpu.memory_space<vmem>>, vector<16xf32>,
      %add3A_974 = arith.constant 10 : i32
      %add3A_975 = arith.addi %mul3A_386, %add3A_974 : i32
      %swap3A_976 = arith.constant 1 : i32
      %swap3A_977 = arith.index_cast %swap3A_976 : i32 to index
      %swap3A_978 = arith.index_cast %add3A_975 : i32 to index
      %swap3A_979 = arith.constant 64 : index
      %swap3A_980 = tpu.vector_load %arg7[%swap3A_977, %swap3A_978, %swap3A_979] {strides = array<i32>} : memref<2x256x128xf32, #tpu.memory_space<vmem>>, vector<16xf32>,
      tpu.vector_store %arg7[%swap3A_977, %swap3A_978, %swap3A_979], %broadcast_in_dim3A_141 {strides = array<i32>} : memref<2x256x128xf32, #tpu.memory_space<vmem>>, vector<16xf32>,
      %add3A_981 = arith.constant 10 : i32
      %add3A_982 = arith.addi %mul3A_386, %add3A_981 : i32
      %swap3A_983 = arith.constant 1 : i32
      %swap3A_984 = arith.index_cast %swap3A_983 : i32 to index
      %swap3A_985 = arith.index_cast %add3A_982 : i32 to index
      %swap3A_986 = arith.constant 80 : index
      %swap3A_987 = tpu.vector_load %arg7[%swap3A_984, %swap3A_985, %swap3A_986] {strides = array<i32>} : memref<2x256x128xf32, #tpu.memory_space<vmem>>, vector<16xf32>,
      tpu.vector_store %arg7[%swap3A_984, %swap3A_985, %swap3A_986], %broadcast_in_dim3A_141 {strides = array<i32>} : memref<2x256x128xf32, #tpu.memory_space<vmem>>, vector<16xf32>,
      %add3A_988 = arith.constant 10 : i32
      %add3A_989 = arith.addi %mul3A_386, %add3A_988 : i32
      %swap3A_990 = arith.constant 1 : i32
      %swap3A_991 = arith.index_cast %swap3A_990 : i32 to index
      %swap3A_992 = arith.index_cast %add3A_989 : i32 to index
      %swap3A_993 = arith.constant 96 : index
      %swap3A_994 = tpu.vector_load %arg7[%swap3A_991, %swap3A_992, %swap3A_993] {strides = array<i32>} : memref<2x256x128xf32, #tpu.memory_space<vmem>>, vector<16xf32>,
      tpu.vector_store %arg7[%swap3A_991, %swap3A_992, %swap3A_993], %broadcast_in_dim3A_141 {strides = array<i32>} : memref<2x256x128xf32, #tpu.memory_space<vmem>>, vector<16xf32>,
      %add3A_995 = arith.constant 10 : i32
      %add3A_996 = arith.addi %mul3A_386, %add3A_995 : i32
      %swap3A_997 = arith.constant 1 : i32
      %swap3A_998 = arith.index_cast %swap3A_997 : i32 to index
      %swap3A_999 = arith.index_cast %add3A_996 : i32 to index
      %swap3A_1000 = arith.constant 112 : index
      %swap3A_1001 = tpu.vector_load %arg7[%swap3A_998, %swap3A_999, %swap3A_1000] {strides = array<i32>} : memref<2x256x128xf32, #tpu.memory_space<vmem>>, vector<16xf32>,
      tpu.vector_store %arg7[%swap3A_998, %swap3A_999, %swap3A_1000], %broadcast_in_dim3A_141 {strides = array<i32>} : memref<2x256x128xf32, #tpu.memory_space<vmem>>, vector<16xf32>,
      %add3A_1002 = arith.constant 11 : i32
      %add3A_1003 = arith.addi %mul3A_386, %add3A_1002 : i32
      %swap3A_1004 = arith.constant 1 : i32
      %swap3A_1005 = arith.index_cast %swap3A_1004 : i32 to index
      %swap3A_1006 = arith.index_cast %add3A_1003 : i32 to index
      %swap3A_1007 = arith.constant 0 : index
      %swap3A_1008 = tpu.vector_load %arg7[%swap3A_1005, %swap3A_1006, %swap3A_1007] {strides = array<i32>} : memref<2x256x128xf32, #tpu.memory_space<vmem>>, vector<16xf32>,
      tpu.vector_store %arg7[%swap3A_1005, %swap3A_1006, %swap3A_1007], %broadcast_in_dim3A_141 {strides = array<i32>} : memref<2x256x128xf32, #tpu.memory_space<vmem>>, vector<16xf32>,
      %add3A_1009 = arith.constant 11 : i32
      %add3A_1010 = arith.addi %mul3A_386, %add3A_1009 : i32
      %swap3A_1011 = arith.constant 1 : i32
      %swap3A_1012 = arith.index_cast %swap3A_1011 : i32 to index
      %swap3A_1013 = arith.index_cast %add3A_1010 : i32 to index
      %swap3A_1014 = arith.constant 16 : index
      %swap3A_1015 = tpu.vector_load %arg7[%swap3A_1012, %swap3A_1013, %swap3A_1014] {strides = array<i32>} : memref<2x256x128xf32, #tpu.memory_space<vmem>>, vector<16xf32>,
      tpu.vector_store %arg7[%swap3A_1012, %swap3A_1013, %swap3A_1014], %broadcast_in_dim3A_141 {strides = array<i32>} : memref<2x256x128xf32, #tpu.memory_space<vmem>>, vector<16xf32>,
      %add3A_1016 = arith.constant 11 : i32
      %add3A_1017 = arith.addi %mul3A_386, %add3A_1016 : i32
      %swap3A_1018 = arith.constant 1 : i32
      %swap3A_1019 = arith.index_cast %swap3A_1018 : i32 to index
      %swap3A_1020 = arith.index_cast %add3A_1017 : i32 to index
      %swap3A_1021 = arith.constant 32 : index
      %swap3A_1022 = tpu.vector_load %arg7[%swap3A_1019, %swap3A_1020, %swap3A_1021] {strides = array<i32>} : memref<2x256x128xf32, #tpu.memory_space<vmem>>, vector<16xf32>,
      tpu.vector_store %arg7[%swap3A_1019, %swap3A_1020, %swap3A_1021], %broadcast_in_dim3A_141 {strides = array<i32>} : memref<2x256x128xf32, #tpu.memory_space<vmem>>, vector<16xf32>,
      %add3A_1023 = arith.constant 11 : i32
      %add3A_1024 = arith.addi %mul3A_386, %add3A_1023 : i32
      %swap3A_1025 = arith.constant 1 : i32
      %swap3A_1026 = arith.index_cast %swap3A_1025 : i32 to index
      %swap3A_1027 = arith.index_cast %add3A_1024 : i32 to index
      %swap3A_1028 = arith.constant 48 : index
      %swap3A_1029 = tpu.vector_load %arg7[%swap3A_1026, %swap3A_1027, %swap3A_1028] {strides = array<i32>} : memref<2x256x128xf32, #tpu.memory_space<vmem>>, vector<16xf32>,
      tpu.vector_store %arg7[%swap3A_1026, %swap3A_1027, %swap3A_1028], %broadcast_in_dim3A_141 {strides = array<i32>} : memref<2x256x128xf32, #tpu.memory_space<vmem>>, vector<16xf32>,
      %add3A_1030 = arith.constant 11 : i32
      %add3A_1031 = arith.addi %mul3A_386, %add3A_1030 : i32
      %swap3A_1032 = arith.constant 1 : i32
      %swap3A_1033 = arith.index_cast %swap3A_1032 : i32 to index
      %swap3A_1034 = arith.index_cast %add3A_1031 : i32 to index
      %swap3A_1035 = arith.constant 64 : index
      %swap3A_1036 = tpu.vector_load %arg7[%swap3A_1033, %swap3A_1034, %swap3A_1035] {strides = array<i32>} : memref<2x256x128xf32, #tpu.memory_space<vmem>>, vector<16xf32>,
      tpu.vector_store %arg7[%swap3A_1033, %swap3A_1034, %swap3A_1035], %broadcast_in_dim3A_141 {strides = array<i32>} : memref<2x256x128xf32, #tpu.memory_space<vmem>>, vector<16xf32>,
      %add3A_1037 = arith.constant 11 : i32
      %add3A_1038 = arith.addi %mul3A_386, %add3A_1037 : i32
      %swap3A_1039 = arith.constant 1 : i32
      %swap3A_1040 = arith.index_cast %swap3A_1039 : i32 to index
      %swap3A_1041 = arith.index_cast %add3A_1038 : i32 to index
      %swap3A_1042 = arith.constant 80 : index
      %swap3A_1043 = tpu.vector_load %arg7[%swap3A_1040, %swap3A_1041, %swap3A_1042] {strides = array<i32>} : memref<2x256x128xf32, #tpu.memory_space<vmem>>, vector<16xf32>,
      tpu.vector_store %arg7[%swap3A_1040, %swap3A_1041, %swap3A_1042], %broadcast_in_dim3A_141 {strides = array<i32>} : memref<2x256x128xf32, #tpu.memory_space<vmem>>, vector<16xf32>,
      %add3A_1044 = arith.constant 11 : i32
      %add3A_1045 = arith.addi %mul3A_386, %add3A_1044 : i32
      %swap3A_1046 = arith.constant 1 : i32
      %swap3A_1047 = arith.index_cast %swap3A_1046 : i32 to index
      %swap3A_1048 = arith.index_cast %add3A_1045 : i32 to index
      %swap3A_1049 = arith.constant 96 : index
      %swap3A_1050 = tpu.vector_load %arg7[%swap3A_1047, %swap3A_1048, %swap3A_1049] {strides = array<i32>} : memref<2x256x128xf32, #tpu.memory_space<vmem>>, vector<16xf32>,
      tpu.vector_store %arg7[%swap3A_1047, %swap3A_1048, %swap3A_1049], %broadcast_in_dim3A_141 {strides = array<i32>} : memref<2x256x128xf32, #tpu.memory_space<vmem>>, vector<16xf32>,
      %add3A_1051 = arith.constant 11 : i32
      %add3A_1052 = arith.addi %mul3A_386, %add3A_1051 : i32
      %swap3A_1053 = arith.constant 1 : i32
      %swap3A_1054 = arith.index_cast %swap3A_1053 : i32 to index
      %swap3A_1055 = arith.index_cast %add3A_1052 : i32 to index
      %swap3A_1056 = arith.constant 112 : index
      %swap3A_1057 = tpu.vector_load %arg7[%swap3A_1054, %swap3A_1055, %swap3A_1056] {strides = array<i32>} : memref<2x256x128xf32, #tpu.memory_space<vmem>>, vector<16xf32>,
      tpu.vector_store %arg7[%swap3A_1054, %swap3A_1055, %swap3A_1056], %broadcast_in_dim3A_141 {strides = array<i32>} : memref<2x256x128xf32, #tpu.memory_space<vmem>>, vector<16xf32>,
      %add3A_1058 = arith.constant 12 : i32
      %add3A_1059 = arith.addi %mul3A_386, %add3A_1058 : i32
      %swap3A_1060 = arith.constant 1 : i32
      %swap3A_1061 = arith.index_cast %swap3A_1060 : i32 to index
      %swap3A_1062 = arith.index_cast %add3A_1059 : i32 to index
      %swap3A_1063 = arith.constant 0 : index
      %swap3A_1064 = tpu.vector_load %arg7[%swap3A_1061, %swap3A_1062, %swap3A_1063] {strides = array<i32>} : memref<2x256x128xf32, #tpu.memory_space<vmem>>, vector<16xf32>,
      tpu.vector_store %arg7[%swap3A_1061, %swap3A_1062, %swap3A_1063], %broadcast_in_dim3A_141 {strides = array<i32>} : memref<2x256x128xf32, #tpu.memory_space<vmem>>, vector<16xf32>,
      %add3A_1065 = arith.constant 12 : i32
      %add3A_1066 = arith.addi %mul3A_386, %add3A_1065 : i32
      %swap3A_1067 = arith.constant 1 : i32
      %swap3A_1068 = arith.index_cast %swap3A_1067 : i32 to index
      %swap3A_1069 = arith.index_cast %add3A_1066 : i32 to index
      %swap3A_1070 = arith.constant 16 : index
      %swap3A_1071 = tpu.vector_load %arg7[%swap3A_1068, %swap3A_1069, %swap3A_1070] {strides = array<i32>} : memref<2x256x128xf32, #tpu.memory_space<vmem>>, vector<16xf32>,
      tpu.vector_store %arg7[%swap3A_1068, %swap3A_1069, %swap3A_1070], %broadcast_in_dim3A_141 {strides = array<i32>} : memref<2x256x128xf32, #tpu.memory_space<vmem>>, vector<16xf32>,
      %add3A_1072 = arith.constant 12 : i32
      %add3A_1073 = arith.addi %mul3A_386, %add3A_1072 : i32
      %swap3A_1074 = arith.constant 1 : i32
      %swap3A_1075 = arith.index_cast %swap3A_1074 : i32 to index
      %swap3A_1076 = arith.index_cast %add3A_1073 : i32 to index
      %swap3A_1077 = arith.constant 32 : index
      %swap3A_1078 = tpu.vector_load %arg7[%swap3A_1075, %swap3A_1076, %swap3A_1077] {strides = array<i32>} : memref<2x256x128xf32, #tpu.memory_space<vmem>>, vector<16xf32>,
      tpu.vector_store %arg7[%swap3A_1075, %swap3A_1076, %swap3A_1077], %broadcast_in_dim3A_141 {strides = array<i32>} : memref<2x256x128xf32, #tpu.memory_space<vmem>>, vector<16xf32>,
      %add3A_1079 = arith.constant 12 : i32
      %add3A_1080 = arith.addi %mul3A_386, %add3A_1079 : i32
      %swap3A_1081 = arith.constant 1 : i32
      %swap3A_1082 = arith.index_cast %swap3A_1081 : i32 to index
      %swap3A_1083 = arith.index_cast %add3A_1080 : i32 to index
      %swap3A_1084 = arith.constant 48 : index
      %swap3A_1085 = tpu.vector_load %arg7[%swap3A_1082, %swap3A_1083, %swap3A_1084] {strides = array<i32>} : memref<2x256x128xf32, #tpu.memory_space<vmem>>, vector<16xf32>,
      tpu.vector_store %arg7[%swap3A_1082, %swap3A_1083, %swap3A_1084], %broadcast_in_dim3A_141 {strides = array<i32>} : memref<2x256x128xf32, #tpu.memory_space<vmem>>, vector<16xf32>,
      %add3A_1086 = arith.constant 12 : i32
      %add3A_1087 = arith.addi %mul3A_386, %add3A_1086 : i32
      %swap3A_1088 = arith.constant 1 : i32
      %swap3A_1089 = arith.index_cast %swap3A_1088 : i32 to index
      %swap3A_1090 = arith.index_cast %add3A_1087 : i32 to index
      %swap3A_1091 = arith.constant 64 : index
      %swap3A_1092 = tpu.vector_load %arg7[%swap3A_1089, %swap3A_1090, %swap3A_1091] {strides = array<i32>} : memref<2x256x128xf32, #tpu.memory_space<vmem>>, vector<16xf32>,
      tpu.vector_store %arg7[%swap3A_1089, %swap3A_1090, %swap3A_1091], %broadcast_in_dim3A_141 {strides = array<i32>} : memref<2x256x128xf32, #tpu.memory_space<vmem>>, vector<16xf32>,
      %add3A_1093 = arith.constant 12 : i32
      %add3A_1094 = arith.addi %mul3A_386, %add3A_1093 : i32
      %swap3A_1095 = arith.constant 1 : i32
      %swap3A_1096 = arith.index_cast %swap3A_1095 : i32 to index
      %swap3A_1097 = arith.index_cast %add3A_1094 : i32 to index
      %swap3A_1098 = arith.constant 80 : index
      %swap3A_1099 = tpu.vector_load %arg7[%swap3A_1096, %swap3A_1097, %swap3A_1098] {strides = array<i32>} : memref<2x256x128xf32, #tpu.memory_space<vmem>>, vector<16xf32>,
      tpu.vector_store %arg7[%swap3A_1096, %swap3A_1097, %swap3A_1098], %broadcast_in_dim3A_141 {strides = array<i32>} : memref<2x256x128xf32, #tpu.memory_space<vmem>>, vector<16xf32>,
      %add3A_1100 = arith.constant 12 : i32
      %add3A_1101 = arith.addi %mul3A_386, %add3A_1100 : i32
      %swap3A_1102 = arith.constant 1 : i32
      %swap3A_1103 = arith.index_cast %swap3A_1102 : i32 to index
      %swap3A_1104 = arith.index_cast %add3A_1101 : i32 to index
      %swap3A_1105 = arith.constant 96 : index
      %swap3A_1106 = tpu.vector_load %arg7[%swap3A_1103, %swap3A_1104, %swap3A_1105] {strides = array<i32>} : memref<2x256x128xf32, #tpu.memory_space<vmem>>, vector<16xf32>,
      tpu.vector_store %arg7[%swap3A_1103, %swap3A_1104, %swap3A_1105], %broadcast_in_dim3A_141 {strides = array<i32>} : memref<2x256x128xf32, #tpu.memory_space<vmem>>, vector<16xf32>,
      %add3A_1107 = arith.constant 12 : i32
      %add3A_1108 = arith.addi %mul3A_386, %add3A_1107 : i32
      %swap3A_1109 = arith.constant 1 : i32
      %swap3A_1110 = arith.index_cast %swap3A_1109 : i32 to index
      %swap3A_1111 = arith.index_cast %add3A_1108 : i32 to index
      %swap3A_1112 = arith.constant 112 : index
      %swap3A_1113 = tpu.vector_load %arg7[%swap3A_1110, %swap3A_1111, %swap3A_1112] {strides = array<i32>} : memref<2x256x128xf32, #tpu.memory_space<vmem>>, vector<16xf32>,
      tpu.vector_store %arg7[%swap3A_1110, %swap3A_1111, %swap3A_1112], %broadcast_in_dim3A_141 {strides = array<i32>} : memref<2x256x128xf32, #tpu.memory_space<vmem>>, vector<16xf32>,
      %add3A_1114 = arith.constant 13 : i32
      %add3A_1115 = arith.addi %mul3A_386, %add3A_1114 : i32
      %swap3A_1116 = arith.constant 1 : i32
      %swap3A_1117 = arith.index_cast %swap3A_1116 : i32 to index
      %swap3A_1118 = arith.index_cast %add3A_1115 : i32 to index
      %swap3A_1119 = arith.constant 0 : index
      %swap3A_1120 = tpu.vector_load %arg7[%swap3A_1117, %swap3A_1118, %swap3A_1119] {strides = array<i32>} : memref<2x256x128xf32, #tpu.memory_space<vmem>>, vector<16xf32>,
      tpu.vector_store %arg7[%swap3A_1117, %swap3A_1118, %swap3A_1119], %broadcast_in_dim3A_141 {strides = array<i32>} : memref<2x256x128xf32, #tpu.memory_space<vmem>>, vector<16xf32>,
      %add3A_1121 = arith.constant 13 : i32
      %add3A_1122 = arith.addi %mul3A_386, %add3A_1121 : i32
      %swap3A_1123 = arith.constant 1 : i32
      %swap3A_1124 = arith.index_cast %swap3A_1123 : i32 to index
      %swap3A_1125 = arith.index_cast %add3A_1122 : i32 to index
      %swap3A_1126 = arith.constant 16 : index
      %swap3A_1127 = tpu.vector_load %arg7[%swap3A_1124, %swap3A_1125, %swap3A_1126] {strides = array<i32>} : memref<2x256x128xf32, #tpu.memory_space<vmem>>, vector<16xf32>,
      tpu.vector_store %arg7[%swap3A_1124, %swap3A_1125, %swap3A_1126], %broadcast_in_dim3A_141 {strides = array<i32>} : memref<2x256x128xf32, #tpu.memory_space<vmem>>, vector<16xf32>,
      %add3A_1128 = arith.constant 13 : i32
      %add3A_1129 = arith.addi %mul3A_386, %add3A_1128 : i32
      %swap3A_1130 = arith.constant 1 : i32
      %swap3A_1131 = arith.index_cast %swap3A_1130 : i32 to index
      %swap3A_1132 = arith.index_cast %add3A_1129 : i32 to index
      %swap3A_1133 = arith.constant 32 : index
      %swap3A_1134 = tpu.vector_load %arg7[%swap3A_1131, %swap3A_1132, %swap3A_1133] {strides = array<i32>} : memref<2x256x128xf32, #tpu.memory_space<vmem>>, vector<16xf32>,
      tpu.vector_store %arg7[%swap3A_1131, %swap3A_1132, %swap3A_1133], %broadcast_in_dim3A_141 {strides = array<i32>} : memref<2x256x128xf32, #tpu.memory_space<vmem>>, vector<16xf32>,
      %add3A_1135 = arith.constant 13 : i32
      %add3A_1136 = arith.addi %mul3A_386, %add3A_1135 : i32
      %swap3A_1137 = arith.constant 1 : i32
      %swap3A_1138 = arith.index_cast %swap3A_1137 : i32 to index
      %swap3A_1139 = arith.index_cast %add3A_1136 : i32 to index
      %swap3A_1140 = arith.constant 48 : index
      %swap3A_1141 = tpu.vector_load %arg7[%swap3A_1138, %swap3A_1139, %swap3A_1140] {strides = array<i32>} : memref<2x256x128xf32, #tpu.memory_space<vmem>>, vector<16xf32>,
      tpu.vector_store %arg7[%swap3A_1138, %swap3A_1139, %swap3A_1140], %broadcast_in_dim3A_141 {strides = array<i32>} : memref<2x256x128xf32, #tpu.memory_space<vmem>>, vector<16xf32>,
      %add3A_1142 = arith.constant 13 : i32
      %add3A_1143 = arith.addi %mul3A_386, %add3A_1142 : i32
      %swap3A_1144 = arith.constant 1 : i32
      %swap3A_1145 = arith.index_cast %swap3A_1144 : i32 to index
      %swap3A_1146 = arith.index_cast %add3A_1143 : i32 to index
      %swap3A_1147 = arith.constant 64 : index
      %swap3A_1148 = tpu.vector_load %arg7[%swap3A_1145, %swap3A_1146, %swap3A_1147] {strides = array<i32>} : memref<2x256x128xf32, #tpu.memory_space<vmem>>, vector<16xf32>,
      tpu.vector_store %arg7[%swap3A_1145, %swap3A_1146, %swap3A_1147], %broadcast_in_dim3A_141 {strides = array<i32>} : memref<2x256x128xf32, #tpu.memory_space<vmem>>, vector<16xf32>,
      %add3A_1149 = arith.constant 13 : i32
      %add3A_1150 = arith.addi %mul3A_386, %add3A_1149 : i32
      %swap3A_1151 = arith.constant 1 : i32
      %swap3A_1152 = arith.index_cast %swap3A_1151 : i32 to index
      %swap3A_1153 = arith.index_cast %add3A_1150 : i32 to index
      %swap3A_1154 = arith.constant 80 : index
      %swap3A_1155 = tpu.vector_load %arg7[%swap3A_1152, %swap3A_1153, %swap3A_1154] {strides = array<i32>} : memref<2x256x128xf32, #tpu.memory_space<vmem>>, vector<16xf32>,
      tpu.vector_store %arg7[%swap3A_1152, %swap3A_1153, %swap3A_1154], %broadcast_in_dim3A_141 {strides = array<i32>} : memref<2x256x128xf32, #tpu.memory_space<vmem>>, vector<16xf32>,
      %add3A_1156 = arith.constant 13 : i32
      %add3A_1157 = arith.addi %mul3A_386, %add3A_1156 : i32
      %swap3A_1158 = arith.constant 1 : i32
      %swap3A_1159 = arith.index_cast %swap3A_1158 : i32 to index
      %swap3A_1160 = arith.index_cast %add3A_1157 : i32 to index
      %swap3A_1161 = arith.constant 96 : index
      %swap3A_1162 = tpu.vector_load %arg7[%swap3A_1159, %swap3A_1160, %swap3A_1161] {strides = array<i32>} : memref<2x256x128xf32, #tpu.memory_space<vmem>>, vector<16xf32>,
      tpu.vector_store %arg7[%swap3A_1159, %swap3A_1160, %swap3A_1161], %broadcast_in_dim3A_141 {strides = array<i32>} : memref<2x256x128xf32, #tpu.memory_space<vmem>>, vector<16xf32>,
      %add3A_1163 = arith.constant 13 : i32
      %add3A_1164 = arith.addi %mul3A_386, %add3A_1163 : i32
      %swap3A_1165 = arith.constant 1 : i32
      %swap3A_1166 = arith.index_cast %swap3A_1165 : i32 to index
      %swap3A_1167 = arith.index_cast %add3A_1164 : i32 to index
      %swap3A_1168 = arith.constant 112 : index
      %swap3A_1169 = tpu.vector_load %arg7[%swap3A_1166, %swap3A_1167, %swap3A_1168] {strides = array<i32>} : memref<2x256x128xf32, #tpu.memory_space<vmem>>, vector<16xf32>,
      tpu.vector_store %arg7[%swap3A_1166, %swap3A_1167, %swap3A_1168], %broadcast_in_dim3A_141 {strides = array<i32>} : memref<2x256x128xf32, #tpu.memory_space<vmem>>, vector<16xf32>,
      %add3A_1170 = arith.constant 14 : i32
      %add3A_1171 = arith.addi %mul3A_386, %add3A_1170 : i32
      %swap3A_1172 = arith.constant 1 : i32
      %swap3A_1173 = arith.index_cast %swap3A_1172 : i32 to index
      %swap3A_1174 = arith.index_cast %add3A_1171 : i32 to index
      %swap3A_1175 = arith.constant 0 : index
      %swap3A_1176 = tpu.vector_load %arg7[%swap3A_1173, %swap3A_1174, %swap3A_1175] {strides = array<i32>} : memref<2x256x128xf32, #tpu.memory_space<vmem>>, vector<16xf32>,
      tpu.vector_store %arg7[%swap3A_1173, %swap3A_1174, %swap3A_1175], %broadcast_in_dim3A_141 {strides = array<i32>} : memref<2x256x128xf32, #tpu.memory_space<vmem>>, vector<16xf32>,
      %add3A_1177 = arith.constant 14 : i32
      %add3A_1178 = arith.addi %mul3A_386, %add3A_1177 : i32
      %swap3A_1179 = arith.constant 1 : i32
      %swap3A_1180 = arith.index_cast %swap3A_1179 : i32 to index
      %swap3A_1181 = arith.index_cast %add3A_1178 : i32 to index
      %swap3A_1182 = arith.constant 16 : index
      %swap3A_1183 = tpu.vector_load %arg7[%swap3A_1180, %swap3A_1181, %swap3A_1182] {strides = array<i32>} : memref<2x256x128xf32, #tpu.memory_space<vmem>>, vector<16xf32>,
      tpu.vector_store %arg7[%swap3A_1180, %swap3A_1181, %swap3A_1182], %broadcast_in_dim3A_141 {strides = array<i32>} : memref<2x256x128xf32, #tpu.memory_space<vmem>>, vector<16xf32>,
      %add3A_1184 = arith.constant 14 : i32
      %add3A_1185 = arith.addi %mul3A_386, %add3A_1184 : i32
      %swap3A_1186 = arith.constant 1 : i32
      %swap3A_1187 = arith.index_cast %swap3A_1186 : i32 to index
      %swap3A_1188 = arith.index_cast %add3A_1185 : i32 to index
      %swap3A_1189 = arith.constant 32 : index
      %swap3A_1190 = tpu.vector_load %arg7[%swap3A_1187, %swap3A_1188, %swap3A_1189] {strides = array<i32>} : memref<2x256x128xf32, #tpu.memory_space<vmem>>, vector<16xf32>,
      tpu.vector_store %arg7[%swap3A_1187, %swap3A_1188, %swap3A_1189], %broadcast_in_dim3A_141 {strides = array<i32>} : memref<2x256x128xf32, #tpu.memory_space<vmem>>, vector<16xf32>,
      %add3A_1191 = arith.constant 14 : i32
      %add3A_1192 = arith.addi %mul3A_386, %add3A_1191 : i32
      %swap3A_1193 = arith.constant 1 : i32
      %swap3A_1194 = arith.index_cast %swap3A_1193 : i32 to index
      %swap3A_1195 = arith.index_cast %add3A_1192 : i32 to index
      %swap3A_1196 = arith.constant 48 : index
      %swap3A_1197 = tpu.vector_load %arg7[%swap3A_1194, %swap3A_1195, %swap3A_1196] {strides = array<i32>} : memref<2x256x128xf32, #tpu.memory_space<vmem>>, vector<16xf32>,
      tpu.vector_store %arg7[%swap3A_1194, %swap3A_1195, %swap3A_1196], %broadcast_in_dim3A_141 {strides = array<i32>} : memref<2x256x128xf32, #tpu.memory_space<vmem>>, vector<16xf32>,
      %add3A_1198 = arith.constant 14 : i32
      %add3A_1199 = arith.addi %mul3A_386, %add3A_1198 : i32
      %swap3A_1200 = arith.constant 1 : i32
      %swap3A_1201 = arith.index_cast %swap3A_1200 : i32 to index
      %swap3A_1202 = arith.index_cast %add3A_1199 : i32 to index
      %swap3A_1203 = arith.constant 64 : index
      %swap3A_1204 = tpu.vector_load %arg7[%swap3A_1201, %swap3A_1202, %swap3A_1203] {strides = array<i32>} : memref<2x256x128xf32, #tpu.memory_space<vmem>>, vector<16xf32>,
      tpu.vector_store %arg7[%swap3A_1201, %swap3A_1202, %swap3A_1203], %broadcast_in_dim3A_141 {strides = array<i32>} : memref<2x256x128xf32, #tpu.memory_space<vmem>>, vector<16xf32>,
      %add3A_1205 = arith.constant 14 : i32
      %add3A_1206 = arith.addi %mul3A_386, %add3A_1205 : i32
      %swap3A_1207 = arith.constant 1 : i32
      %swap3A_1208 = arith.index_cast %swap3A_1207 : i32 to index
      %swap3A_1209 = arith.index_cast %add3A_1206 : i32 to index
      %swap3A_1210 = arith.constant 80 : index
      %swap3A_1211 = tpu.vector_load %arg7[%swap3A_1208, %swap3A_1209, %swap3A_1210] {strides = array<i32>} : memref<2x256x128xf32, #tpu.memory_space<vmem>>, vector<16xf32>,
      tpu.vector_store %arg7[%swap3A_1208, %swap3A_1209, %swap3A_1210], %broadcast_in_dim3A_141 {strides = array<i32>} : memref<2x256x128xf32, #tpu.memory_space<vmem>>, vector<16xf32>,
      %add3A_1212 = arith.constant 14 : i32
      %add3A_1213 = arith.addi %mul3A_386, %add3A_1212 : i32
      %swap3A_1214 = arith.constant 1 : i32
      %swap3A_1215 = arith.index_cast %swap3A_1214 : i32 to index
      %swap3A_1216 = arith.index_cast %add3A_1213 : i32 to index
      %swap3A_1217 = arith.constant 96 : index
      %swap3A_1218 = tpu.vector_load %arg7[%swap3A_1215, %swap3A_1216, %swap3A_1217] {strides = array<i32>} : memref<2x256x128xf32, #tpu.memory_space<vmem>>, vector<16xf32>,
      tpu.vector_store %arg7[%swap3A_1215, %swap3A_1216, %swap3A_1217], %broadcast_in_dim3A_141 {strides = array<i32>} : memref<2x256x128xf32, #tpu.memory_space<vmem>>, vector<16xf32>,
      %add3A_1219 = arith.constant 14 : i32
      %add3A_1220 = arith.addi %mul3A_386, %add3A_1219 : i32
      %swap3A_1221 = arith.constant 1 : i32
      %swap3A_1222 = arith.index_cast %swap3A_1221 : i32 to index
      %swap3A_1223 = arith.index_cast %add3A_1220 : i32 to index
      %swap3A_1224 = arith.constant 112 : index
      %swap3A_1225 = tpu.vector_load %arg7[%swap3A_1222, %swap3A_1223, %swap3A_1224] {strides = array<i32>} : memref<2x256x128xf32, #tpu.memory_space<vmem>>, vector<16xf32>,
      tpu.vector_store %arg7[%swap3A_1222, %swap3A_1223, %swap3A_1224], %broadcast_in_dim3A_141 {strides = array<i32>} : memref<2x256x128xf32, #tpu.memory_space<vmem>>, vector<16xf32>,
      %add3A_1226 = arith.constant 15 : i32
      %add3A_1227 = arith.addi %mul3A_386, %add3A_1226 : i32
      %swap3A_1228 = arith.constant 1 : i32
      %swap3A_1229 = arith.index_cast %swap3A_1228 : i32 to index
      %swap3A_1230 = arith.index_cast %add3A_1227 : i32 to index
      %swap3A_1231 = arith.constant 0 : index
      %swap3A_1232 = tpu.vector_load %arg7[%swap3A_1229, %swap3A_1230, %swap3A_1231] {strides = array<i32>} : memref<2x256x128xf32, #tpu.memory_space<vmem>>, vector<16xf32>,
      tpu.vector_store %arg7[%swap3A_1229, %swap3A_1230, %swap3A_1231], %broadcast_in_dim3A_141 {strides = array<i32>} : memref<2x256x128xf32, #tpu.memory_space<vmem>>, vector<16xf32>,
      %add3A_1233 = arith.constant 15 : i32
      %add3A_1234 = arith.addi %mul3A_386, %add3A_1233 : i32
      %swap3A_1235 = arith.constant 1 : i32
      %swap3A_1236 = arith.index_cast %swap3A_1235 : i32 to index
      %swap3A_1237 = arith.index_cast %add3A_1234 : i32 to index
      %swap3A_1238 = arith.constant 16 : index
      %swap3A_1239 = tpu.vector_load %arg7[%swap3A_1236, %swap3A_1237, %swap3A_1238] {strides = array<i32>} : memref<2x256x128xf32, #tpu.memory_space<vmem>>, vector<16xf32>,
      tpu.vector_store %arg7[%swap3A_1236, %swap3A_1237, %swap3A_1238], %broadcast_in_dim3A_141 {strides = array<i32>} : memref<2x256x128xf32, #tpu.memory_space<vmem>>, vector<16xf32>,
      %add3A_1240 = arith.constant 15 : i32
      %add3A_1241 = arith.addi %mul3A_386, %add3A_1240 : i32
      %swap3A_1242 = arith.constant 1 : i32
      %swap3A_1243 = arith.index_cast %swap3A_1242 : i32 to index
      %swap3A_1244 = arith.index_cast %add3A_1241 : i32 to index
      %swap3A_1245 = arith.constant 32 : index
      %swap3A_1246 = tpu.vector_load %arg7[%swap3A_1243, %swap3A_1244, %swap3A_1245] {strides = array<i32>} : memref<2x256x128xf32, #tpu.memory_space<vmem>>, vector<16xf32>,
      tpu.vector_store %arg7[%swap3A_1243, %swap3A_1244, %swap3A_1245], %broadcast_in_dim3A_141 {strides = array<i32>} : memref<2x256x128xf32, #tpu.memory_space<vmem>>, vector<16xf32>,
      %add3A_1247 = arith.constant 15 : i32
      %add3A_1248 = arith.addi %mul3A_386, %add3A_1247 : i32
      %swap3A_1249 = arith.constant 1 : i32
      %swap3A_1250 = arith.index_cast %swap3A_1249 : i32 to index
      %swap3A_1251 = arith.index_cast %add3A_1248 : i32 to index
      %swap3A_1252 = arith.constant 48 : index
      %swap3A_1253 = tpu.vector_load %arg7[%swap3A_1250, %swap3A_1251, %swap3A_1252] {strides = array<i32>} : memref<2x256x128xf32, #tpu.memory_space<vmem>>, vector<16xf32>,
      tpu.vector_store %arg7[%swap3A_1250, %swap3A_1251, %swap3A_1252], %broadcast_in_dim3A_141 {strides = array<i32>} : memref<2x256x128xf32, #tpu.memory_space<vmem>>, vector<16xf32>,
      %add3A_1254 = arith.constant 15 : i32
      %add3A_1255 = arith.addi %mul3A_386, %add3A_1254 : i32
      %swap3A_1256 = arith.constant 1 : i32
      %swap3A_1257 = arith.index_cast %swap3A_1256 : i32 to index
      %swap3A_1258 = arith.index_cast %add3A_1255 : i32 to index
      %swap3A_1259 = arith.constant 64 : index
      %swap3A_1260 = tpu.vector_load %arg7[%swap3A_1257, %swap3A_1258, %swap3A_1259] {strides = array<i32>} : memref<2x256x128xf32, #tpu.memory_space<vmem>>, vector<16xf32>,
      tpu.vector_store %arg7[%swap3A_1257, %swap3A_1258, %swap3A_1259], %broadcast_in_dim3A_141 {strides = array<i32>} : memref<2x256x128xf32, #tpu.memory_space<vmem>>, vector<16xf32>,
      %add3A_1261 = arith.constant 15 : i32
      %add3A_1262 = arith.addi %mul3A_386, %add3A_1261 : i32
      %swap3A_1263 = arith.constant 1 : i32
      %swap3A_1264 = arith.index_cast %swap3A_1263 : i32 to index
      %swap3A_1265 = arith.index_cast %add3A_1262 : i32 to index
      %swap3A_1266 = arith.constant 80 : index
      %swap3A_1267 = tpu.vector_load %arg7[%swap3A_1264, %swap3A_1265, %swap3A_1266] {strides = array<i32>} : memref<2x256x128xf32, #tpu.memory_space<vmem>>, vector<16xf32>,
      tpu.vector_store %arg7[%swap3A_1264, %swap3A_1265, %swap3A_1266], %broadcast_in_dim3A_141 {strides = array<i32>} : memref<2x256x128xf32, #tpu.memory_space<vmem>>, vector<16xf32>,
      %add3A_1268 = arith.constant 15 : i32
      %add3A_1269 = arith.addi %mul3A_386, %add3A_1268 : i32
      %swap3A_1270 = arith.constant 1 : i32
      %swap3A_1271 = arith.index_cast %swap3A_1270 : i32 to index
      %swap3A_1272 = arith.index_cast %add3A_1269 : i32 to index
      %swap3A_1273 = arith.constant 96 : index
      %swap3A_1274 = tpu.vector_load %arg7[%swap3A_1271, %swap3A_1272, %swap3A_1273] {strides = array<i32>} : memref<2x256x128xf32, #tpu.memory_space<vmem>>, vector<16xf32>,
      tpu.vector_store %arg7[%swap3A_1271, %swap3A_1272, %swap3A_1273], %broadcast_in_dim3A_141 {strides = array<i32>} : memref<2x256x128xf32, #tpu.memory_space<vmem>>, vector<16xf32>,
      %add3A_1275 = arith.constant 15 : i32
      %add3A_1276 = arith.addi %mul3A_386, %add3A_1275 : i32
      %swap3A_1277 = arith.constant 1 : i32
      %swap3A_1278 = arith.index_cast %swap3A_1277 : i32 to index
      %swap3A_1279 = arith.index_cast %add3A_1276 : i32 to index
      %swap3A_1280 = arith.constant 112 : index
      %swap3A_1281 = tpu.vector_load %arg7[%swap3A_1278, %swap3A_1279, %swap3A_1280] {strides = array<i32>} : memref<2x256x128xf32, #tpu.memory_space<vmem>>, vector<16xf32>,
      tpu.vector_store %arg7[%swap3A_1278, %swap3A_1279, %swap3A_1280], %broadcast_in_dim3A_141 {strides = array<i32>} : memref<2x256x128xf32, #tpu.memory_space<vmem>>, vector<16xf32>,
      %get3A_1282 = arith.constant 3 : i32
      %get3A_1283 = arith.constant 0 : i32
      %get3A_1284 = arith.index_cast %get3A_1282 : i32 to index
      %get3A_1285 = arith.index_cast %get3A_1283 : i32 to index
      %get3A_1286 = arith.index_cast %mul3A_386 : i32 to index
      %get3A_1287 = tpu.vector_load %arg5[%get3A_1284, %get3A_1285, %get3A_1286] {strides = array<i32>} : memref<4x16x256xi32, #tpu.memory_space<vmem>>, vector<16xi32>,
      %get3A_1288 = arith.constant 3 : i32
      %get3A_1289 = arith.constant 1 : i32
      %get3A_1290 = arith.index_cast %get3A_1288 : i32 to index
      %get3A_1291 = arith.index_cast %get3A_1289 : i32 to index
      %get3A_1292 = arith.index_cast %mul3A_386 : i32 to index
      %get3A_1293 = tpu.vector_load %arg5[%get3A_1290, %get3A_1291, %get3A_1292] {strides = array<i32>} : memref<4x16x256xi32, #tpu.memory_space<vmem>>, vector<16xi32>,
      %get3A_1294 = arith.constant 3 : i32
      %get3A_1295 = arith.constant 2 : i32
      %get3A_1296 = arith.index_cast %get3A_1294 : i32 to index
      %get3A_1297 = arith.index_cast %get3A_1295 : i32 to index
      %get3A_1298 = arith.index_cast %mul3A_386 : i32 to index
      %get3A_1299 = tpu.vector_load %arg5[%get3A_1296, %get3A_1297, %get3A_1298] {strides = array<i32>} : memref<4x16x256xi32, #tpu.memory_space<vmem>>, vector<16xi32>,
      %get3A_1300 = arith.constant 3 : i32
      %get3A_1301 = arith.constant 3 : i32
      %get3A_1302 = arith.index_cast %get3A_1300 : i32 to index
      %get3A_1303 = arith.index_cast %get3A_1301 : i32 to index
      %get3A_1304 = arith.index_cast %mul3A_386 : i32 to index
      %get3A_1305 = tpu.vector_load %arg5[%get3A_1302, %get3A_1303, %get3A_1304] {strides = array<i32>} : memref<4x16x256xi32, #tpu.memory_space<vmem>>, vector<16xi32>,
      %get3A_1306 = arith.constant 3 : i32
      %get3A_1307 = arith.constant 4 : i32
      %get3A_1308 = arith.index_cast %get3A_1306 : i32 to index
      %get3A_1309 = arith.index_cast %get3A_1307 : i32 to index
      %get3A_1310 = arith.index_cast %mul3A_386 : i32 to index
      %get3A_1311 = tpu.vector_load %arg5[%get3A_1308, %get3A_1309, %get3A_1310] {strides = array<i32>} : memref<4x16x256xi32, #tpu.memory_space<vmem>>, vector<16xi32>,
      %get3A_1312 = arith.constant 3 : i32
      %get3A_1313 = arith.constant 5 : i32
      %get3A_1314 = arith.index_cast %get3A_1312 : i32 to index
      %get3A_1315 = arith.index_cast %get3A_1313 : i32 to index
      %get3A_1316 = arith.index_cast %mul3A_386 : i32 to index
      %get3A_1317 = tpu.vector_load %arg5[%get3A_1314, %get3A_1315, %get3A_1316] {strides = array<i32>} : memref<4x16x256xi32, #tpu.memory_space<vmem>>, vector<16xi32>,
      %get3A_1318 = arith.constant 3 : i32
      %get3A_1319 = arith.constant 6 : i32
      %get3A_1320 = arith.index_cast %get3A_1318 : i32 to index
      %get3A_1321 = arith.index_cast %get3A_1319 : i32 to index
      %get3A_1322 = arith.index_cast %mul3A_386 : i32 to index
      %get3A_1323 = tpu.vector_load %arg5[%get3A_1320, %get3A_1321, %get3A_1322] {strides = array<i32>} : memref<4x16x256xi32, #tpu.memory_space<vmem>>, vector<16xi32>,
      %get3A_1324 = arith.constant 3 : i32
      %get3A_1325 = arith.constant 7 : i32
      %get3A_1326 = arith.index_cast %get3A_1324 : i32 to index
      %get3A_1327 = arith.index_cast %get3A_1325 : i32 to index
      %get3A_1328 = arith.index_cast %mul3A_386 : i32 to index
      %get3A_1329 = tpu.vector_load %arg5[%get3A_1326, %get3A_1327, %get3A_1328] {strides = array<i32>} : memref<4x16x256xi32, #tpu.memory_space<vmem>>, vector<16xi32>,
      %get3A_1330 = arith.constant 3 : i32
      %get3A_1331 = arith.constant 8 : i32
      %get3A_1332 = arith.index_cast %get3A_1330 : i32 to index
      %get3A_1333 = arith.index_cast %get3A_1331 : i32 to index
      %get3A_1334 = arith.index_cast %mul3A_386 : i32 to index
      %get3A_1335 = tpu.vector_load %arg5[%get3A_1332, %get3A_1333, %get3A_1334] {strides = array<i32>} : memref<4x16x256xi32, #tpu.memory_space<vmem>>, vector<16xi32>,
      %get3A_1336 = arith.constant 3 : i32
      %get3A_1337 = arith.constant 9 : i32
      %get3A_1338 = arith.index_cast %get3A_1336 : i32 to index
      %get3A_1339 = arith.index_cast %get3A_1337 : i32 to index
      %get3A_1340 = arith.index_cast %mul3A_386 : i32 to index
      %get3A_1341 = tpu.vector_load %arg5[%get3A_1338, %get3A_1339, %get3A_1340] {strides = array<i32>} : memref<4x16x256xi32, #tpu.memory_space<vmem>>, vector<16xi32>,
      %get3A_1342 = arith.constant 3 : i32
      %get3A_1343 = arith.constant 10 : i32
      %get3A_1344 = arith.index_cast %get3A_1342 : i32 to index
      %get3A_1345 = arith.index_cast %get3A_1343 : i32 to index
      %get3A_1346 = arith.index_cast %mul3A_386 : i32 to index
      %get3A_1347 = tpu.vector_load %arg5[%get3A_1344, %get3A_1345, %get3A_1346] {strides = array<i32>} : memref<4x16x256xi32, #tpu.memory_space<vmem>>, vector<16xi32>,
      %get3A_1348 = arith.constant 3 : i32
      %get3A_1349 = arith.constant 11 : i32
      %get3A_1350 = arith.index_cast %get3A_1348 : i32 to index
      %get3A_1351 = arith.index_cast %get3A_1349 : i32 to index
      %get3A_1352 = arith.index_cast %mul3A_386 : i32 to index
      %get3A_1353 = tpu.vector_load %arg5[%get3A_1350, %get3A_1351, %get3A_1352] {strides = array<i32>} : memref<4x16x256xi32, #tpu.memory_space<vmem>>, vector<16xi32>,
      %get3A_1354 = arith.constant 3 : i32
      %get3A_1355 = arith.constant 12 : i32
      %get3A_1356 = arith.index_cast %get3A_1354 : i32 to index
      %get3A_1357 = arith.index_cast %get3A_1355 : i32 to index
      %get3A_1358 = arith.index_cast %mul3A_386 : i32 to index
      %get3A_1359 = tpu.vector_load %arg5[%get3A_1356, %get3A_1357, %get3A_1358] {strides = array<i32>} : memref<4x16x256xi32, #tpu.memory_space<vmem>>, vector<16xi32>,
      %get3A_1360 = arith.constant 3 : i32
      %get3A_1361 = arith.constant 13 : i32
      %get3A_1362 = arith.index_cast %get3A_1360 : i32 to index
      %get3A_1363 = arith.index_cast %get3A_1361 : i32 to index
      %get3A_1364 = arith.index_cast %mul3A_386 : i32 to index
      %get3A_1365 = tpu.vector_load %arg5[%get3A_1362, %get3A_1363, %get3A_1364] {strides = array<i32>} : memref<4x16x256xi32, #tpu.memory_space<vmem>>, vector<16xi32>,
      %get3A_1366 = arith.constant 3 : i32
      %get3A_1367 = arith.constant 14 : i32
      %get3A_1368 = arith.index_cast %get3A_1366 : i32 to index
      %get3A_1369 = arith.index_cast %get3A_1367 : i32 to index
      %get3A_1370 = arith.index_cast %mul3A_386 : i32 to index
      %get3A_1371 = tpu.vector_load %arg5[%get3A_1368, %get3A_1369, %get3A_1370] {strides = array<i32>} : memref<4x16x256xi32, #tpu.memory_space<vmem>>, vector<16xi32>,
      %get3A_1372 = arith.constant 3 : i32
      %get3A_1373 = arith.constant 15 : i32
      %get3A_1374 = arith.index_cast %get3A_1372 : i32 to index
      %get3A_1375 = arith.index_cast %get3A_1373 : i32 to index
      %get3A_1376 = arith.index_cast %mul3A_386 : i32 to index
      %get3A_1377 = tpu.vector_load %arg5[%get3A_1374, %get3A_1375, %get3A_1376] {strides = array<i32>} : memref<4x16x256xi32, #tpu.memory_space<vmem>>, vector<16xi32>,
      %add3A_1378 = vector.broadcast %mul3A_386 : i32 to vector<16xi32>
      %add3A_1379 = arith.addi %iota3A, %add3A_1378 : vector<16xi32>
      tpu.vector_store_idx %arg7[%broadcast_in_dim3A_324, %add3A_1379, %get3A_1287], %get3A_80 {add = true} : memref<2x256x128xf32, #tpu.memory_space<vmem>>[vector<16xi32>, vector<16xi32>, vector<16xi32>], vector<16xf32>,
      tpu.vector_store_idx %arg7[%broadcast_in_dim3A_324, %add3A_1379, %get3A_1293], %get3A_84 {add = true} : memref<2x256x128xf32, #tpu.memory_space<vmem>>[vector<16xi32>, vector<16xi32>, vector<16xi32>], vector<16xf32>,
      tpu.vector_store_idx %arg7[%broadcast_in_dim3A_324, %add3A_1379, %get3A_1299], %get3A_88 {add = true} : memref<2x256x128xf32, #tpu.memory_space<vmem>>[vector<16xi32>, vector<16xi32>, vector<16xi32>], vector<16xf32>,
      tpu.vector_store_idx %arg7[%broadcast_in_dim3A_324, %add3A_1379, %get3A_1305], %get3A_92 {add = true} : memref<2x256x128xf32, #tpu.memory_space<vmem>>[vector<16xi32>, vector<16xi32>, vector<16xi32>], vector<16xf32>,
      tpu.vector_store_idx %arg7[%broadcast_in_dim3A_324, %add3A_1379, %get3A_1311], %get3A_96 {add = true} : memref<2x256x128xf32, #tpu.memory_space<vmem>>[vector<16xi32>, vector<16xi32>, vector<16xi32>], vector<16xf32>,
      tpu.vector_store_idx %arg7[%broadcast_in_dim3A_324, %add3A_1379, %get3A_1317], %get3A_100 {add = true} : memref<2x256x128xf32, #tpu.memory_space<vmem>>[vector<16xi32>, vector<16xi32>, vector<16xi32>], vector<16xf32>,
      tpu.vector_store_idx %arg7[%broadcast_in_dim3A_324, %add3A_1379, %get3A_1323], %get3A_104 {add = true} : memref<2x256x128xf32, #tpu.memory_space<vmem>>[vector<16xi32>, vector<16xi32>, vector<16xi32>], vector<16xf32>,
      tpu.vector_store_idx %arg7[%broadcast_in_dim3A_324, %add3A_1379, %get3A_1329], %get3A_108 {add = true} : memref<2x256x128xf32, #tpu.memory_space<vmem>>[vector<16xi32>, vector<16xi32>, vector<16xi32>], vector<16xf32>,
      tpu.vector_store_idx %arg7[%broadcast_in_dim3A_324, %add3A_1379, %get3A_1335], %get3A_112 {add = true} : memref<2x256x128xf32, #tpu.memory_space<vmem>>[vector<16xi32>, vector<16xi32>, vector<16xi32>], vector<16xf32>,
      tpu.vector_store_idx %arg7[%broadcast_in_dim3A_324, %add3A_1379, %get3A_1341], %get3A_116 {add = true} : memref<2x256x128xf32, #tpu.memory_space<vmem>>[vector<16xi32>, vector<16xi32>, vector<16xi32>], vector<16xf32>,
      tpu.vector_store_idx %arg7[%broadcast_in_dim3A_324, %add3A_1379, %get3A_1347], %get3A_120 {add = true} : memref<2x256x128xf32, #tpu.memory_space<vmem>>[vector<16xi32>, vector<16xi32>, vector<16xi32>], vector<16xf32>,
      tpu.vector_store_idx %arg7[%broadcast_in_dim3A_324, %add3A_1379, %get3A_1353], %get3A_124 {add = true} : memref<2x256x128xf32, #tpu.memory_space<vmem>>[vector<16xi32>, vector<16xi32>, vector<16xi32>], vector<16xf32>,
      tpu.vector_store_idx %arg7[%broadcast_in_dim3A_324, %add3A_1379, %get3A_1359], %get3A_128 {add = true} : memref<2x256x128xf32, #tpu.memory_space<vmem>>[vector<16xi32>, vector<16xi32>, vector<16xi32>], vector<16xf32>,
      tpu.vector_store_idx %arg7[%broadcast_in_dim3A_324, %add3A_1379, %get3A_1365], %get3A_132 {add = true} : memref<2x256x128xf32, #tpu.memory_space<vmem>>[vector<16xi32>, vector<16xi32>, vector<16xi32>], vector<16xf32>,
      tpu.vector_store_idx %arg7[%broadcast_in_dim3A_324, %add3A_1379, %get3A_1371], %get3A_136 {add = true} : memref<2x256x128xf32, #tpu.memory_space<vmem>>[vector<16xi32>, vector<16xi32>, vector<16xi32>], vector<16xf32>,
      tpu.vector_store_idx %arg7[%broadcast_in_dim3A_324, %add3A_1379, %get3A_1377], %get3A_140 {add = true} : memref<2x256x128xf32, #tpu.memory_space<vmem>>[vector<16xi32>, vector<16xi32>, vector<16xi32>], vector<16xf32>,
    }
    %scan3A_330 = arith.constant 16 : i32
    %add3A_331 = arith.constant 3 : i32
    %add3A_332 = arith.addi %mul3A_2, %add3A_331 : i32
    %dma_start3A_333 = arith.constant 1 : i32
    %dma_start3A_334 = arith.constant 0 : i32
    %dma_start3A_335 = arith.constant 0 : i32
    %dma_start3A_336 = tpu.memref_slice %arg7[%dma_start3A_333, %dma_start3A_334, %dma_start3A_335] : memref<2x256x128xf32, #tpu.memory_space<vmem>> -> memref<1x256x128xf32, #tpu.memory_space<vmem>>
    %dma_start3A_337 = tpu.memref_squeeze %dma_start3A_336 : memref<1x256x128xf32, #tpu.memory_space<vmem>> -> memref<256x128xf32, #tpu.memory_space<vmem>>
    %dma_start3A_338 = arith.constant 0 : i32
    %dma_start3A_339 = arith.constant 0 : i32
    %dma_start3A_340 = tpu.memref_slice %arg4[%add3A_332, %dma_start3A_338, %dma_start3A_339] : memref<64x256x128xf32, #tpu.memory_space<hbm>> -> memref<1x256x128xf32, #tpu.memory_space<hbm>>
    %dma_start3A_341 = tpu.memref_squeeze %dma_start3A_340 : memref<1x256x128xf32, #tpu.memory_space<hbm>> -> memref<256x128xf32, #tpu.memory_space<hbm>>
    %dma_start3A_342 = arith.constant 0 : i32
    %dma_start3A_343 = arith.constant 0 : i32
    %dma_start3A_344 = tpu.memref_slice %arg4[%add3A_332, %dma_start3A_342, %dma_start3A_343] : memref<64x256x128xf32, #tpu.memory_space<hbm>> -> memref<1x256x128xf32, #tpu.memory_space<hbm>>
    %dma_start3A_345 = tpu.memref_squeeze %dma_start3A_344 : memref<1x256x128xf32, #tpu.memory_space<hbm>> -> memref<256x128xf32, #tpu.memory_space<hbm>>
    %dma_start3A_346 = arith.constant 0 : i32
    %dma_start3A_347 = arith.constant 0 : i32
    %dma_start3A_348 = tpu.memref_slice %arg7[%dma_start3A_333, %dma_start3A_346, %dma_start3A_347] : memref<2x256x128xf32, #tpu.memory_space<vmem>> -> memref<1x256x128xf32, #tpu.memory_space<vmem>>
    %dma_start3A_349 = tpu.memref_squeeze %dma_start3A_348 : memref<1x256x128xf32, #tpu.memory_space<vmem>> -> memref<256x128xf32, #tpu.memory_space<vmem>>
    tpu.enqueue_dma source(%dma_start3A_349 : memref<256x128xf32, #tpu.memory_space<vmem>>) target(%dma_start3A_345 : memref<256x128xf32, #tpu.memory_space<hbm>>) target_semaphore(%arg9 : memref<!tpu.dma_semaphore, #tpu.memory_space<semaphore_mem>>)
    %dma_wait3A_350 = arith.constant 0 : i32
    %dma_wait3A_351 = arith.constant 0 : i32
    %dma_wait3A_352 = arith.constant 0 : i32
    %dma_wait3A_353 = tpu.memref_slice %arg7[%dma_wait3A_350, %dma_wait3A_351, %dma_wait3A_352] : memref<2x256x128xf32, #tpu.memory_space<vmem>> -> memref<1x256x128xf32, #tpu.memory_space<vmem>>
    %dma_wait3A_354 = tpu.memref_squeeze %dma_wait3A_353 : memref<1x256x128xf32, #tpu.memory_space<vmem>> -> memref<256x128xf32, #tpu.memory_space<vmem>>
    %dma_wait3A_355 = arith.constant 0 : i32
    %dma_wait3A_356 = arith.constant 0 : i32
    %dma_wait3A_357 = tpu.memref_slice %arg4[%add3A_271, %dma_wait3A_355, %dma_wait3A_356] : memref<64x256x128xf32, #tpu.memory_space<hbm>> -> memref<1x256x128xf32, #tpu.memory_space<hbm>>
    %dma_wait3A_358 = tpu.memref_squeeze %dma_wait3A_357 : memref<1x256x128xf32, #tpu.memory_space<hbm>> -> memref<256x128xf32, #tpu.memory_space<hbm>>
    %dma_wait3A_359 = arith.constant 0 : i32
    %dma_wait3A_360 = arith.constant 0 : i32
    %dma_wait3A_361 = tpu.memref_slice %arg4[%add3A_271, %dma_wait3A_359, %dma_wait3A_360] : memref<64x256x128xf32, #tpu.memory_space<hbm>> -> memref<1x256x128xf32, #tpu.memory_space<hbm>>
    %dma_wait3A_362 = tpu.memref_squeeze %dma_wait3A_361 : memref<1x256x128xf32, #tpu.memory_space<hbm>> -> memref<256x128xf32, #tpu.memory_space<hbm>>
    %dma_wait3A_363 = arith.constant 0 : i32
    %dma_wait3A_364 = arith.constant 0 : i32
    %dma_wait3A_365 = tpu.memref_slice %arg7[%dma_wait3A_350, %dma_wait3A_363, %dma_wait3A_364] : memref<2x256x128xf32, #tpu.memory_space<vmem>> -> memref<1x256x128xf32, #tpu.memory_space<vmem>>
    %dma_wait3A_366 = tpu.memref_squeeze %dma_wait3A_365 : memref<1x256x128xf32, #tpu.memory_space<vmem>> -> memref<256x128xf32, #tpu.memory_space<vmem>>
    tpu.wait_dma2 semaphore(%arg9 : memref<!tpu.dma_semaphore, #tpu.memory_space<semaphore_mem>>) src(%dma_wait3A_366 : memref<256x128xf32, #tpu.memory_space<vmem>>) dst(%dma_wait3A_362 : memref<256x128xf32, #tpu.memory_space<hbm>>)
    %dma_wait3A_367 = arith.constant 1 : i32
    %dma_wait3A_368 = arith.constant 0 : i32
    %dma_wait3A_369 = arith.constant 0 : i32
    %dma_wait3A_370 = tpu.memref_slice %arg7[%dma_wait3A_367, %dma_wait3A_368, %dma_wait3A_369] : memref<2x256x128xf32, #tpu.memory_space<vmem>> -> memref<1x256x128xf32, #tpu.memory_space<vmem>>
    %dma_wait3A_371 = tpu.memref_squeeze %dma_wait3A_370 : memref<1x256x128xf32, #tpu.memory_space<vmem>> -> memref<256x128xf32, #tpu.memory_space<vmem>>
    %dma_wait3A_372 = arith.constant 0 : i32
    %dma_wait3A_373 = arith.constant 0 : i32
    %dma_wait3A_374 = tpu.memref_slice %arg4[%add3A_332, %dma_wait3A_372, %dma_wait3A_373] : memref<64x256x128xf32, #tpu.memory_space<hbm>> -> memref<1x256x128xf32, #tpu.memory_space<hbm>>
    %dma_wait3A_375 = tpu.memref_squeeze %dma_wait3A_374 : memref<1x256x128xf32, #tpu.memory_space<hbm>> -> memref<256x128xf32, #tpu.memory_space<hbm>>
    %dma_wait3A_376 = arith.constant 0 : i32
    %dma_wait3A_377 = arith.constant 0 : i32
    %dma_wait3A_378 = tpu.memref_slice %arg4[%add3A_332, %dma_wait3A_376, %dma_wait3A_377] : memref<64x256x128xf32, #tpu.memory_space<hbm>> -> memref<1x256x128xf32, #tpu.memory_space<hbm>>
    %dma_wait3A_379 = tpu.memref_squeeze %dma_wait3A_378 : memref<1x256x128xf32, #tpu.memory_space<hbm>> -> memref<256x128xf32, #tpu.memory_space<hbm>>
    %dma_wait3A_380 = arith.constant 0 : i32
    %dma_wait3A_381 = arith.constant 0 : i32
    %dma_wait3A_382 = tpu.memref_slice %arg7[%dma_wait3A_367, %dma_wait3A_380, %dma_wait3A_381] : memref<2x256x128xf32, #tpu.memory_space<vmem>> -> memref<1x256x128xf32, #tpu.memory_space<vmem>>
    %dma_wait3A_383 = tpu.memref_squeeze %dma_wait3A_382 : memref<1x256x128xf32, #tpu.memory_space<vmem>> -> memref<256x128xf32, #tpu.memory_space<vmem>>
    tpu.wait_dma2 semaphore(%arg9 : memref<!tpu.dma_semaphore, #tpu.memory_space<semaphore_mem>>) src(%dma_wait3A_383 : memref<256x128xf32, #tpu.memory_space<vmem>>) dst(%dma_wait3A_379 : memref<256x128xf32, #tpu.memory_space<hbm>>)
    return
  }
}

</mosaic_0001>

<sc_bundles>
// kernel: _fofe.3.cloned.1.call-start
scs
__scs_entry_jumppad:
0x0: {  	(pc) =	sbr.rel $0x88, $3  }
0x1: {  	(tag) =	ssettag $0x0;
	lr =	simm.s32 $0x1  }
0x2: {  	[smem:$0x3F9F] =	sst lr;
	_ =	strace $0xD0000000  }
0x3: {  	_ = 	snop  }
0x4: {  	_ = 	snop  }
0x5: {  	_ = 	snop  }
0x6: {  	_ = 	snop  }
0x7: {  	_ = 	snop  }
__scs_overlays_trampoline_lowered:
0x8: {  	[smem:$0x3FAE] =	sst s0  }
0x9: {  	[smem:$0x3FAF] =	sst s1  }
0xa: {  	[smem:$0x3FB0] =	sst s2  }
0xb: {  	[smem:$0x3FB1] =	sst s3  }
0xc: {  	[smem:$0x3FB2] =	sst s4  }
0xd: {  	[smem:$0x3FB3] =	sst s5  }
0xe: {  	[smem:$0x3FB4] =	sst s6  }
0xf: {  	[smem:$0x3FB5] =	sst s7  }
0x10: {  	[smem:$0x3FB6] =	sst s8  }
0x11: {  	[smem:$0x3FB7] =	sst s9;
	s0 =	simm.s32 @!p0 $0x0  }
0x12: {  	s1 =	sld [smem:$0x3F9D];
	s0 =	simm.s32 @p0 $0x1  }
0x13: {  	[smem:$0x3FB8] =	sst s0;
	s0 =	simm.s32 @!p1 $0x0  }
0x14: {  	s2 =	sld [smem:$0x3F9C];
	s0 =	simm.s32 @p1 $0x1  }
0x15: {  	[smem:$0x3FB9] =	sst s0;
	s0 =	simm.s32 @!p2 $0x0  }
0x16: {  	s3 =	sld [smem:$0x3FDB];
	s0 =	simm.s32 @p2 $0x1  }
0x17: {  	s4 =	simm.s32 $0x1BF5;
	[smem:$0x3FBB] =	sst s0  }
0x18: {  	s0 =	sld [smem:$0x3F9E];
	_ =	swait.ge [sflag:s4], $0x0  }
0x19: {  	s7 =	sld [smem:$0x3F9F]  }
0x1a: {  	s8 =	sadd.s32 $0xFFFFE003, lr  }
0x1b: {  	s9 =	sadd.s32 $0xFFFFFEF7, lr;
	s5 =	simm.s32 $0xFFFFFFFF;
	p2 =	slt.u32 s8, $0xFFFFF086  }
0x1c: {  	p1 =	slt.u32 s9, $0xF7A;
	s5 =	simm.s32 @!p2 $0x0  }
0x1d: {  	s5 =	simm.s32 @p1 $0x1;
	p0 =	seq.s32 s7, s2  }
0x1e: {  	s7 =	smul.u32 @!p0 $0xF7A, s2;
	p2 =	seq.s32 @!p0 s5, $0x0  }
0x1f: {  	s9 =	smul.u32 $0xF7A, s1;
	s8 =	simm.s32 @!p0 $0x1BF5;
	p2 =	por !p2, p0  }
0x20: {  	[sflag:s8] =	ssyncset.s32 @!p0 $0xFFFFF086;
	s6 =	sadd.s32 @!p0 s3, s7;
	s7 =	simm.s32 @!p0 $0x108  }
0x21: {  	s3 =	sadd.s32 s3, s9;
	s6 =	sadd.s32 @!p0 $0x88, s6;
	s7 =	simm.s32 @p2 $0x1082  }
0x22: {  	[simem:s7], [sflag:s8] =	dma.local @!p0 [hbm:s6], $0xF7A  }
0x23: {  	s9 =	sor.u32 $0xD0000000, s2;
	s6 =	simm.s32 $0x108;
	_ =	swait.ge @!p0 [sflag:s8], $0x0  }
0x24: {  	s3 =	sadd.s32 $0x88, s3;
	s6 =	simm.s32 @!p1 $0x1082;
	[sflag:s4] =	ssyncset.s32 $0xFFFFF086  }
0x25: {  	[simem:s6], [sflag:s4] =	dma.local [hbm:s3], $0xF7A  }
0x26: {  	[smem:$0x3F9F] =	sst s1;
	(tag) =	ssettag s2;
	_ =	strace s9  }
0x27: {  	s1 =	sld [smem:$0x3FAF]  }
0x28: {  	s2 =	sld [smem:$0x3FB0]  }
0x29: {  	s4 =	sld [smem:$0x3FB2]  }
0x2a: {  	p0 =	seq.s32 s5, $0x0;
	s5 =	sld [smem:$0x3FB3]  }
0x2b: {  	s6 =	sld [smem:$0x3FB4]  }
0x2c: {  	s7 =	sld [smem:$0x3FB5]  }
0x2d: {  	s3 =	simm.s32 $0x108;
	s8 =	sld [smem:$0x3FB6]  }
0x2e: {  	s3 =	simm.s32 @!p0 $0x1082;
	s9 =	sld [smem:$0x3FB7]  }
0x2f: {  	lr =	sadd.s32 s0, s3;
	s0 =	sld [smem:$0x3FAE]  }
0x30: {  	s3 =	sld [smem:$0x3FB1]  }
0x31: {  	[smem:$0x3FBA] =	sst s10  }
0x32: {  	s10 =	sld [smem:$0x3FB8];
	_ =	sdelay $0x3  }
0x33: {  	p0 =	seq.s32 s10, $0x1;
	s10 =	sld [smem:$0x3FBA];
	_ =	sdelay $0x3  }
0x34: {  	[smem:$0x3FBA] =	sst s10  }
0x35: {  	s10 =	sld [smem:$0x3FB9];
	_ =	sdelay $0x3  }
0x36: {  	p1 =	seq.s32 s10, $0x1;
	s10 =	sld [smem:$0x3FBA];
	_ =	sdelay $0x3  }
0x37: {  	[smem:$0x3FBA] =	sst s10  }
0x38: {  	s10 =	sld [smem:$0x3FBB]  }
0x39: {  	_ = 	snop;
	(pc) =	sbr.ind lr, $3  }
0x3a: {  	_ = 	snop  }
0x3b: {  	_ = 	snop  }
0x3c: {  	p2 =	seq.s32 s10, $0x1;
	s10 =	sld [smem:$0x3FBA]  }
0x3d: {  	_ =	shalt  }
0x3e: {  	_ =	shalt  }
0x3f: {  	_ =	shalt  }
0x40: {  	_ =	shalt  }
0x41: {  	_ =	shalt  }
0x42: {  	_ =	shalt  }
0x43: {  	_ =	shalt  }
0x44: {  	_ =	shalt  }
0x45: {  	_ =	shalt  }
0x46: {  	_ =	shalt  }
0x47: {  	_ =	shalt  }
0x48: {  	_ =	shalt  }
0x49: {  	_ =	shalt  }
0x4a: {  	_ =	shalt  }
0x4b: {  	_ =	shalt  }
0x4c: {  	_ =	shalt  }
0x4d: {  	_ =	shalt  }
0x4e: {  	_ =	shalt  }
0x4f: {  	_ =	shalt  }
0x50: {  	_ =	shalt  }
0x51: {  	_ =	shalt  }
0x52: {  	_ =	shalt  }
0x53: {  	_ =	shalt  }
0x54: {  	_ =	shalt  }
0x55: {  	_ =	shalt  }
0x56: {  	_ =	shalt  }
0x57: {  	_ =	shalt  }
0x58: {  	_ =	shalt  }
0x59: {  	_ =	shalt  }
0x5a: {  	_ =	shalt  }
0x5b: {  	_ =	shalt  }
0x5c: {  	_ =	shalt  }
0x5d: {  	_ =	shalt  }
0x5e: {  	_ =	shalt  }
0x5f: {  	_ =	shalt  }
0x60: {  	_ =	shalt  }
0x61: {  	_ =	shalt  }
0x62: {  	_ =	shalt  }
0x63: {  	_ =	shalt  }
0x64: {  	_ =	shalt  }
0x65: {  	_ =	shalt  }
0x66: {  	_ =	shalt  }
0x67: {  	_ =	shalt  }
0x68: {  	_ =	shalt  }
0x69: {  	_ =	shalt  }
0x6a: {  	_ =	shalt  }
0x6b: {  	_ =	shalt  }
0x6c: {  	_ =	shalt  }
0x6d: {  	_ =	shalt  }
0x6e: {  	_ =	shalt  }
0x6f: {  	_ =	shalt  }
0x70: {  	_ =	shalt  }
0x71: {  	_ =	shalt  }
0x72: {  	_ =	shalt  }
0x73: {  	_ =	shalt  }
0x74: {  	_ =	shalt  }
0x75: {  	_ =	shalt  }
0x76: {  	_ =	shalt  }
0x77: {  	_ =	shalt  }
0x78: {  	_ =	shalt  }
0x79: {  	_ =	shalt  }
0x7a: {  	_ =	shalt  }
0x7b: {  	_ =	shalt  }
0x7c: {  	_ =	shalt  }
0x7d: {  	_ =	shalt  }
0x7e: {  	_ =	shalt  }
0x7f: {  	_ =	shalt  }
0x80: {  	_ =	shalt  }
0x81: {  	_ =	shalt  }
0x82: {  	_ =	shalt  }
0x83: {  	_ =	shalt  }
0x84: {  	_ =	shalt  }
0x85: {  	_ =	shalt  }
0x86: {  	_ =	shalt  }
0x87: {  	_ =	shalt  }
.Lfunc_end0:
.L_simem_size_0:
called_computation_lowered:
.L_overlay_start_0:
0x88: {  	s0 =	sld [smem:$0x3FD9]  }
0x89: {  	s1 =	sld [smem:$0x3FFE];
	_ =	sdelay $0x3  }
0x8a: {  	s0 =	sadd.s32 s1, s0  }
0x8b: {  	[smem:$0x3FC6] =	sst s0  }
0x8c: {  	_ = 	snop  }
0x8d: {  	s0 =	sld [smem:$0x3FC9]  }
0x8e: {  	s17 =	sld [smem:$0x3FC8]  }
0x8f: {  	s2 =	sld [smem:$0x3FD0];
	(tm) =	ssettm $0x1  }
0x90: {  	s3 =	sld [smem:$0x3FFB];
	_ =	sdelay $0x3  }
0x91: {  	_ =	strace s3  }
0x92: {  	s3 =	sld [smem:$0x3FFC];
	_ =	sdelay $0x3  }
0x93: {  	_ =	strace s3  }
0x94: {  	s3 =	sld [smem:$0x3FFD];
	_ =	sdelay $0x3  }
0x95: {  	_ =	strace s3  }
0x96: {  	_ =	strace $0x8FFFFFFF  }
0x97: {  	s18 =	sld [smem:$0x3FDB];
	_ =	sdelay $0x1  }
0x98: {  	s4 =	simm.s32 $_scs_section_size  }
0x99: {  	s5 =	simm.s32 $_size__tile_overlayer_lowered;
	s6 =	simm.s32 $_tile_overlayer_lowered  }
0x9a: {  	s21 =	simm.s32 $0x1BFF;
	s20 =	sshll.u32 s6, $0x1;
	s3 =	sadd.s32 s4, s18  }
0x9b: {  	s7 =	simm.s32 $0x0;
	s19 =	sshll.u32 s5, $0x1;
	s5 =	sadd.s32 s20, s3  }
0x9c: {  	[timem:s7], [sflag:s21] =	dma.local [hbm:s5], s19  }
0x9d: {  	_ =	swait.ge [sflag:s21], s19  }
0x9e: {  	s4 =	ssub.s32 $0x0, s19;
	[sflag:s21] =	ssyncset.done $0x0  }
0x9f: {  	[sflag:s21] =	ssyncadd.s32 s4;
	_ =	sdelay $0x1  }
0xa0: {  	s22 =	simm.s32 $0x1B8B  }
0xa1: {  	_ =	swait.ge [sflag:s22], $0x1  }
0xa2: {  	[sflag:s22] =	ssyncset.done $0x0  }
0xa3: {  	s23 =	simm.s32 $0x1B8E;
	[sflag:s22] =	ssyncadd.s32 $0xFFFFFFFF  }
0xa4: {  	s24 =	simm.s32 $execute0_lowered;
	[smem:$0x3FD2] =	sst s23  }
0xa5: {  	s4 =	sshll.u32 s24, $0x1;
	_ =	strace $0x80000046;
	[dreg:$0x1] =	wrdreg $0xFFFFFFFF  }
0xa6: {  	s25 =	simm.s32 $_size_execute0_lowered;
	s3 =	sadd.s32 s3, s4;
	[dreg:$0x0] =	wrdreg $0x0  }
0xa7: {  	s4 =	sshll.u32 s25, $0x1;
	[dreg:$0x2] =	wrdreg s3  }
0xa8: {  	[dreg:$0x3] =	wrdreg s4  }
0xa9: {  	[dreg:$0x4] =	wrdreg $0xC0  }
0xaa: {  	_ =	task [dreg:s7], $0x5FFFF  }
0xab: {  	[dreg:$0x1] =	wrdreg $0xFFFFFFFF  }
0xac: {  	[dreg:$0x0] =	wrdreg $0x60  }
0xad: {  	[dreg:$0x2] =	wrdreg s0  }
0xae: {  	[dreg:$0x3] =	wrdreg s17  }
0xaf: {  	[dreg:$0x4] =	wrdreg s2  }
0xb0: {  	[dreg:$0x5] =	wrdreg $0x9  }
0xb1: {  	_ =	task.clear_ibuf [dreg:s7], $0x6FFFF;
	_ =	strace $0x90000046  }
0xb2: {  	s26 =	simm.s32 $0x9;
	_ =	strace $0x80000048  }
0xb3: {  	_ =	swait.ge [sflag:s26], $0x1  }
0xb4: {  	[sflag:s26] =	ssyncadd.s32 $0xFFFFFFFF  }
0xb5: {  	_ =	strace $0x90000048  }
0xb6: {  	_ =	sfence  }
0xb7: {  	s28 =	sld [smem:$0x0];
	_ =	sdelay $0x1  }
0xb8: {  	s29 =	srdreg.scid  }
0xb9: {  	s30 =	sshll.u32 s29, $0xD;
	s31 =	sshrl.u32 s29, $0x2  }
0xba: {  	s1 =	sand.u32 $0x1, s29;
	s2 =	sand.u32 $0x4000, s30;
	s0 =	sadd.s32 s31, s28  }
0xbb: {  	s1 =	sor.u32 s2, s1;
	s0 =	sshll.u32 s0, $0x11  }
0xbc: {  	s0 =	sor.u32 s0, s1  }
0xbd: {  	s0 =	sadd.s32 $0x8F2B, s0  }
0xbe: {  	[sflag:s0] =	ssyncadd.remote.s32 $0x1  }
0xbf: {  	_ =	sfence.sel $0xFFFF  }
0xc0: {  	[dreg:$0x0] =	wrdreg $0xFFFFFFFF;
	(pc) =	sbr.abs _section_cstart, $3  }
0xc1: {  	[dreg:$0x1] =	wrdreg $0xFFFFFFFF  }
0xc2: {  	_ =	task.clear_ibuf [dreg:s7], $0x2FFFF;
	_ =	strace $0x9FFFFFFF  }
0xc3: {  	(tm) =	ssettm $0x7FFFFFFF  }
tec
execute0_lowered:
.L_overlay_start_1:
0x0: {  	(tag) =	ssettag $0x1  }
0x1: {  	s7 =	rddreg [dreg:$0x0]  }
0x2: {  	s8 =	rddreg [dreg:$0x1]  }
0x3: {  	s2 =	rddreg [dreg:$0x2]  }
0x4: {  	s1 =	stileid.u32;
	s0 =	rddreg [dreg:$0x3];
	s6 =	simm.s32 $0x0  }
0x5: {  	s11 =	simm.s32 $0x1000;
	s3 =	sshll.u32 s1, $0x2;
	[smem:$0x7FF] =	sst s6  }
0x6: {  	s4 =	sshll.u32 s1, $0xB;
	s5 =	sor.u32 $0x1, s3;
	_ =	strace $0x80000047  }
0x7: {  	s10 =	sadd.s32 s7, s4;
	s4 =	sor.u32 $0x2, s3;
	s9 =	sshll.u32 s5, $0x9  }
0x8: {  	[tilespmem:s6], [sflag:$0x1] =	stream.linear.gather [hbm4b:s10+s6], $0x1000, $0x38;
	[tilespmem:$0x14800] =	vst v63  }
0x9: {  	s3 =	sshllo.u32 s1, $0x2;
	s20 =	sshll.u32 s4, $0x9;
	s9 =	sadd.s32 s7, s9  }
0xa: {  	[tilespmem:s11], [sflag:$0x1] =	stream.linear.gather [hbm4b:s9+s6], $0x1000, $0x38;
	[tilespmem:$0x14800] =	vst v63  }
0xb: {  	s23 =	simm.s32 $0x2000;
	s22 =	sshll.u32 s3, $0x9;
	s21 =	sadd.s32 s7, s20  }
0xc: {  	[tilespmem:s23], [sflag:$0x1] =	stream.linear.gather [hbm4b:s21+s6], $0x1000, $0x38;
	[tilespmem:$0x14800] =	vst v63  }
0xd: {  	s24 =	simm.s32 $0x3000;
	s7 =	sadd.s32 s7, s22  }
0xe: {  	[tilespmem:s24], [sflag:$0x1] =	stream.linear.gather [hbm4b:s7+s6], $0x1000, $0x38;
	[tilespmem:$0x14800] =	vst v63  }
0xf: {  	s25 =	simm.s32 $0x4000;
	s26 =	simm.s32 $0x3  }
0x10: {  	[tilespmem:s25], [sflag:$0x3] =	stream.linear.gather [hbm4b:s8+s6], $0x800, $0x38;
	[tilespmem:$0x14800] =	vst v63  }
0x11: {  	_ =	swait.ge [sflag:s26], $0x800  }
0x12: {  	[sflag:s26] =	ssyncset.done $0x0  }
0x13: {  	[sflag:s26] =	ssyncadd.s32 $0xFFFFF800  }
0x14: {  	v0 =	vld [tilespmem:$0x4000]  }
0x15: {  	v1 =	vld [tilespmem:$0x4080]  }
0x16: {  	v2 =	vld [tilespmem:$0x4100]  }
0x17: {  	v3 =	vld [tilespmem:$0x4180]  }
0x18: {  	v4 =	vld [tilespmem:$0x4200]  }
0x19: {  	v5 =	vld [tilespmem:$0x4280]  }
0x1a: {  	v6 =	vld [tilespmem:$0x4300]  }
0x1b: {  	v7 =	vld [tilespmem:$0x4380]  }
0x1c: {  	v8 =	vld [tilespmem:$0x4400]  }
0x1d: {  	v9 =	vld [tilespmem:$0x4480]  }
0x1e: {  	v10 =	vld [tilespmem:$0x4500]  }
0x1f: {  	v11 =	vld [tilespmem:$0x4580]  }
0x20: {  	v12 =	vld [tilespmem:$0x4600]  }
0x21: {  	v13 =	vld [tilespmem:$0x4680]  }
0x22: {  	s28 =	simm.s32 $0x1;
	v14 =	vld [tilespmem:$0x4700]  }
0x23: {  	v15 =	vld [tilespmem:$0x4780];
	_ =	swait.ge [sflag:s28], $0x1000  }
0x24: {  	[sflag:s28] =	ssyncset.done $0x0  }
0x25: {  	v16 =	vimm.f32 $0.0e+00;
	s7 =	simm.s32 $0x4C00;
	[sflag:s28] =	ssyncadd.s32 $0xFFFFF000  }
0x26: {  	[tilespmem:s7+$0xFFFFFC00] =	vst v16  }
0x27: {  	[tilespmem:s7+$0x3F0] =	vst v16  }
0x28: {  	[tilespmem:s7+$0x3E0] =	vst v16  }
0x29: {  	[tilespmem:s7+$0x3D0] =	vst v16  }
0x2a: {  	[tilespmem:s7+$0x3C0] =	vst v16  }
0x2b: {  	[tilespmem:s7+$0x3B0] =	vst v16  }
0x2c: {  	[tilespmem:s7+$0x3A0] =	vst v16  }
0x2d: {  	[tilespmem:s7+$0x390] =	vst v16  }
0x2e: {  	[tilespmem:s7+$0x380] =	vst v16  }
0x2f: {  	[tilespmem:s7+$0x370] =	vst v16  }
0x30: {  	[tilespmem:s7+$0x360] =	vst v16  }
0x31: {  	[tilespmem:s7+$0x350] =	vst v16  }
0x32: {  	[tilespmem:s7+$0x340] =	vst v16  }
0x33: {  	[tilespmem:s7+$0x330] =	vst v16  }
0x34: {  	[tilespmem:s7+$0x320] =	vst v16  }
0x35: {  	[tilespmem:s7+$0x310] =	vst v16  }
0x36: {  	[tilespmem:s7+$0x300] =	vst v16  }
0x37: {  	[tilespmem:s7+$0x2F0] =	vst v16  }
0x38: {  	[tilespmem:s7+$0x2E0] =	vst v16  }
0x39: {  	[tilespmem:s7+$0x2D0] =	vst v16  }
0x3a: {  	[tilespmem:s7+$0x2C0] =	vst v16  }
0x3b: {  	[tilespmem:s7+$0x2B0] =	vst v16  }
0x3c: {  	[tilespmem:s7+$0x2A0] =	vst v16  }
0x3d: {  	[tilespmem:s7+$0x290] =	vst v16  }
0x3e: {  	[tilespmem:s7+$0x280] =	vst v16  }
0x3f: {  	[tilespmem:s7+$0x270] =	vst v16  }
0x40: {  	[tilespmem:s7+$0x260] =	vst v16  }
0x41: {  	[tilespmem:s7+$0x250] =	vst v16  }
0x42: {  	[tilespmem:s7+$0x240] =	vst v16  }
0x43: {  	[tilespmem:s7+$0x230] =	vst v16  }
0x44: {  	[tilespmem:s7+$0x220] =	vst v16  }
0x45: {  	[tilespmem:s7+$0x210] =	vst v16  }
0x46: {  	[tilespmem:s7+$0x200] =	vst v16  }
0x47: {  	[tilespmem:s7+$0x1F0] =	vst v16  }
0x48: {  	[tilespmem:s7+$0x1E0] =	vst v16  }
0x49: {  	[tilespmem:s7+$0x1D0] =	vst v16  }
0x4a: {  	[tilespmem:s7+$0x1C0] =	vst v16  }
0x4b: {  	[tilespmem:s7+$0x1B0] =	vst v16  }
0x4c: {  	[tilespmem:s7+$0x1A0] =	vst v16  }
0x4d: {  	[tilespmem:s7+$0x190] =	vst v16  }
0x4e: {  	[tilespmem:s7+$0x180] =	vst v16  }
0x4f: {  	[tilespmem:s7+$0x170] =	vst v16  }
0x50: {  	[tilespmem:s7+$0x160] =	vst v16  }
0x51: {  	[tilespmem:s7+$0x150] =	vst v16  }
0x52: {  	[tilespmem:s7+$0x140] =	vst v16  }
0x53: {  	[tilespmem:s7+$0x130] =	vst v16  }
0x54: {  	[tilespmem:s7+$0x120] =	vst v16  }
0x55: {  	[tilespmem:s7+$0x110] =	vst v16  }
0x56: {  	[tilespmem:s7+$0x100] =	vst v16  }
0x57: {  	[tilespmem:s7+$0xF0] =	vst v16  }
0x58: {  	[tilespmem:s7+$0xE0] =	vst v16  }
0x59: {  	[tilespmem:s7+$0xD0] =	vst v16  }
0x5a: {  	[tilespmem:s7+$0xC0] =	vst v16  }
0x5b: {  	[tilespmem:s7+$0xB0] =	vst v16  }
0x5c: {  	[tilespmem:s7+$0xA0] =	vst v16  }
0x5d: {  	[tilespmem:s7+$0x90] =	vst v16  }
0x5e: {  	[tilespmem:s7+$0x80] =	vst v16  }
0x5f: {  	[tilespmem:s7+$0x70] =	vst v16  }
0x60: {  	[tilespmem:s7+$0x60] =	vst v16  }
0x61: {  	[tilespmem:s7+$0x50] =	vst v16  }
0x62: {  	[tilespmem:s7+$0x40] =	vst v16  }
0x63: {  	[tilespmem:s7+$0x30] =	vst v16  }
0x64: {  	[tilespmem:s7+$0x20] =	vst v16  }
0x65: {  	[tilespmem:s7+$0x10] =	vst v16  }
0x66: {  	[tilespmem:s7+$0x0] =	vst v16  }
0x67: {  	[tilespmem:s7+$0xFFFFFFF0] =	vst v16  }
0x68: {  	[tilespmem:s7+$0xFFFFFFE0] =	vst v16  }
0x69: {  	[tilespmem:s7+$0xFFFFFFD0] =	vst v16  }
0x6a: {  	[tilespmem:s7+$0xFFFFFFC0] =	vst v16  }
0x6b: {  	[tilespmem:s7+$0xFFFFFFB0] =	vst v16  }
0x6c: {  	[tilespmem:s7+$0xFFFFFFA0] =	vst v16  }
0x6d: {  	[tilespmem:s7+$0xFFFFFF90] =	vst v16  }
0x6e: {  	[tilespmem:s7+$0xFFFFFF80] =	vst v16  }
0x6f: {  	[tilespmem:s7+$0xFFFFFF70] =	vst v16  }
0x70: {  	[tilespmem:s7+$0xFFFFFF60] =	vst v16  }
0x71: {  	[tilespmem:s7+$0xFFFFFF50] =	vst v16  }
0x72: {  	[tilespmem:s7+$0xFFFFFF40] =	vst v16  }
0x73: {  	[tilespmem:s7+$0xFFFFFF30] =	vst v16  }
0x74: {  	[tilespmem:s7+$0xFFFFFF20] =	vst v16  }
0x75: {  	[tilespmem:s7+$0xFFFFFF10] =	vst v16  }
0x76: {  	[tilespmem:s7+$0xFFFFFF00] =	vst v16  }
0x77: {  	[tilespmem:s7+$0xFFFFFEF0] =	vst v16  }
0x78: {  	[tilespmem:s7+$0xFFFFFEE0] =	vst v16  }
0x79: {  	[tilespmem:s7+$0xFFFFFED0] =	vst v16  }
0x7a: {  	[tilespmem:s7+$0xFFFFFEC0] =	vst v16  }
0x7b: {  	[tilespmem:s7+$0xFFFFFEB0] =	vst v16  }
0x7c: {  	[tilespmem:s7+$0xFFFFFEA0] =	vst v16  }
0x7d: {  	[tilespmem:s7+$0xFFFFFE90] =	vst v16  }
0x7e: {  	[tilespmem:s7+$0xFFFFFE80] =	vst v16  }
0x7f: {  	[tilespmem:s7+$0xFFFFFE70] =	vst v16  }
0x80: {  	[tilespmem:s7+$0xFFFFFE60] =	vst v16  }
0x81: {  	[tilespmem:s7+$0xFFFFFE50] =	vst v16  }
0x82: {  	[tilespmem:s7+$0xFFFFFE40] =	vst v16  }
0x83: {  	[tilespmem:s7+$0xFFFFFE30] =	vst v16  }
0x84: {  	[tilespmem:s7+$0xFFFFFE20] =	vst v16  }
0x85: {  	[tilespmem:s7+$0xFFFFFE10] =	vst v16  }
0x86: {  	[tilespmem:s7+$0xFFFFFE00] =	vst v16  }
0x87: {  	[tilespmem:s7+$0xFFFFFDF0] =	vst v16  }
0x88: {  	[tilespmem:s7+$0xFFFFFDE0] =	vst v16  }
0x89: {  	[tilespmem:s7+$0xFFFFFDD0] =	vst v16  }
0x8a: {  	[tilespmem:s7+$0xFFFFFDC0] =	vst v16  }
0x8b: {  	[tilespmem:s7+$0xFFFFFDB0] =	vst v16  }
0x8c: {  	[tilespmem:s7+$0xFFFFFDA0] =	vst v16  }
0x8d: {  	[tilespmem:s7+$0xFFFFFD90] =	vst v16  }
0x8e: {  	[tilespmem:s7+$0xFFFFFD80] =	vst v16  }
0x8f: {  	[tilespmem:s7+$0xFFFFFD70] =	vst v16  }
0x90: {  	[tilespmem:s7+$0xFFFFFD60] =	vst v16  }
0x91: {  	[tilespmem:s7+$0xFFFFFD50] =	vst v16  }
0x92: {  	[tilespmem:s7+$0xFFFFFD40] =	vst v16  }
0x93: {  	[tilespmem:s7+$0xFFFFFD30] =	vst v16  }
0x94: {  	[tilespmem:s7+$0xFFFFFD20] =	vst v16  }
0x95: {  	[tilespmem:s7+$0xFFFFFD10] =	vst v16  }
0x96: {  	[tilespmem:s7+$0xFFFFFD00] =	vst v16  }
0x97: {  	[tilespmem:s7+$0xFFFFFCF0] =	vst v16  }
0x98: {  	[tilespmem:s7+$0xFFFFFCE0] =	vst v16  }
0x99: {  	[tilespmem:s7+$0xFFFFFCD0] =	vst v16  }
0x9a: {  	[tilespmem:s7+$0xFFFFFCC0] =	vst v16  }
0x9b: {  	[tilespmem:s7+$0xFFFFFCB0] =	vst v16  }
0x9c: {  	[tilespmem:s7+$0xFFFFFCA0] =	vst v16  }
0x9d: {  	[tilespmem:s7+$0xFFFFFC90] =	vst v16  }
0x9e: {  	[tilespmem:s7+$0xFFFFFC80] =	vst v16  }
0x9f: {  	[tilespmem:s7+$0xFFFFFC70] =	vst v16  }
0xa0: {  	[tilespmem:s7+$0xFFFFFC60] =	vst v16  }
0xa1: {  	[tilespmem:s7+$0xFFFFFC50] =	vst v16  }
0xa2: {  	[tilespmem:s7+$0xFFFFFC40] =	vst v16  }
0xa3: {  	[tilespmem:s7+$0xFFFFFC30] =	vst v16  }
0xa4: {  	s29 =	sor.u32 s6, s6;
	[tilespmem:s7+$0xFFFFFC20] =	vst v16  }
0xa5: {  	s30 =	sand.u32 $0x70, s6;
	s31 =	sand.u32 $0x400, s6;
	s8 =	sor.u32 $0x380, s29;
	[tilespmem:s7+$0xFFFFFC10] =	vst v16  }
0xa6: {  	s9 =	sor.u32 s30, s31;
	v18 =	vld [tilespmem:s8+$0x0]  }
0xa7: {  	v19 =	vld [tilespmem:s9+$0x80]  }
0xa8: {  	v20 =	vld [tilespmem:s9+$0x100]  }
0xa9: {  	v21 =	vld [tilespmem:s9+$0x0]  }
0xaa: {  	v23 =	vld [tilespmem:s9+$0x180]  }
0xab: {  	v17 =	vlaneseq.u32;
	v25 =	vld [tilespmem:s9+$0xA00]  }
0xac: {  	v17 =	vmul.u32 $0x80, v17;
	v22 =	vmov s6;
	v32 =	vld [tilespmem:s9+$0x800]  }
0xad: {  	v22 =	vshll.u32 v22, $0x7  }
0xae: {  	v29 =	vor.u32 v17, v22;
	v22 =	vand.u32 $0xFFFFFF80, v18  }
0xaf: {  	v26 =	vand.u32 $0xFFFFFF80, v19;
	v18 =	vand.u32 $0x7F, v18;
	v19 =	vand.u32 $0x7F, v19  }
0xb0: {  	v24 =	vld [tilespmem:s9+$0x200];
	v27 =	vand.u32 $0xFFFFFF80, v21;
	v21 =	vand.u32 $0x7F, v21;
	v28 =	vand.u32 $0xFFFFFF80, v20  }
0xb1: {  	v31 =	vand.u32 $0x7F, v23;
	v33 =	vand.u32 $0xFFFFFF80, v25;
	v36 =	vand.u32 $0xFFFFFF80, v32  }
0xb2: {  	v30 =	vld [tilespmem:s9+$0x300];
	v32 =	vand.u32 $0x7F, v32;
	v22 =	vadd.s32 v29, v22;
	v26 =	vadd.s32 v29, v26  }
0xb3: {  	v34 =	vld [tilespmem:s9+$0x880];
	v27 =	vadd.s32 v29, v27;
	v28 =	vadd.s32 v29, v28;
	v18 =	vor.u32 v18, v22  }
0xb4: {  	v22 =	vld [tilespmem:s9+$0x280];
	v26 =	vor.u32 v19, v26;
	v19 =	vand.u32 $0x7F, v20;
	v20 =	vand.u32 $0xFFFFFF80, v23  }
0xb5: {  	v23 =	vand.u32 $0xFFFFFF80, v24;
	v20 =	vadd.s32 v29, v20;
	v28 =	vor.u32 v19, v28  }
0xb6: {  	v19 =	vand.u32 $0x7F, v24;
	v31 =	vor.u32 v31, v20;
	v20 =	vadd.s32 v29, v23;
	v23 =	vld [tilespmem:s9+$0x900]  }
0xb7: {  	v27 =	vor.u32 v21, v27;
	v24 =	vld [tilespmem:s9+$0x980];
	v35 =	vor.u32 v19, v20;
	v19 =	vand.u32 $0xFFFFFF80, v30  }
0xb8: {  	v36 =	vadd.s32 v29, v36;
	v20 =	vand.u32 $0x7F, v30;
	v19 =	vadd.s32 v29, v19  }
0xb9: {  	v38 =	vld [tilespmem:s9+$0xA80];
	v21 =	vand.u32 $0xFFFFFF80, v22;
	v37 =	vand.u32 $0x7F, v22;
	v22 =	vand.u32 $0x7F, v34  }
0xba: {  	v30 =	vadd.s32 v29, v21;
	v21 =	vor.u32 v20, v19;
	v20 =	vand.u32 $0xFFFFFF80, v34;
	v19 =	vld [tilespmem:s9+$0xB80]  }
0xbb: {  	s8 =	simm.s32 $0x4800;
	v61 =	vadd.s32 v29, v20;
	v39 =	vand.u32 $0xFFFFFF80, v23;
	v40 =	vand.u32 $0x7F, v23;
	v20 =	vld [tilespmem:s9+$0xB00]  }
0xbc: {  	v23 =	vand.u32 $0xFFFFFF80, v24;
	[tilespmem:v27+s8+$0x0] =	vst.idx.add.f32.msk $0xffff, v0;
	v30 =	vor.u32 v37, v30;
	v22 =	vor.u32 v22, v61  }
0xbd: {  	v24 =	vand.u32 $0x7F, v24;
	v62 =	vadd.s32 v29, v39;
	v23 =	vadd.s32 v29, v23;
	[tilespmem:v26+s8+$0x0] =	vst.idx.add.f32.msk $0xffff, v1  }
0xbe: {  	v26 =	vadd.s32 v29, v33;
	v23 =	vor.u32 v24, v23;
	v24 =	vand.u32 $0x7F, v25;
	[tilespmem:v28+s8+$0x0] =	vst.idx.add.f32.msk $0xffff, v2  }
0xbf: {  	v25 =	vor.u32 v40, v62;
	v28 =	vor.u32 v32, v36;
	v24 =	vor.u32 v24, v26  }
0xc0: {  	v26 =	vand.u32 $0xFFFFFF80, v38;
	[tilespmem:v31+s8+$0x0] =	vst.idx.add.f32.msk $0xffff, v3;
	v31 =	vand.u32 $0x7F, v38;
	v27 =	vand.u32 $0xFFFFFF80, v19  }
0xc1: {  	v26 =	vadd.s32 v29, v26;
	[tilespmem:v35+s8+$0x0] =	vst.idx.add.f32.msk $0xffff, v4;
	v63 =	vand.u32 $0xFFFFFF80, v20;
	v27 =	vadd.s32 v29, v27  }
0xc2: {  	s9 =	simm.s32 $0x10;
	[tilespmem:v30+s8+$0x0] =	vst.idx.add.f32.msk $0xffff, v5;
	v26 =	vor.u32 v31, v26;
	v29 =	vadd.s32 v29, v63  }
.LBB2_1:
0xc3: {  	p0 =	sne.s32 s9, $0xF0;
	[tilespmem:v21+s8+$0x0] =	vst.idx.add.f32.msk $0xffff, v6;
	s6 =	sadd.s32 $0x80, s6;
	s7 =	sadd.s32 $0x800, s7  }
0xc4: {  	s10 =	smov.u32 s9;
	s9 =	sadd.s32 $0x10, s9;
	[tilespmem:v18+s8+$0x0] =	vst.idx.add.f32.msk $0xffff, v7  }
0xc5: {  	v18 =	vand.u32 $0x7F, v20;
	[tilespmem:v28+s8+$0x0] =	vst.idx.add.f32.msk $0xffff, v8  }
0xc6: {  	v19 =	vand.u32 $0x7F, v19;
	v18 =	vor.u32 v18, v29;
	[tilespmem:v22+s8+$0x0] =	vst.idx.add.f32.msk $0xffff, v9  }
0xc7: {  	v19 =	vor.u32 v19, v27;
	[tilespmem:v25+s8+$0x0] =	vst.idx.add.f32.msk $0xffff, v10  }
0xc8: {  	[tilespmem:v23+s8+$0x0] =	vst.idx.add.f32.msk $0xffff, v11  }
0xc9: {  	[tilespmem:v24+s8+$0x0] =	vst.idx.add.f32.msk $0xffff, v12  }
0xca: {  	[tilespmem:v26+s8+$0x0] =	vst.idx.add.f32.msk $0xffff, v13  }
0xcb: {  	[tilespmem:v18+s8+$0x0] =	vst.idx.add.f32.msk $0xffff, v14  }
0xcc: {  	[tilespmem:v19+s8+$0x0] =	vst.idx.add.f32.msk $0xffff, v15  }
0xcd: {  	[tilespmem:s7+$0xFFFFFC00] =	vst v16  }
0xce: {  	[tilespmem:s7+$0x3F0] =	vst v16  }
0xcf: {  	[tilespmem:s7+$0x3E0] =	vst v16  }
0xd0: {  	[tilespmem:s7+$0x3D0] =	vst v16  }
0xd1: {  	[tilespmem:s7+$0x3C0] =	vst v16  }
0xd2: {  	[tilespmem:s7+$0x3B0] =	vst v16  }
0xd3: {  	[tilespmem:s7+$0x3A0] =	vst v16  }
0xd4: {  	[tilespmem:s7+$0x390] =	vst v16  }
0xd5: {  	[tilespmem:s7+$0x380] =	vst v16  }
0xd6: {  	[tilespmem:s7+$0x370] =	vst v16  }
0xd7: {  	[tilespmem:s7+$0x360] =	vst v16  }
0xd8: {  	[tilespmem:s7+$0x350] =	vst v16  }
0xd9: {  	[tilespmem:s7+$0x340] =	vst v16  }
0xda: {  	[tilespmem:s7+$0x330] =	vst v16  }
0xdb: {  	[tilespmem:s7+$0x320] =	vst v16  }
0xdc: {  	[tilespmem:s7+$0x310] =	vst v16  }
0xdd: {  	[tilespmem:s7+$0x300] =	vst v16  }
0xde: {  	[tilespmem:s7+$0x2F0] =	vst v16  }
0xdf: {  	[tilespmem:s7+$0x2E0] =	vst v16  }
0xe0: {  	[tilespmem:s7+$0x2D0] =	vst v16  }
0xe1: {  	[tilespmem:s7+$0x2C0] =	vst v16  }
0xe2: {  	[tilespmem:s7+$0x2B0] =	vst v16  }
0xe3: {  	[tilespmem:s7+$0x2A0] =	vst v16  }
0xe4: {  	[tilespmem:s7+$0x290] =	vst v16  }
0xe5: {  	[tilespmem:s7+$0x280] =	vst v16  }
0xe6: {  	[tilespmem:s7+$0x270] =	vst v16  }
0xe7: {  	[tilespmem:s7+$0x260] =	vst v16  }
0xe8: {  	[tilespmem:s7+$0x250] =	vst v16  }
0xe9: {  	[tilespmem:s7+$0x240] =	vst v16  }
0xea: {  	[tilespmem:s7+$0x230] =	vst v16  }
0xeb: {  	[tilespmem:s7+$0x220] =	vst v16  }
0xec: {  	[tilespmem:s7+$0x210] =	vst v16  }
0xed: {  	[tilespmem:s7+$0x200] =	vst v16  }
0xee: {  	[tilespmem:s7+$0x1F0] =	vst v16  }
0xef: {  	[tilespmem:s7+$0x1E0] =	vst v16  }
0xf0: {  	[tilespmem:s7+$0x1D0] =	vst v16  }
0xf1: {  	[tilespmem:s7+$0x1C0] =	vst v16  }
0xf2: {  	[tilespmem:s7+$0x1B0] =	vst v16  }
0xf3: {  	[tilespmem:s7+$0x1A0] =	vst v16  }
0xf4: {  	[tilespmem:s7+$0x190] =	vst v16  }
0xf5: {  	[tilespmem:s7+$0x180] =	vst v16  }
0xf6: {  	[tilespmem:s7+$0x170] =	vst v16  }
0xf7: {  	[tilespmem:s7+$0x160] =	vst v16  }
0xf8: {  	[tilespmem:s7+$0x150] =	vst v16  }
0xf9: {  	[tilespmem:s7+$0x140] =	vst v16  }
0xfa: {  	[tilespmem:s7+$0x130] =	vst v16  }
0xfb: {  	[tilespmem:s7+$0x120] =	vst v16  }
0xfc: {  	[tilespmem:s7+$0x110] =	vst v16  }
0xfd: {  	[tilespmem:s7+$0x100] =	vst v16  }
0xfe: {  	[tilespmem:s7+$0xF0] =	vst v16  }
0xff: {  	[tilespmem:s7+$0xE0] =	vst v16  }
0x100: {  	[tilespmem:s7+$0xD0] =	vst v16  }
0x101: {  	[tilespmem:s7+$0xC0] =	vst v16  }
0x102: {  	[tilespmem:s7+$0xB0] =	vst v16  }
0x103: {  	[tilespmem:s7+$0xA0] =	vst v16  }
0x104: {  	[tilespmem:s7+$0x90] =	vst v16  }
0x105: {  	[tilespmem:s7+$0x80] =	vst v16  }
0x106: {  	[tilespmem:s7+$0x70] =	vst v16  }
0x107: {  	[tilespmem:s7+$0x60] =	vst v16  }
0x108: {  	[tilespmem:s7+$0x50] =	vst v16  }
0x109: {  	[tilespmem:s7+$0x40] =	vst v16  }
0x10a: {  	[tilespmem:s7+$0x30] =	vst v16  }
0x10b: {  	[tilespmem:s7+$0x20] =	vst v16  }
0x10c: {  	[tilespmem:s7+$0x10] =	vst v16  }
0x10d: {  	[tilespmem:s7+$0x0] =	vst v16  }
0x10e: {  	[tilespmem:s7+$0xFFFFFFF0] =	vst v16  }
0x10f: {  	[tilespmem:s7+$0xFFFFFFE0] =	vst v16  }
0x110: {  	[tilespmem:s7+$0xFFFFFFD0] =	vst v16  }
0x111: {  	[tilespmem:s7+$0xFFFFFFC0] =	vst v16  }
0x112: {  	[tilespmem:s7+$0xFFFFFFB0] =	vst v16  }
0x113: {  	[tilespmem:s7+$0xFFFFFFA0] =	vst v16  }
0x114: {  	[tilespmem:s7+$0xFFFFFF90] =	vst v16  }
0x115: {  	[tilespmem:s7+$0xFFFFFF80] =	vst v16  }
0x116: {  	[tilespmem:s7+$0xFFFFFF70] =	vst v16  }
0x117: {  	[tilespmem:s7+$0xFFFFFF60] =	vst v16  }
0x118: {  	[tilespmem:s7+$0xFFFFFF50] =	vst v16  }
0x119: {  	[tilespmem:s7+$0xFFFFFF40] =	vst v16  }
0x11a: {  	[tilespmem:s7+$0xFFFFFF30] =	vst v16  }
0x11b: {  	[tilespmem:s7+$0xFFFFFF20] =	vst v16  }
0x11c: {  	[tilespmem:s7+$0xFFFFFF10] =	vst v16  }
0x11d: {  	[tilespmem:s7+$0xFFFFFF00] =	vst v16  }
0x11e: {  	[tilespmem:s7+$0xFFFFFEF0] =	vst v16  }
0x11f: {  	[tilespmem:s7+$0xFFFFFEE0] =	vst v16  }
0x120: {  	[tilespmem:s7+$0xFFFFFED0] =	vst v16  }
0x121: {  	[tilespmem:s7+$0xFFFFFEC0] =	vst v16  }
0x122: {  	[tilespmem:s7+$0xFFFFFEB0] =	vst v16  }
0x123: {  	[tilespmem:s7+$0xFFFFFEA0] =	vst v16  }
0x124: {  	[tilespmem:s7+$0xFFFFFE90] =	vst v16  }
0x125: {  	[tilespmem:s7+$0xFFFFFE80] =	vst v16  }
0x126: {  	[tilespmem:s7+$0xFFFFFE70] =	vst v16  }
0x127: {  	[tilespmem:s7+$0xFFFFFE60] =	vst v16  }
0x128: {  	[tilespmem:s7+$0xFFFFFE50] =	vst v16  }
0x129: {  	[tilespmem:s7+$0xFFFFFE40] =	vst v16  }
0x12a: {  	[tilespmem:s7+$0xFFFFFE30] =	vst v16  }
0x12b: {  	[tilespmem:s7+$0xFFFFFE20] =	vst v16  }
0x12c: {  	[tilespmem:s7+$0xFFFFFE10] =	vst v16  }
0x12d: {  	[tilespmem:s7+$0xFFFFFE00] =	vst v16  }
0x12e: {  	[tilespmem:s7+$0xFFFFFDF0] =	vst v16  }
0x12f: {  	[tilespmem:s7+$0xFFFFFDE0] =	vst v16  }
0x130: {  	[tilespmem:s7+$0xFFFFFDD0] =	vst v16  }
0x131: {  	[tilespmem:s7+$0xFFFFFDC0] =	vst v16  }
0x132: {  	[tilespmem:s7+$0xFFFFFDB0] =	vst v16  }
0x133: {  	[tilespmem:s7+$0xFFFFFDA0] =	vst v16  }
0x134: {  	[tilespmem:s7+$0xFFFFFD90] =	vst v16  }
0x135: {  	[tilespmem:s7+$0xFFFFFD80] =	vst v16  }
0x136: {  	[tilespmem:s7+$0xFFFFFD70] =	vst v16  }
0x137: {  	[tilespmem:s7+$0xFFFFFD60] =	vst v16  }
0x138: {  	[tilespmem:s7+$0xFFFFFD50] =	vst v16  }
0x139: {  	[tilespmem:s7+$0xFFFFFD40] =	vst v16  }
0x13a: {  	[tilespmem:s7+$0xFFFFFD30] =	vst v16  }
0x13b: {  	[tilespmem:s7+$0xFFFFFD20] =	vst v16  }
0x13c: {  	[tilespmem:s7+$0xFFFFFD10] =	vst v16  }
0x13d: {  	[tilespmem:s7+$0xFFFFFD00] =	vst v16  }
0x13e: {  	[tilespmem:s7+$0xFFFFFCF0] =	vst v16  }
0x13f: {  	[tilespmem:s7+$0xFFFFFCE0] =	vst v16  }
0x140: {  	[tilespmem:s7+$0xFFFFFCD0] =	vst v16  }
0x141: {  	[tilespmem:s7+$0xFFFFFCC0] =	vst v16  }
0x142: {  	[tilespmem:s7+$0xFFFFFCB0] =	vst v16  }
0x143: {  	[tilespmem:s7+$0xFFFFFCA0] =	vst v16  }
0x144: {  	[tilespmem:s7+$0xFFFFFC90] =	vst v16  }
0x145: {  	[tilespmem:s7+$0xFFFFFC80] =	vst v16  }
0x146: {  	[tilespmem:s7+$0xFFFFFC70] =	vst v16  }
0x147: {  	[tilespmem:s7+$0xFFFFFC60] =	vst v16  }
0x148: {  	[tilespmem:s7+$0xFFFFFC50] =	vst v16  }
0x149: {  	[tilespmem:s7+$0xFFFFFC40] =	vst v16  }
0x14a: {  	[tilespmem:s7+$0xFFFFFC30] =	vst v16  }
0x14b: {  	s11 =	sand.u32 $0x70, s10;
	s12 =	sand.u32 $0x400, s6;
	[tilespmem:s7+$0xFFFFFC20] =	vst v16  }
0x14c: {  	s11 =	sor.u32 s11, s12;
	s12 =	sor.u32 s6, s10;
	[tilespmem:s7+$0xFFFFFC10] =	vst v16  }
0x14d: {  	s12 =	sor.u32 $0x380, s12;
	v20 =	vld [tilespmem:s11+$0x100]  }
0x14e: {  	v18 =	vld [tilespmem:s12+$0x0]  }
0x14f: {  	v21 =	vld [tilespmem:s11+$0x80]  }
0x150: {  	v19 =	vld [tilespmem:s11+$0xB80]  }
0x151: {  	v23 =	vmov s10;
	v22 =	vld [tilespmem:s11+$0x0]  }
0x152: {  	v23 =	vshll.u32 v23, $0x7;
	v24 =	vld [tilespmem:s11+$0x180]  }
0x153: {  	v29 =	vor.u32 v17, v23;
	v25 =	vld [tilespmem:s11+$0x200];
	v23 =	vand.u32 $0xFFFFFF80, v18  }
0x154: {  	v18 =	vand.u32 $0x7F, v18;
	v26 =	vld [tilespmem:s11+$0xA00];
	v27 =	vand.u32 $0xFFFFFF80, v21;
	v23 =	vadd.s32 v29, v23  }
0x155: {  	v21 =	vand.u32 $0x7F, v21;
	v28 =	vld [tilespmem:s11+$0x280];
	v27 =	vadd.s32 v29, v27;
	v18 =	vor.u32 v18, v23  }
0x156: {  	v31 =	vand.u32 $0xFFFFFF80, v20;
	v23 =	vld [tilespmem:s11+$0x300];
	v30 =	vand.u32 $0xFFFFFF80, v22;
	v22 =	vand.u32 $0x7F, v22  }
0x157: {  	v31 =	vadd.s32 v29, v31;
	v32 =	vld [tilespmem:s11+$0x980];
	v30 =	vadd.s32 v29, v30;
	v33 =	vand.u32 $0x7F, v24  }
0x158: {  	v20 =	vand.u32 $0x7F, v20;
	v27 =	vor.u32 v21, v27;
	v21 =	vand.u32 $0xFFFFFF80, v24;
	v34 =	vld [tilespmem:s11+$0x800]  }
0x159: {  	v21 =	vadd.s32 v29, v21;
	v35 =	vand.u32 $0xFFFFFF80, v25;
	v24 =	vld [tilespmem:s11+$0x880];
	v36 =	vand.u32 $0xFFFFFF80, v26  }
0x15a: {  	v22 =	vor.u32 v22, v30;
	v30 =	vor.u32 v33, v21;
	v21 =	vadd.s32 v29, v35;
	v37 =	vld [tilespmem:s11+$0x900]  }
0x15b: {  	v31 =	vor.u32 v20, v31;
	v20 =	vand.u32 $0x7F, v25;
	v25 =	vand.u32 $0xFFFFFF80, v28  }
0x15c: {  	v35 =	vor.u32 v20, v21;
	v20 =	vand.u32 $0xFFFFFF80, v23;
	v21 =	vand.u32 $0x7F, v23;
	v33 =	vld [tilespmem:s11+$0xA80]  }
0x15d: {  	v23 =	vadd.s32 v29, v25;
	v25 =	vadd.s32 v29, v20;
	v38 =	vand.u32 $0xFFFFFF80, v34  }
0x15e: {  	v28 =	vand.u32 $0x7F, v28;
	v21 =	vor.u32 v21, v25;
	v20 =	vld [tilespmem:s11+$0xB00];
	v38 =	vadd.s32 v29, v38  }
0x15f: {  	v34 =	vand.u32 $0x7F, v34;
	[tilespmem:v22+s8+$0x0] =	vst.idx.add.f32.msk $0xffff, v0;
	v22 =	vand.u32 $0xFFFFFF80, v24;
	v24 =	vand.u32 $0x7F, v24  }
0x160: {  	v25 =	vand.u32 $0xFFFFFF80, v37;
	[tilespmem:v27+s8+$0x0] =	vst.idx.add.f32.msk $0xffff, v1;
	v22 =	vadd.s32 v29, v22;
	v27 =	vand.u32 $0x7F, v37  }
0x161: {  	[tilespmem:v31+s8+$0x0] =	vst.idx.add.f32.msk $0xffff, v2;
	v22 =	vor.u32 v24, v22;
	v24 =	vadd.s32 v29, v25;
	v25 =	vand.u32 $0xFFFFFF80, v32  }
0x162: {  	[tilespmem:v30+s8+$0x0] =	vst.idx.add.f32.msk $0xffff, v3;
	v30 =	vor.u32 v28, v23;
	v23 =	vand.u32 $0x7F, v32;
	v25 =	vadd.s32 v29, v25  }
.Ltmp0:
0x163: {  	v26 =	vand.u32 $0x7F, v26;
	v28 =	vadd.s32 v29, v36;
	[tilespmem:v35+s8+$0x0] =	vst.idx.add.f32.msk $0xffff, v4;
	v23 =	vor.u32 v23, v25;
	(pc) =	sbr.rel @p0 .LBB2_1-.Ltmp0, $4  }
0x164: {  	v25 =	vor.u32 v27, v24;
	v24 =	vor.u32 v26, v28;
	v26 =	vand.u32 $0xFFFFFF80, v33  }
0x165: {  	v28 =	vor.u32 v34, v38;
	v27 =	vand.u32 $0xFFFFFF80, v19;
	v26 =	vadd.s32 v29, v26  }
0x166: {  	v31 =	vand.u32 $0x7F, v33;
	v32 =	vand.u32 $0xFFFFFF80, v20;
	v27 =	vadd.s32 v29, v27  }
0x167: {  	v29 =	vadd.s32 v29, v32;
	v26 =	vor.u32 v31, v26;
	[tilespmem:v30+s8+$0x0] =	vst.idx.add.f32.msk $0xffff, v5  }
0x168: {  	_ =	sdelay $0x3  }
0x169: {  	[tilespmem:v21+s8+$0x0] =	vst.idx.add.f32.msk $0xffff, v6  }
0x16a: {  	[tilespmem:v18+s8+$0x0] =	vst.idx.add.f32.msk $0xffff, v7  }
0x16b: {  	v16 =	vand.u32 $0x7F, v20;
	[tilespmem:v28+s8+$0x0] =	vst.idx.add.f32.msk $0xffff, v8  }
0x16c: {  	v17 =	vand.u32 $0x7F, v19;
	v16 =	vor.u32 v16, v29;
	[tilespmem:v22+s8+$0x0] =	vst.idx.add.f32.msk $0xffff, v9  }
0x16d: {  	v17 =	vor.u32 v17, v27;
	[tilespmem:v25+s8+$0x0] =	vst.idx.add.f32.msk $0xffff, v10  }
0x16e: {  	[tilespmem:v23+s8+$0x0] =	vst.idx.add.f32.msk $0xffff, v11  }
0x16f: {  	[tilespmem:v24+s8+$0x0] =	vst.idx.add.f32.msk $0xffff, v12  }
0x170: {  	[tilespmem:v26+s8+$0x0] =	vst.idx.add.f32.msk $0xffff, v13  }
0x171: {  	s6 =	sshll.u32 s1, $0xE;
	s7 =	simm.s32 $0x4800;
	[tilespmem:v16+s8+$0x0] =	vst.idx.add.f32.msk $0xffff, v14  }
0x172: {  	s31 =	simm.s32 $0x1;
	s30 =	sadd.s32 s2, s6;
	s6 =	simm.s32 $0x0;
	[tilespmem:v17+s8+$0x0] =	vst.idx.add.f32.msk $0xffff, v15  }
0x173: {  	[hbm4b:s30+s6] =	stream.linear.scatter [tilespmem:s7], [sflag:$0x2], $0x8000, $0x38;
	[tilespmem:$0x14800] =	vst v63  }
0x174: {  	_ =	swait.ge [sflag:s31], $0x1000  }
0x175: {  	v17 =	vlaneseq.u32;
	[sflag:s31] =	ssyncset.done $0x0  }
0x176: {  	s9 =	simm.s32 $0x0;
	v16 =	vimm.f32 $0.0e+00;
	s8 =	simm.s32 $0x0;
	v17 =	vmul.u32 $0x80, v17;
	[sflag:s31] =	ssyncadd.s32 $0xFFFFF000  }
.LBB2_3:
0x177: {  	s10 =	sshra.s32 s9, $0x2  }
0x178: {  	[tilespmem:s10+$0xC800] =	vst v16  }
0x179: {  	[tilespmem:s10+$0xC810] =	vst v16  }
0x17a: {  	[tilespmem:s10+$0xC820] =	vst v16  }
0x17b: {  	[tilespmem:s10+$0xC830] =	vst v16  }
0x17c: {  	[tilespmem:s10+$0xC840] =	vst v16  }
0x17d: {  	[tilespmem:s10+$0xC850] =	vst v16  }
0x17e: {  	[tilespmem:s10+$0xC860] =	vst v16  }
0x17f: {  	[tilespmem:s10+$0xC870] =	vst v16  }
0x180: {  	[tilespmem:s10+$0xC880] =	vst v16  }
0x181: {  	[tilespmem:s10+$0xC890] =	vst v16  }
0x182: {  	[tilespmem:s10+$0xC8A0] =	vst v16  }
0x183: {  	[tilespmem:s10+$0xC8B0] =	vst v16  }
0x184: {  	[tilespmem:s10+$0xC8C0] =	vst v16  }
0x185: {  	[tilespmem:s10+$0xC8D0] =	vst v16  }
0x186: {  	[tilespmem:s10+$0xC8E0] =	vst v16  }
0x187: {  	[tilespmem:s10+$0xC8F0] =	vst v16  }
0x188: {  	[tilespmem:s10+$0xC900] =	vst v16  }
0x189: {  	[tilespmem:s10+$0xC910] =	vst v16  }
0x18a: {  	[tilespmem:s10+$0xC920] =	vst v16  }
0x18b: {  	[tilespmem:s10+$0xC930] =	vst v16  }
0x18c: {  	[tilespmem:s10+$0xC940] =	vst v16  }
0x18d: {  	[tilespmem:s10+$0xC950] =	vst v16  }
0x18e: {  	[tilespmem:s10+$0xC960] =	vst v16  }
0x18f: {  	[tilespmem:s10+$0xC970] =	vst v16  }
0x190: {  	[tilespmem:s10+$0xC980] =	vst v16  }
0x191: {  	[tilespmem:s10+$0xC990] =	vst v16  }
0x192: {  	[tilespmem:s10+$0xC9A0] =	vst v16  }
0x193: {  	[tilespmem:s10+$0xC9B0] =	vst v16  }
0x194: {  	[tilespmem:s10+$0xC9C0] =	vst v16  }
0x195: {  	[tilespmem:s10+$0xC9D0] =	vst v16  }
0x196: {  	[tilespmem:s10+$0xC9E0] =	vst v16  }
0x197: {  	[tilespmem:s10+$0xC9F0] =	vst v16  }
0x198: {  	[tilespmem:s10+$0xCA00] =	vst v16  }
0x199: {  	[tilespmem:s10+$0xCA10] =	vst v16  }
0x19a: {  	[tilespmem:s10+$0xCA20] =	vst v16  }
0x19b: {  	[tilespmem:s10+$0xCA30] =	vst v16  }
0x19c: {  	[tilespmem:s10+$0xCA40] =	vst v16  }
0x19d: {  	[tilespmem:s10+$0xCA50] =	vst v16  }
0x19e: {  	[tilespmem:s10+$0xCA60] =	vst v16  }
0x19f: {  	[tilespmem:s10+$0xCA70] =	vst v16  }
0x1a0: {  	[tilespmem:s10+$0xCA80] =	vst v16  }
0x1a1: {  	[tilespmem:s10+$0xCA90] =	vst v16  }
0x1a2: {  	[tilespmem:s10+$0xCAA0] =	vst v16  }
0x1a3: {  	[tilespmem:s10+$0xCAB0] =	vst v16  }
0x1a4: {  	[tilespmem:s10+$0xCAC0] =	vst v16  }
0x1a5: {  	[tilespmem:s10+$0xCAD0] =	vst v16  }
0x1a6: {  	[tilespmem:s10+$0xCAE0] =	vst v16  }
0x1a7: {  	[tilespmem:s10+$0xCAF0] =	vst v16  }
0x1a8: {  	[tilespmem:s10+$0xCB00] =	vst v16  }
0x1a9: {  	[tilespmem:s10+$0xCB10] =	vst v16  }
0x1aa: {  	[tilespmem:s10+$0xCB20] =	vst v16  }
0x1ab: {  	[tilespmem:s10+$0xCB30] =	vst v16  }
0x1ac: {  	[tilespmem:s10+$0xCB40] =	vst v16  }
0x1ad: {  	[tilespmem:s10+$0xCB50] =	vst v16  }
0x1ae: {  	[tilespmem:s10+$0xCB60] =	vst v16  }
0x1af: {  	[tilespmem:s10+$0xCB70] =	vst v16  }
0x1b0: {  	[tilespmem:s10+$0xCB80] =	vst v16  }
0x1b1: {  	[tilespmem:s10+$0xCB90] =	vst v16  }
0x1b2: {  	[tilespmem:s10+$0xCBA0] =	vst v16  }
0x1b3: {  	[tilespmem:s10+$0xCBB0] =	vst v16  }
0x1b4: {  	[tilespmem:s10+$0xCBC0] =	vst v16  }
0x1b5: {  	[tilespmem:s10+$0xCBD0] =	vst v16  }
0x1b6: {  	[tilespmem:s10+$0xCBE0] =	vst v16  }
0x1b7: {  	[tilespmem:s10+$0xCBF0] =	vst v16  }
0x1b8: {  	[tilespmem:s10+$0xCC00] =	vst v16  }
0x1b9: {  	[tilespmem:s10+$0xCC10] =	vst v16  }
0x1ba: {  	[tilespmem:s10+$0xCC20] =	vst v16  }
0x1bb: {  	[tilespmem:s10+$0xCC30] =	vst v16  }
0x1bc: {  	[tilespmem:s10+$0xCC40] =	vst v16  }
0x1bd: {  	[tilespmem:s10+$0xCC50] =	vst v16  }
0x1be: {  	[tilespmem:s10+$0xCC60] =	vst v16  }
0x1bf: {  	[tilespmem:s10+$0xCC70] =	vst v16  }
0x1c0: {  	[tilespmem:s10+$0xCC80] =	vst v16  }
0x1c1: {  	[tilespmem:s10+$0xCC90] =	vst v16  }
0x1c2: {  	[tilespmem:s10+$0xCCA0] =	vst v16  }
0x1c3: {  	[tilespmem:s10+$0xCCB0] =	vst v16  }
0x1c4: {  	[tilespmem:s10+$0xCCC0] =	vst v16  }
0x1c5: {  	[tilespmem:s10+$0xCCD0] =	vst v16  }
0x1c6: {  	[tilespmem:s10+$0xCCE0] =	vst v16  }
0x1c7: {  	[tilespmem:s10+$0xCCF0] =	vst v16  }
0x1c8: {  	[tilespmem:s10+$0xCD00] =	vst v16  }
0x1c9: {  	[tilespmem:s10+$0xCD10] =	vst v16  }
0x1ca: {  	[tilespmem:s10+$0xCD20] =	vst v16  }
0x1cb: {  	[tilespmem:s10+$0xCD30] =	vst v16  }
0x1cc: {  	[tilespmem:s10+$0xCD40] =	vst v16  }
0x1cd: {  	[tilespmem:s10+$0xCD50] =	vst v16  }
0x1ce: {  	[tilespmem:s10+$0xCD60] =	vst v16  }
0x1cf: {  	[tilespmem:s10+$0xCD70] =	vst v16  }
0x1d0: {  	[tilespmem:s10+$0xCD80] =	vst v16  }
0x1d1: {  	[tilespmem:s10+$0xCD90] =	vst v16  }
0x1d2: {  	[tilespmem:s10+$0xCDA0] =	vst v16  }
0x1d3: {  	[tilespmem:s10+$0xCDB0] =	vst v16  }
0x1d4: {  	[tilespmem:s10+$0xCDC0] =	vst v16  }
0x1d5: {  	[tilespmem:s10+$0xCDD0] =	vst v16  }
0x1d6: {  	[tilespmem:s10+$0xCDE0] =	vst v16  }
0x1d7: {  	[tilespmem:s10+$0xCDF0] =	vst v16  }
0x1d8: {  	[tilespmem:s10+$0xCE00] =	vst v16  }
0x1d9: {  	[tilespmem:s10+$0xCE10] =	vst v16  }
0x1da: {  	[tilespmem:s10+$0xCE20] =	vst v16  }
0x1db: {  	[tilespmem:s10+$0xCE30] =	vst v16  }
0x1dc: {  	[tilespmem:s10+$0xCE40] =	vst v16  }
0x1dd: {  	[tilespmem:s10+$0xCE50] =	vst v16  }
0x1de: {  	[tilespmem:s10+$0xCE60] =	vst v16  }
0x1df: {  	[tilespmem:s10+$0xCE70] =	vst v16  }
0x1e0: {  	[tilespmem:s10+$0xCE80] =	vst v16  }
0x1e1: {  	[tilespmem:s10+$0xCE90] =	vst v16  }
0x1e2: {  	[tilespmem:s10+$0xCEA0] =	vst v16  }
0x1e3: {  	[tilespmem:s10+$0xCEB0] =	vst v16  }
0x1e4: {  	[tilespmem:s10+$0xCEC0] =	vst v16  }
0x1e5: {  	[tilespmem:s10+$0xCED0] =	vst v16  }
0x1e6: {  	[tilespmem:s10+$0xCEE0] =	vst v16  }
0x1e7: {  	[tilespmem:s10+$0xCEF0] =	vst v16  }
0x1e8: {  	[tilespmem:s10+$0xCF00] =	vst v16  }
0x1e9: {  	[tilespmem:s10+$0xCF10] =	vst v16  }
0x1ea: {  	[tilespmem:s10+$0xCF20] =	vst v16  }
0x1eb: {  	[tilespmem:s10+$0xCF30] =	vst v16  }
0x1ec: {  	[tilespmem:s10+$0xCF40] =	vst v16  }
0x1ed: {  	[tilespmem:s10+$0xCF50] =	vst v16  }
0x1ee: {  	[tilespmem:s10+$0xCF60] =	vst v16  }
0x1ef: {  	[tilespmem:s10+$0xCF70] =	vst v16  }
0x1f0: {  	[tilespmem:s10+$0xCF80] =	vst v16  }
0x1f1: {  	[tilespmem:s10+$0xCF90] =	vst v16  }
0x1f2: {  	[tilespmem:s10+$0xCFA0] =	vst v16  }
0x1f3: {  	[tilespmem:s10+$0xCFB0] =	vst v16  }
0x1f4: {  	[tilespmem:s10+$0xCFC0] =	vst v16  }
0x1f5: {  	[tilespmem:s10+$0xCFD0] =	vst v16  }
0x1f6: {  	s11 =	sand.u32 $0x70, s6;
	s12 =	sand.u32 $0x400, s8;
	[tilespmem:s10+$0xCFE0] =	vst v16  }
0x1f7: {  	[tilespmem:s10+$0xCFF0] =	vst v16;
	s31 =	sor.u32 s11, s12  }
0x1f8: {  	v18 =	vld [tilespmem:s31+$0x1000]  }
0x1f9: {  	v19 =	vld [tilespmem:s31+$0x1080]  }
0x1fa: {  	v20 =	vld [tilespmem:s31+$0x1100]  }
0x1fb: {  	v21 =	vld [tilespmem:s31+$0x1180]  }
0x1fc: {  	v22 =	vmov s6;
	v23 =	vld [tilespmem:s31+$0x1200]  }
0x1fd: {  	v22 =	vshll.u32 v22, $0x7;
	v24 =	vld [tilespmem:s31+$0x1280]  }
0x1fe: {  	v22 =	vor.u32 v17, v22;
	v26 =	vld [tilespmem:s31+$0x1300]  }
0x1ff: {  	v28 =	vld [tilespmem:s31+$0x1380];
	v22 =	vadd.s32 $0x8000, v22  }
0x200: {  	v29 =	vld [tilespmem:s31+$0x1800];
	v25 =	vand.u32 $0xFFFFFF80, v18;
	v18 =	vand.u32 $0x7F, v18;
	v27 =	vand.u32 $0xFFFFFF80, v19  }
0x201: {  	v41 =	vld [tilespmem:s31+$0x1880];
	v19 =	vand.u32 $0x7F, v19;
	v40 =	vand.u32 $0xFFFFFF80, v20;
	v20 =	vand.u32 $0x7F, v20  }
0x202: {  	v30 =	vand.u32 $0xFFFFFF80, v21;
	v21 =	vand.u32 $0x7F, v21;
	v32 =	vand.u32 $0xFFFFFF80, v23  }
0x203: {  	v31 =	vld [tilespmem:s31+$0x1900];
	v23 =	vand.u32 $0x7F, v23;
	v33 =	vand.u32 $0xFFFFFF80, v24;
	v24 =	vand.u32 $0x7F, v24  }
0x204: {  	v45 =	vand.u32 $0xFFFFFF80, v26;
	v26 =	vand.u32 $0x7F, v26;
	v46 =	vand.u32 $0xFFFFFF80, v28  }
0x205: {  	v43 =	vld [tilespmem:s31+$0x1980];
	v28 =	vand.u32 $0x7F, v28;
	v48 =	vand.u32 $0xFFFFFF80, v29;
	v25 =	vadd.s32 v22, v25  }
0x206: {  	v49 =	vand.u32 $0xFFFFFF80, v41;
	v27 =	vadd.s32 v22, v27;
	v18 =	vor.u32 v18, v25  }
0x207: {  	v34 =	vld [tilespmem:s31+$0x1A00];
	v50 =	vand.u32 $0x7F, v41;
	v19 =	vor.u32 v19, v27;
	v25 =	vadd.s32 v22, v40  }
0x208: {  	v35 =	vld [tilespmem:s31+$0x1A80];
	v52 =	vand.u32 $0xFFFFFF80, v31;
	v42 =	vadd.s32 v22, v30;
	v20 =	vor.u32 v20, v25  }
0x209: {  	v44 =	vld [tilespmem:s31+$0x1B00];
	v53 =	vand.u32 $0x7F, v31;
	v32 =	vadd.s32 v22, v32;
	v21 =	vor.u32 v21, v42  }
0x20a: {  	v36 =	vld [tilespmem:s31+$0x1B80];
	v54 =	vand.u32 $0xFFFFFF80, v43;
	v33 =	vadd.s32 v22, v33;
	v23 =	vor.u32 v23, v32  }
0x20b: {  	v55 =	vand.u32 $0x7F, v43;
	v24 =	vor.u32 v24, v33;
	v32 =	vadd.s32 v22, v45;
	[tilespmem:v18+s7+$0x0] =	vst.idx.add.f32.msk $0xffff, v0  }
0x20c: {  	v56 =	vand.u32 $0xFFFFFF80, v34;
	v33 =	vadd.s32 v22, v46;
	v18 =	vor.u32 v26, v32;
	[tilespmem:v19+s7+$0x0] =	vst.idx.add.f32.msk $0xffff, v1  }
0x20d: {  	v47 =	vor.u32 v28, v33;
	v28 =	vadd.s32 v22, v48;
	v19 =	vand.u32 $0x7F, v29;
	[tilespmem:v20+s7+$0x0] =	vst.idx.add.f32.msk $0xffff, v2  }
0x20e: {  	v57 =	vand.u32 $0x7F, v34;
	v51 =	vadd.s32 v22, v49;
	v19 =	vor.u32 v19, v28;
	[tilespmem:v21+s7+$0x0] =	vst.idx.add.f32.msk $0xffff, v3  }
0x20f: {  	v58 =	vand.u32 $0xFFFFFF80, v35;
	v20 =	vor.u32 v50, v51;
	v21 =	vadd.s32 v22, v52;
	[tilespmem:v23+s7+$0x0] =	vst.idx.add.f32.msk $0xffff, v4  }
0x210: {  	v59 =	vand.u32 $0x7F, v35;
	v29 =	vadd.s32 v22, v54;
	v21 =	vor.u32 v53, v21;
	[tilespmem:v24+s7+$0x0] =	vst.idx.add.f32.msk $0xffff, v5  }
0x211: {  	v60 =	vand.u32 $0xFFFFFF80, v44;
	v23 =	vor.u32 v55, v29;
	[tilespmem:v18+s7+$0x0] =	vst.idx.add.f32.msk $0xffff, v6;
	v18 =	vadd.s32 v22, v56  }
0x212: {  	v62 =	vand.u32 $0xFFFFFF80, v36;
	v28 =	vadd.s32 v22, v58;
	[tilespmem:v47+s7+$0x0] =	vst.idx.add.f32.msk $0xffff, v7;
	v18 =	vor.u32 v57, v18  }
0x213: {  	v61 =	vadd.s32 v22, v60;
	v24 =	vor.u32 v59, v28;
	[tilespmem:v19+s7+$0x0] =	vst.idx.add.f32.msk $0xffff, v8;
	v19 =	vand.u32 $0x7F, v44  }
0x214: {  	v63 =	vand.u32 $0x7F, v36;
	v22 =	vadd.s32 v22, v62;
	[tilespmem:v20+s7+$0x0] =	vst.idx.add.f32.msk $0xffff, v9;
	v19 =	vor.u32 v19, v61  }
0x215: {  	p0 =	sne.s32 s9, $0x1E000;
	v20 =	vor.u32 v63, v22;
	[tilespmem:v21+s7+$0x0] =	vst.idx.add.f32.msk $0xffff, v10  }
.Ltmp1:
0x216: {  	[tilespmem:v23+s7+$0x0] =	vst.idx.add.f32.msk $0xffff, v11;
	(pc) =	sbr.rel @p0 .LBB2_3-.Ltmp1, $4  }
0x217: {  	[tilespmem:v18+s7+$0x0] =	vst.idx.add.f32.msk $0xffff, v12  }
0x218: {  	[tilespmem:v24+s7+$0x0] =	vst.idx.add.f32.msk $0xffff, v13  }
0x219: {  	[tilespmem:v19+s7+$0x0] =	vst.idx.add.f32.msk $0xffff, v14  }
0x21a: {  	s8 =	sadd.s32 $0x80, s8;
	s6 =	sadd.s32 $0x10, s6;
	s9 =	sadd.s32 $0x2000, s9;
	[tilespmem:v20+s7+$0x0] =	vst.idx.add.f32.msk $0xffff, v15  }
0x21b: {  	s5 =	sshll.u32 s5, $0xC;
	s7 =	simm.s32 $0xC800  }
0x21c: {  	s30 =	simm.s32 $0x1;
	s6 =	sadd.s32 s2, s5;
	s5 =	simm.s32 $0x0  }
0x21d: {  	[hbm4b:s6+s5] =	stream.linear.scatter [tilespmem:s7], [sflag:$0x2], $0x8000, $0x38;
	[tilespmem:$0x14800] =	vst v63  }
0x21e: {  	_ =	swait.ge [sflag:s30], $0x1000  }
0x21f: {  	[sflag:s30] =	ssyncset.done $0x0  }
0x220: {  	s31 =	simm.s32 $0x2;
	[sflag:s30] =	ssyncadd.s32 $0xFFFFF000  }
0x221: {  	_ =	swait.ge [sflag:s31], $0x8000  }
0x222: {  	v17 =	vlaneseq.u32;
	s8 =	simm.s32 $0x0;
	[sflag:s31] =	ssyncset.done $0x0  }
0x223: {  	v16 =	vimm.f32 $0.0e+00;
	v17 =	vmul.u32 $0x80, v17;
	s6 =	simm.s32 $0x4C00;
	s7 =	simm.s32 $0x4800;
	[sflag:s31] =	ssyncadd.s32 $0xFFFF8000  }
.LBB2_5:
0x224: {  	[tilespmem:s6+$0xFFFFFC00] =	vst v16  }
0x225: {  	[tilespmem:s6+$0xFFFFFC10] =	vst v16  }
0x226: {  	[tilespmem:s6+$0xFFFFFC20] =	vst v16  }
0x227: {  	[tilespmem:s6+$0xFFFFFC30] =	vst v16  }
0x228: {  	[tilespmem:s6+$0xFFFFFC40] =	vst v16  }
0x229: {  	[tilespmem:s6+$0xFFFFFC50] =	vst v16  }
0x22a: {  	[tilespmem:s6+$0xFFFFFC60] =	vst v16  }
0x22b: {  	[tilespmem:s6+$0xFFFFFC70] =	vst v16  }
0x22c: {  	[tilespmem:s6+$0xFFFFFC80] =	vst v16  }
0x22d: {  	[tilespmem:s6+$0xFFFFFC90] =	vst v16  }
0x22e: {  	[tilespmem:s6+$0xFFFFFCA0] =	vst v16  }
0x22f: {  	[tilespmem:s6+$0xFFFFFCB0] =	vst v16  }
0x230: {  	[tilespmem:s6+$0xFFFFFCC0] =	vst v16  }
0x231: {  	[tilespmem:s6+$0xFFFFFCD0] =	vst v16  }
0x232: {  	[tilespmem:s6+$0xFFFFFCE0] =	vst v16  }
0x233: {  	[tilespmem:s6+$0xFFFFFCF0] =	vst v16  }
0x234: {  	[tilespmem:s6+$0xFFFFFD00] =	vst v16  }
0x235: {  	[tilespmem:s6+$0xFFFFFD10] =	vst v16  }
0x236: {  	[tilespmem:s6+$0xFFFFFD20] =	vst v16  }
0x237: {  	[tilespmem:s6+$0xFFFFFD30] =	vst v16  }
0x238: {  	[tilespmem:s6+$0xFFFFFD40] =	vst v16  }
0x239: {  	[tilespmem:s6+$0xFFFFFD50] =	vst v16  }
0x23a: {  	[tilespmem:s6+$0xFFFFFD60] =	vst v16  }
0x23b: {  	[tilespmem:s6+$0xFFFFFD70] =	vst v16  }
0x23c: {  	[tilespmem:s6+$0xFFFFFD80] =	vst v16  }
0x23d: {  	[tilespmem:s6+$0xFFFFFD90] =	vst v16  }
0x23e: {  	[tilespmem:s6+$0xFFFFFDA0] =	vst v16  }
0x23f: {  	[tilespmem:s6+$0xFFFFFDB0] =	vst v16  }
0x240: {  	[tilespmem:s6+$0xFFFFFDC0] =	vst v16  }
0x241: {  	[tilespmem:s6+$0xFFFFFDD0] =	vst v16  }
0x242: {  	[tilespmem:s6+$0xFFFFFDE0] =	vst v16  }
0x243: {  	[tilespmem:s6+$0xFFFFFDF0] =	vst v16  }
0x244: {  	[tilespmem:s6+$0xFFFFFE00] =	vst v16  }
0x245: {  	[tilespmem:s6+$0xFFFFFE10] =	vst v16  }
0x246: {  	[tilespmem:s6+$0xFFFFFE20] =	vst v16  }
0x247: {  	[tilespmem:s6+$0xFFFFFE30] =	vst v16  }
0x248: {  	[tilespmem:s6+$0xFFFFFE40] =	vst v16  }
0x249: {  	[tilespmem:s6+$0xFFFFFE50] =	vst v16  }
0x24a: {  	[tilespmem:s6+$0xFFFFFE60] =	vst v16  }
0x24b: {  	[tilespmem:s6+$0xFFFFFE70] =	vst v16  }
0x24c: {  	[tilespmem:s6+$0xFFFFFE80] =	vst v16  }
0x24d: {  	[tilespmem:s6+$0xFFFFFE90] =	vst v16  }
0x24e: {  	[tilespmem:s6+$0xFFFFFEA0] =	vst v16  }
0x24f: {  	[tilespmem:s6+$0xFFFFFEB0] =	vst v16  }
0x250: {  	[tilespmem:s6+$0xFFFFFEC0] =	vst v16  }
0x251: {  	[tilespmem:s6+$0xFFFFFED0] =	vst v16  }
0x252: {  	[tilespmem:s6+$0xFFFFFEE0] =	vst v16  }
0x253: {  	[tilespmem:s6+$0xFFFFFEF0] =	vst v16  }
0x254: {  	[tilespmem:s6+$0xFFFFFF00] =	vst v16  }
0x255: {  	[tilespmem:s6+$0xFFFFFF10] =	vst v16  }
0x256: {  	[tilespmem:s6+$0xFFFFFF20] =	vst v16  }
0x257: {  	[tilespmem:s6+$0xFFFFFF30] =	vst v16  }
0x258: {  	[tilespmem:s6+$0xFFFFFF40] =	vst v16  }
0x259: {  	[tilespmem:s6+$0xFFFFFF50] =	vst v16  }
0x25a: {  	[tilespmem:s6+$0xFFFFFF60] =	vst v16  }
0x25b: {  	[tilespmem:s6+$0xFFFFFF70] =	vst v16  }
0x25c: {  	[tilespmem:s6+$0xFFFFFF80] =	vst v16  }
0x25d: {  	[tilespmem:s6+$0xFFFFFF90] =	vst v16  }
0x25e: {  	[tilespmem:s6+$0xFFFFFFA0] =	vst v16  }
0x25f: {  	[tilespmem:s6+$0xFFFFFFB0] =	vst v16  }
0x260: {  	[tilespmem:s6+$0xFFFFFFC0] =	vst v16  }
0x261: {  	[tilespmem:s6+$0xFFFFFFD0] =	vst v16  }
0x262: {  	[tilespmem:s6+$0xFFFFFFE0] =	vst v16  }
0x263: {  	[tilespmem:s6+$0xFFFFFFF0] =	vst v16  }
0x264: {  	[tilespmem:s6+$0x0] =	vst v16  }
0x265: {  	[tilespmem:s6+$0x10] =	vst v16  }
0x266: {  	[tilespmem:s6+$0x20] =	vst v16  }
0x267: {  	[tilespmem:s6+$0x30] =	vst v16  }
0x268: {  	[tilespmem:s6+$0x40] =	vst v16  }
0x269: {  	[tilespmem:s6+$0x50] =	vst v16  }
0x26a: {  	[tilespmem:s6+$0x60] =	vst v16  }
0x26b: {  	[tilespmem:s6+$0x70] =	vst v16  }
0x26c: {  	[tilespmem:s6+$0x80] =	vst v16  }
0x26d: {  	[tilespmem:s6+$0x90] =	vst v16  }
0x26e: {  	[tilespmem:s6+$0xA0] =	vst v16  }
0x26f: {  	[tilespmem:s6+$0xB0] =	vst v16  }
0x270: {  	[tilespmem:s6+$0xC0] =	vst v16  }
0x271: {  	[tilespmem:s6+$0xD0] =	vst v16  }
0x272: {  	[tilespmem:s6+$0xE0] =	vst v16  }
0x273: {  	[tilespmem:s6+$0xF0] =	vst v16  }
0x274: {  	[tilespmem:s6+$0x100] =	vst v16  }
0x275: {  	[tilespmem:s6+$0x110] =	vst v16  }
0x276: {  	[tilespmem:s6+$0x120] =	vst v16  }
0x277: {  	[tilespmem:s6+$0x130] =	vst v16  }
0x278: {  	[tilespmem:s6+$0x140] =	vst v16  }
0x279: {  	[tilespmem:s6+$0x150] =	vst v16  }
0x27a: {  	[tilespmem:s6+$0x160] =	vst v16  }
0x27b: {  	[tilespmem:s6+$0x170] =	vst v16  }
0x27c: {  	[tilespmem:s6+$0x180] =	vst v16  }
0x27d: {  	[tilespmem:s6+$0x190] =	vst v16  }
0x27e: {  	[tilespmem:s6+$0x1A0] =	vst v16  }
0x27f: {  	[tilespmem:s6+$0x1B0] =	vst v16  }
0x280: {  	[tilespmem:s6+$0x1C0] =	vst v16  }
0x281: {  	[tilespmem:s6+$0x1D0] =	vst v16  }
0x282: {  	[tilespmem:s6+$0x1E0] =	vst v16  }
0x283: {  	[tilespmem:s6+$0x1F0] =	vst v16  }
0x284: {  	[tilespmem:s6+$0x200] =	vst v16  }
0x285: {  	[tilespmem:s6+$0x210] =	vst v16  }
0x286: {  	[tilespmem:s6+$0x220] =	vst v16  }
0x287: {  	[tilespmem:s6+$0x230] =	vst v16  }
0x288: {  	[tilespmem:s6+$0x240] =	vst v16  }
0x289: {  	[tilespmem:s6+$0x250] =	vst v16  }
0x28a: {  	[tilespmem:s6+$0x260] =	vst v16  }
0x28b: {  	[tilespmem:s6+$0x270] =	vst v16  }
0x28c: {  	[tilespmem:s6+$0x280] =	vst v16  }
0x28d: {  	[tilespmem:s6+$0x290] =	vst v16  }
0x28e: {  	[tilespmem:s6+$0x2A0] =	vst v16  }
0x28f: {  	[tilespmem:s6+$0x2B0] =	vst v16  }
0x290: {  	[tilespmem:s6+$0x2C0] =	vst v16  }
0x291: {  	[tilespmem:s6+$0x2D0] =	vst v16  }
0x292: {  	[tilespmem:s6+$0x2E0] =	vst v16  }
0x293: {  	[tilespmem:s6+$0x2F0] =	vst v16  }
0x294: {  	[tilespmem:s6+$0x300] =	vst v16  }
0x295: {  	[tilespmem:s6+$0x310] =	vst v16  }
0x296: {  	[tilespmem:s6+$0x320] =	vst v16  }
0x297: {  	[tilespmem:s6+$0x330] =	vst v16  }
0x298: {  	[tilespmem:s6+$0x340] =	vst v16  }
0x299: {  	[tilespmem:s6+$0x350] =	vst v16  }
0x29a: {  	[tilespmem:s6+$0x360] =	vst v16  }
0x29b: {  	[tilespmem:s6+$0x370] =	vst v16  }
0x29c: {  	[tilespmem:s6+$0x380] =	vst v16  }
0x29d: {  	[tilespmem:s6+$0x390] =	vst v16  }
0x29e: {  	[tilespmem:s6+$0x3A0] =	vst v16  }
0x29f: {  	[tilespmem:s6+$0x3B0] =	vst v16  }
0x2a0: {  	[tilespmem:s6+$0x3C0] =	vst v16  }
0x2a1: {  	[tilespmem:s6+$0x3D0] =	vst v16  }
0x2a2: {  	[tilespmem:s6+$0x3E0] =	vst v16;
	s9 =	sand.u32 $0x70, s8;
	s10 =	sand.u32 $0x400, s5  }
0x2a3: {  	[tilespmem:s6+$0x3F0] =	vst v16;
	s9 =	sor.u32 s9, s10  }
0x2a4: {  	v18 =	vld [tilespmem:s9+$0x2000]  }
0x2a5: {  	v19 =	vld [tilespmem:s9+$0x2080]  }
0x2a6: {  	v20 =	vld [tilespmem:s9+$0x2100]  }
0x2a7: {  	v21 =	vld [tilespmem:s9+$0x2180]  }
0x2a8: {  	v22 =	vld [tilespmem:s9+$0x2200]  }
0x2a9: {  	v23 =	vmov s8;
	v24 =	vld [tilespmem:s9+$0x2280]  }
0x2aa: {  	v23 =	vshll.u32 v23, $0x7;
	v26 =	vld [tilespmem:s9+$0x2300]  }
0x2ab: {  	v23 =	vor.u32 v17, v23;
	v28 =	vld [tilespmem:s9+$0x2380]  }
0x2ac: {  	v29 =	vld [tilespmem:s9+$0x2800];
	v25 =	vand.u32 $0xFFFFFF80, v18;
	v18 =	vand.u32 $0x7F, v18;
	v27 =	vand.u32 $0xFFFFFF80, v19  }
0x2ad: {  	v41 =	vld [tilespmem:s9+$0x2880];
	v19 =	vand.u32 $0x7F, v19;
	v40 =	vand.u32 $0xFFFFFF80, v20;
	v20 =	vand.u32 $0x7F, v20  }
0x2ae: {  	v30 =	vand.u32 $0xFFFFFF80, v21;
	v21 =	vand.u32 $0x7F, v21;
	v32 =	vand.u32 $0xFFFFFF80, v22  }
0x2af: {  	v31 =	vld [tilespmem:s9+$0x2900];
	v22 =	vand.u32 $0x7F, v22;
	v33 =	vand.u32 $0xFFFFFF80, v24;
	v24 =	vand.u32 $0x7F, v24  }
0x2b0: {  	v45 =	vand.u32 $0xFFFFFF80, v26;
	v26 =	vand.u32 $0x7F, v26;
	v46 =	vand.u32 $0xFFFFFF80, v28  }
0x2b1: {  	v43 =	vld [tilespmem:s9+$0x2980];
	v28 =	vand.u32 $0x7F, v28;
	v48 =	vand.u32 $0xFFFFFF80, v29;
	v25 =	vadd.s32 v23, v25  }
0x2b2: {  	v49 =	vand.u32 $0xFFFFFF80, v41;
	v27 =	vadd.s32 v23, v27;
	v18 =	vor.u32 v18, v25  }
0x2b3: {  	v34 =	vld [tilespmem:s9+$0x2A00];
	v50 =	vand.u32 $0x7F, v41;
	v19 =	vor.u32 v19, v27;
	v25 =	vadd.s32 v23, v40  }
0x2b4: {  	v35 =	vld [tilespmem:s9+$0x2A80];
	v52 =	vand.u32 $0xFFFFFF80, v31;
	v42 =	vadd.s32 v23, v30;
	v20 =	vor.u32 v20, v25  }
0x2b5: {  	v44 =	vld [tilespmem:s9+$0x2B00];
	v53 =	vand.u32 $0x7F, v31;
	v32 =	vadd.s32 v23, v32;
	v21 =	vor.u32 v21, v42  }
0x2b6: {  	v36 =	vld [tilespmem:s9+$0x2B80];
	v54 =	vand.u32 $0xFFFFFF80, v43;
	v33 =	vadd.s32 v23, v33;
	v22 =	vor.u32 v22, v32  }
0x2b7: {  	v55 =	vand.u32 $0x7F, v43;
	v24 =	vor.u32 v24, v33;
	v32 =	vadd.s32 v23, v45;
	[tilespmem:v18+s7+$0x0] =	vst.idx.add.f32.msk $0xffff, v0  }
0x2b8: {  	v56 =	vand.u32 $0xFFFFFF80, v34;
	v33 =	vadd.s32 v23, v46;
	v18 =	vor.u32 v26, v32;
	[tilespmem:v19+s7+$0x0] =	vst.idx.add.f32.msk $0xffff, v1  }
0x2b9: {  	v47 =	vor.u32 v28, v33;
	v28 =	vadd.s32 v23, v48;
	v19 =	vand.u32 $0x7F, v29;
	[tilespmem:v20+s7+$0x0] =	vst.idx.add.f32.msk $0xffff, v2  }
0x2ba: {  	v57 =	vand.u32 $0x7F, v34;
	v51 =	vadd.s32 v23, v49;
	v19 =	vor.u32 v19, v28;
	[tilespmem:v21+s7+$0x0] =	vst.idx.add.f32.msk $0xffff, v3  }
0x2bb: {  	v58 =	vand.u32 $0xFFFFFF80, v35;
	v20 =	vor.u32 v50, v51;
	v21 =	vadd.s32 v23, v52;
	[tilespmem:v22+s7+$0x0] =	vst.idx.add.f32.msk $0xffff, v4  }
0x2bc: {  	v59 =	vand.u32 $0x7F, v35;
	v29 =	vadd.s32 v23, v54;
	v21 =	vor.u32 v53, v21;
	[tilespmem:v24+s7+$0x0] =	vst.idx.add.f32.msk $0xffff, v5  }
0x2bd: {  	v60 =	vand.u32 $0xFFFFFF80, v44;
	v22 =	vor.u32 v55, v29;
	[tilespmem:v18+s7+$0x0] =	vst.idx.add.f32.msk $0xffff, v6;
	v18 =	vadd.s32 v23, v56  }
0x2be: {  	v62 =	vand.u32 $0xFFFFFF80, v36;
	v28 =	vadd.s32 v23, v58;
	[tilespmem:v47+s7+$0x0] =	vst.idx.add.f32.msk $0xffff, v7;
	v18 =	vor.u32 v57, v18  }
0x2bf: {  	v61 =	vadd.s32 v23, v60;
	v24 =	vor.u32 v59, v28;
	[tilespmem:v19+s7+$0x0] =	vst.idx.add.f32.msk $0xffff, v8;
	v19 =	vand.u32 $0x7F, v44  }
0x2c0: {  	v63 =	vand.u32 $0x7F, v36;
	v23 =	vadd.s32 v23, v62;
	[tilespmem:v20+s7+$0x0] =	vst.idx.add.f32.msk $0xffff, v9;
	v19 =	vor.u32 v19, v61  }
0x2c1: {  	p0 =	sne.s32 s8, $0xF0;
	v20 =	vor.u32 v63, v23;
	[tilespmem:v21+s7+$0x0] =	vst.idx.add.f32.msk $0xffff, v10  }
.Ltmp2:
0x2c2: {  	[tilespmem:v22+s7+$0x0] =	vst.idx.add.f32.msk $0xffff, v11;
	(pc) =	sbr.rel @p0 .LBB2_5-.Ltmp2, $4  }
0x2c3: {  	[tilespmem:v18+s7+$0x0] =	vst.idx.add.f32.msk $0xffff, v12  }
0x2c4: {  	[tilespmem:v24+s7+$0x0] =	vst.idx.add.f32.msk $0xffff, v13  }
0x2c5: {  	[tilespmem:v19+s7+$0x0] =	vst.idx.add.f32.msk $0xffff, v14  }
0x2c6: {  	s5 =	sadd.s32 $0x80, s5;
	s6 =	sadd.s32 $0x800, s6;
	s8 =	sadd.s32 $0x10, s8;
	[tilespmem:v20+s7+$0x0] =	vst.idx.add.f32.msk $0xffff, v15  }
0x2c7: {  	s4 =	sshll.u32 s4, $0xC;
	s5 =	simm.s32 $0x4800  }
0x2c8: {  	s30 =	simm.s32 $0x1;
	s6 =	sadd.s32 s2, s4;
	s4 =	simm.s32 $0x0  }
0x2c9: {  	[hbm4b:s6+s4] =	stream.linear.scatter [tilespmem:s5], [sflag:$0x2], $0x8000, $0x38;
	[tilespmem:$0x14800] =	vst v63  }
0x2ca: {  	_ =	swait.ge [sflag:s30], $0x1000  }
0x2cb: {  	[sflag:s30] =	ssyncset.done $0x0  }
0x2cc: {  	s31 =	simm.s32 $0x2;
	[sflag:s30] =	ssyncadd.s32 $0xFFFFF000  }
0x2cd: {  	_ =	swait.ge [sflag:s31], $0x8000  }
0x2ce: {  	v17 =	vlaneseq.u32;
	[sflag:s31] =	ssyncset.done $0x0  }
0x2cf: {  	v16 =	vimm.f32 $0.0e+00;
	s7 =	simm.s32 $0x0;
	v17 =	vmul.u32 $0x80, v17;
	s6 =	simm.s32 $0x0;
	[sflag:s31] =	ssyncadd.s32 $0xFFFF8000  }
.LBB2_7:
0x2d0: {  	s8 =	sshra.s32 s7, $0x2  }
0x2d1: {  	[tilespmem:s8+$0xC800] =	vst v16  }
0x2d2: {  	[tilespmem:s8+$0xC810] =	vst v16  }
0x2d3: {  	[tilespmem:s8+$0xC820] =	vst v16  }
0x2d4: {  	[tilespmem:s8+$0xC830] =	vst v16  }
0x2d5: {  	[tilespmem:s8+$0xC840] =	vst v16  }
0x2d6: {  	[tilespmem:s8+$0xC850] =	vst v16  }
0x2d7: {  	[tilespmem:s8+$0xC860] =	vst v16  }
0x2d8: {  	[tilespmem:s8+$0xC870] =	vst v16  }
0x2d9: {  	[tilespmem:s8+$0xC880] =	vst v16  }
0x2da: {  	[tilespmem:s8+$0xC890] =	vst v16  }
0x2db: {  	[tilespmem:s8+$0xC8A0] =	vst v16  }
0x2dc: {  	[tilespmem:s8+$0xC8B0] =	vst v16  }
0x2dd: {  	[tilespmem:s8+$0xC8C0] =	vst v16  }
0x2de: {  	[tilespmem:s8+$0xC8D0] =	vst v16  }
0x2df: {  	[tilespmem:s8+$0xC8E0] =	vst v16  }
0x2e0: {  	[tilespmem:s8+$0xC8F0] =	vst v16  }
0x2e1: {  	[tilespmem:s8+$0xC900] =	vst v16  }
0x2e2: {  	[tilespmem:s8+$0xC910] =	vst v16  }
0x2e3: {  	[tilespmem:s8+$0xC920] =	vst v16  }
0x2e4: {  	[tilespmem:s8+$0xC930] =	vst v16  }
0x2e5: {  	[tilespmem:s8+$0xC940] =	vst v16  }
0x2e6: {  	[tilespmem:s8+$0xC950] =	vst v16  }
0x2e7: {  	[tilespmem:s8+$0xC960] =	vst v16  }
0x2e8: {  	[tilespmem:s8+$0xC970] =	vst v16  }
0x2e9: {  	[tilespmem:s8+$0xC980] =	vst v16  }
0x2ea: {  	[tilespmem:s8+$0xC990] =	vst v16  }
0x2eb: {  	[tilespmem:s8+$0xC9A0] =	vst v16  }
0x2ec: {  	[tilespmem:s8+$0xC9B0] =	vst v16  }
0x2ed: {  	[tilespmem:s8+$0xC9C0] =	vst v16  }
0x2ee: {  	[tilespmem:s8+$0xC9D0] =	vst v16  }
0x2ef: {  	[tilespmem:s8+$0xC9E0] =	vst v16  }
0x2f0: {  	[tilespmem:s8+$0xC9F0] =	vst v16  }
0x2f1: {  	[tilespmem:s8+$0xCA00] =	vst v16  }
0x2f2: {  	[tilespmem:s8+$0xCA10] =	vst v16  }
0x2f3: {  	[tilespmem:s8+$0xCA20] =	vst v16  }
0x2f4: {  	[tilespmem:s8+$0xCA30] =	vst v16  }
0x2f5: {  	[tilespmem:s8+$0xCA40] =	vst v16  }
0x2f6: {  	[tilespmem:s8+$0xCA50] =	vst v16  }
0x2f7: {  	[tilespmem:s8+$0xCA60] =	vst v16  }
0x2f8: {  	[tilespmem:s8+$0xCA70] =	vst v16  }
0x2f9: {  	[tilespmem:s8+$0xCA80] =	vst v16  }
0x2fa: {  	[tilespmem:s8+$0xCA90] =	vst v16  }
0x2fb: {  	[tilespmem:s8+$0xCAA0] =	vst v16  }
0x2fc: {  	[tilespmem:s8+$0xCAB0] =	vst v16  }
0x2fd: {  	[tilespmem:s8+$0xCAC0] =	vst v16  }
0x2fe: {  	[tilespmem:s8+$0xCAD0] =	vst v16  }
0x2ff: {  	[tilespmem:s8+$0xCAE0] =	vst v16  }
0x300: {  	[tilespmem:s8+$0xCAF0] =	vst v16  }
0x301: {  	[tilespmem:s8+$0xCB00] =	vst v16  }
0x302: {  	[tilespmem:s8+$0xCB10] =	vst v16  }
0x303: {  	[tilespmem:s8+$0xCB20] =	vst v16  }
0x304: {  	[tilespmem:s8+$0xCB30] =	vst v16  }
0x305: {  	[tilespmem:s8+$0xCB40] =	vst v16  }
0x306: {  	[tilespmem:s8+$0xCB50] =	vst v16  }
0x307: {  	[tilespmem:s8+$0xCB60] =	vst v16  }
0x308: {  	[tilespmem:s8+$0xCB70] =	vst v16  }
0x309: {  	[tilespmem:s8+$0xCB80] =	vst v16  }
0x30a: {  	[tilespmem:s8+$0xCB90] =	vst v16  }
0x30b: {  	[tilespmem:s8+$0xCBA0] =	vst v16  }
0x30c: {  	[tilespmem:s8+$0xCBB0] =	vst v16  }
0x30d: {  	[tilespmem:s8+$0xCBC0] =	vst v16  }
0x30e: {  	[tilespmem:s8+$0xCBD0] =	vst v16  }
0x30f: {  	[tilespmem:s8+$0xCBE0] =	vst v16  }
0x310: {  	[tilespmem:s8+$0xCBF0] =	vst v16  }
0x311: {  	[tilespmem:s8+$0xCC00] =	vst v16  }
0x312: {  	[tilespmem:s8+$0xCC10] =	vst v16  }
0x313: {  	[tilespmem:s8+$0xCC20] =	vst v16  }
0x314: {  	[tilespmem:s8+$0xCC30] =	vst v16  }
0x315: {  	[tilespmem:s8+$0xCC40] =	vst v16  }
0x316: {  	[tilespmem:s8+$0xCC50] =	vst v16  }
0x317: {  	[tilespmem:s8+$0xCC60] =	vst v16  }
0x318: {  	[tilespmem:s8+$0xCC70] =	vst v16  }
0x319: {  	[tilespmem:s8+$0xCC80] =	vst v16  }
0x31a: {  	[tilespmem:s8+$0xCC90] =	vst v16  }
0x31b: {  	[tilespmem:s8+$0xCCA0] =	vst v16  }
0x31c: {  	[tilespmem:s8+$0xCCB0] =	vst v16  }
0x31d: {  	[tilespmem:s8+$0xCCC0] =	vst v16  }
0x31e: {  	[tilespmem:s8+$0xCCD0] =	vst v16  }
0x31f: {  	[tilespmem:s8+$0xCCE0] =	vst v16  }
0x320: {  	[tilespmem:s8+$0xCCF0] =	vst v16  }
0x321: {  	[tilespmem:s8+$0xCD00] =	vst v16  }
0x322: {  	[tilespmem:s8+$0xCD10] =	vst v16  }
0x323: {  	[tilespmem:s8+$0xCD20] =	vst v16  }
0x324: {  	[tilespmem:s8+$0xCD30] =	vst v16  }
0x325: {  	[tilespmem:s8+$0xCD40] =	vst v16  }
0x326: {  	[tilespmem:s8+$0xCD50] =	vst v16  }
0x327: {  	[tilespmem:s8+$0xCD60] =	vst v16  }
0x328: {  	[tilespmem:s8+$0xCD70] =	vst v16  }
0x329: {  	[tilespmem:s8+$0xCD80] =	vst v16  }
0x32a: {  	[tilespmem:s8+$0xCD90] =	vst v16  }
0x32b: {  	[tilespmem:s8+$0xCDA0] =	vst v16  }
0x32c: {  	[tilespmem:s8+$0xCDB0] =	vst v16  }
0x32d: {  	[tilespmem:s8+$0xCDC0] =	vst v16  }
0x32e: {  	[tilespmem:s8+$0xCDD0] =	vst v16  }
0x32f: {  	[tilespmem:s8+$0xCDE0] =	vst v16  }
0x330: {  	[tilespmem:s8+$0xCDF0] =	vst v16  }
0x331: {  	[tilespmem:s8+$0xCE00] =	vst v16  }
0x332: {  	[tilespmem:s8+$0xCE10] =	vst v16  }
0x333: {  	[tilespmem:s8+$0xCE20] =	vst v16  }
0x334: {  	[tilespmem:s8+$0xCE30] =	vst v16  }
0x335: {  	[tilespmem:s8+$0xCE40] =	vst v16  }
0x336: {  	[tilespmem:s8+$0xCE50] =	vst v16  }
0x337: {  	[tilespmem:s8+$0xCE60] =	vst v16  }
0x338: {  	[tilespmem:s8+$0xCE70] =	vst v16  }
0x339: {  	[tilespmem:s8+$0xCE80] =	vst v16  }
0x33a: {  	[tilespmem:s8+$0xCE90] =	vst v16  }
0x33b: {  	[tilespmem:s8+$0xCEA0] =	vst v16  }
0x33c: {  	[tilespmem:s8+$0xCEB0] =	vst v16  }
0x33d: {  	[tilespmem:s8+$0xCEC0] =	vst v16  }
0x33e: {  	[tilespmem:s8+$0xCED0] =	vst v16  }
0x33f: {  	[tilespmem:s8+$0xCEE0] =	vst v16  }
0x340: {  	[tilespmem:s8+$0xCEF0] =	vst v16  }
0x341: {  	[tilespmem:s8+$0xCF00] =	vst v16  }
0x342: {  	[tilespmem:s8+$0xCF10] =	vst v16  }
0x343: {  	[tilespmem:s8+$0xCF20] =	vst v16  }
0x344: {  	[tilespmem:s8+$0xCF30] =	vst v16  }
0x345: {  	[tilespmem:s8+$0xCF40] =	vst v16  }
0x346: {  	[tilespmem:s8+$0xCF50] =	vst v16  }
0x347: {  	[tilespmem:s8+$0xCF60] =	vst v16  }
0x348: {  	[tilespmem:s8+$0xCF70] =	vst v16  }
0x349: {  	[tilespmem:s8+$0xCF80] =	vst v16  }
0x34a: {  	[tilespmem:s8+$0xCF90] =	vst v16  }
0x34b: {  	[tilespmem:s8+$0xCFA0] =	vst v16  }
0x34c: {  	[tilespmem:s8+$0xCFB0] =	vst v16  }
0x34d: {  	[tilespmem:s8+$0xCFC0] =	vst v16  }
0x34e: {  	[tilespmem:s8+$0xCFD0] =	vst v16  }
0x34f: {  	s9 =	sand.u32 $0x70, s4;
	s10 =	sand.u32 $0x400, s6;
	[tilespmem:s8+$0xCFE0] =	vst v16  }
0x350: {  	[tilespmem:s8+$0xCFF0] =	vst v16;
	s31 =	sor.u32 s9, s10  }
0x351: {  	v18 =	vld [tilespmem:s31+$0x3000]  }
0x352: {  	v19 =	vld [tilespmem:s31+$0x3080]  }
0x353: {  	v20 =	vld [tilespmem:s31+$0x3100]  }
0x354: {  	v21 =	vld [tilespmem:s31+$0x3180]  }
0x355: {  	v22 =	vmov s4;
	v23 =	vld [tilespmem:s31+$0x3200]  }
0x356: {  	v22 =	vshll.u32 v22, $0x7;
	v24 =	vld [tilespmem:s31+$0x3280]  }
0x357: {  	v22 =	vor.u32 v17, v22;
	v26 =	vld [tilespmem:s31+$0x3300]  }
0x358: {  	v28 =	vld [tilespmem:s31+$0x3380];
	v22 =	vadd.s32 $0x8000, v22  }
0x359: {  	v29 =	vld [tilespmem:s31+$0x3800];
	v25 =	vand.u32 $0xFFFFFF80, v18;
	v18 =	vand.u32 $0x7F, v18;
	v27 =	vand.u32 $0xFFFFFF80, v19  }
0x35a: {  	v41 =	vld [tilespmem:s31+$0x3880];
	v19 =	vand.u32 $0x7F, v19;
	v40 =	vand.u32 $0xFFFFFF80, v20;
	v20 =	vand.u32 $0x7F, v20  }
0x35b: {  	v30 =	vand.u32 $0xFFFFFF80, v21;
	v21 =	vand.u32 $0x7F, v21;
	v32 =	vand.u32 $0xFFFFFF80, v23  }
0x35c: {  	v31 =	vld [tilespmem:s31+$0x3900];
	v23 =	vand.u32 $0x7F, v23;
	v33 =	vand.u32 $0xFFFFFF80, v24;
	v24 =	vand.u32 $0x7F, v24  }
0x35d: {  	v45 =	vand.u32 $0xFFFFFF80, v26;
	v26 =	vand.u32 $0x7F, v26;
	v46 =	vand.u32 $0xFFFFFF80, v28  }
0x35e: {  	v43 =	vld [tilespmem:s31+$0x3980];
	v28 =	vand.u32 $0x7F, v28;
	v48 =	vand.u32 $0xFFFFFF80, v29;
	v25 =	vadd.s32 v22, v25  }
0x35f: {  	v49 =	vand.u32 $0xFFFFFF80, v41;
	v27 =	vadd.s32 v22, v27;
	v18 =	vor.u32 v18, v25  }
0x360: {  	v34 =	vld [tilespmem:s31+$0x3A00];
	v50 =	vand.u32 $0x7F, v41;
	v19 =	vor.u32 v19, v27;
	v25 =	vadd.s32 v22, v40  }
0x361: {  	v35 =	vld [tilespmem:s31+$0x3A80];
	v52 =	vand.u32 $0xFFFFFF80, v31;
	v42 =	vadd.s32 v22, v30;
	v20 =	vor.u32 v20, v25  }
0x362: {  	v44 =	vld [tilespmem:s31+$0x3B00];
	v53 =	vand.u32 $0x7F, v31;
	v32 =	vadd.s32 v22, v32;
	v21 =	vor.u32 v21, v42  }
0x363: {  	v36 =	vld [tilespmem:s31+$0x3B80];
	v54 =	vand.u32 $0xFFFFFF80, v43;
	v33 =	vadd.s32 v22, v33;
	v23 =	vor.u32 v23, v32  }
0x364: {  	v55 =	vand.u32 $0x7F, v43;
	v24 =	vor.u32 v24, v33;
	v32 =	vadd.s32 v22, v45;
	[tilespmem:v18+s5+$0x0] =	vst.idx.add.f32.msk $0xffff, v0  }
0x365: {  	v56 =	vand.u32 $0xFFFFFF80, v34;
	v33 =	vadd.s32 v22, v46;
	v18 =	vor.u32 v26, v32;
	[tilespmem:v19+s5+$0x0] =	vst.idx.add.f32.msk $0xffff, v1  }
0x366: {  	v47 =	vor.u32 v28, v33;
	v28 =	vadd.s32 v22, v48;
	v19 =	vand.u32 $0x7F, v29;
	[tilespmem:v20+s5+$0x0] =	vst.idx.add.f32.msk $0xffff, v2  }
0x367: {  	v57 =	vand.u32 $0x7F, v34;
	v51 =	vadd.s32 v22, v49;
	v19 =	vor.u32 v19, v28;
	[tilespmem:v21+s5+$0x0] =	vst.idx.add.f32.msk $0xffff, v3  }
0x368: {  	v58 =	vand.u32 $0xFFFFFF80, v35;
	v20 =	vor.u32 v50, v51;
	v21 =	vadd.s32 v22, v52;
	[tilespmem:v23+s5+$0x0] =	vst.idx.add.f32.msk $0xffff, v4  }
0x369: {  	v59 =	vand.u32 $0x7F, v35;
	v29 =	vadd.s32 v22, v54;
	v21 =	vor.u32 v53, v21;
	[tilespmem:v24+s5+$0x0] =	vst.idx.add.f32.msk $0xffff, v5  }
0x36a: {  	v60 =	vand.u32 $0xFFFFFF80, v44;
	v23 =	vor.u32 v55, v29;
	[tilespmem:v18+s5+$0x0] =	vst.idx.add.f32.msk $0xffff, v6;
	v18 =	vadd.s32 v22, v56  }
0x36b: {  	v62 =	vand.u32 $0xFFFFFF80, v36;
	v28 =	vadd.s32 v22, v58;
	[tilespmem:v47+s5+$0x0] =	vst.idx.add.f32.msk $0xffff, v7;
	v18 =	vor.u32 v57, v18  }
0x36c: {  	v61 =	vadd.s32 v22, v60;
	v24 =	vor.u32 v59, v28;
	[tilespmem:v19+s5+$0x0] =	vst.idx.add.f32.msk $0xffff, v8;
	v19 =	vand.u32 $0x7F, v44  }
0x36d: {  	v63 =	vand.u32 $0x7F, v36;
	v22 =	vadd.s32 v22, v62;
	[tilespmem:v20+s5+$0x0] =	vst.idx.add.f32.msk $0xffff, v9;
	v19 =	vor.u32 v19, v61  }
0x36e: {  	p0 =	sne.s32 s7, $0x1E000;
	v20 =	vor.u32 v63, v22;
	[tilespmem:v21+s5+$0x0] =	vst.idx.add.f32.msk $0xffff, v10  }
.Ltmp3:
0x36f: {  	[tilespmem:v23+s5+$0x0] =	vst.idx.add.f32.msk $0xffff, v11;
	(pc) =	sbr.rel @p0 .LBB2_7-.Ltmp3, $4  }
0x370: {  	[tilespmem:v18+s5+$0x0] =	vst.idx.add.f32.msk $0xffff, v12  }
0x371: {  	[tilespmem:v24+s5+$0x0] =	vst.idx.add.f32.msk $0xffff, v13  }
0x372: {  	[tilespmem:v19+s5+$0x0] =	vst.idx.add.f32.msk $0xffff, v14  }
0x373: {  	s6 =	sadd.s32 $0x80, s6;
	s4 =	sadd.s32 $0x10, s4;
	s7 =	sadd.s32 $0x2000, s7;
	[tilespmem:v20+s5+$0x0] =	vst.idx.add.f32.msk $0xffff, v15  }
0x374: {  	s3 =	sshll.u32 s3, $0xC;
	s30 =	simm.s32 $0x0  }
0x375: {  	s4 =	simm.s32 $0xC800;
	s31 =	simm.s32 $0x2;
	s2 =	sadd.s32 s2, s3  }
0x376: {  	[hbm4b:s2+s30] =	stream.linear.scatter [tilespmem:s4], [sflag:$0x2], $0x8000, $0x38;
	[tilespmem:$0x14800] =	vst v63  }
0x377: {  	_ =	swait.ge [sflag:s31], $0x8000  }
0x378: {  	[sflag:s31] =	ssyncset.done $0x0  }
0x379: {  	[sflag:s31] =	ssyncadd.s32 $0xFFFF8000  }
0x37a: {  	_ =	swait.ge [sflag:s31], $0x8000  }
0x37b: {  	[sflag:s31] =	ssyncset.done $0x0  }
0x37c: {  	[sflag:s31] =	ssyncadd.s32 $0xFFFF8000  }
0x37d: {  	_ =	sfence.sel $0x180000  }
0x37e: {  	[bflag:$0x0] =	sbarrier.arrive $0xFFFF  }
0x37f: {  	p0 =	sne.s32 s1, $0x0;
	_ =	strace $0x90000047  }
0x380: {  	s0 =	sadd.s32 @!p0 $0x100000, s0;
	[bflag:$0x2] =	sbarrier.arrive $0xFFFF  }
0x381: {  	[sflag:s0] =	ssyncadd.tile.s32 @!p0 $0x1;
	_ =	shalt  }
.Lfunc_end2:
_tile_overlayer_lowered:
.L_overlay_start_2:
0x382: {  	(tag) =	ssettag $0x2  }
0x383: {  	s0 =	rddreg [dreg:$0x0];
	s2 =	stileid.u32  }
0x384: {  	s1 =	rddreg [dreg:$0x1];
	p0 =	sne.s32 s2, $0x0  }
0x385: {  	s3 =	rddreg [dreg:$0x2];
	[bflag:$0x3] =	sbarrier.arrive $0xFFFF;
	s2 =	simm.s32 @!p0 $0x1C03  }
0x386: {  	[timem:s3], [sflag:s2] =	dma.local @!p0 [hbm:s0], s1  }
0x387: {  	s0 =	simm.s32 @!p0 $0x3  }
0x388: {  	_ =	swait.ge @!p0 [sflag:s0], s1  }
0x389: {  	s1 =	ssub.s32 @!p0 $0x0, s1;
	[sflag:s0] =	ssyncset.done @!p0 $0x0  }
0x38a: {  	[sflag:s0] =	ssyncadd.s32 @!p0 s1  }
0x38b: {  	[bflag:$0x3] =	sbarrier.arrive $0xFFFF  }
0x38c: {  	_ =	shalt  }

</sc_bundles>
